<compile_context>
chip_gen: v7x
topology: tpu7x:2x2x1
jax: 0.10.2.dev20260603
libtpu: 0.0.44.dev20260713+nightly
codegen_flags: <defaults>
</compile_context>

<pallas_src>
import functools

import jax
import jax.numpy as jnp
from jax import lax
from jax.experimental import pallas as pl
from jax.experimental.pallas import tpu as pltpu
from jax.experimental.pallas import tpu_sc as plsc

_BN = 1000
_NC = 2
_NS = 16
_NW = _NC * _NS
_B = 10240
_BPW = _B // _NW
_CHUNK = 64
_NCHUNK = _BPW // _CHUNK
_SORTN = 16384


def _mesh():
    return plsc.VectorSubcoreMesh(
        core_axis_name="c", subcore_axis_name="s",
        num_cores=_NC, num_subcores=_NS)



def _head_body(x_ref, w_ref, b_ref, asd_ref, h_ref, u_ref, v_ref):
    h = jnp.dot(x_ref[...], w_ref[...], preferred_element_type=jnp.float32)
    h = h + b_ref[...]
    fout = h.shape[1]
    h_ref[:, 0:fout] = h
    if fout < 128:
        h_ref[:, fout:] = jnp.zeros((_BN, 128 - fout), jnp.float32)
    uv = jnp.dot(h, asd_ref[...], preferred_element_type=jnp.float32)
    u_ref[...] = uv[:, 0:1]
    v_ref[...] = uv[:, 1:2]


def _head(x, W, b, asd):
    n, fin = x.shape
    fout = W.shape[1]
    return pl.pallas_call(
        _head_body,
        grid=(n // _BN,),
        in_specs=[
            pl.BlockSpec((_BN, fin), lambda i: (i, 0)),
            pl.BlockSpec((fin, fout), lambda i: (0, 0)),
            pl.BlockSpec((1, fout), lambda i: (0, 0)),
            pl.BlockSpec((fout, 2), lambda i: (0, 0)),
        ],
        out_specs=[
            pl.BlockSpec((_BN, 128), lambda i: (i, 0)),
            pl.BlockSpec((_BN, 1), lambda i: (i, 0)),
            pl.BlockSpec((_BN, 1), lambda i: (i, 0)),
        ],
        out_shape=[
            jax.ShapeDtypeStruct((n, 128), jnp.float32),
            jax.ShapeDtypeStruct((n, 1), jnp.float32),
            jax.ShapeDtypeStruct((n, 1), jnp.float32),
        ],
    )(x, W, b, asd)



def _sc_gather_rows(table, idx):
    v, d = table.shape

    @functools.partial(
        pl.kernel,
        mesh=_mesh(),
        out_type=jax.ShapeDtypeStruct((_B, d), jnp.float32),
        scratch_types=[
            pltpu.VMEM((_BPW,), jnp.int32),
            pltpu.VMEM((_BPW, d), jnp.float32),
            pltpu.SemaphoreType.DMA,
        ],
        compiler_params=pltpu.CompilerParams(needs_layout_passes=False),
    )
    def k(table_hbm, idx_hbm, out_hbm, idx_v, rows_v, sem):
        wid = lax.axis_index("s") * _NC + lax.axis_index("c")
        base = wid * _BPW
        pltpu.sync_copy(idx_hbm.at[pl.ds(base, _BPW)], idx_v)
        for c in range(_NCHUNK):
            pltpu.async_copy(
                table_hbm.at[idx_v.at[pl.ds(c * _CHUNK, _CHUNK)]],
                rows_v.at[pl.ds(c * _CHUNK, _CHUNK)], sem).wait()
        pltpu.sync_copy(rows_v, out_hbm.at[pl.ds(base, _BPW)])

    return k(table, idx)



def _sc_search(vs_pad, theta):
    @functools.partial(
        pl.kernel,
        mesh=_mesh(),
        out_type=(
            jax.ShapeDtypeStruct((_B,), jnp.int32),
            jax.ShapeDtypeStruct((_B,), jnp.int32),
        ),
        scratch_types=[
            pltpu.VMEM((_B,), jnp.float32),
            pltpu.VMEM((_BPW,), jnp.float32),
            pltpu.VMEM((_BPW,), jnp.int32),
            pltpu.VMEM((_BPW,), jnp.int32),
        ],
        compiler_params=pltpu.CompilerParams(needs_layout_passes=False),
    )
    def k(vs_hbm, th_hbm, k_hbm, idx_hbm, vs_v, th_v, idx_v, k_v):
        wid = lax.axis_index("s") * _NC + lax.axis_index("c")
        base = wid * _BPW
        pltpu.sync_copy(vs_hbm, vs_v)
        pltpu.sync_copy(th_hbm.at[pl.ds(base, _BPW)], th_v)

        def qbody(qi, _):
            th = th_v[pl.ds(qi * 16, 16)]
            lo = jnp.zeros((16,), jnp.int32)
            hi = jnp.full((16,), _B, jnp.int32)

            def step(_, carry):
                lo, hi = carry
                mid = lax.div(lo + hi, 2)
                vals = plsc.load_gather(vs_v, [mid])
                pred = vals < th
                return jnp.where(pred, mid + 1, lo), jnp.where(pred, hi, mid)

            lo, hi = lax.fori_loop(0, 14, step, (lo, hi))
            k_v[pl.ds(qi * 16, 16)] = lo
            idx_v[pl.ds(qi * 16, 16)] = jnp.maximum(lo - 1, 0)
            return 0

        lax.fori_loop(0, _BPW // 16, qbody, 0)
        pltpu.sync_copy(k_v, k_hbm.at[pl.ds(base, _BPW)])
        pltpu.sync_copy(idx_v, idx_hbm.at[pl.ds(base, _BPW)])

    return k(vs_pad, theta)



def _scan_body(vmax_ref, vs_ref, hs_ref, cat_ref, carry_pq, carry_ph, carry_qh):
    i = pl.program_id(0)

    @pl.when(i == 0)
    def _():
        carry_pq[...] = jnp.zeros_like(carry_pq)
        carry_ph[...] = jnp.zeros_like(carry_ph)
        carry_qh[...] = jnp.zeros_like(carry_qh)

    vmax = vmax_ref[0, 0]
    v = vs_ref[...]
    p = jnp.exp(v - vmax)
    q = jnp.exp(0.2 * (v - vmax))
    r = lax.broadcasted_iota(jnp.int32, (_BN, _BN), 0)
    c = lax.broadcasted_iota(jnp.int32, (_BN, _BN), 1)
    tril = (c <= r).astype(jnp.float32)
    f = carry_ph.shape[1]
    h = hs_ref[:, 0:f]
    pq = jnp.concatenate([p, q], axis=1)
    cpq = jnp.dot(tril, pq, preferred_element_type=jnp.float32) + carry_pq[...]
    cph = jnp.dot(tril, p * h, preferred_element_type=jnp.float32) + carry_ph[...]
    cqh = jnp.dot(tril, q * h, preferred_element_type=jnp.float32) + carry_qh[...]
    d = _catw(f)
    rep = cat_ref.shape[1] // d
    for r in range(rep):
        o = r * d
        cat_ref[:, o:o + f] = cph
        cat_ref[:, o + f:o + 2 * f] = cqh
        cat_ref[:, o + 2 * f:o + 2 * f + 2] = cpq
        cat_ref[:, o + 2 * f + 2:o + d] = jnp.zeros(
            (_BN, d - 2 * f - 2), jnp.float32)
    carry_pq[...] = cpq[_BN - 1:, :]
    carry_ph[...] = cph[_BN - 1:, :]
    carry_qh[...] = cqh[_BN - 1:, :]


def _catw(f):
    return ((2 * f + 2 + 127) // 128) * 128


def _scan(vmax, vs, hs_pad, f, rep=1):
    n = vs.shape[0]
    d = _catw(f) * rep
    return pl.pallas_call(
        _scan_body,
        grid=(n // _BN,),
        in_specs=[
            pl.BlockSpec((1, 1), lambda i: (0, 0)),
            pl.BlockSpec((_BN, 1), lambda i: (i, 0)),
            pl.BlockSpec((_BN, 128), lambda i: (i, 0)),
        ],
        out_specs=pl.BlockSpec((_BN, d), lambda i: (i, 0)),
        out_shape=jax.ShapeDtypeStruct((n, d), jnp.float32),
        scratch_shapes=[
            pltpu.VMEM((1, 2), jnp.float32),
            pltpu.VMEM((1, f), jnp.float32),
            pltpu.VMEM((1, f), jnp.float32),
        ],
        compiler_params=pltpu.CompilerParams(
            dimension_semantics=("arbitrary",)),
    )(vmax, vs, hs_pad)



_EB = 1024


def _expand_block(g, newr, carry, i):
    ir = lax.broadcasted_iota(jnp.int32, (_EB, _EB), 0)
    ic = lax.broadcasted_iota(jnp.int32, (_EB, _EB), 1)
    cand = jnp.where((ic <= ir) & (newr > 0.5), ic, -1)
    lastnew = jnp.max(cand, axis=1, keepdims=True)
    sel = (ic == lastnew).astype(jnp.float32)
    got = jnp.dot(sel, g, preferred_element_type=jnp.float32)
    has = (lastnew >= 0).astype(jnp.float32)
    out = got + (1.0 - has) * carry[...]
    carry[...] = out[_EB - 1:, :]
    return out



def _combine_math(vmax_ref, u_ref, k_ref, tot_ref, gcat, f):
    vmax = vmax_ref[0, 0]
    t = 0.8 * (u_ref[...] + vmax)
    m = jnp.maximum(t, 0.0)
    e1 = jnp.exp(t - m)
    e2 = jnp.exp(-m)
    nz = (k_ref[...] > 0).astype(jnp.float32)
    gph = gcat[:, 0:f]
    gqh = gcat[:, f:2 * f]
    gp = gcat[:, 2 * f:2 * f + 1] * nz
    gq = gcat[:, 2 * f + 1:2 * f + 2] * nz
    tph = tot_ref[:, 0:f]
    tp = tot_ref[0, 2 * f]
    num = e1 * (tph - gph * nz) + e2 * (gqh * nz)
    den = e1 * (tp - gp) + e2 * gq
    return jnp.maximum(num / den, 0.0)


def _combine_body(vmax_ref, u_ref, k_ref, tot_ref, g_ref, newr_ref,
                  out_ref, carry):
    i = pl.program_id(0)

    @pl.when(i == 0)
    def _():
        carry[...] = jnp.zeros_like(carry)

    f = out_ref.shape[1]
    gcat = _expand_block(g_ref[...], newr_ref[...], carry, i)
    out_ref[...] = _combine_math(vmax_ref, u_ref, k_ref, tot_ref, gcat, f)


def _combine_cls_body(vmax_ref, u_ref, k_ref, tot_ref, g_ref, newr_ref,
                      wc_ref, bc_ref, out_ref, carry):
    i = pl.program_id(0)

    @pl.when(i == 0)
    def _():
        carry[...] = jnp.zeros_like(carry)

    f = wc_ref.shape[0]
    gcat = _expand_block(g_ref[...], newr_ref[...], carry, i)
    h3 = _combine_math(vmax_ref, u_ref, k_ref, tot_ref, gcat, f)
    logit = jnp.dot(h3, wc_ref[...], preferred_element_type=jnp.float32)
    out_ref[...] = jax.nn.sigmoid(logit + bc_ref[...])


def _make_combine_head_body(emit_h):
    def body(vmax_ref, u_ref, k_ref, tot_ref, g_ref, newr_ref,
             w_ref, b_ref, asd_ref, *rest):
        i = pl.program_id(0)
        if emit_h:
            hcur_ref, h_ref, u2_ref, v2_ref, carry = rest
        else:
            h_ref, u2_ref, v2_ref, carry = rest

        @pl.when(i == 0)
        def _():
            carry[...] = jnp.zeros_like(carry)

        f = w_ref.shape[0]
        fn = w_ref.shape[1]
        gcat = _expand_block(g_ref[...], newr_ref[...], carry, i)
        hcur = _combine_math(vmax_ref, u_ref, k_ref, tot_ref, gcat, f)
        if emit_h:
            hcur_ref[...] = hcur
        hn = jnp.dot(hcur, w_ref[...], preferred_element_type=jnp.float32)
        hn = hn + b_ref[...]
        h_ref[:, 0:fn] = hn
        if fn < 128:
            h_ref[:, fn:] = jnp.zeros((_EB, 128 - fn), jnp.float32)
        uv = jnp.dot(hn, asd_ref[...], preferred_element_type=jnp.float32)
        u2_ref[...] = uv[:, 0:1]
        v2_ref[...] = uv[:, 1:2]
    return body


def _combine(n, f, vmax, u, kk, tot, g0, newr, wc=None, bc=None,
             nxt=None, emit_h=False):
    d = _catw(f)
    in_specs = [
        pl.BlockSpec((1, 1), lambda i: (0, 0)),
        pl.BlockSpec((_EB, 1), lambda i: (i, 0)),
        pl.BlockSpec((_EB, 1), lambda i: (i, 0)),
        pl.BlockSpec((1, d), lambda i: (0, 0)),
        pl.BlockSpec((_EB, d), lambda i: (i, 0)),
        pl.BlockSpec((1, _EB), lambda i: (0, i)),
    ]
    args = [vmax, u, kk, tot, g0, newr]
    if nxt is not None:
        wn, bn, asdn = nxt
        fn = wn.shape[1]
        body = _make_combine_head_body(emit_h)
        in_specs += [
            pl.BlockSpec((f, fn), lambda i: (0, 0)),
            pl.BlockSpec((1, fn), lambda i: (0, 0)),
            pl.BlockSpec((fn, 2), lambda i: (0, 0)),
        ]
        args += [wn, bn, asdn]
        out_specs = []
        out_shape = []
        if emit_h:
            out_specs.append(pl.BlockSpec((_EB, f), lambda i: (i, 0)))
            out_shape.append(jax.ShapeDtypeStruct((n, f), jnp.float32))
        out_specs += [
            pl.BlockSpec((_EB, 128), lambda i: (i, 0)),
            pl.BlockSpec((_EB, 1), lambda i: (i, 0)),
            pl.BlockSpec((_EB, 1), lambda i: (i, 0)),
        ]
        out_shape += [
            jax.ShapeDtypeStruct((n, 128), jnp.float32),
            jax.ShapeDtypeStruct((n, 1), jnp.float32),
            jax.ShapeDtypeStruct((n, 1), jnp.float32),
        ]
    elif wc is None:
        body = _combine_body
        out_dim = f
        out_specs = pl.BlockSpec((_EB, out_dim), lambda i: (i, 0))
        out_shape = jax.ShapeDtypeStruct((n, out_dim), jnp.float32)
    else:
        body = _combine_cls_body
        out_dim = wc.shape[1]
        in_specs += [
            pl.BlockSpec((f, out_dim), lambda i: (0, 0)),
            pl.BlockSpec((1, out_dim), lambda i: (0, 0)),
        ]
        args += [wc, bc]
        out_specs = pl.BlockSpec((_EB, out_dim), lambda i: (i, 0))
        out_shape = jax.ShapeDtypeStruct((n, out_dim), jnp.float32)
    return pl.pallas_call(
        body,
        grid=(_B // _EB,),
        in_specs=in_specs,
        out_specs=out_specs,
        out_shape=out_shape,
        scratch_shapes=[pltpu.VMEM((1, d), jnp.float32)],
        compiler_params=pltpu.CompilerParams(
            dimension_semantics=("arbitrary",)),
    )(*args)



def _layer_core(h, u, v, f, wc=None, bc=None, nxt=None, emit_h=False):
    n = u.shape[0]
    pad = _B - n
    iv = lax.bitcast_convert_type(v.reshape(n), jnp.int32)
    key = iv ^ ((iv >> 31) & jnp.int32(0x7FFFFFFF))
    spad = _SORTN - n
    keyp = jnp.concatenate([key, jnp.full((spad,), jnp.int32(0x7FFFFFFF))])
    ks, perm_all = lax.sort_key_val(keyp, jnp.arange(_SORTN, dtype=jnp.int32))
    ks = ks[:n]
    perm = perm_all[:n]
    vs = lax.bitcast_convert_type(ks ^ ((ks >> 31) & jnp.int32(0x7FFFFFFF)),
                                  jnp.float32)
    vs_pad = jnp.concatenate([vs, jnp.full((pad,), jnp.inf, jnp.float32)])
    perm_pad = jnp.concatenate([perm, jnp.zeros((pad,), jnp.int32)])
    theta = jnp.concatenate([-u.reshape(n), jnp.zeros((pad,), jnp.float32)])
    hs_pad = _sc_gather_rows(h, perm_pad)
    vmax = vs[n - 1:].reshape(1, 1)
    rep = 4 if f == 64 else 1
    cat = _scan(vmax, vs.reshape(n, 1), hs_pad, f, rep)
    tot = cat[n - 1:, 0:_catw(f)]
    kk, km1 = _sc_search(vs_pad, theta)
    new = jnp.concatenate(
        [jnp.ones((1,), jnp.bool_), km1[1:] != km1[:-1]])
    fill = jnp.arange(_B, dtype=jnp.int32) % n
    if rep > 1:
        table = cat.reshape(n * rep, _catw(f))
        spread = km1 * rep + (jnp.arange(_B, dtype=jnp.int32) % rep)
        gidx = jnp.where(new, spread, fill)
        g0 = _sc_gather_rows(table, gidx)
    else:
        gidx = jnp.where(new, km1, fill)
        g0 = _sc_gather_rows(cat, gidx)
    newf = new.astype(jnp.float32)
    return _combine(n, f, vmax, u, kk.reshape(_B, 1), tot,
                    g0, newf.reshape(1, _B), wc, bc, nxt, emit_h)


@jax.jit
def kernel(x, W1, b1, a1s, a1d, W2, b2, a2s, a2d, W3, b3, a3s, a3d, Wc, bc):
    asd1 = jnp.stack([a1s, a1d], axis=1)
    asd2 = jnp.stack([a2s, a2d], axis=1)
    asd3 = jnp.stack([a3s, a3d], axis=1)
    h, u, v = _head(x, W1, b1.reshape(1, -1), asd1)
    h1, h2t, u2, v2 = _layer_core(
        h, u, v, 128, nxt=(W2, b2.reshape(1, -1), asd2), emit_h=True)
    h3t, u3, v3 = _layer_core(h2t, u2, v2, 64, nxt=(W3, b3.reshape(1, -1), asd3))
    scores = _layer_core(h3t, u3, v3, 32, wc=Wc, bc=bc.reshape(1, 1))
    return (scores, h1)

# --- scband reference (transcript-rebuilt; emitter-appended) ---
"""Pipeline reference for scband-bot-detection-net-10969346474851 (READ-ONLY COPY).

The authoritative reference and input builder live on the scoring server;
editing this copy changes nothing except your own understanding.
"""

import jax, jax.numpy as jnp
import numpy as np

N = 10000
FEAT = 128

def _glorot(key, shape):
    fan_in, fan_out = shape[0], shape[-1]
    lim = float(np.sqrt(6.0 / (fan_in + fan_out)))
    return jax.random.uniform(key, shape, minval=-lim, maxval=lim, dtype=jnp.float32)


def setup_inputs(seed: int = 0) -> dict:
    key = jax.random.key(seed)
    ks = jax.random.split(key, 12)
    x = jax.random.normal(ks[0], (N, FEAT), dtype=jnp.float32)
    inp = {"x": x}
    # WAGCN layer 1: feature_dim -> 128
    inp["W1"] = _glorot(ks[1], (FEAT, 128)); inp["b1"] = jnp.zeros((128,), jnp.float32)
    inp["a1s"] = 0.1 * jax.random.normal(ks[2], (128,), dtype=jnp.float32)
    inp["a1d"] = 0.1 * jax.random.normal(ks[3], (128,), dtype=jnp.float32)
    # WAGCN layer 2: 128 -> 64
    inp["W2"] = _glorot(ks[4], (128, 64)); inp["b2"] = jnp.zeros((64,), jnp.float32)
    inp["a2s"] = 0.1 * jax.random.normal(ks[5], (64,), dtype=jnp.float32)
    inp["a2d"] = 0.1 * jax.random.normal(ks[6], (64,), dtype=jnp.float32)
    # WAGCN layer 3: 64 -> 32
    inp["W3"] = _glorot(ks[7], (64, 32)); inp["b3"] = jnp.zeros((32,), jnp.float32)
    inp["a3s"] = 0.1 * jax.random.normal(ks[8], (32,), dtype=jnp.float32)
    inp["a3d"] = 0.1 * jax.random.normal(ks[9], (32,), dtype=jnp.float32)
    # classifier: 32 -> 1
    inp["Wc"] = _glorot(ks[10], (32, 1)); inp["bc"] = jnp.zeros((1,), jnp.float32)
    return inp


def _wagcn_layer(x, W, b, a_s, a_d):
    # Weighted-Adjacency GCN layer: adjacency weights are learned from node features
    h = x @ W + b
    s_src = h @ a_s  # [N]
    s_dst = h @ a_d  # [N]
    e = jax.nn.leaky_relu(s_src[:, None] + s_dst[None, :], negative_slope=0.2)  # [N, N]
    A = jax.nn.softmax(e, axis=-1)  # row-normalized weighted adjacency
    return jax.nn.relu(A @ h)


def reference(x, W1, b1, a1s, a1d, W2, b2, a2s, a2d, W3, b3, a3s, a3d, Wc, bc):
    h1 = _wagcn_layer(x, W1, b1, a1s, a1d)
    h2 = _wagcn_layer(h1, W2, b2, a2s, a2d)
    h3 = _wagcn_layer(h2, W3, b3, a3s, a3d)
    scores = jax.nn.sigmoid(h3 @ Wc + bc)
    return (scores, h1)

if __name__ == "__main__":
    import jax
    _d = setup_inputs()
    print(jax.jit(kernel)(*tuple(_d.values())))

</pallas_src>

<mosaic_0001>
#map = affine_map<(d0, d1) -> (0, 0)>
#map1 = affine_map<(d0, d1) -> (0)>
module attributes {stable_mosaic.version = 14 : i64} {
  func.func @k(%arg0: i32, %arg1: i32, %arg2: memref<10000x128xf32, #tpu.memory_space<hbm>>, %arg3: memref<10240xi32, #tpu.memory_space<hbm>>, %arg4: memref<10240x128xf32, #tpu.memory_space<hbm>>, %arg5: memref<320xi32, #tpu.memory_space<vmem>>, %arg6: memref<320x128xf32, #tpu.memory_space<vmem>>, %arg7: memref<!tpu.dma_semaphore, #tpu.memory_space<semaphore_mem>>) attributes {dimension_semantics = [#tpu.dimension_semantics<core_parallel>, #tpu.dimension_semantics<subcore_parallel>], iteration_bounds = array<i64: 2, 16>, scalar_prefetch = 0 : i64, scratch_operands = 3 : i64, tpu.core_type = #tpu.core_type<sc_vector_subcore>, window_params = [{transform_indices = #map}, {transform_indices = #map1}, {transform_indices = #map}]} {
    %mul3A = arith.constant 2 : i32
    %mul3A_0 = arith.muli %arg1, %mul3A : i32
    %add3A = arith.addi %mul3A_0, %arg0 : i32
    %mul3A_1 = arith.constant 320 : i32
    %mul3A_2 = arith.muli %add3A, %mul3A_1 : i32
    "tpu.region"() ({
      %run_scoped3A = tpu.sem_alloc : memref<!tpu.dma_semaphore, #tpu.memory_space<semaphore_mem>>
      %dma_start3A_81 = tpu.memref_slice %arg3[%mul3A_2] : memref<10240xi32, #tpu.memory_space<hbm>> -> memref<320xi32, #tpu.memory_space<hbm>>
      %dma_start3A_82 = tpu.memref_slice %arg3[%mul3A_2] : memref<10240xi32, #tpu.memory_space<hbm>> -> memref<320xi32, #tpu.memory_space<hbm>>
      tpu.enqueue_dma source(%dma_start3A_82 : memref<320xi32, #tpu.memory_space<hbm>>) target(%arg5 : memref<320xi32, #tpu.memory_space<vmem>>) target_semaphore(%run_scoped3A : memref<!tpu.dma_semaphore, #tpu.memory_space<semaphore_mem>>)
      %dma_wait3A_83 = tpu.memref_slice %arg3[%mul3A_2] : memref<10240xi32, #tpu.memory_space<hbm>> -> memref<320xi32, #tpu.memory_space<hbm>>
      %dma_wait3A_84 = tpu.memref_slice %arg3[%mul3A_2] : memref<10240xi32, #tpu.memory_space<hbm>> -> memref<320xi32, #tpu.memory_space<hbm>>
      tpu.wait_dma2 semaphore(%run_scoped3A : memref<!tpu.dma_semaphore, #tpu.memory_space<semaphore_mem>>) src(%dma_wait3A_84 : memref<320xi32, #tpu.memory_space<hbm>>) dst(%arg5 : memref<320xi32, #tpu.memory_space<vmem>>)
      tpu.yield
    }) : () -> ()
    %dma_start3A = arith.constant 0 : i32
    %dma_start3A_3 = arith.constant 0 : i32
    %dma_start3A_4 = tpu.memref_slice %arg6[%dma_start3A, %dma_start3A_3] : memref<320x128xf32, #tpu.memory_space<vmem>> -> memref<64x128xf32, #tpu.memory_space<vmem>>
    %dma_start3A_5 = arith.constant 0 : i32
    %dma_start3A_6 = tpu.memref_slice %arg5[%dma_start3A_5] : memref<320xi32, #tpu.memory_space<vmem>> -> memref<64xi32, #tpu.memory_space<vmem>>
    %dma_start3A_7 = arith.constant 0 : i32
    %dma_start3A_8 = arith.constant 0 : i32
    %dma_start3A_9 = tpu.memref_slice %arg2[%dma_start3A_7, %dma_start3A_8] : memref<10000x128xf32, #tpu.memory_space<hbm>> -> memref<10000x128xf32, #tpu.memory_space<hbm>>
    tpu.enqueue_indirect_dma source(%dma_start3A_9 : memref<10000x128xf32, #tpu.memory_space<hbm>>) target(%dma_start3A_4 : memref<64x128xf32, #tpu.memory_space<vmem>>) offsets(%dma_start3A_6 : memref<64xi32, #tpu.memory_space<vmem>>) semaphore(%arg7 : memref<!tpu.dma_semaphore, #tpu.memory_space<semaphore_mem>>)
    %dma_wait3A = arith.constant 0 : i32
    %dma_wait3A_10 = arith.constant 0 : i32
    %dma_wait3A_11 = tpu.memref_slice %arg6[%dma_wait3A, %dma_wait3A_10] : memref<320x128xf32, #tpu.memory_space<vmem>> -> memref<64x128xf32, #tpu.memory_space<vmem>>
    %dma_wait3A_12 = arith.constant 0 : i32
    %dma_wait3A_13 = tpu.memref_slice %arg5[%dma_wait3A_12] : memref<320xi32, #tpu.memory_space<vmem>> -> memref<64xi32, #tpu.memory_space<vmem>>
    %dma_wait3A_14 = arith.constant 0 : i32
    %dma_wait3A_15 = arith.constant 0 : i32
    %dma_wait3A_16 = tpu.memref_slice %arg2[%dma_wait3A_14, %dma_wait3A_15] : memref<10000x128xf32, #tpu.memory_space<hbm>> -> memref<10000x128xf32, #tpu.memory_space<hbm>>
    tpu.wait_indirect_dma semaphore(%arg7 : memref<!tpu.dma_semaphore, #tpu.memory_space<semaphore_mem>>) src(%dma_wait3A_16 : memref<10000x128xf32, #tpu.memory_space<hbm>>) dst(%dma_wait3A_11 : memref<64x128xf32, #tpu.memory_space<vmem>>)
    %dma_start3A_17 = arith.constant 64 : i32
    %dma_start3A_18 = arith.constant 0 : i32
    %dma_start3A_19 = tpu.memref_slice %arg6[%dma_start3A_17, %dma_start3A_18] : memref<320x128xf32, #tpu.memory_space<vmem>> -> memref<64x128xf32, #tpu.memory_space<vmem>>
    %dma_start3A_20 = arith.constant 64 : i32
    %dma_start3A_21 = tpu.memref_slice %arg5[%dma_start3A_20] : memref<320xi32, #tpu.memory_space<vmem>> -> memref<64xi32, #tpu.memory_space<vmem>>
    %dma_start3A_22 = arith.constant 0 : i32
    %dma_start3A_23 = arith.constant 0 : i32
    %dma_start3A_24 = tpu.memref_slice %arg2[%dma_start3A_22, %dma_start3A_23] : memref<10000x128xf32, #tpu.memory_space<hbm>> -> memref<10000x128xf32, #tpu.memory_space<hbm>>
    tpu.enqueue_indirect_dma source(%dma_start3A_24 : memref<10000x128xf32, #tpu.memory_space<hbm>>) target(%dma_start3A_19 : memref<64x128xf32, #tpu.memory_space<vmem>>) offsets(%dma_start3A_21 : memref<64xi32, #tpu.memory_space<vmem>>) semaphore(%arg7 : memref<!tpu.dma_semaphore, #tpu.memory_space<semaphore_mem>>)
    %dma_wait3A_25 = arith.constant 64 : i32
    %dma_wait3A_26 = arith.constant 0 : i32
    %dma_wait3A_27 = tpu.memref_slice %arg6[%dma_wait3A_25, %dma_wait3A_26] : memref<320x128xf32, #tpu.memory_space<vmem>> -> memref<64x128xf32, #tpu.memory_space<vmem>>
    %dma_wait3A_28 = arith.constant 64 : i32
    %dma_wait3A_29 = tpu.memref_slice %arg5[%dma_wait3A_28] : memref<320xi32, #tpu.memory_space<vmem>> -> memref<64xi32, #tpu.memory_space<vmem>>
    %dma_wait3A_30 = arith.constant 0 : i32
    %dma_wait3A_31 = arith.constant 0 : i32
    %dma_wait3A_32 = tpu.memref_slice %arg2[%dma_wait3A_30, %dma_wait3A_31] : memref<10000x128xf32, #tpu.memory_space<hbm>> -> memref<10000x128xf32, #tpu.memory_space<hbm>>
    tpu.wait_indirect_dma semaphore(%arg7 : memref<!tpu.dma_semaphore, #tpu.memory_space<semaphore_mem>>) src(%dma_wait3A_32 : memref<10000x128xf32, #tpu.memory_space<hbm>>) dst(%dma_wait3A_27 : memref<64x128xf32, #tpu.memory_space<vmem>>)
    %dma_start3A_33 = arith.constant 128 : i32
    %dma_start3A_34 = arith.constant 0 : i32
    %dma_start3A_35 = tpu.memref_slice %arg6[%dma_start3A_33, %dma_start3A_34] : memref<320x128xf32, #tpu.memory_space<vmem>> -> memref<64x128xf32, #tpu.memory_space<vmem>>
    %dma_start3A_36 = arith.constant 128 : i32
    %dma_start3A_37 = tpu.memref_slice %arg5[%dma_start3A_36] : memref<320xi32, #tpu.memory_space<vmem>> -> memref<64xi32, #tpu.memory_space<vmem>>
    %dma_start3A_38 = arith.constant 0 : i32
    %dma_start3A_39 = arith.constant 0 : i32
    %dma_start3A_40 = tpu.memref_slice %arg2[%dma_start3A_38, %dma_start3A_39] : memref<10000x128xf32, #tpu.memory_space<hbm>> -> memref<10000x128xf32, #tpu.memory_space<hbm>>
    tpu.enqueue_indirect_dma source(%dma_start3A_40 : memref<10000x128xf32, #tpu.memory_space<hbm>>) target(%dma_start3A_35 : memref<64x128xf32, #tpu.memory_space<vmem>>) offsets(%dma_start3A_37 : memref<64xi32, #tpu.memory_space<vmem>>) semaphore(%arg7 : memref<!tpu.dma_semaphore, #tpu.memory_space<semaphore_mem>>)
    %dma_wait3A_41 = arith.constant 128 : i32
    %dma_wait3A_42 = arith.constant 0 : i32
    %dma_wait3A_43 = tpu.memref_slice %arg6[%dma_wait3A_41, %dma_wait3A_42] : memref<320x128xf32, #tpu.memory_space<vmem>> -> memref<64x128xf32, #tpu.memory_space<vmem>>
    %dma_wait3A_44 = arith.constant 128 : i32
    %dma_wait3A_45 = tpu.memref_slice %arg5[%dma_wait3A_44] : memref<320xi32, #tpu.memory_space<vmem>> -> memref<64xi32, #tpu.memory_space<vmem>>
    %dma_wait3A_46 = arith.constant 0 : i32
    %dma_wait3A_47 = arith.constant 0 : i32
    %dma_wait3A_48 = tpu.memref_slice %arg2[%dma_wait3A_46, %dma_wait3A_47] : memref<10000x128xf32, #tpu.memory_space<hbm>> -> memref<10000x128xf32, #tpu.memory_space<hbm>>
    tpu.wait_indirect_dma semaphore(%arg7 : memref<!tpu.dma_semaphore, #tpu.memory_space<semaphore_mem>>) src(%dma_wait3A_48 : memref<10000x128xf32, #tpu.memory_space<hbm>>) dst(%dma_wait3A_43 : memref<64x128xf32, #tpu.memory_space<vmem>>)
    %dma_start3A_49 = arith.constant 192 : i32
    %dma_start3A_50 = arith.constant 0 : i32
    %dma_start3A_51 = tpu.memref_slice %arg6[%dma_start3A_49, %dma_start3A_50] : memref<320x128xf32, #tpu.memory_space<vmem>> -> memref<64x128xf32, #tpu.memory_space<vmem>>
    %dma_start3A_52 = arith.constant 192 : i32
    %dma_start3A_53 = tpu.memref_slice %arg5[%dma_start3A_52] : memref<320xi32, #tpu.memory_space<vmem>> -> memref<64xi32, #tpu.memory_space<vmem>>
    %dma_start3A_54 = arith.constant 0 : i32
    %dma_start3A_55 = arith.constant 0 : i32
    %dma_start3A_56 = tpu.memref_slice %arg2[%dma_start3A_54, %dma_start3A_55] : memref<10000x128xf32, #tpu.memory_space<hbm>> -> memref<10000x128xf32, #tpu.memory_space<hbm>>
    tpu.enqueue_indirect_dma source(%dma_start3A_56 : memref<10000x128xf32, #tpu.memory_space<hbm>>) target(%dma_start3A_51 : memref<64x128xf32, #tpu.memory_space<vmem>>) offsets(%dma_start3A_53 : memref<64xi32, #tpu.memory_space<vmem>>) semaphore(%arg7 : memref<!tpu.dma_semaphore, #tpu.memory_space<semaphore_mem>>)
    %dma_wait3A_57 = arith.constant 192 : i32
    %dma_wait3A_58 = arith.constant 0 : i32
    %dma_wait3A_59 = tpu.memref_slice %arg6[%dma_wait3A_57, %dma_wait3A_58] : memref<320x128xf32, #tpu.memory_space<vmem>> -> memref<64x128xf32, #tpu.memory_space<vmem>>
    %dma_wait3A_60 = arith.constant 192 : i32
    %dma_wait3A_61 = tpu.memref_slice %arg5[%dma_wait3A_60] : memref<320xi32, #tpu.memory_space<vmem>> -> memref<64xi32, #tpu.memory_space<vmem>>
    %dma_wait3A_62 = arith.constant 0 : i32
    %dma_wait3A_63 = arith.constant 0 : i32
    %dma_wait3A_64 = tpu.memref_slice %arg2[%dma_wait3A_62, %dma_wait3A_63] : memref<10000x128xf32, #tpu.memory_space<hbm>> -> memref<10000x128xf32, #tpu.memory_space<hbm>>
    tpu.wait_indirect_dma semaphore(%arg7 : memref<!tpu.dma_semaphore, #tpu.memory_space<semaphore_mem>>) src(%dma_wait3A_64 : memref<10000x128xf32, #tpu.memory_space<hbm>>) dst(%dma_wait3A_59 : memref<64x128xf32, #tpu.memory_space<vmem>>)
    %dma_start3A_65 = arith.constant 256 : i32
    %dma_start3A_66 = arith.constant 0 : i32
    %dma_start3A_67 = tpu.memref_slice %arg6[%dma_start3A_65, %dma_start3A_66] : memref<320x128xf32, #tpu.memory_space<vmem>> -> memref<64x128xf32, #tpu.memory_space<vmem>>
    %dma_start3A_68 = arith.constant 256 : i32
    %dma_start3A_69 = tpu.memref_slice %arg5[%dma_start3A_68] : memref<320xi32, #tpu.memory_space<vmem>> -> memref<64xi32, #tpu.memory_space<vmem>>
    %dma_start3A_70 = arith.constant 0 : i32
    %dma_start3A_71 = arith.constant 0 : i32
    %dma_start3A_72 = tpu.memref_slice %arg2[%dma_start3A_70, %dma_start3A_71] : memref<10000x128xf32, #tpu.memory_space<hbm>> -> memref<10000x128xf32, #tpu.memory_space<hbm>>
    tpu.enqueue_indirect_dma source(%dma_start3A_72 : memref<10000x128xf32, #tpu.memory_space<hbm>>) target(%dma_start3A_67 : memref<64x128xf32, #tpu.memory_space<vmem>>) offsets(%dma_start3A_69 : memref<64xi32, #tpu.memory_space<vmem>>) semaphore(%arg7 : memref<!tpu.dma_semaphore, #tpu.memory_space<semaphore_mem>>)
    %dma_wait3A_73 = arith.constant 256 : i32
    %dma_wait3A_74 = arith.constant 0 : i32
    %dma_wait3A_75 = tpu.memref_slice %arg6[%dma_wait3A_73, %dma_wait3A_74] : memref<320x128xf32, #tpu.memory_space<vmem>> -> memref<64x128xf32, #tpu.memory_space<vmem>>
    %dma_wait3A_76 = arith.constant 256 : i32
    %dma_wait3A_77 = tpu.memref_slice %arg5[%dma_wait3A_76] : memref<320xi32, #tpu.memory_space<vmem>> -> memref<64xi32, #tpu.memory_space<vmem>>
    %dma_wait3A_78 = arith.constant 0 : i32
    %dma_wait3A_79 = arith.constant 0 : i32
    %dma_wait3A_80 = tpu.memref_slice %arg2[%dma_wait3A_78, %dma_wait3A_79] : memref<10000x128xf32, #tpu.memory_space<hbm>> -> memref<10000x128xf32, #tpu.memory_space<hbm>>
    tpu.wait_indirect_dma semaphore(%arg7 : memref<!tpu.dma_semaphore, #tpu.memory_space<semaphore_mem>>) src(%dma_wait3A_80 : memref<10000x128xf32, #tpu.memory_space<hbm>>) dst(%dma_wait3A_75 : memref<64x128xf32, #tpu.memory_space<vmem>>)
    "tpu.region"() ({
      %run_scoped3A = tpu.sem_alloc : memref<!tpu.dma_semaphore, #tpu.memory_space<semaphore_mem>>
      %dma_start3A_81 = arith.constant 0 : i32
      %dma_start3A_82 = tpu.memref_slice %arg4[%mul3A_2, %dma_start3A_81] : memref<10240x128xf32, #tpu.memory_space<hbm>> -> memref<320x128xf32, #tpu.memory_space<hbm>>
      %dma_start3A_83 = arith.constant 0 : i32
      %dma_start3A_84 = tpu.memref_slice %arg4[%mul3A_2, %dma_start3A_83] : memref<10240x128xf32, #tpu.memory_space<hbm>> -> memref<320x128xf32, #tpu.memory_space<hbm>>
      tpu.enqueue_dma source(%arg6 : memref<320x128xf32, #tpu.memory_space<vmem>>) target(%dma_start3A_84 : memref<320x128xf32, #tpu.memory_space<hbm>>) target_semaphore(%run_scoped3A : memref<!tpu.dma_semaphore, #tpu.memory_space<semaphore_mem>>)
      %dma_wait3A_85 = arith.constant 0 : i32
      %dma_wait3A_86 = tpu.memref_slice %arg4[%mul3A_2, %dma_wait3A_85] : memref<10240x128xf32, #tpu.memory_space<hbm>> -> memref<320x128xf32, #tpu.memory_space<hbm>>
      %dma_wait3A_87 = arith.constant 0 : i32
      %dma_wait3A_88 = tpu.memref_slice %arg4[%mul3A_2, %dma_wait3A_87] : memref<10240x128xf32, #tpu.memory_space<hbm>> -> memref<320x128xf32, #tpu.memory_space<hbm>>
      tpu.wait_dma2 semaphore(%run_scoped3A : memref<!tpu.dma_semaphore, #tpu.memory_space<semaphore_mem>>) src(%arg6 : memref<320x128xf32, #tpu.memory_space<vmem>>) dst(%dma_wait3A_88 : memref<320x128xf32, #tpu.memory_space<hbm>>)
      tpu.yield
    }) : () -> ()
    return
  }
}

#map = affine_map<(d0, d1) -> (0)>
module attributes {stable_mosaic.version = 14 : i64} {
  func.func @k(%arg0: i32, %arg1: i32, %arg2: memref<10240xf32, #tpu.memory_space<hbm>>, %arg3: memref<10240xf32, #tpu.memory_space<hbm>>, %arg4: memref<10240xi32, #tpu.memory_space<hbm>>, %arg5: memref<10240xi32, #tpu.memory_space<hbm>>, %arg6: memref<10240xf32, #tpu.memory_space<vmem>>, %arg7: memref<320xf32, #tpu.memory_space<vmem>>, %arg8: memref<320xi32, #tpu.memory_space<vmem>>, %arg9: memref<320xi32, #tpu.memory_space<vmem>>) attributes {dimension_semantics = [#tpu.dimension_semantics<core_parallel>, #tpu.dimension_semantics<subcore_parallel>], iteration_bounds = array<i64: 2, 16>, scalar_prefetch = 0 : i64, scratch_operands = 4 : i64, tpu.core_type = #tpu.core_type<sc_vector_subcore>, window_params = [{transform_indices = #map}, {transform_indices = #map}, {transform_indices = #map}, {transform_indices = #map}]} {
    %mul3A = arith.constant 2 : i32
    %mul3A_0 = arith.muli %arg1, %mul3A : i32
    %add3A = arith.addi %mul3A_0, %arg0 : i32
    %mul3A_1 = arith.constant 320 : i32
    %mul3A_2 = arith.muli %add3A, %mul3A_1 : i32
    "tpu.region"() ({
      %run_scoped3A = tpu.sem_alloc : memref<!tpu.dma_semaphore, #tpu.memory_space<semaphore_mem>>
      tpu.enqueue_dma source(%arg2 : memref<10240xf32, #tpu.memory_space<hbm>>) target(%arg6 : memref<10240xf32, #tpu.memory_space<vmem>>) target_semaphore(%run_scoped3A : memref<!tpu.dma_semaphore, #tpu.memory_space<semaphore_mem>>)
      tpu.wait_dma2 semaphore(%run_scoped3A : memref<!tpu.dma_semaphore, #tpu.memory_space<semaphore_mem>>) src(%arg2 : memref<10240xf32, #tpu.memory_space<hbm>>) dst(%arg6 : memref<10240xf32, #tpu.memory_space<vmem>>)
      tpu.yield
    }) : () -> ()
    "tpu.region"() ({
      %run_scoped3A = tpu.sem_alloc : memref<!tpu.dma_semaphore, #tpu.memory_space<semaphore_mem>>
      %dma_start3A = tpu.memref_slice %arg3[%mul3A_2] : memref<10240xf32, #tpu.memory_space<hbm>> -> memref<320xf32, #tpu.memory_space<hbm>>
      %dma_start3A_9 = tpu.memref_slice %arg3[%mul3A_2] : memref<10240xf32, #tpu.memory_space<hbm>> -> memref<320xf32, #tpu.memory_space<hbm>>
      tpu.enqueue_dma source(%dma_start3A_9 : memref<320xf32, #tpu.memory_space<hbm>>) target(%arg7 : memref<320xf32, #tpu.memory_space<vmem>>) target_semaphore(%run_scoped3A : memref<!tpu.dma_semaphore, #tpu.memory_space<semaphore_mem>>)
      %dma_wait3A = tpu.memref_slice %arg3[%mul3A_2] : memref<10240xf32, #tpu.memory_space<hbm>> -> memref<320xf32, #tpu.memory_space<hbm>>
      %dma_wait3A_10 = tpu.memref_slice %arg3[%mul3A_2] : memref<10240xf32, #tpu.memory_space<hbm>> -> memref<320xf32, #tpu.memory_space<hbm>>
      tpu.wait_dma2 semaphore(%run_scoped3A : memref<!tpu.dma_semaphore, #tpu.memory_space<semaphore_mem>>) src(%dma_wait3A_10 : memref<320xf32, #tpu.memory_space<hbm>>) dst(%arg7 : memref<320xf32, #tpu.memory_space<vmem>>)
      tpu.yield
    }) : () -> ()
    %scan3A = arith.constant 0 : i32
    %scan3A_3 = arith.constant 0 : i32
    %scan3A_4 = arith.constant 20 : i32
    %scan3A_5 = arith.addi %scan3A_3, %scan3A_4 : i32
    %scan3A_6 = arith.constant 1 : i32
    %scan3A_7 = scf.for %scan3A_9 = %scan3A_3 to %scan3A_5 step %scan3A_6 iter_args(%scan3A_10 = %scan3A) -> (i32)  : i32 {
      %mul3A_11 = arith.constant 16 : i32
      %mul3A_12 = arith.muli %scan3A_9, %mul3A_11 : i32
      %get3A = arith.index_cast %mul3A_12 : i32 to index
      %get3A_13 = tpu.vector_load %arg7[%get3A] {strides = array<i32>} : memref<320xf32, #tpu.memory_space<vmem>>, vector<16xf32>,
      %broadcast_in_dim3A = arith.constant 0 : i32
      %broadcast_in_dim3A_14 = vector.broadcast %broadcast_in_dim3A : i32 to vector<16xi32>
      %broadcast_in_dim3A_15 = arith.constant 10240 : i32
      %broadcast_in_dim3A_16 = vector.broadcast %broadcast_in_dim3A_15 : i32 to vector<16xi32>
      %scan3A_17 = arith.constant 0 : i32
      %scan3A_18 = arith.constant 14 : i32
      %scan3A_19 = arith.addi %scan3A_17, %scan3A_18 : i32
      %scan3A_20 = arith.constant 1 : i32
      %scan3A_21:2 = scf.for %scan3A_35 = %scan3A_17 to %scan3A_19 step %scan3A_20 iter_args(%scan3A_36 = %broadcast_in_dim3A_14, %scan3A_37 = %broadcast_in_dim3A_16) -> (vector<16xi32>, vector<16xi32>)  : i32 {
        %add3A_38 = arith.addi %scan3A_36, %scan3A_37 : vector<16xi32>
        %div3A = arith.constant 2 : i32
        %div3A_39 = vector.broadcast %div3A : i32 to vector<16xi32>
        %div3A_40 = arith.divsi %add3A_38, %div3A_39 : vector<16xi32>
        %gather3A = tpu.vector_load_idx %arg6[%div3A_40] : memref<10240xf32, #tpu.memory_space<vmem>>[vector<16xi32>], vector<16xf32>,
        %lt3A = arith.cmpf olt, %gather3A, %get3A_13 : vector<16xf32>
        %add3A_41 = arith.constant 1 : i32
        %add3A_42 = vector.broadcast %add3A_41 : i32 to vector<16xi32>
        %add3A_43 = arith.addi %div3A_40, %add3A_42 : vector<16xi32>
        %select_n3A = arith.select %lt3A, %add3A_43, %scan3A_36 : vector<16xi1>, vector<16xi32>
        %select_n3A_44 = arith.select %lt3A, %scan3A_37, %div3A_40 : vector<16xi1>, vector<16xi32>
        scf.yield %select_n3A, %select_n3A_44 : vector<16xi32>, vector<16xi32>
      }
      %scan3A_22 = arith.constant 14 : i32
      %mul3A_23 = arith.constant 16 : i32
      %mul3A_24 = arith.muli %scan3A_9, %mul3A_23 : i32
      %swap3A = arith.index_cast %mul3A_24 : i32 to index
      %swap3A_25 = tpu.vector_load %arg9[%swap3A] {strides = array<i32>} : memref<320xi32, #tpu.memory_space<vmem>>, vector<16xi32>,
      tpu.vector_store %arg9[%swap3A], %scan3A_21#0 {strides = array<i32>} : memref<320xi32, #tpu.memory_space<vmem>>, vector<16xi32>,
      %sub3A = arith.constant 1 : i32
      %sub3A_26 = vector.broadcast %sub3A : i32 to vector<16xi32>
      %sub3A_27 = arith.subi %scan3A_21#0, %sub3A_26 : vector<16xi32>
      %max3A = arith.constant 0 : i32
      %max3A_28 = vector.broadcast %max3A : i32 to vector<16xi32>
      %max3A_29 = arith.maxsi %sub3A_27, %max3A_28 : vector<16xi32>
      %mul3A_30 = arith.constant 16 : i32
      %mul3A_31 = arith.muli %scan3A_9, %mul3A_30 : i32
      %swap3A_32 = arith.index_cast %mul3A_31 : i32 to index
      %swap3A_33 = tpu.vector_load %arg8[%swap3A_32] {strides = array<i32>} : memref<320xi32, #tpu.memory_space<vmem>>, vector<16xi32>,
      tpu.vector_store %arg8[%swap3A_32], %max3A_29 {strides = array<i32>} : memref<320xi32, #tpu.memory_space<vmem>>, vector<16xi32>,
      %scan3A_34 = arith.constant 0 : i32
      scf.yield %scan3A_34 : i32
    }
    %scan3A_8 = arith.constant 20 : i32
    "tpu.region"() ({
      %run_scoped3A = tpu.sem_alloc : memref<!tpu.dma_semaphore, #tpu.memory_space<semaphore_mem>>
      %dma_start3A = tpu.memref_slice %arg4[%mul3A_2] : memref<10240xi32, #tpu.memory_space<hbm>> -> memref<320xi32, #tpu.memory_space<hbm>>
      %dma_start3A_9 = tpu.memref_slice %arg4[%mul3A_2] : memref<10240xi32, #tpu.memory_space<hbm>> -> memref<320xi32, #tpu.memory_space<hbm>>
      tpu.enqueue_dma source(%arg9 : memref<320xi32, #tpu.memory_space<vmem>>) target(%dma_start3A_9 : memref<320xi32, #tpu.memory_space<hbm>>) target_semaphore(%run_scoped3A : memref<!tpu.dma_semaphore, #tpu.memory_space<semaphore_mem>>)
      %dma_wait3A = tpu.memref_slice %arg4[%mul3A_2] : memref<10240xi32, #tpu.memory_space<hbm>> -> memref<320xi32, #tpu.memory_space<hbm>>
      %dma_wait3A_10 = tpu.memref_slice %arg4[%mul3A_2] : memref<10240xi32, #tpu.memory_space<hbm>> -> memref<320xi32, #tpu.memory_space<hbm>>
      tpu.wait_dma2 semaphore(%run_scoped3A : memref<!tpu.dma_semaphore, #tpu.memory_space<semaphore_mem>>) src(%arg9 : memref<320xi32, #tpu.memory_space<vmem>>) dst(%dma_wait3A_10 : memref<320xi32, #tpu.memory_space<hbm>>)
      tpu.yield
    }) : () -> ()
    "tpu.region"() ({
      %run_scoped3A = tpu.sem_alloc : memref<!tpu.dma_semaphore, #tpu.memory_space<semaphore_mem>>
      %dma_start3A = tpu.memref_slice %arg5[%mul3A_2] : memref<10240xi32, #tpu.memory_space<hbm>> -> memref<320xi32, #tpu.memory_space<hbm>>
      %dma_start3A_9 = tpu.memref_slice %arg5[%mul3A_2] : memref<10240xi32, #tpu.memory_space<hbm>> -> memref<320xi32, #tpu.memory_space<hbm>>
      tpu.enqueue_dma source(%arg8 : memref<320xi32, #tpu.memory_space<vmem>>) target(%dma_start3A_9 : memref<320xi32, #tpu.memory_space<hbm>>) target_semaphore(%run_scoped3A : memref<!tpu.dma_semaphore, #tpu.memory_space<semaphore_mem>>)
      %dma_wait3A = tpu.memref_slice %arg5[%mul3A_2] : memref<10240xi32, #tpu.memory_space<hbm>> -> memref<320xi32, #tpu.memory_space<hbm>>
      %dma_wait3A_10 = tpu.memref_slice %arg5[%mul3A_2] : memref<10240xi32, #tpu.memory_space<hbm>> -> memref<320xi32, #tpu.memory_space<hbm>>
      tpu.wait_dma2 semaphore(%run_scoped3A : memref<!tpu.dma_semaphore, #tpu.memory_space<semaphore_mem>>) src(%arg8 : memref<320xi32, #tpu.memory_space<vmem>>) dst(%dma_wait3A_10 : memref<320xi32, #tpu.memory_space<hbm>>)
      tpu.yield
    }) : () -> ()
    return
  }
}

#map = affine_map<(d0, d1) -> (0, 0)>
#map1 = affine_map<(d0, d1) -> (0)>
module attributes {stable_mosaic.version = 14 : i64} {
  func.func @k(%arg0: i32, %arg1: i32, %arg2: memref<10000x128xf32, #tpu.memory_space<hbm>>, %arg3: memref<10240xi32, #tpu.memory_space<hbm>>, %arg4: memref<10240x128xf32, #tpu.memory_space<hbm>>, %arg5: memref<320xi32, #tpu.memory_space<vmem>>, %arg6: memref<320x128xf32, #tpu.memory_space<vmem>>, %arg7: memref<!tpu.dma_semaphore, #tpu.memory_space<semaphore_mem>>) attributes {dimension_semantics = [#tpu.dimension_semantics<core_parallel>, #tpu.dimension_semantics<subcore_parallel>], iteration_bounds = array<i64: 2, 16>, scalar_prefetch = 0 : i64, scratch_operands = 3 : i64, tpu.core_type = #tpu.core_type<sc_vector_subcore>, window_params = [{transform_indices = #map}, {transform_indices = #map1}, {transform_indices = #map}]} {
    %mul3A = arith.constant 2 : i32
    %mul3A_0 = arith.muli %arg1, %mul3A : i32
    %add3A = arith.addi %mul3A_0, %arg0 : i32
    %mul3A_1 = arith.constant 320 : i32
    %mul3A_2 = arith.muli %add3A, %mul3A_1 : i32
    "tpu.region"() ({
      %run_scoped3A = tpu.sem_alloc : memref<!tpu.dma_semaphore, #tpu.memory_space<semaphore_mem>>
      %dma_start3A_81 = tpu.memref_slice %arg3[%mul3A_2] : memref<10240xi32, #tpu.memory_space<hbm>> -> memref<320xi32, #tpu.memory_space<hbm>>
      %dma_start3A_82 = tpu.memref_slice %arg3[%mul3A_2] : memref<10240xi32, #tpu.memory_space<hbm>> -> memref<320xi32, #tpu.memory_space<hbm>>
      tpu.enqueue_dma source(%dma_start3A_82 : memref<320xi32, #tpu.memory_space<hbm>>) target(%arg5 : memref<320xi32, #tpu.memory_space<vmem>>) target_semaphore(%run_scoped3A : memref<!tpu.dma_semaphore, #tpu.memory_space<semaphore_mem>>)
      %dma_wait3A_83 = tpu.memref_slice %arg3[%mul3A_2] : memref<10240xi32, #tpu.memory_space<hbm>> -> memref<320xi32, #tpu.memory_space<hbm>>
      %dma_wait3A_84 = tpu.memref_slice %arg3[%mul3A_2] : memref<10240xi32, #tpu.memory_space<hbm>> -> memref<320xi32, #tpu.memory_space<hbm>>
      tpu.wait_dma2 semaphore(%run_scoped3A : memref<!tpu.dma_semaphore, #tpu.memory_space<semaphore_mem>>) src(%dma_wait3A_84 : memref<320xi32, #tpu.memory_space<hbm>>) dst(%arg5 : memref<320xi32, #tpu.memory_space<vmem>>)
      tpu.yield
    }) : () -> ()
    %dma_start3A = arith.constant 0 : i32
    %dma_start3A_3 = arith.constant 0 : i32
    %dma_start3A_4 = tpu.memref_slice %arg6[%dma_start3A, %dma_start3A_3] : memref<320x128xf32, #tpu.memory_space<vmem>> -> memref<64x128xf32, #tpu.memory_space<vmem>>
    %dma_start3A_5 = arith.constant 0 : i32
    %dma_start3A_6 = tpu.memref_slice %arg5[%dma_start3A_5] : memref<320xi32, #tpu.memory_space<vmem>> -> memref<64xi32, #tpu.memory_space<vmem>>
    %dma_start3A_7 = arith.constant 0 : i32
    %dma_start3A_8 = arith.constant 0 : i32
    %dma_start3A_9 = tpu.memref_slice %arg2[%dma_start3A_7, %dma_start3A_8] : memref<10000x128xf32, #tpu.memory_space<hbm>> -> memref<10000x128xf32, #tpu.memory_space<hbm>>
    tpu.enqueue_indirect_dma source(%dma_start3A_9 : memref<10000x128xf32, #tpu.memory_space<hbm>>) target(%dma_start3A_4 : memref<64x128xf32, #tpu.memory_space<vmem>>) offsets(%dma_start3A_6 : memref<64xi32, #tpu.memory_space<vmem>>) semaphore(%arg7 : memref<!tpu.dma_semaphore, #tpu.memory_space<semaphore_mem>>)
    %dma_wait3A = arith.constant 0 : i32
    %dma_wait3A_10 = arith.constant 0 : i32
    %dma_wait3A_11 = tpu.memref_slice %arg6[%dma_wait3A, %dma_wait3A_10] : memref<320x128xf32, #tpu.memory_space<vmem>> -> memref<64x128xf32, #tpu.memory_space<vmem>>
    %dma_wait3A_12 = arith.constant 0 : i32
    %dma_wait3A_13 = tpu.memref_slice %arg5[%dma_wait3A_12] : memref<320xi32, #tpu.memory_space<vmem>> -> memref<64xi32, #tpu.memory_space<vmem>>
    %dma_wait3A_14 = arith.constant 0 : i32
    %dma_wait3A_15 = arith.constant 0 : i32
    %dma_wait3A_16 = tpu.memref_slice %arg2[%dma_wait3A_14, %dma_wait3A_15] : memref<10000x128xf32, #tpu.memory_space<hbm>> -> memref<10000x128xf32, #tpu.memory_space<hbm>>
    tpu.wait_indirect_dma semaphore(%arg7 : memref<!tpu.dma_semaphore, #tpu.memory_space<semaphore_mem>>) src(%dma_wait3A_16 : memref<10000x128xf32, #tpu.memory_space<hbm>>) dst(%dma_wait3A_11 : memref<64x128xf32, #tpu.memory_space<vmem>>)
    %dma_start3A_17 = arith.constant 64 : i32
    %dma_start3A_18 = arith.constant 0 : i32
    %dma_start3A_19 = tpu.memref_slice %arg6[%dma_start3A_17, %dma_start3A_18] : memref<320x128xf32, #tpu.memory_space<vmem>> -> memref<64x128xf32, #tpu.memory_space<vmem>>
    %dma_start3A_20 = arith.constant 64 : i32
    %dma_start3A_21 = tpu.memref_slice %arg5[%dma_start3A_20] : memref<320xi32, #tpu.memory_space<vmem>> -> memref<64xi32, #tpu.memory_space<vmem>>
    %dma_start3A_22 = arith.constant 0 : i32
    %dma_start3A_23 = arith.constant 0 : i32
    %dma_start3A_24 = tpu.memref_slice %arg2[%dma_start3A_22, %dma_start3A_23] : memref<10000x128xf32, #tpu.memory_space<hbm>> -> memref<10000x128xf32, #tpu.memory_space<hbm>>
    tpu.enqueue_indirect_dma source(%dma_start3A_24 : memref<10000x128xf32, #tpu.memory_space<hbm>>) target(%dma_start3A_19 : memref<64x128xf32, #tpu.memory_space<vmem>>) offsets(%dma_start3A_21 : memref<64xi32, #tpu.memory_space<vmem>>) semaphore(%arg7 : memref<!tpu.dma_semaphore, #tpu.memory_space<semaphore_mem>>)
    %dma_wait3A_25 = arith.constant 64 : i32
    %dma_wait3A_26 = arith.constant 0 : i32
    %dma_wait3A_27 = tpu.memref_slice %arg6[%dma_wait3A_25, %dma_wait3A_26] : memref<320x128xf32, #tpu.memory_space<vmem>> -> memref<64x128xf32, #tpu.memory_space<vmem>>
    %dma_wait3A_28 = arith.constant 64 : i32
    %dma_wait3A_29 = tpu.memref_slice %arg5[%dma_wait3A_28] : memref<320xi32, #tpu.memory_space<vmem>> -> memref<64xi32, #tpu.memory_space<vmem>>
    %dma_wait3A_30 = arith.constant 0 : i32
    %dma_wait3A_31 = arith.constant 0 : i32
    %dma_wait3A_32 = tpu.memref_slice %arg2[%dma_wait3A_30, %dma_wait3A_31] : memref<10000x128xf32, #tpu.memory_space<hbm>> -> memref<10000x128xf32, #tpu.memory_space<hbm>>
    tpu.wait_indirect_dma semaphore(%arg7 : memref<!tpu.dma_semaphore, #tpu.memory_space<semaphore_mem>>) src(%dma_wait3A_32 : memref<10000x128xf32, #tpu.memory_space<hbm>>) dst(%dma_wait3A_27 : memref<64x128xf32, #tpu.memory_space<vmem>>)
    %dma_start3A_33 = arith.constant 128 : i32
    %dma_start3A_34 = arith.constant 0 : i32
    %dma_start3A_35 = tpu.memref_slice %arg6[%dma_start3A_33, %dma_start3A_34] : memref<320x128xf32, #tpu.memory_space<vmem>> -> memref<64x128xf32, #tpu.memory_space<vmem>>
    %dma_start3A_36 = arith.constant 128 : i32
    %dma_start3A_37 = tpu.memref_slice %arg5[%dma_start3A_36] : memref<320xi32, #tpu.memory_space<vmem>> -> memref<64xi32, #tpu.memory_space<vmem>>
    %dma_start3A_38 = arith.constant 0 : i32
    %dma_start3A_39 = arith.constant 0 : i32
    %dma_start3A_40 = tpu.memref_slice %arg2[%dma_start3A_38, %dma_start3A_39] : memref<10000x128xf32, #tpu.memory_space<hbm>> -> memref<10000x128xf32, #tpu.memory_space<hbm>>
    tpu.enqueue_indirect_dma source(%dma_start3A_40 : memref<10000x128xf32, #tpu.memory_space<hbm>>) target(%dma_start3A_35 : memref<64x128xf32, #tpu.memory_space<vmem>>) offsets(%dma_start3A_37 : memref<64xi32, #tpu.memory_space<vmem>>) semaphore(%arg7 : memref<!tpu.dma_semaphore, #tpu.memory_space<semaphore_mem>>)
    %dma_wait3A_41 = arith.constant 128 : i32
    %dma_wait3A_42 = arith.constant 0 : i32
    %dma_wait3A_43 = tpu.memref_slice %arg6[%dma_wait3A_41, %dma_wait3A_42] : memref<320x128xf32, #tpu.memory_space<vmem>> -> memref<64x128xf32, #tpu.memory_space<vmem>>
    %dma_wait3A_44 = arith.constant 128 : i32
    %dma_wait3A_45 = tpu.memref_slice %arg5[%dma_wait3A_44] : memref<320xi32, #tpu.memory_space<vmem>> -> memref<64xi32, #tpu.memory_space<vmem>>
    %dma_wait3A_46 = arith.constant 0 : i32
    %dma_wait3A_47 = arith.constant 0 : i32
    %dma_wait3A_48 = tpu.memref_slice %arg2[%dma_wait3A_46, %dma_wait3A_47] : memref<10000x128xf32, #tpu.memory_space<hbm>> -> memref<10000x128xf32, #tpu.memory_space<hbm>>
    tpu.wait_indirect_dma semaphore(%arg7 : memref<!tpu.dma_semaphore, #tpu.memory_space<semaphore_mem>>) src(%dma_wait3A_48 : memref<10000x128xf32, #tpu.memory_space<hbm>>) dst(%dma_wait3A_43 : memref<64x128xf32, #tpu.memory_space<vmem>>)
    %dma_start3A_49 = arith.constant 192 : i32
    %dma_start3A_50 = arith.constant 0 : i32
    %dma_start3A_51 = tpu.memref_slice %arg6[%dma_start3A_49, %dma_start3A_50] : memref<320x128xf32, #tpu.memory_space<vmem>> -> memref<64x128xf32, #tpu.memory_space<vmem>>
    %dma_start3A_52 = arith.constant 192 : i32
    %dma_start3A_53 = tpu.memref_slice %arg5[%dma_start3A_52] : memref<320xi32, #tpu.memory_space<vmem>> -> memref<64xi32, #tpu.memory_space<vmem>>
    %dma_start3A_54 = arith.constant 0 : i32
    %dma_start3A_55 = arith.constant 0 : i32
    %dma_start3A_56 = tpu.memref_slice %arg2[%dma_start3A_54, %dma_start3A_55] : memref<10000x128xf32, #tpu.memory_space<hbm>> -> memref<10000x128xf32, #tpu.memory_space<hbm>>
    tpu.enqueue_indirect_dma source(%dma_start3A_56 : memref<10000x128xf32, #tpu.memory_space<hbm>>) target(%dma_start3A_51 : memref<64x128xf32, #tpu.memory_space<vmem>>) offsets(%dma_start3A_53 : memref<64xi32, #tpu.memory_space<vmem>>) semaphore(%arg7 : memref<!tpu.dma_semaphore, #tpu.memory_space<semaphore_mem>>)
    %dma_wait3A_57 = arith.constant 192 : i32
    %dma_wait3A_58 = arith.constant 0 : i32
    %dma_wait3A_59 = tpu.memref_slice %arg6[%dma_wait3A_57, %dma_wait3A_58] : memref<320x128xf32, #tpu.memory_space<vmem>> -> memref<64x128xf32, #tpu.memory_space<vmem>>
    %dma_wait3A_60 = arith.constant 192 : i32
    %dma_wait3A_61 = tpu.memref_slice %arg5[%dma_wait3A_60] : memref<320xi32, #tpu.memory_space<vmem>> -> memref<64xi32, #tpu.memory_space<vmem>>
    %dma_wait3A_62 = arith.constant 0 : i32
    %dma_wait3A_63 = arith.constant 0 : i32
    %dma_wait3A_64 = tpu.memref_slice %arg2[%dma_wait3A_62, %dma_wait3A_63] : memref<10000x128xf32, #tpu.memory_space<hbm>> -> memref<10000x128xf32, #tpu.memory_space<hbm>>
    tpu.wait_indirect_dma semaphore(%arg7 : memref<!tpu.dma_semaphore, #tpu.memory_space<semaphore_mem>>) src(%dma_wait3A_64 : memref<10000x128xf32, #tpu.memory_space<hbm>>) dst(%dma_wait3A_59 : memref<64x128xf32, #tpu.memory_space<vmem>>)
    %dma_start3A_65 = arith.constant 256 : i32
    %dma_start3A_66 = arith.constant 0 : i32
    %dma_start3A_67 = tpu.memref_slice %arg6[%dma_start3A_65, %dma_start3A_66] : memref<320x128xf32, #tpu.memory_space<vmem>> -> memref<64x128xf32, #tpu.memory_space<vmem>>
    %dma_start3A_68 = arith.constant 256 : i32
    %dma_start3A_69 = tpu.memref_slice %arg5[%dma_start3A_68] : memref<320xi32, #tpu.memory_space<vmem>> -> memref<64xi32, #tpu.memory_space<vmem>>
    %dma_start3A_70 = arith.constant 0 : i32
    %dma_start3A_71 = arith.constant 0 : i32
    %dma_start3A_72 = tpu.memref_slice %arg2[%dma_start3A_70, %dma_start3A_71] : memref<10000x128xf32, #tpu.memory_space<hbm>> -> memref<10000x128xf32, #tpu.memory_space<hbm>>
    tpu.enqueue_indirect_dma source(%dma_start3A_72 : memref<10000x128xf32, #tpu.memory_space<hbm>>) target(%dma_start3A_67 : memref<64x128xf32, #tpu.memory_space<vmem>>) offsets(%dma_start3A_69 : memref<64xi32, #tpu.memory_space<vmem>>) semaphore(%arg7 : memref<!tpu.dma_semaphore, #tpu.memory_space<semaphore_mem>>)
    %dma_wait3A_73 = arith.constant 256 : i32
    %dma_wait3A_74 = arith.constant 0 : i32
    %dma_wait3A_75 = tpu.memref_slice %arg6[%dma_wait3A_73, %dma_wait3A_74] : memref<320x128xf32, #tpu.memory_space<vmem>> -> memref<64x128xf32, #tpu.memory_space<vmem>>
    %dma_wait3A_76 = arith.constant 256 : i32
    %dma_wait3A_77 = tpu.memref_slice %arg5[%dma_wait3A_76] : memref<320xi32, #tpu.memory_space<vmem>> -> memref<64xi32, #tpu.memory_space<vmem>>
    %dma_wait3A_78 = arith.constant 0 : i32
    %dma_wait3A_79 = arith.constant 0 : i32
    %dma_wait3A_80 = tpu.memref_slice %arg2[%dma_wait3A_78, %dma_wait3A_79] : memref<10000x128xf32, #tpu.memory_space<hbm>> -> memref<10000x128xf32, #tpu.memory_space<hbm>>
    tpu.wait_indirect_dma semaphore(%arg7 : memref<!tpu.dma_semaphore, #tpu.memory_space<semaphore_mem>>) src(%dma_wait3A_80 : memref<10000x128xf32, #tpu.memory_space<hbm>>) dst(%dma_wait3A_75 : memref<64x128xf32, #tpu.memory_space<vmem>>)
    "tpu.region"() ({
      %run_scoped3A = tpu.sem_alloc : memref<!tpu.dma_semaphore, #tpu.memory_space<semaphore_mem>>
      %dma_start3A_81 = arith.constant 0 : i32
      %dma_start3A_82 = tpu.memref_slice %arg4[%mul3A_2, %dma_start3A_81] : memref<10240x128xf32, #tpu.memory_space<hbm>> -> memref<320x128xf32, #tpu.memory_space<hbm>>
      %dma_start3A_83 = arith.constant 0 : i32
      %dma_start3A_84 = tpu.memref_slice %arg4[%mul3A_2, %dma_start3A_83] : memref<10240x128xf32, #tpu.memory_space<hbm>> -> memref<320x128xf32, #tpu.memory_space<hbm>>
      tpu.enqueue_dma source(%arg6 : memref<320x128xf32, #tpu.memory_space<vmem>>) target(%dma_start3A_84 : memref<320x128xf32, #tpu.memory_space<hbm>>) target_semaphore(%run_scoped3A : memref<!tpu.dma_semaphore, #tpu.memory_space<semaphore_mem>>)
      %dma_wait3A_85 = arith.constant 0 : i32
      %dma_wait3A_86 = tpu.memref_slice %arg4[%mul3A_2, %dma_wait3A_85] : memref<10240x128xf32, #tpu.memory_space<hbm>> -> memref<320x128xf32, #tpu.memory_space<hbm>>
      %dma_wait3A_87 = arith.constant 0 : i32
      %dma_wait3A_88 = tpu.memref_slice %arg4[%mul3A_2, %dma_wait3A_87] : memref<10240x128xf32, #tpu.memory_space<hbm>> -> memref<320x128xf32, #tpu.memory_space<hbm>>
      tpu.wait_dma2 semaphore(%run_scoped3A : memref<!tpu.dma_semaphore, #tpu.memory_space<semaphore_mem>>) src(%arg6 : memref<320x128xf32, #tpu.memory_space<vmem>>) dst(%dma_wait3A_88 : memref<320x128xf32, #tpu.memory_space<hbm>>)
      tpu.yield
    }) : () -> ()
    return
  }
}

#map = affine_map<(d0, d1) -> (0, 0)>
#map1 = affine_map<(d0, d1) -> (0)>
module attributes {stable_mosaic.version = 14 : i64} {
  func.func @k(%arg0: i32, %arg1: i32, %arg2: memref<10000x384xf32, #tpu.memory_space<hbm>>, %arg3: memref<10240xi32, #tpu.memory_space<hbm>>, %arg4: memref<10240x384xf32, #tpu.memory_space<hbm>>, %arg5: memref<320xi32, #tpu.memory_space<vmem>>, %arg6: memref<320x384xf32, #tpu.memory_space<vmem>>, %arg7: memref<!tpu.dma_semaphore, #tpu.memory_space<semaphore_mem>>) attributes {dimension_semantics = [#tpu.dimension_semantics<core_parallel>, #tpu.dimension_semantics<subcore_parallel>], iteration_bounds = array<i64: 2, 16>, scalar_prefetch = 0 : i64, scratch_operands = 3 : i64, tpu.core_type = #tpu.core_type<sc_vector_subcore>, window_params = [{transform_indices = #map}, {transform_indices = #map1}, {transform_indices = #map}]} {
    %mul3A = arith.constant 2 : i32
    %mul3A_0 = arith.muli %arg1, %mul3A : i32
    %add3A = arith.addi %mul3A_0, %arg0 : i32
    %mul3A_1 = arith.constant 320 : i32
    %mul3A_2 = arith.muli %add3A, %mul3A_1 : i32
    "tpu.region"() ({
      %run_scoped3A = tpu.sem_alloc : memref<!tpu.dma_semaphore, #tpu.memory_space<semaphore_mem>>
      %dma_start3A_81 = tpu.memref_slice %arg3[%mul3A_2] : memref<10240xi32, #tpu.memory_space<hbm>> -> memref<320xi32, #tpu.memory_space<hbm>>
      %dma_start3A_82 = tpu.memref_slice %arg3[%mul3A_2] : memref<10240xi32, #tpu.memory_space<hbm>> -> memref<320xi32, #tpu.memory_space<hbm>>
      tpu.enqueue_dma source(%dma_start3A_82 : memref<320xi32, #tpu.memory_space<hbm>>) target(%arg5 : memref<320xi32, #tpu.memory_space<vmem>>) target_semaphore(%run_scoped3A : memref<!tpu.dma_semaphore, #tpu.memory_space<semaphore_mem>>)
      %dma_wait3A_83 = tpu.memref_slice %arg3[%mul3A_2] : memref<10240xi32, #tpu.memory_space<hbm>> -> memref<320xi32, #tpu.memory_space<hbm>>
      %dma_wait3A_84 = tpu.memref_slice %arg3[%mul3A_2] : memref<10240xi32, #tpu.memory_space<hbm>> -> memref<320xi32, #tpu.memory_space<hbm>>
      tpu.wait_dma2 semaphore(%run_scoped3A : memref<!tpu.dma_semaphore, #tpu.memory_space<semaphore_mem>>) src(%dma_wait3A_84 : memref<320xi32, #tpu.memory_space<hbm>>) dst(%arg5 : memref<320xi32, #tpu.memory_space<vmem>>)
      tpu.yield
    }) : () -> ()
    %dma_start3A = arith.constant 0 : i32
    %dma_start3A_3 = arith.constant 0 : i32
    %dma_start3A_4 = tpu.memref_slice %arg6[%dma_start3A, %dma_start3A_3] : memref<320x384xf32, #tpu.memory_space<vmem>> -> memref<64x384xf32, #tpu.memory_space<vmem>>
    %dma_start3A_5 = arith.constant 0 : i32
    %dma_start3A_6 = tpu.memref_slice %arg5[%dma_start3A_5] : memref<320xi32, #tpu.memory_space<vmem>> -> memref<64xi32, #tpu.memory_space<vmem>>
    %dma_start3A_7 = arith.constant 0 : i32
    %dma_start3A_8 = arith.constant 0 : i32
    %dma_start3A_9 = tpu.memref_slice %arg2[%dma_start3A_7, %dma_start3A_8] : memref<10000x384xf32, #tpu.memory_space<hbm>> -> memref<10000x384xf32, #tpu.memory_space<hbm>>
    tpu.enqueue_indirect_dma source(%dma_start3A_9 : memref<10000x384xf32, #tpu.memory_space<hbm>>) target(%dma_start3A_4 : memref<64x384xf32, #tpu.memory_space<vmem>>) offsets(%dma_start3A_6 : memref<64xi32, #tpu.memory_space<vmem>>) semaphore(%arg7 : memref<!tpu.dma_semaphore, #tpu.memory_space<semaphore_mem>>)
    %dma_wait3A = arith.constant 0 : i32
    %dma_wait3A_10 = arith.constant 0 : i32
    %dma_wait3A_11 = tpu.memref_slice %arg6[%dma_wait3A, %dma_wait3A_10] : memref<320x384xf32, #tpu.memory_space<vmem>> -> memref<64x384xf32, #tpu.memory_space<vmem>>
    %dma_wait3A_12 = arith.constant 0 : i32
    %dma_wait3A_13 = tpu.memref_slice %arg5[%dma_wait3A_12] : memref<320xi32, #tpu.memory_space<vmem>> -> memref<64xi32, #tpu.memory_space<vmem>>
    %dma_wait3A_14 = arith.constant 0 : i32
    %dma_wait3A_15 = arith.constant 0 : i32
    %dma_wait3A_16 = tpu.memref_slice %arg2[%dma_wait3A_14, %dma_wait3A_15] : memref<10000x384xf32, #tpu.memory_space<hbm>> -> memref<10000x384xf32, #tpu.memory_space<hbm>>
    tpu.wait_indirect_dma semaphore(%arg7 : memref<!tpu.dma_semaphore, #tpu.memory_space<semaphore_mem>>) src(%dma_wait3A_16 : memref<10000x384xf32, #tpu.memory_space<hbm>>) dst(%dma_wait3A_11 : memref<64x384xf32, #tpu.memory_space<vmem>>)
    %dma_start3A_17 = arith.constant 64 : i32
    %dma_start3A_18 = arith.constant 0 : i32
    %dma_start3A_19 = tpu.memref_slice %arg6[%dma_start3A_17, %dma_start3A_18] : memref<320x384xf32, #tpu.memory_space<vmem>> -> memref<64x384xf32, #tpu.memory_space<vmem>>
    %dma_start3A_20 = arith.constant 64 : i32
    %dma_start3A_21 = tpu.memref_slice %arg5[%dma_start3A_20] : memref<320xi32, #tpu.memory_space<vmem>> -> memref<64xi32, #tpu.memory_space<vmem>>
    %dma_start3A_22 = arith.constant 0 : i32
    %dma_start3A_23 = arith.constant 0 : i32
    %dma_start3A_24 = tpu.memref_slice %arg2[%dma_start3A_22, %dma_start3A_23] : memref<10000x384xf32, #tpu.memory_space<hbm>> -> memref<10000x384xf32, #tpu.memory_space<hbm>>
    tpu.enqueue_indirect_dma source(%dma_start3A_24 : memref<10000x384xf32, #tpu.memory_space<hbm>>) target(%dma_start3A_19 : memref<64x384xf32, #tpu.memory_space<vmem>>) offsets(%dma_start3A_21 : memref<64xi32, #tpu.memory_space<vmem>>) semaphore(%arg7 : memref<!tpu.dma_semaphore, #tpu.memory_space<semaphore_mem>>)
    %dma_wait3A_25 = arith.constant 64 : i32
    %dma_wait3A_26 = arith.constant 0 : i32
    %dma_wait3A_27 = tpu.memref_slice %arg6[%dma_wait3A_25, %dma_wait3A_26] : memref<320x384xf32, #tpu.memory_space<vmem>> -> memref<64x384xf32, #tpu.memory_space<vmem>>
    %dma_wait3A_28 = arith.constant 64 : i32
    %dma_wait3A_29 = tpu.memref_slice %arg5[%dma_wait3A_28] : memref<320xi32, #tpu.memory_space<vmem>> -> memref<64xi32, #tpu.memory_space<vmem>>
    %dma_wait3A_30 = arith.constant 0 : i32
    %dma_wait3A_31 = arith.constant 0 : i32
    %dma_wait3A_32 = tpu.memref_slice %arg2[%dma_wait3A_30, %dma_wait3A_31] : memref<10000x384xf32, #tpu.memory_space<hbm>> -> memref<10000x384xf32, #tpu.memory_space<hbm>>
    tpu.wait_indirect_dma semaphore(%arg7 : memref<!tpu.dma_semaphore, #tpu.memory_space<semaphore_mem>>) src(%dma_wait3A_32 : memref<10000x384xf32, #tpu.memory_space<hbm>>) dst(%dma_wait3A_27 : memref<64x384xf32, #tpu.memory_space<vmem>>)
    %dma_start3A_33 = arith.constant 128 : i32
    %dma_start3A_34 = arith.constant 0 : i32
    %dma_start3A_35 = tpu.memref_slice %arg6[%dma_start3A_33, %dma_start3A_34] : memref<320x384xf32, #tpu.memory_space<vmem>> -> memref<64x384xf32, #tpu.memory_space<vmem>>
    %dma_start3A_36 = arith.constant 128 : i32
    %dma_start3A_37 = tpu.memref_slice %arg5[%dma_start3A_36] : memref<320xi32, #tpu.memory_space<vmem>> -> memref<64xi32, #tpu.memory_space<vmem>>
    %dma_start3A_38 = arith.constant 0 : i32
    %dma_start3A_39 = arith.constant 0 : i32
    %dma_start3A_40 = tpu.memref_slice %arg2[%dma_start3A_38, %dma_start3A_39] : memref<10000x384xf32, #tpu.memory_space<hbm>> -> memref<10000x384xf32, #tpu.memory_space<hbm>>
    tpu.enqueue_indirect_dma source(%dma_start3A_40 : memref<10000x384xf32, #tpu.memory_space<hbm>>) target(%dma_start3A_35 : memref<64x384xf32, #tpu.memory_space<vmem>>) offsets(%dma_start3A_37 : memref<64xi32, #tpu.memory_space<vmem>>) semaphore(%arg7 : memref<!tpu.dma_semaphore, #tpu.memory_space<semaphore_mem>>)
    %dma_wait3A_41 = arith.constant 128 : i32
    %dma_wait3A_42 = arith.constant 0 : i32
    %dma_wait3A_43 = tpu.memref_slice %arg6[%dma_wait3A_41, %dma_wait3A_42] : memref<320x384xf32, #tpu.memory_space<vmem>> -> memref<64x384xf32, #tpu.memory_space<vmem>>
    %dma_wait3A_44 = arith.constant 128 : i32
    %dma_wait3A_45 = tpu.memref_slice %arg5[%dma_wait3A_44] : memref<320xi32, #tpu.memory_space<vmem>> -> memref<64xi32, #tpu.memory_space<vmem>>
    %dma_wait3A_46 = arith.constant 0 : i32
    %dma_wait3A_47 = arith.constant 0 : i32
    %dma_wait3A_48 = tpu.memref_slice %arg2[%dma_wait3A_46, %dma_wait3A_47] : memref<10000x384xf32, #tpu.memory_space<hbm>> -> memref<10000x384xf32, #tpu.memory_space<hbm>>
    tpu.wait_indirect_dma semaphore(%arg7 : memref<!tpu.dma_semaphore, #tpu.memory_space<semaphore_mem>>) src(%dma_wait3A_48 : memref<10000x384xf32, #tpu.memory_space<hbm>>) dst(%dma_wait3A_43 : memref<64x384xf32, #tpu.memory_space<vmem>>)
    %dma_start3A_49 = arith.constant 192 : i32
    %dma_start3A_50 = arith.constant 0 : i32
    %dma_start3A_51 = tpu.memref_slice %arg6[%dma_start3A_49, %dma_start3A_50] : memref<320x384xf32, #tpu.memory_space<vmem>> -> memref<64x384xf32, #tpu.memory_space<vmem>>
    %dma_start3A_52 = arith.constant 192 : i32
    %dma_start3A_53 = tpu.memref_slice %arg5[%dma_start3A_52] : memref<320xi32, #tpu.memory_space<vmem>> -> memref<64xi32, #tpu.memory_space<vmem>>
    %dma_start3A_54 = arith.constant 0 : i32
    %dma_start3A_55 = arith.constant 0 : i32
    %dma_start3A_56 = tpu.memref_slice %arg2[%dma_start3A_54, %dma_start3A_55] : memref<10000x384xf32, #tpu.memory_space<hbm>> -> memref<10000x384xf32, #tpu.memory_space<hbm>>
    tpu.enqueue_indirect_dma source(%dma_start3A_56 : memref<10000x384xf32, #tpu.memory_space<hbm>>) target(%dma_start3A_51 : memref<64x384xf32, #tpu.memory_space<vmem>>) offsets(%dma_start3A_53 : memref<64xi32, #tpu.memory_space<vmem>>) semaphore(%arg7 : memref<!tpu.dma_semaphore, #tpu.memory_space<semaphore_mem>>)
    %dma_wait3A_57 = arith.constant 192 : i32
    %dma_wait3A_58 = arith.constant 0 : i32
    %dma_wait3A_59 = tpu.memref_slice %arg6[%dma_wait3A_57, %dma_wait3A_58] : memref<320x384xf32, #tpu.memory_space<vmem>> -> memref<64x384xf32, #tpu.memory_space<vmem>>
    %dma_wait3A_60 = arith.constant 192 : i32
    %dma_wait3A_61 = tpu.memref_slice %arg5[%dma_wait3A_60] : memref<320xi32, #tpu.memory_space<vmem>> -> memref<64xi32, #tpu.memory_space<vmem>>
    %dma_wait3A_62 = arith.constant 0 : i32
    %dma_wait3A_63 = arith.constant 0 : i32
    %dma_wait3A_64 = tpu.memref_slice %arg2[%dma_wait3A_62, %dma_wait3A_63] : memref<10000x384xf32, #tpu.memory_space<hbm>> -> memref<10000x384xf32, #tpu.memory_space<hbm>>
    tpu.wait_indirect_dma semaphore(%arg7 : memref<!tpu.dma_semaphore, #tpu.memory_space<semaphore_mem>>) src(%dma_wait3A_64 : memref<10000x384xf32, #tpu.memory_space<hbm>>) dst(%dma_wait3A_59 : memref<64x384xf32, #tpu.memory_space<vmem>>)
    %dma_start3A_65 = arith.constant 256 : i32
    %dma_start3A_66 = arith.constant 0 : i32
    %dma_start3A_67 = tpu.memref_slice %arg6[%dma_start3A_65, %dma_start3A_66] : memref<320x384xf32, #tpu.memory_space<vmem>> -> memref<64x384xf32, #tpu.memory_space<vmem>>
    %dma_start3A_68 = arith.constant 256 : i32
    %dma_start3A_69 = tpu.memref_slice %arg5[%dma_start3A_68] : memref<320xi32, #tpu.memory_space<vmem>> -> memref<64xi32, #tpu.memory_space<vmem>>
    %dma_start3A_70 = arith.constant 0 : i32
    %dma_start3A_71 = arith.constant 0 : i32
    %dma_start3A_72 = tpu.memref_slice %arg2[%dma_start3A_70, %dma_start3A_71] : memref<10000x384xf32, #tpu.memory_space<hbm>> -> memref<10000x384xf32, #tpu.memory_space<hbm>>
    tpu.enqueue_indirect_dma source(%dma_start3A_72 : memref<10000x384xf32, #tpu.memory_space<hbm>>) target(%dma_start3A_67 : memref<64x384xf32, #tpu.memory_space<vmem>>) offsets(%dma_start3A_69 : memref<64xi32, #tpu.memory_space<vmem>>) semaphore(%arg7 : memref<!tpu.dma_semaphore, #tpu.memory_space<semaphore_mem>>)
    %dma_wait3A_73 = arith.constant 256 : i32
    %dma_wait3A_74 = arith.constant 0 : i32
    %dma_wait3A_75 = tpu.memref_slice %arg6[%dma_wait3A_73, %dma_wait3A_74] : memref<320x384xf32, #tpu.memory_space<vmem>> -> memref<64x384xf32, #tpu.memory_space<vmem>>
    %dma_wait3A_76 = arith.constant 256 : i32
    %dma_wait3A_77 = tpu.memref_slice %arg5[%dma_wait3A_76] : memref<320xi32, #tpu.memory_space<vmem>> -> memref<64xi32, #tpu.memory_space<vmem>>
    %dma_wait3A_78 = arith.constant 0 : i32
    %dma_wait3A_79 = arith.constant 0 : i32
    %dma_wait3A_80 = tpu.memref_slice %arg2[%dma_wait3A_78, %dma_wait3A_79] : memref<10000x384xf32, #tpu.memory_space<hbm>> -> memref<10000x384xf32, #tpu.memory_space<hbm>>
    tpu.wait_indirect_dma semaphore(%arg7 : memref<!tpu.dma_semaphore, #tpu.memory_space<semaphore_mem>>) src(%dma_wait3A_80 : memref<10000x384xf32, #tpu.memory_space<hbm>>) dst(%dma_wait3A_75 : memref<64x384xf32, #tpu.memory_space<vmem>>)
    "tpu.region"() ({
      %run_scoped3A = tpu.sem_alloc : memref<!tpu.dma_semaphore, #tpu.memory_space<semaphore_mem>>
      %dma_start3A_81 = arith.constant 0 : i32
      %dma_start3A_82 = tpu.memref_slice %arg4[%mul3A_2, %dma_start3A_81] : memref<10240x384xf32, #tpu.memory_space<hbm>> -> memref<320x384xf32, #tpu.memory_space<hbm>>
      %dma_start3A_83 = arith.constant 0 : i32
      %dma_start3A_84 = tpu.memref_slice %arg4[%mul3A_2, %dma_start3A_83] : memref<10240x384xf32, #tpu.memory_space<hbm>> -> memref<320x384xf32, #tpu.memory_space<hbm>>
      tpu.enqueue_dma source(%arg6 : memref<320x384xf32, #tpu.memory_space<vmem>>) target(%dma_start3A_84 : memref<320x384xf32, #tpu.memory_space<hbm>>) target_semaphore(%run_scoped3A : memref<!tpu.dma_semaphore, #tpu.memory_space<semaphore_mem>>)
      %dma_wait3A_85 = arith.constant 0 : i32
      %dma_wait3A_86 = tpu.memref_slice %arg4[%mul3A_2, %dma_wait3A_85] : memref<10240x384xf32, #tpu.memory_space<hbm>> -> memref<320x384xf32, #tpu.memory_space<hbm>>
      %dma_wait3A_87 = arith.constant 0 : i32
      %dma_wait3A_88 = tpu.memref_slice %arg4[%mul3A_2, %dma_wait3A_87] : memref<10240x384xf32, #tpu.memory_space<hbm>> -> memref<320x384xf32, #tpu.memory_space<hbm>>
      tpu.wait_dma2 semaphore(%run_scoped3A : memref<!tpu.dma_semaphore, #tpu.memory_space<semaphore_mem>>) src(%arg6 : memref<320x384xf32, #tpu.memory_space<vmem>>) dst(%dma_wait3A_88 : memref<320x384xf32, #tpu.memory_space<hbm>>)
      tpu.yield
    }) : () -> ()
    return
  }
}

#map = affine_map<(d0, d1) -> (0)>
module attributes {stable_mosaic.version = 14 : i64} {
  func.func @k(%arg0: i32, %arg1: i32, %arg2: memref<10240xf32, #tpu.memory_space<hbm>>, %arg3: memref<10240xf32, #tpu.memory_space<hbm>>, %arg4: memref<10240xi32, #tpu.memory_space<hbm>>, %arg5: memref<10240xi32, #tpu.memory_space<hbm>>, %arg6: memref<10240xf32, #tpu.memory_space<vmem>>, %arg7: memref<320xf32, #tpu.memory_space<vmem>>, %arg8: memref<320xi32, #tpu.memory_space<vmem>>, %arg9: memref<320xi32, #tpu.memory_space<vmem>>) attributes {dimension_semantics = [#tpu.dimension_semantics<core_parallel>, #tpu.dimension_semantics<subcore_parallel>], iteration_bounds = array<i64: 2, 16>, scalar_prefetch = 0 : i64, scratch_operands = 4 : i64, tpu.core_type = #tpu.core_type<sc_vector_subcore>, window_params = [{transform_indices = #map}, {transform_indices = #map}, {transform_indices = #map}, {transform_indices = #map}]} {
    %mul3A = arith.constant 2 : i32
    %mul3A_0 = arith.muli %arg1, %mul3A : i32
    %add3A = arith.addi %mul3A_0, %arg0 : i32
    %mul3A_1 = arith.constant 320 : i32
    %mul3A_2 = arith.muli %add3A, %mul3A_1 : i32
    "tpu.region"() ({
      %run_scoped3A = tpu.sem_alloc : memref<!tpu.dma_semaphore, #tpu.memory_space<semaphore_mem>>
      tpu.enqueue_dma source(%arg2 : memref<10240xf32, #tpu.memory_space<hbm>>) target(%arg6 : memref<10240xf32, #tpu.memory_space<vmem>>) target_semaphore(%run_scoped3A : memref<!tpu.dma_semaphore, #tpu.memory_space<semaphore_mem>>)
      tpu.wait_dma2 semaphore(%run_scoped3A : memref<!tpu.dma_semaphore, #tpu.memory_space<semaphore_mem>>) src(%arg2 : memref<10240xf32, #tpu.memory_space<hbm>>) dst(%arg6 : memref<10240xf32, #tpu.memory_space<vmem>>)
      tpu.yield
    }) : () -> ()
    "tpu.region"() ({
      %run_scoped3A = tpu.sem_alloc : memref<!tpu.dma_semaphore, #tpu.memory_space<semaphore_mem>>
      %dma_start3A = tpu.memref_slice %arg3[%mul3A_2] : memref<10240xf32, #tpu.memory_space<hbm>> -> memref<320xf32, #tpu.memory_space<hbm>>
      %dma_start3A_9 = tpu.memref_slice %arg3[%mul3A_2] : memref<10240xf32, #tpu.memory_space<hbm>> -> memref<320xf32, #tpu.memory_space<hbm>>
      tpu.enqueue_dma source(%dma_start3A_9 : memref<320xf32, #tpu.memory_space<hbm>>) target(%arg7 : memref<320xf32, #tpu.memory_space<vmem>>) target_semaphore(%run_scoped3A : memref<!tpu.dma_semaphore, #tpu.memory_space<semaphore_mem>>)
      %dma_wait3A = tpu.memref_slice %arg3[%mul3A_2] : memref<10240xf32, #tpu.memory_space<hbm>> -> memref<320xf32, #tpu.memory_space<hbm>>
      %dma_wait3A_10 = tpu.memref_slice %arg3[%mul3A_2] : memref<10240xf32, #tpu.memory_space<hbm>> -> memref<320xf32, #tpu.memory_space<hbm>>
      tpu.wait_dma2 semaphore(%run_scoped3A : memref<!tpu.dma_semaphore, #tpu.memory_space<semaphore_mem>>) src(%dma_wait3A_10 : memref<320xf32, #tpu.memory_space<hbm>>) dst(%arg7 : memref<320xf32, #tpu.memory_space<vmem>>)
      tpu.yield
    }) : () -> ()
    %scan3A = arith.constant 0 : i32
    %scan3A_3 = arith.constant 0 : i32
    %scan3A_4 = arith.constant 20 : i32
    %scan3A_5 = arith.addi %scan3A_3, %scan3A_4 : i32
    %scan3A_6 = arith.constant 1 : i32
    %scan3A_7 = scf.for %scan3A_9 = %scan3A_3 to %scan3A_5 step %scan3A_6 iter_args(%scan3A_10 = %scan3A) -> (i32)  : i32 {
      %mul3A_11 = arith.constant 16 : i32
      %mul3A_12 = arith.muli %scan3A_9, %mul3A_11 : i32
      %get3A = arith.index_cast %mul3A_12 : i32 to index
      %get3A_13 = tpu.vector_load %arg7[%get3A] {strides = array<i32>} : memref<320xf32, #tpu.memory_space<vmem>>, vector<16xf32>,
      %broadcast_in_dim3A = arith.constant 0 : i32
      %broadcast_in_dim3A_14 = vector.broadcast %broadcast_in_dim3A : i32 to vector<16xi32>
      %broadcast_in_dim3A_15 = arith.constant 10240 : i32
      %broadcast_in_dim3A_16 = vector.broadcast %broadcast_in_dim3A_15 : i32 to vector<16xi32>
      %scan3A_17 = arith.constant 0 : i32
      %scan3A_18 = arith.constant 14 : i32
      %scan3A_19 = arith.addi %scan3A_17, %scan3A_18 : i32
      %scan3A_20 = arith.constant 1 : i32
      %scan3A_21:2 = scf.for %scan3A_35 = %scan3A_17 to %scan3A_19 step %scan3A_20 iter_args(%scan3A_36 = %broadcast_in_dim3A_14, %scan3A_37 = %broadcast_in_dim3A_16) -> (vector<16xi32>, vector<16xi32>)  : i32 {
        %add3A_38 = arith.addi %scan3A_36, %scan3A_37 : vector<16xi32>
        %div3A = arith.constant 2 : i32
        %div3A_39 = vector.broadcast %div3A : i32 to vector<16xi32>
        %div3A_40 = arith.divsi %add3A_38, %div3A_39 : vector<16xi32>
        %gather3A = tpu.vector_load_idx %arg6[%div3A_40] : memref<10240xf32, #tpu.memory_space<vmem>>[vector<16xi32>], vector<16xf32>,
        %lt3A = arith.cmpf olt, %gather3A, %get3A_13 : vector<16xf32>
        %add3A_41 = arith.constant 1 : i32
        %add3A_42 = vector.broadcast %add3A_41 : i32 to vector<16xi32>
        %add3A_43 = arith.addi %div3A_40, %add3A_42 : vector<16xi32>
        %select_n3A = arith.select %lt3A, %add3A_43, %scan3A_36 : vector<16xi1>, vector<16xi32>
        %select_n3A_44 = arith.select %lt3A, %scan3A_37, %div3A_40 : vector<16xi1>, vector<16xi32>
        scf.yield %select_n3A, %select_n3A_44 : vector<16xi32>, vector<16xi32>
      }
      %scan3A_22 = arith.constant 14 : i32
      %mul3A_23 = arith.constant 16 : i32
      %mul3A_24 = arith.muli %scan3A_9, %mul3A_23 : i32
      %swap3A = arith.index_cast %mul3A_24 : i32 to index
      %swap3A_25 = tpu.vector_load %arg9[%swap3A] {strides = array<i32>} : memref<320xi32, #tpu.memory_space<vmem>>, vector<16xi32>,
      tpu.vector_store %arg9[%swap3A], %scan3A_21#0 {strides = array<i32>} : memref<320xi32, #tpu.memory_space<vmem>>, vector<16xi32>,
      %sub3A = arith.constant 1 : i32
      %sub3A_26 = vector.broadcast %sub3A : i32 to vector<16xi32>
      %sub3A_27 = arith.subi %scan3A_21#0, %sub3A_26 : vector<16xi32>
      %max3A = arith.constant 0 : i32
      %max3A_28 = vector.broadcast %max3A : i32 to vector<16xi32>
      %max3A_29 = arith.maxsi %sub3A_27, %max3A_28 : vector<16xi32>
      %mul3A_30 = arith.constant 16 : i32
      %mul3A_31 = arith.muli %scan3A_9, %mul3A_30 : i32
      %swap3A_32 = arith.index_cast %mul3A_31 : i32 to index
      %swap3A_33 = tpu.vector_load %arg8[%swap3A_32] {strides = array<i32>} : memref<320xi32, #tpu.memory_space<vmem>>, vector<16xi32>,
      tpu.vector_store %arg8[%swap3A_32], %max3A_29 {strides = array<i32>} : memref<320xi32, #tpu.memory_space<vmem>>, vector<16xi32>,
      %scan3A_34 = arith.constant 0 : i32
      scf.yield %scan3A_34 : i32
    }
    %scan3A_8 = arith.constant 20 : i32
    "tpu.region"() ({
      %run_scoped3A = tpu.sem_alloc : memref<!tpu.dma_semaphore, #tpu.memory_space<semaphore_mem>>
      %dma_start3A = tpu.memref_slice %arg4[%mul3A_2] : memref<10240xi32, #tpu.memory_space<hbm>> -> memref<320xi32, #tpu.memory_space<hbm>>
      %dma_start3A_9 = tpu.memref_slice %arg4[%mul3A_2] : memref<10240xi32, #tpu.memory_space<hbm>> -> memref<320xi32, #tpu.memory_space<hbm>>
      tpu.enqueue_dma source(%arg9 : memref<320xi32, #tpu.memory_space<vmem>>) target(%dma_start3A_9 : memref<320xi32, #tpu.memory_space<hbm>>) target_semaphore(%run_scoped3A : memref<!tpu.dma_semaphore, #tpu.memory_space<semaphore_mem>>)
      %dma_wait3A = tpu.memref_slice %arg4[%mul3A_2] : memref<10240xi32, #tpu.memory_space<hbm>> -> memref<320xi32, #tpu.memory_space<hbm>>
      %dma_wait3A_10 = tpu.memref_slice %arg4[%mul3A_2] : memref<10240xi32, #tpu.memory_space<hbm>> -> memref<320xi32, #tpu.memory_space<hbm>>
      tpu.wait_dma2 semaphore(%run_scoped3A : memref<!tpu.dma_semaphore, #tpu.memory_space<semaphore_mem>>) src(%arg9 : memref<320xi32, #tpu.memory_space<vmem>>) dst(%dma_wait3A_10 : memref<320xi32, #tpu.memory_space<hbm>>)
      tpu.yield
    }) : () -> ()
    "tpu.region"() ({
      %run_scoped3A = tpu.sem_alloc : memref<!tpu.dma_semaphore, #tpu.memory_space<semaphore_mem>>
      %dma_start3A = tpu.memref_slice %arg5[%mul3A_2] : memref<10240xi32, #tpu.memory_space<hbm>> -> memref<320xi32, #tpu.memory_space<hbm>>
      %dma_start3A_9 = tpu.memref_slice %arg5[%mul3A_2] : memref<10240xi32, #tpu.memory_space<hbm>> -> memref<320xi32, #tpu.memory_space<hbm>>
      tpu.enqueue_dma source(%arg8 : memref<320xi32, #tpu.memory_space<vmem>>) target(%dma_start3A_9 : memref<320xi32, #tpu.memory_space<hbm>>) target_semaphore(%run_scoped3A : memref<!tpu.dma_semaphore, #tpu.memory_space<semaphore_mem>>)
      %dma_wait3A = tpu.memref_slice %arg5[%mul3A_2] : memref<10240xi32, #tpu.memory_space<hbm>> -> memref<320xi32, #tpu.memory_space<hbm>>
      %dma_wait3A_10 = tpu.memref_slice %arg5[%mul3A_2] : memref<10240xi32, #tpu.memory_space<hbm>> -> memref<320xi32, #tpu.memory_space<hbm>>
      tpu.wait_dma2 semaphore(%run_scoped3A : memref<!tpu.dma_semaphore, #tpu.memory_space<semaphore_mem>>) src(%arg8 : memref<320xi32, #tpu.memory_space<vmem>>) dst(%dma_wait3A_10 : memref<320xi32, #tpu.memory_space<hbm>>)
      tpu.yield
    }) : () -> ()
    return
  }
}

#map = affine_map<(d0, d1) -> (0, 0)>
#map1 = affine_map<(d0, d1) -> (0)>
module attributes {stable_mosaic.version = 14 : i64} {
  func.func @k(%arg0: i32, %arg1: i32, %arg2: memref<40000x256xf32, #tpu.memory_space<hbm>>, %arg3: memref<10240xi32, #tpu.memory_space<hbm>>, %arg4: memref<10240x256xf32, #tpu.memory_space<hbm>>, %arg5: memref<320xi32, #tpu.memory_space<vmem>>, %arg6: memref<320x256xf32, #tpu.memory_space<vmem>>, %arg7: memref<!tpu.dma_semaphore, #tpu.memory_space<semaphore_mem>>) attributes {dimension_semantics = [#tpu.dimension_semantics<core_parallel>, #tpu.dimension_semantics<subcore_parallel>], iteration_bounds = array<i64: 2, 16>, scalar_prefetch = 0 : i64, scratch_operands = 3 : i64, tpu.core_type = #tpu.core_type<sc_vector_subcore>, window_params = [{transform_indices = #map}, {transform_indices = #map1}, {transform_indices = #map}]} {
    %mul3A = arith.constant 2 : i32
    %mul3A_0 = arith.muli %arg1, %mul3A : i32
    %add3A = arith.addi %mul3A_0, %arg0 : i32
    %mul3A_1 = arith.constant 320 : i32
    %mul3A_2 = arith.muli %add3A, %mul3A_1 : i32
    "tpu.region"() ({
      %run_scoped3A = tpu.sem_alloc : memref<!tpu.dma_semaphore, #tpu.memory_space<semaphore_mem>>
      %dma_start3A_81 = tpu.memref_slice %arg3[%mul3A_2] : memref<10240xi32, #tpu.memory_space<hbm>> -> memref<320xi32, #tpu.memory_space<hbm>>
      %dma_start3A_82 = tpu.memref_slice %arg3[%mul3A_2] : memref<10240xi32, #tpu.memory_space<hbm>> -> memref<320xi32, #tpu.memory_space<hbm>>
      tpu.enqueue_dma source(%dma_start3A_82 : memref<320xi32, #tpu.memory_space<hbm>>) target(%arg5 : memref<320xi32, #tpu.memory_space<vmem>>) target_semaphore(%run_scoped3A : memref<!tpu.dma_semaphore, #tpu.memory_space<semaphore_mem>>)
      %dma_wait3A_83 = tpu.memref_slice %arg3[%mul3A_2] : memref<10240xi32, #tpu.memory_space<hbm>> -> memref<320xi32, #tpu.memory_space<hbm>>
      %dma_wait3A_84 = tpu.memref_slice %arg3[%mul3A_2] : memref<10240xi32, #tpu.memory_space<hbm>> -> memref<320xi32, #tpu.memory_space<hbm>>
      tpu.wait_dma2 semaphore(%run_scoped3A : memref<!tpu.dma_semaphore, #tpu.memory_space<semaphore_mem>>) src(%dma_wait3A_84 : memref<320xi32, #tpu.memory_space<hbm>>) dst(%arg5 : memref<320xi32, #tpu.memory_space<vmem>>)
      tpu.yield
    }) : () -> ()
    %dma_start3A = arith.constant 0 : i32
    %dma_start3A_3 = arith.constant 0 : i32
    %dma_start3A_4 = tpu.memref_slice %arg6[%dma_start3A, %dma_start3A_3] : memref<320x256xf32, #tpu.memory_space<vmem>> -> memref<64x256xf32, #tpu.memory_space<vmem>>
    %dma_start3A_5 = arith.constant 0 : i32
    %dma_start3A_6 = tpu.memref_slice %arg5[%dma_start3A_5] : memref<320xi32, #tpu.memory_space<vmem>> -> memref<64xi32, #tpu.memory_space<vmem>>
    %dma_start3A_7 = arith.constant 0 : i32
    %dma_start3A_8 = arith.constant 0 : i32
    %dma_start3A_9 = tpu.memref_slice %arg2[%dma_start3A_7, %dma_start3A_8] : memref<40000x256xf32, #tpu.memory_space<hbm>> -> memref<40000x256xf32, #tpu.memory_space<hbm>>
    tpu.enqueue_indirect_dma source(%dma_start3A_9 : memref<40000x256xf32, #tpu.memory_space<hbm>>) target(%dma_start3A_4 : memref<64x256xf32, #tpu.memory_space<vmem>>) offsets(%dma_start3A_6 : memref<64xi32, #tpu.memory_space<vmem>>) semaphore(%arg7 : memref<!tpu.dma_semaphore, #tpu.memory_space<semaphore_mem>>)
    %dma_wait3A = arith.constant 0 : i32
    %dma_wait3A_10 = arith.constant 0 : i32
    %dma_wait3A_11 = tpu.memref_slice %arg6[%dma_wait3A, %dma_wait3A_10] : memref<320x256xf32, #tpu.memory_space<vmem>> -> memref<64x256xf32, #tpu.memory_space<vmem>>
    %dma_wait3A_12 = arith.constant 0 : i32
    %dma_wait3A_13 = tpu.memref_slice %arg5[%dma_wait3A_12] : memref<320xi32, #tpu.memory_space<vmem>> -> memref<64xi32, #tpu.memory_space<vmem>>
    %dma_wait3A_14 = arith.constant 0 : i32
    %dma_wait3A_15 = arith.constant 0 : i32
    %dma_wait3A_16 = tpu.memref_slice %arg2[%dma_wait3A_14, %dma_wait3A_15] : memref<40000x256xf32, #tpu.memory_space<hbm>> -> memref<40000x256xf32, #tpu.memory_space<hbm>>
    tpu.wait_indirect_dma semaphore(%arg7 : memref<!tpu.dma_semaphore, #tpu.memory_space<semaphore_mem>>) src(%dma_wait3A_16 : memref<40000x256xf32, #tpu.memory_space<hbm>>) dst(%dma_wait3A_11 : memref<64x256xf32, #tpu.memory_space<vmem>>)
    %dma_start3A_17 = arith.constant 64 : i32
    %dma_start3A_18 = arith.constant 0 : i32
    %dma_start3A_19 = tpu.memref_slice %arg6[%dma_start3A_17, %dma_start3A_18] : memref<320x256xf32, #tpu.memory_space<vmem>> -> memref<64x256xf32, #tpu.memory_space<vmem>>
    %dma_start3A_20 = arith.constant 64 : i32
    %dma_start3A_21 = tpu.memref_slice %arg5[%dma_start3A_20] : memref<320xi32, #tpu.memory_space<vmem>> -> memref<64xi32, #tpu.memory_space<vmem>>
    %dma_start3A_22 = arith.constant 0 : i32
    %dma_start3A_23 = arith.constant 0 : i32
    %dma_start3A_24 = tpu.memref_slice %arg2[%dma_start3A_22, %dma_start3A_23] : memref<40000x256xf32, #tpu.memory_space<hbm>> -> memref<40000x256xf32, #tpu.memory_space<hbm>>
    tpu.enqueue_indirect_dma source(%dma_start3A_24 : memref<40000x256xf32, #tpu.memory_space<hbm>>) target(%dma_start3A_19 : memref<64x256xf32, #tpu.memory_space<vmem>>) offsets(%dma_start3A_21 : memref<64xi32, #tpu.memory_space<vmem>>) semaphore(%arg7 : memref<!tpu.dma_semaphore, #tpu.memory_space<semaphore_mem>>)
    %dma_wait3A_25 = arith.constant 64 : i32
    %dma_wait3A_26 = arith.constant 0 : i32
    %dma_wait3A_27 = tpu.memref_slice %arg6[%dma_wait3A_25, %dma_wait3A_26] : memref<320x256xf32, #tpu.memory_space<vmem>> -> memref<64x256xf32, #tpu.memory_space<vmem>>
    %dma_wait3A_28 = arith.constant 64 : i32
    %dma_wait3A_29 = tpu.memref_slice %arg5[%dma_wait3A_28] : memref<320xi32, #tpu.memory_space<vmem>> -> memref<64xi32, #tpu.memory_space<vmem>>
    %dma_wait3A_30 = arith.constant 0 : i32
    %dma_wait3A_31 = arith.constant 0 : i32
    %dma_wait3A_32 = tpu.memref_slice %arg2[%dma_wait3A_30, %dma_wait3A_31] : memref<40000x256xf32, #tpu.memory_space<hbm>> -> memref<40000x256xf32, #tpu.memory_space<hbm>>
    tpu.wait_indirect_dma semaphore(%arg7 : memref<!tpu.dma_semaphore, #tpu.memory_space<semaphore_mem>>) src(%dma_wait3A_32 : memref<40000x256xf32, #tpu.memory_space<hbm>>) dst(%dma_wait3A_27 : memref<64x256xf32, #tpu.memory_space<vmem>>)
    %dma_start3A_33 = arith.constant 128 : i32
    %dma_start3A_34 = arith.constant 0 : i32
    %dma_start3A_35 = tpu.memref_slice %arg6[%dma_start3A_33, %dma_start3A_34] : memref<320x256xf32, #tpu.memory_space<vmem>> -> memref<64x256xf32, #tpu.memory_space<vmem>>
    %dma_start3A_36 = arith.constant 128 : i32
    %dma_start3A_37 = tpu.memref_slice %arg5[%dma_start3A_36] : memref<320xi32, #tpu.memory_space<vmem>> -> memref<64xi32, #tpu.memory_space<vmem>>
    %dma_start3A_38 = arith.constant 0 : i32
    %dma_start3A_39 = arith.constant 0 : i32
    %dma_start3A_40 = tpu.memref_slice %arg2[%dma_start3A_38, %dma_start3A_39] : memref<40000x256xf32, #tpu.memory_space<hbm>> -> memref<40000x256xf32, #tpu.memory_space<hbm>>
    tpu.enqueue_indirect_dma source(%dma_start3A_40 : memref<40000x256xf32, #tpu.memory_space<hbm>>) target(%dma_start3A_35 : memref<64x256xf32, #tpu.memory_space<vmem>>) offsets(%dma_start3A_37 : memref<64xi32, #tpu.memory_space<vmem>>) semaphore(%arg7 : memref<!tpu.dma_semaphore, #tpu.memory_space<semaphore_mem>>)
    %dma_wait3A_41 = arith.constant 128 : i32
    %dma_wait3A_42 = arith.constant 0 : i32
    %dma_wait3A_43 = tpu.memref_slice %arg6[%dma_wait3A_41, %dma_wait3A_42] : memref<320x256xf32, #tpu.memory_space<vmem>> -> memref<64x256xf32, #tpu.memory_space<vmem>>
    %dma_wait3A_44 = arith.constant 128 : i32
    %dma_wait3A_45 = tpu.memref_slice %arg5[%dma_wait3A_44] : memref<320xi32, #tpu.memory_space<vmem>> -> memref<64xi32, #tpu.memory_space<vmem>>
    %dma_wait3A_46 = arith.constant 0 : i32
    %dma_wait3A_47 = arith.constant 0 : i32
    %dma_wait3A_48 = tpu.memref_slice %arg2[%dma_wait3A_46, %dma_wait3A_47] : memref<40000x256xf32, #tpu.memory_space<hbm>> -> memref<40000x256xf32, #tpu.memory_space<hbm>>
    tpu.wait_indirect_dma semaphore(%arg7 : memref<!tpu.dma_semaphore, #tpu.memory_space<semaphore_mem>>) src(%dma_wait3A_48 : memref<40000x256xf32, #tpu.memory_space<hbm>>) dst(%dma_wait3A_43 : memref<64x256xf32, #tpu.memory_space<vmem>>)
    %dma_start3A_49 = arith.constant 192 : i32
    %dma_start3A_50 = arith.constant 0 : i32
    %dma_start3A_51 = tpu.memref_slice %arg6[%dma_start3A_49, %dma_start3A_50] : memref<320x256xf32, #tpu.memory_space<vmem>> -> memref<64x256xf32, #tpu.memory_space<vmem>>
    %dma_start3A_52 = arith.constant 192 : i32
    %dma_start3A_53 = tpu.memref_slice %arg5[%dma_start3A_52] : memref<320xi32, #tpu.memory_space<vmem>> -> memref<64xi32, #tpu.memory_space<vmem>>
    %dma_start3A_54 = arith.constant 0 : i32
    %dma_start3A_55 = arith.constant 0 : i32
    %dma_start3A_56 = tpu.memref_slice %arg2[%dma_start3A_54, %dma_start3A_55] : memref<40000x256xf32, #tpu.memory_space<hbm>> -> memref<40000x256xf32, #tpu.memory_space<hbm>>
    tpu.enqueue_indirect_dma source(%dma_start3A_56 : memref<40000x256xf32, #tpu.memory_space<hbm>>) target(%dma_start3A_51 : memref<64x256xf32, #tpu.memory_space<vmem>>) offsets(%dma_start3A_53 : memref<64xi32, #tpu.memory_space<vmem>>) semaphore(%arg7 : memref<!tpu.dma_semaphore, #tpu.memory_space<semaphore_mem>>)
    %dma_wait3A_57 = arith.constant 192 : i32
    %dma_wait3A_58 = arith.constant 0 : i32
    %dma_wait3A_59 = tpu.memref_slice %arg6[%dma_wait3A_57, %dma_wait3A_58] : memref<320x256xf32, #tpu.memory_space<vmem>> -> memref<64x256xf32, #tpu.memory_space<vmem>>
    %dma_wait3A_60 = arith.constant 192 : i32
    %dma_wait3A_61 = tpu.memref_slice %arg5[%dma_wait3A_60] : memref<320xi32, #tpu.memory_space<vmem>> -> memref<64xi32, #tpu.memory_space<vmem>>
    %dma_wait3A_62 = arith.constant 0 : i32
    %dma_wait3A_63 = arith.constant 0 : i32
    %dma_wait3A_64 = tpu.memref_slice %arg2[%dma_wait3A_62, %dma_wait3A_63] : memref<40000x256xf32, #tpu.memory_space<hbm>> -> memref<40000x256xf32, #tpu.memory_space<hbm>>
    tpu.wait_indirect_dma semaphore(%arg7 : memref<!tpu.dma_semaphore, #tpu.memory_space<semaphore_mem>>) src(%dma_wait3A_64 : memref<40000x256xf32, #tpu.memory_space<hbm>>) dst(%dma_wait3A_59 : memref<64x256xf32, #tpu.memory_space<vmem>>)
    %dma_start3A_65 = arith.constant 256 : i32
    %dma_start3A_66 = arith.constant 0 : i32
    %dma_start3A_67 = tpu.memref_slice %arg6[%dma_start3A_65, %dma_start3A_66] : memref<320x256xf32, #tpu.memory_space<vmem>> -> memref<64x256xf32, #tpu.memory_space<vmem>>
    %dma_start3A_68 = arith.constant 256 : i32
    %dma_start3A_69 = tpu.memref_slice %arg5[%dma_start3A_68] : memref<320xi32, #tpu.memory_space<vmem>> -> memref<64xi32, #tpu.memory_space<vmem>>
    %dma_start3A_70 = arith.constant 0 : i32
    %dma_start3A_71 = arith.constant 0 : i32
    %dma_start3A_72 = tpu.memref_slice %arg2[%dma_start3A_70, %dma_start3A_71] : memref<40000x256xf32, #tpu.memory_space<hbm>> -> memref<40000x256xf32, #tpu.memory_space<hbm>>
    tpu.enqueue_indirect_dma source(%dma_start3A_72 : memref<40000x256xf32, #tpu.memory_space<hbm>>) target(%dma_start3A_67 : memref<64x256xf32, #tpu.memory_space<vmem>>) offsets(%dma_start3A_69 : memref<64xi32, #tpu.memory_space<vmem>>) semaphore(%arg7 : memref<!tpu.dma_semaphore, #tpu.memory_space<semaphore_mem>>)
    %dma_wait3A_73 = arith.constant 256 : i32
    %dma_wait3A_74 = arith.constant 0 : i32
    %dma_wait3A_75 = tpu.memref_slice %arg6[%dma_wait3A_73, %dma_wait3A_74] : memref<320x256xf32, #tpu.memory_space<vmem>> -> memref<64x256xf32, #tpu.memory_space<vmem>>
    %dma_wait3A_76 = arith.constant 256 : i32
    %dma_wait3A_77 = tpu.memref_slice %arg5[%dma_wait3A_76] : memref<320xi32, #tpu.memory_space<vmem>> -> memref<64xi32, #tpu.memory_space<vmem>>
    %dma_wait3A_78 = arith.constant 0 : i32
    %dma_wait3A_79 = arith.constant 0 : i32
    %dma_wait3A_80 = tpu.memref_slice %arg2[%dma_wait3A_78, %dma_wait3A_79] : memref<40000x256xf32, #tpu.memory_space<hbm>> -> memref<40000x256xf32, #tpu.memory_space<hbm>>
    tpu.wait_indirect_dma semaphore(%arg7 : memref<!tpu.dma_semaphore, #tpu.memory_space<semaphore_mem>>) src(%dma_wait3A_80 : memref<40000x256xf32, #tpu.memory_space<hbm>>) dst(%dma_wait3A_75 : memref<64x256xf32, #tpu.memory_space<vmem>>)
    "tpu.region"() ({
      %run_scoped3A = tpu.sem_alloc : memref<!tpu.dma_semaphore, #tpu.memory_space<semaphore_mem>>
      %dma_start3A_81 = arith.constant 0 : i32
      %dma_start3A_82 = tpu.memref_slice %arg4[%mul3A_2, %dma_start3A_81] : memref<10240x256xf32, #tpu.memory_space<hbm>> -> memref<320x256xf32, #tpu.memory_space<hbm>>
      %dma_start3A_83 = arith.constant 0 : i32
      %dma_start3A_84 = tpu.memref_slice %arg4[%mul3A_2, %dma_start3A_83] : memref<10240x256xf32, #tpu.memory_space<hbm>> -> memref<320x256xf32, #tpu.memory_space<hbm>>
      tpu.enqueue_dma source(%arg6 : memref<320x256xf32, #tpu.memory_space<vmem>>) target(%dma_start3A_84 : memref<320x256xf32, #tpu.memory_space<hbm>>) target_semaphore(%run_scoped3A : memref<!tpu.dma_semaphore, #tpu.memory_space<semaphore_mem>>)
      %dma_wait3A_85 = arith.constant 0 : i32
      %dma_wait3A_86 = tpu.memref_slice %arg4[%mul3A_2, %dma_wait3A_85] : memref<10240x256xf32, #tpu.memory_space<hbm>> -> memref<320x256xf32, #tpu.memory_space<hbm>>
      %dma_wait3A_87 = arith.constant 0 : i32
      %dma_wait3A_88 = tpu.memref_slice %arg4[%mul3A_2, %dma_wait3A_87] : memref<10240x256xf32, #tpu.memory_space<hbm>> -> memref<320x256xf32, #tpu.memory_space<hbm>>
      tpu.wait_dma2 semaphore(%run_scoped3A : memref<!tpu.dma_semaphore, #tpu.memory_space<semaphore_mem>>) src(%arg6 : memref<320x256xf32, #tpu.memory_space<vmem>>) dst(%dma_wait3A_88 : memref<320x256xf32, #tpu.memory_space<hbm>>)
      tpu.yield
    }) : () -> ()
    return
  }
}

#map = affine_map<(d0, d1) -> (0)>
module attributes {stable_mosaic.version = 14 : i64} {
  func.func @k(%arg0: i32, %arg1: i32, %arg2: memref<10240xf32, #tpu.memory_space<hbm>>, %arg3: memref<10240xf32, #tpu.memory_space<hbm>>, %arg4: memref<10240xi32, #tpu.memory_space<hbm>>, %arg5: memref<10240xi32, #tpu.memory_space<hbm>>, %arg6: memref<10240xf32, #tpu.memory_space<vmem>>, %arg7: memref<320xf32, #tpu.memory_space<vmem>>, %arg8: memref<320xi32, #tpu.memory_space<vmem>>, %arg9: memref<320xi32, #tpu.memory_space<vmem>>) attributes {dimension_semantics = [#tpu.dimension_semantics<core_parallel>, #tpu.dimension_semantics<subcore_parallel>], iteration_bounds = array<i64: 2, 16>, scalar_prefetch = 0 : i64, scratch_operands = 4 : i64, tpu.core_type = #tpu.core_type<sc_vector_subcore>, window_params = [{transform_indices = #map}, {transform_indices = #map}, {transform_indices = #map}, {transform_indices = #map}]} {
    %mul3A = arith.constant 2 : i32
    %mul3A_0 = arith.muli %arg1, %mul3A : i32
    %add3A = arith.addi %mul3A_0, %arg0 : i32
    %mul3A_1 = arith.constant 320 : i32
    %mul3A_2 = arith.muli %add3A, %mul3A_1 : i32
    "tpu.region"() ({
      %run_scoped3A = tpu.sem_alloc : memref<!tpu.dma_semaphore, #tpu.memory_space<semaphore_mem>>
      tpu.enqueue_dma source(%arg2 : memref<10240xf32, #tpu.memory_space<hbm>>) target(%arg6 : memref<10240xf32, #tpu.memory_space<vmem>>) target_semaphore(%run_scoped3A : memref<!tpu.dma_semaphore, #tpu.memory_space<semaphore_mem>>)
      tpu.wait_dma2 semaphore(%run_scoped3A : memref<!tpu.dma_semaphore, #tpu.memory_space<semaphore_mem>>) src(%arg2 : memref<10240xf32, #tpu.memory_space<hbm>>) dst(%arg6 : memref<10240xf32, #tpu.memory_space<vmem>>)
      tpu.yield
    }) : () -> ()
    "tpu.region"() ({
      %run_scoped3A = tpu.sem_alloc : memref<!tpu.dma_semaphore, #tpu.memory_space<semaphore_mem>>
      %dma_start3A = tpu.memref_slice %arg3[%mul3A_2] : memref<10240xf32, #tpu.memory_space<hbm>> -> memref<320xf32, #tpu.memory_space<hbm>>
      %dma_start3A_9 = tpu.memref_slice %arg3[%mul3A_2] : memref<10240xf32, #tpu.memory_space<hbm>> -> memref<320xf32, #tpu.memory_space<hbm>>
      tpu.enqueue_dma source(%dma_start3A_9 : memref<320xf32, #tpu.memory_space<hbm>>) target(%arg7 : memref<320xf32, #tpu.memory_space<vmem>>) target_semaphore(%run_scoped3A : memref<!tpu.dma_semaphore, #tpu.memory_space<semaphore_mem>>)
      %dma_wait3A = tpu.memref_slice %arg3[%mul3A_2] : memref<10240xf32, #tpu.memory_space<hbm>> -> memref<320xf32, #tpu.memory_space<hbm>>
      %dma_wait3A_10 = tpu.memref_slice %arg3[%mul3A_2] : memref<10240xf32, #tpu.memory_space<hbm>> -> memref<320xf32, #tpu.memory_space<hbm>>
      tpu.wait_dma2 semaphore(%run_scoped3A : memref<!tpu.dma_semaphore, #tpu.memory_space<semaphore_mem>>) src(%dma_wait3A_10 : memref<320xf32, #tpu.memory_space<hbm>>) dst(%arg7 : memref<320xf32, #tpu.memory_space<vmem>>)
      tpu.yield
    }) : () -> ()
    %scan3A = arith.constant 0 : i32
    %scan3A_3 = arith.constant 0 : i32
    %scan3A_4 = arith.constant 20 : i32
    %scan3A_5 = arith.addi %scan3A_3, %scan3A_4 : i32
    %scan3A_6 = arith.constant 1 : i32
    %scan3A_7 = scf.for %scan3A_9 = %scan3A_3 to %scan3A_5 step %scan3A_6 iter_args(%scan3A_10 = %scan3A) -> (i32)  : i32 {
      %mul3A_11 = arith.constant 16 : i32
      %mul3A_12 = arith.muli %scan3A_9, %mul3A_11 : i32
      %get3A = arith.index_cast %mul3A_12 : i32 to index
      %get3A_13 = tpu.vector_load %arg7[%get3A] {strides = array<i32>} : memref<320xf32, #tpu.memory_space<vmem>>, vector<16xf32>,
      %broadcast_in_dim3A = arith.constant 0 : i32
      %broadcast_in_dim3A_14 = vector.broadcast %broadcast_in_dim3A : i32 to vector<16xi32>
      %broadcast_in_dim3A_15 = arith.constant 10240 : i32
      %broadcast_in_dim3A_16 = vector.broadcast %broadcast_in_dim3A_15 : i32 to vector<16xi32>
      %scan3A_17 = arith.constant 0 : i32
      %scan3A_18 = arith.constant 14 : i32
      %scan3A_19 = arith.addi %scan3A_17, %scan3A_18 : i32
      %scan3A_20 = arith.constant 1 : i32
      %scan3A_21:2 = scf.for %scan3A_35 = %scan3A_17 to %scan3A_19 step %scan3A_20 iter_args(%scan3A_36 = %broadcast_in_dim3A_14, %scan3A_37 = %broadcast_in_dim3A_16) -> (vector<16xi32>, vector<16xi32>)  : i32 {
        %add3A_38 = arith.addi %scan3A_36, %scan3A_37 : vector<16xi32>
        %div3A = arith.constant 2 : i32
        %div3A_39 = vector.broadcast %div3A : i32 to vector<16xi32>
        %div3A_40 = arith.divsi %add3A_38, %div3A_39 : vector<16xi32>
        %gather3A = tpu.vector_load_idx %arg6[%div3A_40] : memref<10240xf32, #tpu.memory_space<vmem>>[vector<16xi32>], vector<16xf32>,
        %lt3A = arith.cmpf olt, %gather3A, %get3A_13 : vector<16xf32>
        %add3A_41 = arith.constant 1 : i32
        %add3A_42 = vector.broadcast %add3A_41 : i32 to vector<16xi32>
        %add3A_43 = arith.addi %div3A_40, %add3A_42 : vector<16xi32>
        %select_n3A = arith.select %lt3A, %add3A_43, %scan3A_36 : vector<16xi1>, vector<16xi32>
        %select_n3A_44 = arith.select %lt3A, %scan3A_37, %div3A_40 : vector<16xi1>, vector<16xi32>
        scf.yield %select_n3A, %select_n3A_44 : vector<16xi32>, vector<16xi32>
      }
      %scan3A_22 = arith.constant 14 : i32
      %mul3A_23 = arith.constant 16 : i32
      %mul3A_24 = arith.muli %scan3A_9, %mul3A_23 : i32
      %swap3A = arith.index_cast %mul3A_24 : i32 to index
      %swap3A_25 = tpu.vector_load %arg9[%swap3A] {strides = array<i32>} : memref<320xi32, #tpu.memory_space<vmem>>, vector<16xi32>,
      tpu.vector_store %arg9[%swap3A], %scan3A_21#0 {strides = array<i32>} : memref<320xi32, #tpu.memory_space<vmem>>, vector<16xi32>,
      %sub3A = arith.constant 1 : i32
      %sub3A_26 = vector.broadcast %sub3A : i32 to vector<16xi32>
      %sub3A_27 = arith.subi %scan3A_21#0, %sub3A_26 : vector<16xi32>
      %max3A = arith.constant 0 : i32
      %max3A_28 = vector.broadcast %max3A : i32 to vector<16xi32>
      %max3A_29 = arith.maxsi %sub3A_27, %max3A_28 : vector<16xi32>
      %mul3A_30 = arith.constant 16 : i32
      %mul3A_31 = arith.muli %scan3A_9, %mul3A_30 : i32
      %swap3A_32 = arith.index_cast %mul3A_31 : i32 to index
      %swap3A_33 = tpu.vector_load %arg8[%swap3A_32] {strides = array<i32>} : memref<320xi32, #tpu.memory_space<vmem>>, vector<16xi32>,
      tpu.vector_store %arg8[%swap3A_32], %max3A_29 {strides = array<i32>} : memref<320xi32, #tpu.memory_space<vmem>>, vector<16xi32>,
      %scan3A_34 = arith.constant 0 : i32
      scf.yield %scan3A_34 : i32
    }
    %scan3A_8 = arith.constant 20 : i32
    "tpu.region"() ({
      %run_scoped3A = tpu.sem_alloc : memref<!tpu.dma_semaphore, #tpu.memory_space<semaphore_mem>>
      %dma_start3A = tpu.memref_slice %arg4[%mul3A_2] : memref<10240xi32, #tpu.memory_space<hbm>> -> memref<320xi32, #tpu.memory_space<hbm>>
      %dma_start3A_9 = tpu.memref_slice %arg4[%mul3A_2] : memref<10240xi32, #tpu.memory_space<hbm>> -> memref<320xi32, #tpu.memory_space<hbm>>
      tpu.enqueue_dma source(%arg9 : memref<320xi32, #tpu.memory_space<vmem>>) target(%dma_start3A_9 : memref<320xi32, #tpu.memory_space<hbm>>) target_semaphore(%run_scoped3A : memref<!tpu.dma_semaphore, #tpu.memory_space<semaphore_mem>>)
      %dma_wait3A = tpu.memref_slice %arg4[%mul3A_2] : memref<10240xi32, #tpu.memory_space<hbm>> -> memref<320xi32, #tpu.memory_space<hbm>>
      %dma_wait3A_10 = tpu.memref_slice %arg4[%mul3A_2] : memref<10240xi32, #tpu.memory_space<hbm>> -> memref<320xi32, #tpu.memory_space<hbm>>
      tpu.wait_dma2 semaphore(%run_scoped3A : memref<!tpu.dma_semaphore, #tpu.memory_space<semaphore_mem>>) src(%arg9 : memref<320xi32, #tpu.memory_space<vmem>>) dst(%dma_wait3A_10 : memref<320xi32, #tpu.memory_space<hbm>>)
      tpu.yield
    }) : () -> ()
    "tpu.region"() ({
      %run_scoped3A = tpu.sem_alloc : memref<!tpu.dma_semaphore, #tpu.memory_space<semaphore_mem>>
      %dma_start3A = tpu.memref_slice %arg5[%mul3A_2] : memref<10240xi32, #tpu.memory_space<hbm>> -> memref<320xi32, #tpu.memory_space<hbm>>
      %dma_start3A_9 = tpu.memref_slice %arg5[%mul3A_2] : memref<10240xi32, #tpu.memory_space<hbm>> -> memref<320xi32, #tpu.memory_space<hbm>>
      tpu.enqueue_dma source(%arg8 : memref<320xi32, #tpu.memory_space<vmem>>) target(%dma_start3A_9 : memref<320xi32, #tpu.memory_space<hbm>>) target_semaphore(%run_scoped3A : memref<!tpu.dma_semaphore, #tpu.memory_space<semaphore_mem>>)
      %dma_wait3A = tpu.memref_slice %arg5[%mul3A_2] : memref<10240xi32, #tpu.memory_space<hbm>> -> memref<320xi32, #tpu.memory_space<hbm>>
      %dma_wait3A_10 = tpu.memref_slice %arg5[%mul3A_2] : memref<10240xi32, #tpu.memory_space<hbm>> -> memref<320xi32, #tpu.memory_space<hbm>>
      tpu.wait_dma2 semaphore(%run_scoped3A : memref<!tpu.dma_semaphore, #tpu.memory_space<semaphore_mem>>) src(%arg8 : memref<320xi32, #tpu.memory_space<vmem>>) dst(%dma_wait3A_10 : memref<320xi32, #tpu.memory_space<hbm>>)
      tpu.yield
    }) : () -> ()
    return
  }
}

#map = affine_map<(d0, d1) -> (0, 0)>
#map1 = affine_map<(d0, d1) -> (0)>
module attributes {stable_mosaic.version = 14 : i64} {
  func.func @k(%arg0: i32, %arg1: i32, %arg2: memref<10000x128xf32, #tpu.memory_space<hbm>>, %arg3: memref<10240xi32, #tpu.memory_space<hbm>>, %arg4: memref<10240x128xf32, #tpu.memory_space<hbm>>, %arg5: memref<320xi32, #tpu.memory_space<vmem>>, %arg6: memref<320x128xf32, #tpu.memory_space<vmem>>, %arg7: memref<!tpu.dma_semaphore, #tpu.memory_space<semaphore_mem>>) attributes {dimension_semantics = [#tpu.dimension_semantics<core_parallel>, #tpu.dimension_semantics<subcore_parallel>], iteration_bounds = array<i64: 2, 16>, scalar_prefetch = 0 : i64, scratch_operands = 3 : i64, tpu.core_type = #tpu.core_type<sc_vector_subcore>, window_params = [{transform_indices = #map}, {transform_indices = #map1}, {transform_indices = #map}]} {
    %mul3A = arith.constant 2 : i32
    %mul3A_0 = arith.muli %arg1, %mul3A : i32
    %add3A = arith.addi %mul3A_0, %arg0 : i32
    %mul3A_1 = arith.constant 320 : i32
    %mul3A_2 = arith.muli %add3A, %mul3A_1 : i32
    "tpu.region"() ({
      %run_scoped3A = tpu.sem_alloc : memref<!tpu.dma_semaphore, #tpu.memory_space<semaphore_mem>>
      %dma_start3A_81 = tpu.memref_slice %arg3[%mul3A_2] : memref<10240xi32, #tpu.memory_space<hbm>> -> memref<320xi32, #tpu.memory_space<hbm>>
      %dma_start3A_82 = tpu.memref_slice %arg3[%mul3A_2] : memref<10240xi32, #tpu.memory_space<hbm>> -> memref<320xi32, #tpu.memory_space<hbm>>
      tpu.enqueue_dma source(%dma_start3A_82 : memref<320xi32, #tpu.memory_space<hbm>>) target(%arg5 : memref<320xi32, #tpu.memory_space<vmem>>) target_semaphore(%run_scoped3A : memref<!tpu.dma_semaphore, #tpu.memory_space<semaphore_mem>>)
      %dma_wait3A_83 = tpu.memref_slice %arg3[%mul3A_2] : memref<10240xi32, #tpu.memory_space<hbm>> -> memref<320xi32, #tpu.memory_space<hbm>>
      %dma_wait3A_84 = tpu.memref_slice %arg3[%mul3A_2] : memref<10240xi32, #tpu.memory_space<hbm>> -> memref<320xi32, #tpu.memory_space<hbm>>
      tpu.wait_dma2 semaphore(%run_scoped3A : memref<!tpu.dma_semaphore, #tpu.memory_space<semaphore_mem>>) src(%dma_wait3A_84 : memref<320xi32, #tpu.memory_space<hbm>>) dst(%arg5 : memref<320xi32, #tpu.memory_space<vmem>>)
      tpu.yield
    }) : () -> ()
    %dma_start3A = arith.constant 0 : i32
    %dma_start3A_3 = arith.constant 0 : i32
    %dma_start3A_4 = tpu.memref_slice %arg6[%dma_start3A, %dma_start3A_3] : memref<320x128xf32, #tpu.memory_space<vmem>> -> memref<64x128xf32, #tpu.memory_space<vmem>>
    %dma_start3A_5 = arith.constant 0 : i32
    %dma_start3A_6 = tpu.memref_slice %arg5[%dma_start3A_5] : memref<320xi32, #tpu.memory_space<vmem>> -> memref<64xi32, #tpu.memory_space<vmem>>
    %dma_start3A_7 = arith.constant 0 : i32
    %dma_start3A_8 = arith.constant 0 : i32
    %dma_start3A_9 = tpu.memref_slice %arg2[%dma_start3A_7, %dma_start3A_8] : memref<10000x128xf32, #tpu.memory_space<hbm>> -> memref<10000x128xf32, #tpu.memory_space<hbm>>
    tpu.enqueue_indirect_dma source(%dma_start3A_9 : memref<10000x128xf32, #tpu.memory_space<hbm>>) target(%dma_start3A_4 : memref<64x128xf32, #tpu.memory_space<vmem>>) offsets(%dma_start3A_6 : memref<64xi32, #tpu.memory_space<vmem>>) semaphore(%arg7 : memref<!tpu.dma_semaphore, #tpu.memory_space<semaphore_mem>>)
    %dma_wait3A = arith.constant 0 : i32
    %dma_wait3A_10 = arith.constant 0 : i32
    %dma_wait3A_11 = tpu.memref_slice %arg6[%dma_wait3A, %dma_wait3A_10] : memref<320x128xf32, #tpu.memory_space<vmem>> -> memref<64x128xf32, #tpu.memory_space<vmem>>
    %dma_wait3A_12 = arith.constant 0 : i32
    %dma_wait3A_13 = tpu.memref_slice %arg5[%dma_wait3A_12] : memref<320xi32, #tpu.memory_space<vmem>> -> memref<64xi32, #tpu.memory_space<vmem>>
    %dma_wait3A_14 = arith.constant 0 : i32
    %dma_wait3A_15 = arith.constant 0 : i32
    %dma_wait3A_16 = tpu.memref_slice %arg2[%dma_wait3A_14, %dma_wait3A_15] : memref<10000x128xf32, #tpu.memory_space<hbm>> -> memref<10000x128xf32, #tpu.memory_space<hbm>>
    tpu.wait_indirect_dma semaphore(%arg7 : memref<!tpu.dma_semaphore, #tpu.memory_space<semaphore_mem>>) src(%dma_wait3A_16 : memref<10000x128xf32, #tpu.memory_space<hbm>>) dst(%dma_wait3A_11 : memref<64x128xf32, #tpu.memory_space<vmem>>)
    %dma_start3A_17 = arith.constant 64 : i32
    %dma_start3A_18 = arith.constant 0 : i32
    %dma_start3A_19 = tpu.memref_slice %arg6[%dma_start3A_17, %dma_start3A_18] : memref<320x128xf32, #tpu.memory_space<vmem>> -> memref<64x128xf32, #tpu.memory_space<vmem>>
    %dma_start3A_20 = arith.constant 64 : i32
    %dma_start3A_21 = tpu.memref_slice %arg5[%dma_start3A_20] : memref<320xi32, #tpu.memory_space<vmem>> -> memref<64xi32, #tpu.memory_space<vmem>>
    %dma_start3A_22 = arith.constant 0 : i32
    %dma_start3A_23 = arith.constant 0 : i32
    %dma_start3A_24 = tpu.memref_slice %arg2[%dma_start3A_22, %dma_start3A_23] : memref<10000x128xf32, #tpu.memory_space<hbm>> -> memref<10000x128xf32, #tpu.memory_space<hbm>>
    tpu.enqueue_indirect_dma source(%dma_start3A_24 : memref<10000x128xf32, #tpu.memory_space<hbm>>) target(%dma_start3A_19 : memref<64x128xf32, #tpu.memory_space<vmem>>) offsets(%dma_start3A_21 : memref<64xi32, #tpu.memory_space<vmem>>) semaphore(%arg7 : memref<!tpu.dma_semaphore, #tpu.memory_space<semaphore_mem>>)
    %dma_wait3A_25 = arith.constant 64 : i32
    %dma_wait3A_26 = arith.constant 0 : i32
    %dma_wait3A_27 = tpu.memref_slice %arg6[%dma_wait3A_25, %dma_wait3A_26] : memref<320x128xf32, #tpu.memory_space<vmem>> -> memref<64x128xf32, #tpu.memory_space<vmem>>
    %dma_wait3A_28 = arith.constant 64 : i32
    %dma_wait3A_29 = tpu.memref_slice %arg5[%dma_wait3A_28] : memref<320xi32, #tpu.memory_space<vmem>> -> memref<64xi32, #tpu.memory_space<vmem>>
    %dma_wait3A_30 = arith.constant 0 : i32
    %dma_wait3A_31 = arith.constant 0 : i32
    %dma_wait3A_32 = tpu.memref_slice %arg2[%dma_wait3A_30, %dma_wait3A_31] : memref<10000x128xf32, #tpu.memory_space<hbm>> -> memref<10000x128xf32, #tpu.memory_space<hbm>>
    tpu.wait_indirect_dma semaphore(%arg7 : memref<!tpu.dma_semaphore, #tpu.memory_space<semaphore_mem>>) src(%dma_wait3A_32 : memref<10000x128xf32, #tpu.memory_space<hbm>>) dst(%dma_wait3A_27 : memref<64x128xf32, #tpu.memory_space<vmem>>)
    %dma_start3A_33 = arith.constant 128 : i32
    %dma_start3A_34 = arith.constant 0 : i32
    %dma_start3A_35 = tpu.memref_slice %arg6[%dma_start3A_33, %dma_start3A_34] : memref<320x128xf32, #tpu.memory_space<vmem>> -> memref<64x128xf32, #tpu.memory_space<vmem>>
    %dma_start3A_36 = arith.constant 128 : i32
    %dma_start3A_37 = tpu.memref_slice %arg5[%dma_start3A_36] : memref<320xi32, #tpu.memory_space<vmem>> -> memref<64xi32, #tpu.memory_space<vmem>>
    %dma_start3A_38 = arith.constant 0 : i32
    %dma_start3A_39 = arith.constant 0 : i32
    %dma_start3A_40 = tpu.memref_slice %arg2[%dma_start3A_38, %dma_start3A_39] : memref<10000x128xf32, #tpu.memory_space<hbm>> -> memref<10000x128xf32, #tpu.memory_space<hbm>>
    tpu.enqueue_indirect_dma source(%dma_start3A_40 : memref<10000x128xf32, #tpu.memory_space<hbm>>) target(%dma_start3A_35 : memref<64x128xf32, #tpu.memory_space<vmem>>) offsets(%dma_start3A_37 : memref<64xi32, #tpu.memory_space<vmem>>) semaphore(%arg7 : memref<!tpu.dma_semaphore, #tpu.memory_space<semaphore_mem>>)
    %dma_wait3A_41 = arith.constant 128 : i32
    %dma_wait3A_42 = arith.constant 0 : i32
    %dma_wait3A_43 = tpu.memref_slice %arg6[%dma_wait3A_41, %dma_wait3A_42] : memref<320x128xf32, #tpu.memory_space<vmem>> -> memref<64x128xf32, #tpu.memory_space<vmem>>
    %dma_wait3A_44 = arith.constant 128 : i32
    %dma_wait3A_45 = tpu.memref_slice %arg5[%dma_wait3A_44] : memref<320xi32, #tpu.memory_space<vmem>> -> memref<64xi32, #tpu.memory_space<vmem>>
    %dma_wait3A_46 = arith.constant 0 : i32
    %dma_wait3A_47 = arith.constant 0 : i32
    %dma_wait3A_48 = tpu.memref_slice %arg2[%dma_wait3A_46, %dma_wait3A_47] : memref<10000x128xf32, #tpu.memory_space<hbm>> -> memref<10000x128xf32, #tpu.memory_space<hbm>>
    tpu.wait_indirect_dma semaphore(%arg7 : memref<!tpu.dma_semaphore, #tpu.memory_space<semaphore_mem>>) src(%dma_wait3A_48 : memref<10000x128xf32, #tpu.memory_space<hbm>>) dst(%dma_wait3A_43 : memref<64x128xf32, #tpu.memory_space<vmem>>)
    %dma_start3A_49 = arith.constant 192 : i32
    %dma_start3A_50 = arith.constant 0 : i32
    %dma_start3A_51 = tpu.memref_slice %arg6[%dma_start3A_49, %dma_start3A_50] : memref<320x128xf32, #tpu.memory_space<vmem>> -> memref<64x128xf32, #tpu.memory_space<vmem>>
    %dma_start3A_52 = arith.constant 192 : i32
    %dma_start3A_53 = tpu.memref_slice %arg5[%dma_start3A_52] : memref<320xi32, #tpu.memory_space<vmem>> -> memref<64xi32, #tpu.memory_space<vmem>>
    %dma_start3A_54 = arith.constant 0 : i32
    %dma_start3A_55 = arith.constant 0 : i32
    %dma_start3A_56 = tpu.memref_slice %arg2[%dma_start3A_54, %dma_start3A_55] : memref<10000x128xf32, #tpu.memory_space<hbm>> -> memref<10000x128xf32, #tpu.memory_space<hbm>>
    tpu.enqueue_indirect_dma source(%dma_start3A_56 : memref<10000x128xf32, #tpu.memory_space<hbm>>) target(%dma_start3A_51 : memref<64x128xf32, #tpu.memory_space<vmem>>) offsets(%dma_start3A_53 : memref<64xi32, #tpu.memory_space<vmem>>) semaphore(%arg7 : memref<!tpu.dma_semaphore, #tpu.memory_space<semaphore_mem>>)
    %dma_wait3A_57 = arith.constant 192 : i32
    %dma_wait3A_58 = arith.constant 0 : i32
    %dma_wait3A_59 = tpu.memref_slice %arg6[%dma_wait3A_57, %dma_wait3A_58] : memref<320x128xf32, #tpu.memory_space<vmem>> -> memref<64x128xf32, #tpu.memory_space<vmem>>
    %dma_wait3A_60 = arith.constant 192 : i32
    %dma_wait3A_61 = tpu.memref_slice %arg5[%dma_wait3A_60] : memref<320xi32, #tpu.memory_space<vmem>> -> memref<64xi32, #tpu.memory_space<vmem>>
    %dma_wait3A_62 = arith.constant 0 : i32
    %dma_wait3A_63 = arith.constant 0 : i32
    %dma_wait3A_64 = tpu.memref_slice %arg2[%dma_wait3A_62, %dma_wait3A_63] : memref<10000x128xf32, #tpu.memory_space<hbm>> -> memref<10000x128xf32, #tpu.memory_space<hbm>>
    tpu.wait_indirect_dma semaphore(%arg7 : memref<!tpu.dma_semaphore, #tpu.memory_space<semaphore_mem>>) src(%dma_wait3A_64 : memref<10000x128xf32, #tpu.memory_space<hbm>>) dst(%dma_wait3A_59 : memref<64x128xf32, #tpu.memory_space<vmem>>)
    %dma_start3A_65 = arith.constant 256 : i32
    %dma_start3A_66 = arith.constant 0 : i32
    %dma_start3A_67 = tpu.memref_slice %arg6[%dma_start3A_65, %dma_start3A_66] : memref<320x128xf32, #tpu.memory_space<vmem>> -> memref<64x128xf32, #tpu.memory_space<vmem>>
    %dma_start3A_68 = arith.constant 256 : i32
    %dma_start3A_69 = tpu.memref_slice %arg5[%dma_start3A_68] : memref<320xi32, #tpu.memory_space<vmem>> -> memref<64xi32, #tpu.memory_space<vmem>>
    %dma_start3A_70 = arith.constant 0 : i32
    %dma_start3A_71 = arith.constant 0 : i32
    %dma_start3A_72 = tpu.memref_slice %arg2[%dma_start3A_70, %dma_start3A_71] : memref<10000x128xf32, #tpu.memory_space<hbm>> -> memref<10000x128xf32, #tpu.memory_space<hbm>>
    tpu.enqueue_indirect_dma source(%dma_start3A_72 : memref<10000x128xf32, #tpu.memory_space<hbm>>) target(%dma_start3A_67 : memref<64x128xf32, #tpu.memory_space<vmem>>) offsets(%dma_start3A_69 : memref<64xi32, #tpu.memory_space<vmem>>) semaphore(%arg7 : memref<!tpu.dma_semaphore, #tpu.memory_space<semaphore_mem>>)
    %dma_wait3A_73 = arith.constant 256 : i32
    %dma_wait3A_74 = arith.constant 0 : i32
    %dma_wait3A_75 = tpu.memref_slice %arg6[%dma_wait3A_73, %dma_wait3A_74] : memref<320x128xf32, #tpu.memory_space<vmem>> -> memref<64x128xf32, #tpu.memory_space<vmem>>
    %dma_wait3A_76 = arith.constant 256 : i32
    %dma_wait3A_77 = tpu.memref_slice %arg5[%dma_wait3A_76] : memref<320xi32, #tpu.memory_space<vmem>> -> memref<64xi32, #tpu.memory_space<vmem>>
    %dma_wait3A_78 = arith.constant 0 : i32
    %dma_wait3A_79 = arith.constant 0 : i32
    %dma_wait3A_80 = tpu.memref_slice %arg2[%dma_wait3A_78, %dma_wait3A_79] : memref<10000x128xf32, #tpu.memory_space<hbm>> -> memref<10000x128xf32, #tpu.memory_space<hbm>>
    tpu.wait_indirect_dma semaphore(%arg7 : memref<!tpu.dma_semaphore, #tpu.memory_space<semaphore_mem>>) src(%dma_wait3A_80 : memref<10000x128xf32, #tpu.memory_space<hbm>>) dst(%dma_wait3A_75 : memref<64x128xf32, #tpu.memory_space<vmem>>)
    "tpu.region"() ({
      %run_scoped3A = tpu.sem_alloc : memref<!tpu.dma_semaphore, #tpu.memory_space<semaphore_mem>>
      %dma_start3A_81 = arith.constant 0 : i32
      %dma_start3A_82 = tpu.memref_slice %arg4[%mul3A_2, %dma_start3A_81] : memref<10240x128xf32, #tpu.memory_space<hbm>> -> memref<320x128xf32, #tpu.memory_space<hbm>>
      %dma_start3A_83 = arith.constant 0 : i32
      %dma_start3A_84 = tpu.memref_slice %arg4[%mul3A_2, %dma_start3A_83] : memref<10240x128xf32, #tpu.memory_space<hbm>> -> memref<320x128xf32, #tpu.memory_space<hbm>>
      tpu.enqueue_dma source(%arg6 : memref<320x128xf32, #tpu.memory_space<vmem>>) target(%dma_start3A_84 : memref<320x128xf32, #tpu.memory_space<hbm>>) target_semaphore(%run_scoped3A : memref<!tpu.dma_semaphore, #tpu.memory_space<semaphore_mem>>)
      %dma_wait3A_85 = arith.constant 0 : i32
      %dma_wait3A_86 = tpu.memref_slice %arg4[%mul3A_2, %dma_wait3A_85] : memref<10240x128xf32, #tpu.memory_space<hbm>> -> memref<320x128xf32, #tpu.memory_space<hbm>>
      %dma_wait3A_87 = arith.constant 0 : i32
      %dma_wait3A_88 = tpu.memref_slice %arg4[%mul3A_2, %dma_wait3A_87] : memref<10240x128xf32, #tpu.memory_space<hbm>> -> memref<320x128xf32, #tpu.memory_space<hbm>>
      tpu.wait_dma2 semaphore(%run_scoped3A : memref<!tpu.dma_semaphore, #tpu.memory_space<semaphore_mem>>) src(%arg6 : memref<320x128xf32, #tpu.memory_space<vmem>>) dst(%dma_wait3A_88 : memref<320x128xf32, #tpu.memory_space<hbm>>)
      tpu.yield
    }) : () -> ()
    return
  }
}

#map = affine_map<(d0, d1) -> (0, 0)>
#map1 = affine_map<(d0, d1) -> (0)>
module attributes {stable_mosaic.version = 14 : i64} {
  func.func @k(%arg0: i32, %arg1: i32, %arg2: memref<10000x128xf32, #tpu.memory_space<hbm>>, %arg3: memref<10240xi32, #tpu.memory_space<hbm>>, %arg4: memref<10240x128xf32, #tpu.memory_space<hbm>>, %arg5: memref<320xi32, #tpu.memory_space<vmem>>, %arg6: memref<320x128xf32, #tpu.memory_space<vmem>>, %arg7: memref<!tpu.dma_semaphore, #tpu.memory_space<semaphore_mem>>) attributes {dimension_semantics = [#tpu.dimension_semantics<core_parallel>, #tpu.dimension_semantics<subcore_parallel>], iteration_bounds = array<i64: 2, 16>, scalar_prefetch = 0 : i64, scratch_operands = 3 : i64, tpu.core_type = #tpu.core_type<sc_vector_subcore>, window_params = [{transform_indices = #map}, {transform_indices = #map1}, {transform_indices = #map}]} {
    %mul3A = arith.constant 2 : i32
    %mul3A_0 = arith.muli %arg1, %mul3A : i32
    %add3A = arith.addi %mul3A_0, %arg0 : i32
    %mul3A_1 = arith.constant 320 : i32
    %mul3A_2 = arith.muli %add3A, %mul3A_1 : i32
    "tpu.region"() ({
      %run_scoped3A = tpu.sem_alloc : memref<!tpu.dma_semaphore, #tpu.memory_space<semaphore_mem>>
      %dma_start3A_81 = tpu.memref_slice %arg3[%mul3A_2] : memref<10240xi32, #tpu.memory_space<hbm>> -> memref<320xi32, #tpu.memory_space<hbm>>
      %dma_start3A_82 = tpu.memref_slice %arg3[%mul3A_2] : memref<10240xi32, #tpu.memory_space<hbm>> -> memref<320xi32, #tpu.memory_space<hbm>>
      tpu.enqueue_dma source(%dma_start3A_82 : memref<320xi32, #tpu.memory_space<hbm>>) target(%arg5 : memref<320xi32, #tpu.memory_space<vmem>>) target_semaphore(%run_scoped3A : memref<!tpu.dma_semaphore, #tpu.memory_space<semaphore_mem>>)
      %dma_wait3A_83 = tpu.memref_slice %arg3[%mul3A_2] : memref<10240xi32, #tpu.memory_space<hbm>> -> memref<320xi32, #tpu.memory_space<hbm>>
      %dma_wait3A_84 = tpu.memref_slice %arg3[%mul3A_2] : memref<10240xi32, #tpu.memory_space<hbm>> -> memref<320xi32, #tpu.memory_space<hbm>>
      tpu.wait_dma2 semaphore(%run_scoped3A : memref<!tpu.dma_semaphore, #tpu.memory_space<semaphore_mem>>) src(%dma_wait3A_84 : memref<320xi32, #tpu.memory_space<hbm>>) dst(%arg5 : memref<320xi32, #tpu.memory_space<vmem>>)
      tpu.yield
    }) : () -> ()
    %dma_start3A = arith.constant 0 : i32
    %dma_start3A_3 = arith.constant 0 : i32
    %dma_start3A_4 = tpu.memref_slice %arg6[%dma_start3A, %dma_start3A_3] : memref<320x128xf32, #tpu.memory_space<vmem>> -> memref<64x128xf32, #tpu.memory_space<vmem>>
    %dma_start3A_5 = arith.constant 0 : i32
    %dma_start3A_6 = tpu.memref_slice %arg5[%dma_start3A_5] : memref<320xi32, #tpu.memory_space<vmem>> -> memref<64xi32, #tpu.memory_space<vmem>>
    %dma_start3A_7 = arith.constant 0 : i32
    %dma_start3A_8 = arith.constant 0 : i32
    %dma_start3A_9 = tpu.memref_slice %arg2[%dma_start3A_7, %dma_start3A_8] : memref<10000x128xf32, #tpu.memory_space<hbm>> -> memref<10000x128xf32, #tpu.memory_space<hbm>>
    tpu.enqueue_indirect_dma source(%dma_start3A_9 : memref<10000x128xf32, #tpu.memory_space<hbm>>) target(%dma_start3A_4 : memref<64x128xf32, #tpu.memory_space<vmem>>) offsets(%dma_start3A_6 : memref<64xi32, #tpu.memory_space<vmem>>) semaphore(%arg7 : memref<!tpu.dma_semaphore, #tpu.memory_space<semaphore_mem>>)
    %dma_wait3A = arith.constant 0 : i32
    %dma_wait3A_10 = arith.constant 0 : i32
    %dma_wait3A_11 = tpu.memref_slice %arg6[%dma_wait3A, %dma_wait3A_10] : memref<320x128xf32, #tpu.memory_space<vmem>> -> memref<64x128xf32, #tpu.memory_space<vmem>>
    %dma_wait3A_12 = arith.constant 0 : i32
    %dma_wait3A_13 = tpu.memref_slice %arg5[%dma_wait3A_12] : memref<320xi32, #tpu.memory_space<vmem>> -> memref<64xi32, #tpu.memory_space<vmem>>
    %dma_wait3A_14 = arith.constant 0 : i32
    %dma_wait3A_15 = arith.constant 0 : i32
    %dma_wait3A_16 = tpu.memref_slice %arg2[%dma_wait3A_14, %dma_wait3A_15] : memref<10000x128xf32, #tpu.memory_space<hbm>> -> memref<10000x128xf32, #tpu.memory_space<hbm>>
    tpu.wait_indirect_dma semaphore(%arg7 : memref<!tpu.dma_semaphore, #tpu.memory_space<semaphore_mem>>) src(%dma_wait3A_16 : memref<10000x128xf32, #tpu.memory_space<hbm>>) dst(%dma_wait3A_11 : memref<64x128xf32, #tpu.memory_space<vmem>>)
    %dma_start3A_17 = arith.constant 64 : i32
    %dma_start3A_18 = arith.constant 0 : i32
    %dma_start3A_19 = tpu.memref_slice %arg6[%dma_start3A_17, %dma_start3A_18] : memref<320x128xf32, #tpu.memory_space<vmem>> -> memref<64x128xf32, #tpu.memory_space<vmem>>
    %dma_start3A_20 = arith.constant 64 : i32
    %dma_start3A_21 = tpu.memref_slice %arg5[%dma_start3A_20] : memref<320xi32, #tpu.memory_space<vmem>> -> memref<64xi32, #tpu.memory_space<vmem>>
    %dma_start3A_22 = arith.constant 0 : i32
    %dma_start3A_23 = arith.constant 0 : i32
    %dma_start3A_24 = tpu.memref_slice %arg2[%dma_start3A_22, %dma_start3A_23] : memref<10000x128xf32, #tpu.memory_space<hbm>> -> memref<10000x128xf32, #tpu.memory_space<hbm>>
    tpu.enqueue_indirect_dma source(%dma_start3A_24 : memref<10000x128xf32, #tpu.memory_space<hbm>>) target(%dma_start3A_19 : memref<64x128xf32, #tpu.memory_space<vmem>>) offsets(%dma_start3A_21 : memref<64xi32, #tpu.memory_space<vmem>>) semaphore(%arg7 : memref<!tpu.dma_semaphore, #tpu.memory_space<semaphore_mem>>)
    %dma_wait3A_25 = arith.constant 64 : i32
    %dma_wait3A_26 = arith.constant 0 : i32
    %dma_wait3A_27 = tpu.memref_slice %arg6[%dma_wait3A_25, %dma_wait3A_26] : memref<320x128xf32, #tpu.memory_space<vmem>> -> memref<64x128xf32, #tpu.memory_space<vmem>>
    %dma_wait3A_28 = arith.constant 64 : i32
    %dma_wait3A_29 = tpu.memref_slice %arg5[%dma_wait3A_28] : memref<320xi32, #tpu.memory_space<vmem>> -> memref<64xi32, #tpu.memory_space<vmem>>
    %dma_wait3A_30 = arith.constant 0 : i32
    %dma_wait3A_31 = arith.constant 0 : i32
    %dma_wait3A_32 = tpu.memref_slice %arg2[%dma_wait3A_30, %dma_wait3A_31] : memref<10000x128xf32, #tpu.memory_space<hbm>> -> memref<10000x128xf32, #tpu.memory_space<hbm>>
    tpu.wait_indirect_dma semaphore(%arg7 : memref<!tpu.dma_semaphore, #tpu.memory_space<semaphore_mem>>) src(%dma_wait3A_32 : memref<10000x128xf32, #tpu.memory_space<hbm>>) dst(%dma_wait3A_27 : memref<64x128xf32, #tpu.memory_space<vmem>>)
    %dma_start3A_33 = arith.constant 128 : i32
    %dma_start3A_34 = arith.constant 0 : i32
    %dma_start3A_35 = tpu.memref_slice %arg6[%dma_start3A_33, %dma_start3A_34] : memref<320x128xf32, #tpu.memory_space<vmem>> -> memref<64x128xf32, #tpu.memory_space<vmem>>
    %dma_start3A_36 = arith.constant 128 : i32
    %dma_start3A_37 = tpu.memref_slice %arg5[%dma_start3A_36] : memref<320xi32, #tpu.memory_space<vmem>> -> memref<64xi32, #tpu.memory_space<vmem>>
    %dma_start3A_38 = arith.constant 0 : i32
    %dma_start3A_39 = arith.constant 0 : i32
    %dma_start3A_40 = tpu.memref_slice %arg2[%dma_start3A_38, %dma_start3A_39] : memref<10000x128xf32, #tpu.memory_space<hbm>> -> memref<10000x128xf32, #tpu.memory_space<hbm>>
    tpu.enqueue_indirect_dma source(%dma_start3A_40 : memref<10000x128xf32, #tpu.memory_space<hbm>>) target(%dma_start3A_35 : memref<64x128xf32, #tpu.memory_space<vmem>>) offsets(%dma_start3A_37 : memref<64xi32, #tpu.memory_space<vmem>>) semaphore(%arg7 : memref<!tpu.dma_semaphore, #tpu.memory_space<semaphore_mem>>)
    %dma_wait3A_41 = arith.constant 128 : i32
    %dma_wait3A_42 = arith.constant 0 : i32
    %dma_wait3A_43 = tpu.memref_slice %arg6[%dma_wait3A_41, %dma_wait3A_42] : memref<320x128xf32, #tpu.memory_space<vmem>> -> memref<64x128xf32, #tpu.memory_space<vmem>>
    %dma_wait3A_44 = arith.constant 128 : i32
    %dma_wait3A_45 = tpu.memref_slice %arg5[%dma_wait3A_44] : memref<320xi32, #tpu.memory_space<vmem>> -> memref<64xi32, #tpu.memory_space<vmem>>
    %dma_wait3A_46 = arith.constant 0 : i32
    %dma_wait3A_47 = arith.constant 0 : i32
    %dma_wait3A_48 = tpu.memref_slice %arg2[%dma_wait3A_46, %dma_wait3A_47] : memref<10000x128xf32, #tpu.memory_space<hbm>> -> memref<10000x128xf32, #tpu.memory_space<hbm>>
    tpu.wait_indirect_dma semaphore(%arg7 : memref<!tpu.dma_semaphore, #tpu.memory_space<semaphore_mem>>) src(%dma_wait3A_48 : memref<10000x128xf32, #tpu.memory_space<hbm>>) dst(%dma_wait3A_43 : memref<64x128xf32, #tpu.memory_space<vmem>>)
    %dma_start3A_49 = arith.constant 192 : i32
    %dma_start3A_50 = arith.constant 0 : i32
    %dma_start3A_51 = tpu.memref_slice %arg6[%dma_start3A_49, %dma_start3A_50] : memref<320x128xf32, #tpu.memory_space<vmem>> -> memref<64x128xf32, #tpu.memory_space<vmem>>
    %dma_start3A_52 = arith.constant 192 : i32
    %dma_start3A_53 = tpu.memref_slice %arg5[%dma_start3A_52] : memref<320xi32, #tpu.memory_space<vmem>> -> memref<64xi32, #tpu.memory_space<vmem>>
    %dma_start3A_54 = arith.constant 0 : i32
    %dma_start3A_55 = arith.constant 0 : i32
    %dma_start3A_56 = tpu.memref_slice %arg2[%dma_start3A_54, %dma_start3A_55] : memref<10000x128xf32, #tpu.memory_space<hbm>> -> memref<10000x128xf32, #tpu.memory_space<hbm>>
    tpu.enqueue_indirect_dma source(%dma_start3A_56 : memref<10000x128xf32, #tpu.memory_space<hbm>>) target(%dma_start3A_51 : memref<64x128xf32, #tpu.memory_space<vmem>>) offsets(%dma_start3A_53 : memref<64xi32, #tpu.memory_space<vmem>>) semaphore(%arg7 : memref<!tpu.dma_semaphore, #tpu.memory_space<semaphore_mem>>)
    %dma_wait3A_57 = arith.constant 192 : i32
    %dma_wait3A_58 = arith.constant 0 : i32
    %dma_wait3A_59 = tpu.memref_slice %arg6[%dma_wait3A_57, %dma_wait3A_58] : memref<320x128xf32, #tpu.memory_space<vmem>> -> memref<64x128xf32, #tpu.memory_space<vmem>>
    %dma_wait3A_60 = arith.constant 192 : i32
    %dma_wait3A_61 = tpu.memref_slice %arg5[%dma_wait3A_60] : memref<320xi32, #tpu.memory_space<vmem>> -> memref<64xi32, #tpu.memory_space<vmem>>
    %dma_wait3A_62 = arith.constant 0 : i32
    %dma_wait3A_63 = arith.constant 0 : i32
    %dma_wait3A_64 = tpu.memref_slice %arg2[%dma_wait3A_62, %dma_wait3A_63] : memref<10000x128xf32, #tpu.memory_space<hbm>> -> memref<10000x128xf32, #tpu.memory_space<hbm>>
    tpu.wait_indirect_dma semaphore(%arg7 : memref<!tpu.dma_semaphore, #tpu.memory_space<semaphore_mem>>) src(%dma_wait3A_64 : memref<10000x128xf32, #tpu.memory_space<hbm>>) dst(%dma_wait3A_59 : memref<64x128xf32, #tpu.memory_space<vmem>>)
    %dma_start3A_65 = arith.constant 256 : i32
    %dma_start3A_66 = arith.constant 0 : i32
    %dma_start3A_67 = tpu.memref_slice %arg6[%dma_start3A_65, %dma_start3A_66] : memref<320x128xf32, #tpu.memory_space<vmem>> -> memref<64x128xf32, #tpu.memory_space<vmem>>
    %dma_start3A_68 = arith.constant 256 : i32
    %dma_start3A_69 = tpu.memref_slice %arg5[%dma_start3A_68] : memref<320xi32, #tpu.memory_space<vmem>> -> memref<64xi32, #tpu.memory_space<vmem>>
    %dma_start3A_70 = arith.constant 0 : i32
    %dma_start3A_71 = arith.constant 0 : i32
    %dma_start3A_72 = tpu.memref_slice %arg2[%dma_start3A_70, %dma_start3A_71] : memref<10000x128xf32, #tpu.memory_space<hbm>> -> memref<10000x128xf32, #tpu.memory_space<hbm>>
    tpu.enqueue_indirect_dma source(%dma_start3A_72 : memref<10000x128xf32, #tpu.memory_space<hbm>>) target(%dma_start3A_67 : memref<64x128xf32, #tpu.memory_space<vmem>>) offsets(%dma_start3A_69 : memref<64xi32, #tpu.memory_space<vmem>>) semaphore(%arg7 : memref<!tpu.dma_semaphore, #tpu.memory_space<semaphore_mem>>)
    %dma_wait3A_73 = arith.constant 256 : i32
    %dma_wait3A_74 = arith.constant 0 : i32
    %dma_wait3A_75 = tpu.memref_slice %arg6[%dma_wait3A_73, %dma_wait3A_74] : memref<320x128xf32, #tpu.memory_space<vmem>> -> memref<64x128xf32, #tpu.memory_space<vmem>>
    %dma_wait3A_76 = arith.constant 256 : i32
    %dma_wait3A_77 = tpu.memref_slice %arg5[%dma_wait3A_76] : memref<320xi32, #tpu.memory_space<vmem>> -> memref<64xi32, #tpu.memory_space<vmem>>
    %dma_wait3A_78 = arith.constant 0 : i32
    %dma_wait3A_79 = arith.constant 0 : i32
    %dma_wait3A_80 = tpu.memref_slice %arg2[%dma_wait3A_78, %dma_wait3A_79] : memref<10000x128xf32, #tpu.memory_space<hbm>> -> memref<10000x128xf32, #tpu.memory_space<hbm>>
    tpu.wait_indirect_dma semaphore(%arg7 : memref<!tpu.dma_semaphore, #tpu.memory_space<semaphore_mem>>) src(%dma_wait3A_80 : memref<10000x128xf32, #tpu.memory_space<hbm>>) dst(%dma_wait3A_75 : memref<64x128xf32, #tpu.memory_space<vmem>>)
    "tpu.region"() ({
      %run_scoped3A = tpu.sem_alloc : memref<!tpu.dma_semaphore, #tpu.memory_space<semaphore_mem>>
      %dma_start3A_81 = arith.constant 0 : i32
      %dma_start3A_82 = tpu.memref_slice %arg4[%mul3A_2, %dma_start3A_81] : memref<10240x128xf32, #tpu.memory_space<hbm>> -> memref<320x128xf32, #tpu.memory_space<hbm>>
      %dma_start3A_83 = arith.constant 0 : i32
      %dma_start3A_84 = tpu.memref_slice %arg4[%mul3A_2, %dma_start3A_83] : memref<10240x128xf32, #tpu.memory_space<hbm>> -> memref<320x128xf32, #tpu.memory_space<hbm>>
      tpu.enqueue_dma source(%arg6 : memref<320x128xf32, #tpu.memory_space<vmem>>) target(%dma_start3A_84 : memref<320x128xf32, #tpu.memory_space<hbm>>) target_semaphore(%run_scoped3A : memref<!tpu.dma_semaphore, #tpu.memory_space<semaphore_mem>>)
      %dma_wait3A_85 = arith.constant 0 : i32
      %dma_wait3A_86 = tpu.memref_slice %arg4[%mul3A_2, %dma_wait3A_85] : memref<10240x128xf32, #tpu.memory_space<hbm>> -> memref<320x128xf32, #tpu.memory_space<hbm>>
      %dma_wait3A_87 = arith.constant 0 : i32
      %dma_wait3A_88 = tpu.memref_slice %arg4[%mul3A_2, %dma_wait3A_87] : memref<10240x128xf32, #tpu.memory_space<hbm>> -> memref<320x128xf32, #tpu.memory_space<hbm>>
      tpu.wait_dma2 semaphore(%run_scoped3A : memref<!tpu.dma_semaphore, #tpu.memory_space<semaphore_mem>>) src(%arg6 : memref<320x128xf32, #tpu.memory_space<vmem>>) dst(%dma_wait3A_88 : memref<320x128xf32, #tpu.memory_space<hbm>>)
      tpu.yield
    }) : () -> ()
    return
  }
}

module attributes {stable_mosaic.version = 14 : i64} {
  func.func @_head_body(%arg0: i32, %arg1: memref<1000x128xf32, #tpu.memory_space<vmem>>, %arg2: memref<128x128xf32, #tpu.memory_space<vmem>>, %arg3: memref<1x128xf32, #tpu.memory_space<vmem>>, %arg4: memref<128x2xf32, #tpu.memory_space<vmem>>, %arg5: memref<1000x128xf32, #tpu.memory_space<vmem>>, %arg6: memref<1000x1xf32, #tpu.memory_space<vmem>>, %arg7: memref<1000x1xf32, #tpu.memory_space<vmem>>) attributes {dimension_semantics = [#tpu.dimension_semantics<arbitrary>], iteration_bounds = array<i64: 10>, scalar_prefetch = 0 : i64, scratch_operands = 0 : i64, tpu.core_type = #tpu.core_type<tc>, window_params = [{transform_indices = @transform_0, window_bounds = array<i64: 1000, 128>}, {pipeline_mode = #tpu.pipeline_mode<synchronous>, transform_indices = @transform_1, window_bounds = array<i64: 128, 128>}, {pipeline_mode = #tpu.pipeline_mode<synchronous>, transform_indices = @transform_2, window_bounds = array<i64: 1, 128>}, {pipeline_mode = #tpu.pipeline_mode<synchronous>, transform_indices = @transform_3, window_bounds = array<i64: 128, 2>}, {transform_indices = @transform_4, window_bounds = array<i64: 1000, 128>}, {transform_indices = @transform_5, window_bounds = array<i64: 1000, 1>}, {transform_indices = @transform_6, window_bounds = array<i64: 1000, 1>}]} {
    %get3A = arith.constant 0 : index
    %get3A_0 = arith.constant 0 : index
    %get3A_1 = vector.load %arg1[%get3A, %get3A_0] : memref<1000x128xf32, #tpu.memory_space<vmem>>, vector<1000x128xf32>
    %get3A_2 = arith.constant 0 : index
    %get3A_3 = arith.constant 0 : index
    %get3A_4 = vector.load %arg2[%get3A_2, %get3A_3] : memref<128x128xf32, #tpu.memory_space<vmem>>, vector<128x128xf32>
    %dot_general3A = arith.constant dense<0.000000e+00> : vector<1000x128xf32>
    %dot_general3A_5 = tpu.matmul %get3A_1, %get3A_4, %dot_general3A {dimension_numbers = #tpu.dot_dimension_numbers<[1], [0], [0], [1], [0, 0, 1, 1], [], []>, transpose_lhs_hint = false} : vector<1000x128xf32>, vector<128x128xf32>, vector<1000x128xf32> -> vector<1000x128xf32>
    %get3A_6 = arith.constant 0 : index
    %get3A_7 = arith.constant 0 : index
    %get3A_8 = vector.load %arg3[%get3A_6, %get3A_7] : memref<1x128xf32, #tpu.memory_space<vmem>>, vector<1x128xf32>
    %add3A = vector.broadcast %get3A_8 : vector<1x128xf32> to vector<1000x128xf32>
    %add3A_9 = arith.addf %dot_general3A_5, %add3A : vector<1000x128xf32>
    %swap3A = arith.constant 0 : index
    %swap3A_10 = arith.constant 0 : index
    %swap3A_11 = vector.load %arg5[%swap3A, %swap3A_10] : memref<1000x128xf32, #tpu.memory_space<vmem>>, vector<1000x128xf32>
    tpu.vector_store %arg5[%swap3A, %swap3A_10], %add3A_9 {strides = array<i32>} : memref<1000x128xf32, #tpu.memory_space<vmem>>, vector<1000x128xf32>,
    %get3A_12 = arith.constant 0 : index
    %get3A_13 = arith.constant 0 : index
    %get3A_14 = vector.load %arg4[%get3A_12, %get3A_13] : memref<128x2xf32, #tpu.memory_space<vmem>>, vector<128x2xf32>
    %dot_general3A_15 = arith.constant dense<0.000000e+00> : vector<1000x2xf32>
    %dot_general3A_16 = tpu.matmul %add3A_9, %get3A_14, %dot_general3A_15 {dimension_numbers = #tpu.dot_dimension_numbers<[1], [0], [0], [1], [0, 0, 1, 1], [], []>, transpose_lhs_hint = false} : vector<1000x128xf32>, vector<128x2xf32>, vector<1000x2xf32> -> vector<1000x2xf32>
    %slice3A = vector.extract_strided_slice %dot_general3A_16 {offsets = [0, 0], sizes = [1000, 1], strides = [1, 1]} : vector<1000x2xf32> to vector<1000x1xf32>
    %swap3A_17 = arith.constant 0 : index
    %swap3A_18 = arith.constant 0 : index
    %swap3A_19 = vector.load %arg6[%swap3A_17, %swap3A_18] : memref<1000x1xf32, #tpu.memory_space<vmem>>, vector<1000x1xf32>
    tpu.vector_store %arg6[%swap3A_17, %swap3A_18], %slice3A {strides = array<i32>} : memref<1000x1xf32, #tpu.memory_space<vmem>>, vector<1000x1xf32>,
    %slice3A_20 = vector.extract_strided_slice %dot_general3A_16 {offsets = [0, 1], sizes = [1000, 1], strides = [1, 1]} : vector<1000x2xf32> to vector<1000x1xf32>
    %swap3A_21 = arith.constant 0 : index
    %swap3A_22 = arith.constant 0 : index
    %swap3A_23 = vector.load %arg7[%swap3A_21, %swap3A_22] : memref<1000x1xf32, #tpu.memory_space<vmem>>, vector<1000x1xf32>
    tpu.vector_store %arg7[%swap3A_21, %swap3A_22], %slice3A_20 {strides = array<i32>} : memref<1000x1xf32, #tpu.memory_space<vmem>>, vector<1000x1xf32>,
    return
  }
  func.func @transform_0(%arg0: i32) -> (i32, i32) {
    %c0_i32 = arith.constant 0 : i32
    %c0_i32_0 = arith.constant 0 : i32
    return %arg0, %c0_i32 : i32, i32
  }
  func.func @transform_1(%arg0: i32) -> (i32, i32) {
    %c0_i32 = arith.constant 0 : i32
    %c0_i32_0 = arith.constant 0 : i32
    %c0_i32_1 = arith.constant 0 : i32
    return %c0_i32, %c0_i32_0 : i32, i32
  }
  func.func @transform_2(%arg0: i32) -> (i32, i32) {
    %c0_i32 = arith.constant 0 : i32
    %c0_i32_0 = arith.constant 0 : i32
    %c0_i32_1 = arith.constant 0 : i32
    return %c0_i32, %c0_i32_0 : i32, i32
  }
  func.func @transform_3(%arg0: i32) -> (i32, i32) {
    %c0_i32 = arith.constant 0 : i32
    %c0_i32_0 = arith.constant 0 : i32
    %c0_i32_1 = arith.constant 0 : i32
    return %c0_i32, %c0_i32_0 : i32, i32
  }
  func.func @transform_4(%arg0: i32) -> (i32, i32) {
    %c0_i32 = arith.constant 0 : i32
    %c0_i32_0 = arith.constant 0 : i32
    return %arg0, %c0_i32 : i32, i32
  }
  func.func @transform_5(%arg0: i32) -> (i32, i32) {
    %c0_i32 = arith.constant 0 : i32
    %c0_i32_0 = arith.constant 0 : i32
    return %arg0, %c0_i32 : i32, i32
  }
  func.func @transform_6(%arg0: i32) -> (i32, i32) {
    %c0_i32 = arith.constant 0 : i32
    %c0_i32_0 = arith.constant 0 : i32
    return %arg0, %c0_i32 : i32, i32
  }
}

module attributes {stable_mosaic.version = 14 : i64} {
  func.func @_scan_body(%arg0: i32, %arg1: memref<1x1xf32, #tpu.memory_space<vmem>>, %arg2: memref<1000x1xf32, #tpu.memory_space<vmem>>, %arg3: memref<1000x128xf32, #tpu.memory_space<vmem>>, %arg4: memref<1000x384xf32, #tpu.memory_space<vmem>>, %arg5: memref<1x2xf32, #tpu.memory_space<vmem>>, %arg6: memref<1x128xf32, #tpu.memory_space<vmem>>, %arg7: memref<1x128xf32, #tpu.memory_space<vmem>>) attributes {dimension_semantics = [#tpu.dimension_semantics<arbitrary>], iteration_bounds = array<i64: 10>, scalar_prefetch = 0 : i64, scratch_operands = 3 : i64, tpu.core_type = #tpu.core_type<tc>, window_params = [{pipeline_mode = #tpu.pipeline_mode<synchronous>, transform_indices = @transform_0, window_bounds = array<i64: 1, 1>}, {transform_indices = @transform_1, window_bounds = array<i64: 1000, 1>}, {transform_indices = @transform_2, window_bounds = array<i64: 1000, 128>}, {transform_indices = @transform_3, window_bounds = array<i64: 1000, 384>}]} {
    %eq3A = arith.constant 0 : i32
    %eq3A_0 = arith.cmpi eq, %arg0, %eq3A : i32
    %convert_element_type3A = arith.extui %eq3A_0 : i1 to i32
    %cond3A = arith.constant 0 : i32
    %cond3A_1 = arith.cmpi ne, %convert_element_type3A, %cond3A : i32
    scf.if %cond3A_1 {
      %broadcast_in_dim3A_66 = arith.constant 0.000000e+00 : f32
      %broadcast_in_dim3A_67 = vector.broadcast %broadcast_in_dim3A_66 : f32 to vector<1x2xf32>
      %swap3A_68 = arith.constant 0 : index
      %swap3A_69 = arith.constant 0 : index
      %swap3A_70 = vector.load %arg5[%swap3A_68, %swap3A_69] : memref<1x2xf32, #tpu.memory_space<vmem>>, vector<1x2xf32>
      tpu.vector_store %arg5[%swap3A_68, %swap3A_69], %broadcast_in_dim3A_67 {strides = array<i32>} : memref<1x2xf32, #tpu.memory_space<vmem>>, vector<1x2xf32>,
      %broadcast_in_dim3A_71 = arith.constant 0.000000e+00 : f32
      %broadcast_in_dim3A_72 = vector.broadcast %broadcast_in_dim3A_71 : f32 to vector<1x128xf32>
      %swap3A_73 = arith.constant 0 : index
      %swap3A_74 = arith.constant 0 : index
      %swap3A_75 = vector.load %arg6[%swap3A_73, %swap3A_74] : memref<1x128xf32, #tpu.memory_space<vmem>>, vector<1x128xf32>
      tpu.vector_store %arg6[%swap3A_73, %swap3A_74], %broadcast_in_dim3A_72 {strides = array<i32>} : memref<1x128xf32, #tpu.memory_space<vmem>>, vector<1x128xf32>,
      %broadcast_in_dim3A_76 = arith.constant 0.000000e+00 : f32
      %broadcast_in_dim3A_77 = vector.broadcast %broadcast_in_dim3A_76 : f32 to vector<1x128xf32>
      %swap3A_78 = arith.constant 0 : index
      %swap3A_79 = arith.constant 0 : index
      %swap3A_80 = vector.load %arg7[%swap3A_78, %swap3A_79] : memref<1x128xf32, #tpu.memory_space<vmem>>, vector<1x128xf32>
      tpu.vector_store %arg7[%swap3A_78, %swap3A_79], %broadcast_in_dim3A_77 {strides = array<i32>} : memref<1x128xf32, #tpu.memory_space<vmem>>, vector<1x128xf32>,
    } else {
    }
    %get3A = arith.constant 0 : index
    %get3A_2 = arith.constant 0 : index
    %get3A_3 = vector.load %arg1[%get3A, %get3A_2] : memref<1x1xf32, #tpu.memory_space<vmem>>, vector<1x1xf32>
    %get3A_4 = vector.extract %get3A_3[0, 0] : f32 from vector<1x1xf32>
    %get3A_5 = arith.constant 0 : index
    %get3A_6 = arith.constant 0 : index
    %get3A_7 = vector.load %arg2[%get3A_5, %get3A_6] : memref<1000x1xf32, #tpu.memory_space<vmem>>, vector<1000x1xf32>
    %sub3A = vector.broadcast %get3A_4 : f32 to vector<1000x1xf32>
    %sub3A_8 = arith.subf %get3A_7, %sub3A : vector<1000x1xf32>
    %exp3A = math.exp %sub3A_8 : vector<1000x1xf32>
    %sub3A_9 = vector.broadcast %get3A_4 : f32 to vector<1000x1xf32>
    %sub3A_10 = arith.subf %get3A_7, %sub3A_9 : vector<1000x1xf32>
    %mul3A = arith.constant 2.000000e-01 : f32
    %mul3A_11 = vector.broadcast %mul3A : f32 to vector<1000x1xf32>
    %mul3A_12 = arith.mulf %mul3A_11, %sub3A_10 : vector<1000x1xf32>
    %exp3A_13 = math.exp %mul3A_12 : vector<1000x1xf32>
    %iota3A = tpu.iota {dimensions = array<i32: 0>} : vector<1000x1000xi32>
    %iota3A_14 = tpu.iota {dimensions = array<i32: 1>} : vector<1000x1000xi32>
    %le3A = arith.cmpi sle, %iota3A_14, %iota3A : vector<1000x1000xi32>
    %convert_element_type3A_15 = arith.extui %le3A : vector<1000x1000xi1> to vector<1000x1000xi32>
    %convert_element_type3A_16 = arith.sitofp %convert_element_type3A_15 : vector<1000x1000xi32> to vector<1000x1000xf32>
    %get3A_17 = arith.constant 0 : index
    %get3A_18 = arith.constant 0 : index
    %get3A_19 = vector.load %arg3[%get3A_17, %get3A_18] : memref<1000x128xf32, #tpu.memory_space<vmem>>, vector<1000x128xf32>
    %concatenate3A = tpu.concatenate %exp3A, %exp3A_13 in 1 : vector<1000x1xf32>, vector<1000x1xf32> -> vector<1000x2xf32>
    %dot_general3A = arith.constant dense<0.000000e+00> : vector<1000x2xf32>
    %dot_general3A_20 = tpu.matmul %convert_element_type3A_16, %concatenate3A, %dot_general3A {dimension_numbers = #tpu.dot_dimension_numbers<[1], [0], [0], [1], [0, 0, 1, 1], [], []>, transpose_lhs_hint = false} : vector<1000x1000xf32>, vector<1000x2xf32>, vector<1000x2xf32> -> vector<1000x2xf32>
    %get3A_21 = arith.constant 0 : index
    %get3A_22 = arith.constant 0 : index
    %get3A_23 = vector.load %arg5[%get3A_21, %get3A_22] : memref<1x2xf32, #tpu.memory_space<vmem>>, vector<1x2xf32>
    %add3A = vector.broadcast %get3A_23 : vector<1x2xf32> to vector<1000x2xf32>
    %add3A_24 = arith.addf %dot_general3A_20, %add3A : vector<1000x2xf32>
    %mul3A_25 = vector.broadcast %exp3A : vector<1000x1xf32> to vector<1000x128xf32>
    %mul3A_26 = arith.mulf %mul3A_25, %get3A_19 : vector<1000x128xf32>
    %dot_general3A_27 = arith.constant dense<0.000000e+00> : vector<1000x128xf32>
    %dot_general3A_28 = tpu.matmul %convert_element_type3A_16, %mul3A_26, %dot_general3A_27 {dimension_numbers = #tpu.dot_dimension_numbers<[1], [0], [0], [1], [0, 0, 1, 1], [], []>, transpose_lhs_hint = false} : vector<1000x1000xf32>, vector<1000x128xf32>, vector<1000x128xf32> -> vector<1000x128xf32>
    %get3A_29 = arith.constant 0 : index
    %get3A_30 = arith.constant 0 : index
    %get3A_31 = vector.load %arg6[%get3A_29, %get3A_30] : memref<1x128xf32, #tpu.memory_space<vmem>>, vector<1x128xf32>
    %add3A_32 = vector.broadcast %get3A_31 : vector<1x128xf32> to vector<1000x128xf32>
    %add3A_33 = arith.addf %dot_general3A_28, %add3A_32 : vector<1000x128xf32>
    %mul3A_34 = vector.broadcast %exp3A_13 : vector<1000x1xf32> to vector<1000x128xf32>
    %mul3A_35 = arith.mulf %mul3A_34, %get3A_19 : vector<1000x128xf32>
    %dot_general3A_36 = arith.constant dense<0.000000e+00> : vector<1000x128xf32>
    %dot_general3A_37 = tpu.matmul %convert_element_type3A_16, %mul3A_35, %dot_general3A_36 {dimension_numbers = #tpu.dot_dimension_numbers<[1], [0], [0], [1], [0, 0, 1, 1], [], []>, transpose_lhs_hint = false} : vector<1000x1000xf32>, vector<1000x128xf32>, vector<1000x128xf32> -> vector<1000x128xf32>
    %get3A_38 = arith.constant 0 : index
    %get3A_39 = arith.constant 0 : index
    %get3A_40 = vector.load %arg7[%get3A_38, %get3A_39] : memref<1x128xf32, #tpu.memory_space<vmem>>, vector<1x128xf32>
    %add3A_41 = vector.broadcast %get3A_40 : vector<1x128xf32> to vector<1000x128xf32>
    %add3A_42 = arith.addf %dot_general3A_37, %add3A_41 : vector<1000x128xf32>
    %swap3A = arith.constant 0 : index
    %swap3A_43 = arith.constant 0 : index
    %swap3A_44 = vector.load %arg4[%swap3A, %swap3A_43] : memref<1000x384xf32, #tpu.memory_space<vmem>>, vector<1000x128xf32>
    tpu.vector_store %arg4[%swap3A, %swap3A_43], %add3A_33 {strides = array<i32>} : memref<1000x384xf32, #tpu.memory_space<vmem>>, vector<1000x128xf32>,
    %swap3A_45 = arith.constant 0 : index
    %swap3A_46 = arith.constant 128 : index
    %swap3A_47 = vector.load %arg4[%swap3A_45, %swap3A_46] : memref<1000x384xf32, #tpu.memory_space<vmem>>, vector<1000x128xf32>
    tpu.vector_store %arg4[%swap3A_45, %swap3A_46], %add3A_42 {strides = array<i32>} : memref<1000x384xf32, #tpu.memory_space<vmem>>, vector<1000x128xf32>,
    %swap3A_48 = arith.constant 0 : index
    %swap3A_49 = arith.constant 256 : index
    %swap3A_50 = vector.load %arg4[%swap3A_48, %swap3A_49] : memref<1000x384xf32, #tpu.memory_space<vmem>>, vector<1000x2xf32>
    tpu.vector_store %arg4[%swap3A_48, %swap3A_49], %add3A_24 {strides = array<i32>} : memref<1000x384xf32, #tpu.memory_space<vmem>>, vector<1000x2xf32>,
    %broadcast_in_dim3A = arith.constant 0.000000e+00 : f32
    %broadcast_in_dim3A_51 = vector.broadcast %broadcast_in_dim3A : f32 to vector<1000x126xf32>
    %swap3A_52 = arith.constant 0 : index
    %swap3A_53 = arith.constant 258 : index
    %swap3A_54 = vector.load %arg4[%swap3A_52, %swap3A_53] : memref<1000x384xf32, #tpu.memory_space<vmem>>, vector<1000x126xf32>
    tpu.vector_store %arg4[%swap3A_52, %swap3A_53], %broadcast_in_dim3A_51 {strides = array<i32>} : memref<1000x384xf32, #tpu.memory_space<vmem>>, vector<1000x126xf32>,
    %slice3A = vector.extract_strided_slice %add3A_24 {offsets = [999, 0], sizes = [1, 2], strides = [1, 1]} : vector<1000x2xf32> to vector<1x2xf32>
    %swap3A_55 = arith.constant 0 : index
    %swap3A_56 = arith.constant 0 : index
    %swap3A_57 = vector.load %arg5[%swap3A_55, %swap3A_56] : memref<1x2xf32, #tpu.memory_space<vmem>>, vector<1x2xf32>
    tpu.vector_store %arg5[%swap3A_55, %swap3A_56], %slice3A {strides = array<i32>} : memref<1x2xf32, #tpu.memory_space<vmem>>, vector<1x2xf32>,
    %slice3A_58 = vector.extract_strided_slice %add3A_33 {offsets = [999, 0], sizes = [1, 128], strides = [1, 1]} : vector<1000x128xf32> to vector<1x128xf32>
    %swap3A_59 = arith.constant 0 : index
    %swap3A_60 = arith.constant 0 : index
    %swap3A_61 = vector.load %arg6[%swap3A_59, %swap3A_60] : memref<1x128xf32, #tpu.memory_space<vmem>>, vector<1x128xf32>
    tpu.vector_store %arg6[%swap3A_59, %swap3A_60], %slice3A_58 {strides = array<i32>} : memref<1x128xf32, #tpu.memory_space<vmem>>, vector<1x128xf32>,
    %slice3A_62 = vector.extract_strided_slice %add3A_42 {offsets = [999, 0], sizes = [1, 128], strides = [1, 1]} : vector<1000x128xf32> to vector<1x128xf32>
    %swap3A_63 = arith.constant 0 : index
    %swap3A_64 = arith.constant 0 : index
    %swap3A_65 = vector.load %arg7[%swap3A_63, %swap3A_64] : memref<1x128xf32, #tpu.memory_space<vmem>>, vector<1x128xf32>
    tpu.vector_store %arg7[%swap3A_63, %swap3A_64], %slice3A_62 {strides = array<i32>} : memref<1x128xf32, #tpu.memory_space<vmem>>, vector<1x128xf32>,
    return
  }
  func.func @transform_0(%arg0: i32) -> (i32, i32) {
    %c0_i32 = arith.constant 0 : i32
    %c0_i32_0 = arith.constant 0 : i32
    %c0_i32_1 = arith.constant 0 : i32
    return %c0_i32, %c0_i32_0 : i32, i32
  }
  func.func @transform_1(%arg0: i32) -> (i32, i32) {
    %c0_i32 = arith.constant 0 : i32
    %c0_i32_0 = arith.constant 0 : i32
    return %arg0, %c0_i32 : i32, i32
  }
  func.func @transform_2(%arg0: i32) -> (i32, i32) {
    %c0_i32 = arith.constant 0 : i32
    %c0_i32_0 = arith.constant 0 : i32
    return %arg0, %c0_i32 : i32, i32
  }
  func.func @transform_3(%arg0: i32) -> (i32, i32) {
    %c0_i32 = arith.constant 0 : i32
    %c0_i32_0 = arith.constant 0 : i32
    return %arg0, %c0_i32 : i32, i32
  }
}

module attributes {stable_mosaic.version = 14 : i64} {
  func.func @body(%arg0: i32, %arg1: memref<1x1xf32, #tpu.memory_space<vmem>>, %arg2: memref<1024x1xf32, #tpu.memory_space<vmem>>, %arg3: memref<1024x1xi32, #tpu.memory_space<vmem>>, %arg4: memref<1x384xf32, #tpu.memory_space<vmem>>, %arg5: memref<1024x384xf32, #tpu.memory_space<vmem>>, %arg6: memref<1x1024xf32, #tpu.memory_space<vmem>>, %arg7: memref<128x64xf32, #tpu.memory_space<vmem>>, %arg8: memref<1x64xf32, #tpu.memory_space<vmem>>, %arg9: memref<64x2xf32, #tpu.memory_space<vmem>>, %arg10: memref<1024x128xf32, #tpu.memory_space<vmem>>, %arg11: memref<1024x128xf32, #tpu.memory_space<vmem>>, %arg12: memref<1024x1xf32, #tpu.memory_space<vmem>>, %arg13: memref<1024x1xf32, #tpu.memory_space<vmem>>, %arg14: memref<1x384xf32, #tpu.memory_space<vmem>>) attributes {dimension_semantics = [#tpu.dimension_semantics<arbitrary>], iteration_bounds = array<i64: 10>, scalar_prefetch = 0 : i64, scratch_operands = 1 : i64, tpu.core_type = #tpu.core_type<tc>, window_params = [{pipeline_mode = #tpu.pipeline_mode<synchronous>, transform_indices = @transform_0, window_bounds = array<i64: 1, 1>}, {transform_indices = @transform_1, window_bounds = array<i64: 1024, 1>}, {transform_indices = @transform_2, window_bounds = array<i64: 1024, 1>}, {pipeline_mode = #tpu.pipeline_mode<synchronous>, transform_indices = @transform_3, window_bounds = array<i64: 1, 384>}, {transform_indices = @transform_4, window_bounds = array<i64: 1024, 384>}, {transform_indices = @transform_5, window_bounds = array<i64: 1, 1024>}, {pipeline_mode = #tpu.pipeline_mode<synchronous>, transform_indices = @transform_6, window_bounds = array<i64: 128, 64>}, {pipeline_mode = #tpu.pipeline_mode<synchronous>, transform_indices = @transform_7, window_bounds = array<i64: 1, 64>}, {pipeline_mode = #tpu.pipeline_mode<synchronous>, transform_indices = @transform_8, window_bounds = array<i64: 64, 2>}, {transform_indices = @transform_9, window_bounds = array<i64: 1024, 128>}, {transform_indices = @transform_10, window_bounds = array<i64: 1024, 128>}, {transform_indices = @transform_11, window_bounds = array<i64: 1024, 1>}, {transform_indices = @transform_12, window_bounds = array<i64: 1024, 1>}]} {
    %eq3A = arith.constant 0 : i32
    %eq3A_0 = arith.cmpi eq, %arg0, %eq3A : i32
    %convert_element_type3A = arith.extui %eq3A_0 : i1 to i32
    %cond3A = arith.constant 0 : i32
    %cond3A_1 = arith.cmpi ne, %convert_element_type3A, %cond3A : i32
    scf.if %cond3A_1 {
      %broadcast_in_dim3A_124 = arith.constant 0.000000e+00 : f32
      %broadcast_in_dim3A_125 = vector.broadcast %broadcast_in_dim3A_124 : f32 to vector<1x384xf32>
      %swap3A_126 = arith.constant 0 : index
      %swap3A_127 = arith.constant 0 : index
      %swap3A_128 = vector.load %arg14[%swap3A_126, %swap3A_127] : memref<1x384xf32, #tpu.memory_space<vmem>>, vector<1x384xf32>
      tpu.vector_store %arg14[%swap3A_126, %swap3A_127], %broadcast_in_dim3A_125 {strides = array<i32>} : memref<1x384xf32, #tpu.memory_space<vmem>>, vector<1x384xf32>,
    } else {
    }
    %get3A = arith.constant 0 : index
    %get3A_2 = arith.constant 0 : index
    %get3A_3 = vector.load %arg5[%get3A, %get3A_2] : memref<1024x384xf32, #tpu.memory_space<vmem>>, vector<1024x384xf32>
    %get3A_4 = arith.constant 0 : index
    %get3A_5 = arith.constant 0 : index
    %get3A_6 = vector.load %arg6[%get3A_4, %get3A_5] : memref<1x1024xf32, #tpu.memory_space<vmem>>, vector<1x1024xf32>
    %iota3A = tpu.iota {dimensions = array<i32: 0>} : vector<1024x1024xi32>
    %iota3A_7 = tpu.iota {dimensions = array<i32: 1>} : vector<1024x1024xi32>
    %le3A = arith.cmpi sle, %iota3A_7, %iota3A : vector<1024x1024xi32>
    %gt3A = arith.constant 5.000000e-01 : f32
    %gt3A_8 = vector.broadcast %gt3A : f32 to vector<1x1024xf32>
    %gt3A_9 = arith.cmpf ogt, %get3A_6, %gt3A_8 : vector<1x1024xf32>
    %and3A = vector.broadcast %gt3A_9 : vector<1x1024xi1> to vector<1024x1024xi1>
    %and3A_10 = arith.andi %le3A, %and3A : vector<1024x1024xi1>
    %jit3A = arith.constant -1 : i32
    %broadcast_in_dim3A = vector.broadcast %jit3A : i32 to vector<1024x1024xi32>
    %select_n3A = arith.select %and3A_10, %iota3A_7, %broadcast_in_dim3A : vector<1024x1024xi1>, vector<1024x1024xi32>
    %reduce_max3A = arith.constant dense<-2147483648> : vector<1024xi32>
    %reduce_max3A_11 = vector.multi_reduction <maxsi>, %select_n3A, %reduce_max3A [1] : vector<1024x1024xi32> to vector<1024xi32>
    %broadcast_in_dim3A_12 = vector.shape_cast %reduce_max3A_11 : vector<1024xi32> to vector<1024x1xi32>
    %eq3A_13 = vector.broadcast %broadcast_in_dim3A_12 : vector<1024x1xi32> to vector<1024x1024xi32>
    %eq3A_14 = arith.cmpi eq, %iota3A_7, %eq3A_13 : vector<1024x1024xi32>
    %convert_element_type3A_15 = arith.extui %eq3A_14 : vector<1024x1024xi1> to vector<1024x1024xi32>
    %convert_element_type3A_16 = arith.sitofp %convert_element_type3A_15 : vector<1024x1024xi32> to vector<1024x1024xf32>
    %dot_general3A = arith.constant dense<0.000000e+00> : vector<1024x384xf32>
    %dot_general3A_17 = tpu.matmul %convert_element_type3A_16, %get3A_3, %dot_general3A {dimension_numbers = #tpu.dot_dimension_numbers<[1], [0], [0], [1], [0, 0, 1, 1], [], []>, transpose_lhs_hint = false} : vector<1024x1024xf32>, vector<1024x384xf32>, vector<1024x384xf32> -> vector<1024x384xf32>
    %ge3A = arith.constant 0 : i32
    %ge3A_18 = vector.broadcast %ge3A : i32 to vector<1024x1xi32>
    %ge3A_19 = arith.cmpi sge, %broadcast_in_dim3A_12, %ge3A_18 : vector<1024x1xi32>
    %convert_element_type3A_20 = arith.extui %ge3A_19 : vector<1024x1xi1> to vector<1024x1xi32>
    %convert_element_type3A_21 = arith.sitofp %convert_element_type3A_20 : vector<1024x1xi32> to vector<1024x1xf32>
    %sub3A = arith.constant 1.000000e+00 : f32
    %sub3A_22 = vector.broadcast %sub3A : f32 to vector<1024x1xf32>
    %sub3A_23 = arith.subf %sub3A_22, %convert_element_type3A_21 : vector<1024x1xf32>
    %get3A_24 = arith.constant 0 : index
    %get3A_25 = arith.constant 0 : index
    %get3A_26 = vector.load %arg14[%get3A_24, %get3A_25] : memref<1x384xf32, #tpu.memory_space<vmem>>, vector<1x384xf32>
    %mul3A = vector.broadcast %sub3A_23 : vector<1024x1xf32> to vector<1024x384xf32>
    %mul3A_27 = vector.broadcast %get3A_26 : vector<1x384xf32> to vector<1024x384xf32>
    %mul3A_28 = arith.mulf %mul3A, %mul3A_27 : vector<1024x384xf32>
    %add3A = arith.addf %dot_general3A_17, %mul3A_28 : vector<1024x384xf32>
    %slice3A = vector.extract_strided_slice %add3A {offsets = [1023, 0], sizes = [1, 384], strides = [1, 1]} : vector<1024x384xf32> to vector<1x384xf32>
    %swap3A = arith.constant 0 : index
    %swap3A_29 = arith.constant 0 : index
    %swap3A_30 = vector.load %arg14[%swap3A, %swap3A_29] : memref<1x384xf32, #tpu.memory_space<vmem>>, vector<1x384xf32>
    tpu.vector_store %arg14[%swap3A, %swap3A_29], %slice3A {strides = array<i32>} : memref<1x384xf32, #tpu.memory_space<vmem>>, vector<1x384xf32>,
    %get3A_31 = arith.constant 0 : index
    %get3A_32 = arith.constant 0 : index
    %get3A_33 = vector.load %arg1[%get3A_31, %get3A_32] : memref<1x1xf32, #tpu.memory_space<vmem>>, vector<1x1xf32>
    %get3A_34 = vector.extract %get3A_33[0, 0] : f32 from vector<1x1xf32>
    %get3A_35 = arith.constant 0 : index
    %get3A_36 = arith.constant 0 : index
    %get3A_37 = vector.load %arg2[%get3A_35, %get3A_36] : memref<1024x1xf32, #tpu.memory_space<vmem>>, vector<1024x1xf32>
    %add3A_38 = vector.broadcast %get3A_34 : f32 to vector<1024x1xf32>
    %add3A_39 = arith.addf %get3A_37, %add3A_38 : vector<1024x1xf32>
    %mul3A_40 = arith.constant 8.000000e-01 : f32
    %mul3A_41 = vector.broadcast %mul3A_40 : f32 to vector<1024x1xf32>
    %mul3A_42 = arith.mulf %mul3A_41, %add3A_39 : vector<1024x1xf32>
    %max3A = arith.constant 0.000000e+00 : f32
    %max3A_43 = vector.broadcast %max3A : f32 to vector<1024x1xf32>
    %max3A_44 = arith.maximumf %mul3A_42, %max3A_43 : vector<1024x1xf32>
    %sub3A_45 = arith.subf %mul3A_42, %max3A_44 : vector<1024x1xf32>
    %exp3A = math.exp %sub3A_45 : vector<1024x1xf32>
    %neg3A = arith.constant 0.000000e+00 : f32
    %neg3A_46 = vector.broadcast %neg3A : f32 to vector<1024x1xf32>
    %neg3A_47 = arith.subf %neg3A_46, %max3A_44 : vector<1024x1xf32>
    %exp3A_48 = math.exp %neg3A_47 : vector<1024x1xf32>
    %get3A_49 = arith.constant 0 : index
    %get3A_50 = arith.constant 0 : index
    %get3A_51 = vector.load %arg3[%get3A_49, %get3A_50] : memref<1024x1xi32, #tpu.memory_space<vmem>>, vector<1024x1xi32>
    %gt3A_52 = arith.constant 0 : i32
    %gt3A_53 = vector.broadcast %gt3A_52 : i32 to vector<1024x1xi32>
    %gt3A_54 = arith.cmpi sgt, %get3A_51, %gt3A_53 : vector<1024x1xi32>
    %convert_element_type3A_55 = arith.extui %gt3A_54 : vector<1024x1xi1> to vector<1024x1xi32>
    %convert_element_type3A_56 = arith.sitofp %convert_element_type3A_55 : vector<1024x1xi32> to vector<1024x1xf32>
    %slice3A_57 = vector.extract_strided_slice %add3A {offsets = [0, 0], sizes = [1024, 128], strides = [1, 1]} : vector<1024x384xf32> to vector<1024x128xf32>
    %slice3A_58 = vector.extract_strided_slice %add3A {offsets = [0, 128], sizes = [1024, 128], strides = [1, 1]} : vector<1024x384xf32> to vector<1024x128xf32>
    %slice3A_59 = vector.extract_strided_slice %add3A {offsets = [0, 256], sizes = [1024, 1], strides = [1, 1]} : vector<1024x384xf32> to vector<1024x1xf32>
    %mul3A_60 = arith.mulf %slice3A_59, %convert_element_type3A_56 : vector<1024x1xf32>
    %slice3A_61 = vector.extract_strided_slice %add3A {offsets = [0, 257], sizes = [1024, 1], strides = [1, 1]} : vector<1024x384xf32> to vector<1024x1xf32>
    %mul3A_62 = arith.mulf %slice3A_61, %convert_element_type3A_56 : vector<1024x1xf32>
    %get3A_63 = arith.constant 0 : index
    %get3A_64 = arith.constant 0 : index
    %get3A_65 = vector.load %arg4[%get3A_63, %get3A_64] : memref<1x384xf32, #tpu.memory_space<vmem>>, vector<1x128xf32>
    %get3A_66 = arith.constant 0 : index
    %get3A_67 = arith.constant 256 : index
    %get3A_68 = vector.load %arg4[%get3A_66, %get3A_67] : memref<1x384xf32, #tpu.memory_space<vmem>>, vector<1x1xf32>
    %get3A_69 = vector.extract %get3A_68[0, 0] : f32 from vector<1x1xf32>
    %mul3A_70 = vector.broadcast %convert_element_type3A_56 : vector<1024x1xf32> to vector<1024x128xf32>
    %mul3A_71 = arith.mulf %slice3A_57, %mul3A_70 : vector<1024x128xf32>
    %sub3A_72 = vector.broadcast %get3A_65 : vector<1x128xf32> to vector<1024x128xf32>
    %sub3A_73 = arith.subf %sub3A_72, %mul3A_71 : vector<1024x128xf32>
    %mul3A_74 = vector.broadcast %exp3A : vector<1024x1xf32> to vector<1024x128xf32>
    %mul3A_75 = arith.mulf %mul3A_74, %sub3A_73 : vector<1024x128xf32>
    %mul3A_76 = vector.broadcast %convert_element_type3A_56 : vector<1024x1xf32> to vector<1024x128xf32>
    %mul3A_77 = arith.mulf %slice3A_58, %mul3A_76 : vector<1024x128xf32>
    %mul3A_78 = vector.broadcast %exp3A_48 : vector<1024x1xf32> to vector<1024x128xf32>
    %mul3A_79 = arith.mulf %mul3A_78, %mul3A_77 : vector<1024x128xf32>
    %add3A_80 = arith.addf %mul3A_75, %mul3A_79 : vector<1024x128xf32>
    %sub3A_81 = vector.broadcast %get3A_69 : f32 to vector<1024x1xf32>
    %sub3A_82 = arith.subf %sub3A_81, %mul3A_60 : vector<1024x1xf32>
    %mul3A_83 = arith.mulf %exp3A, %sub3A_82 : vector<1024x1xf32>
    %mul3A_84 = arith.mulf %exp3A_48, %mul3A_62 : vector<1024x1xf32>
    %add3A_85 = arith.addf %mul3A_83, %mul3A_84 : vector<1024x1xf32>
    %div3A = vector.broadcast %add3A_85 : vector<1024x1xf32> to vector<1024x128xf32>
    %div3A_86 = arith.divf %add3A_80, %div3A : vector<1024x128xf32>
    %max3A_87 = arith.constant 0.000000e+00 : f32
    %max3A_88 = vector.broadcast %max3A_87 : f32 to vector<1024x128xf32>
    %max3A_89 = arith.maximumf %div3A_86, %max3A_88 : vector<1024x128xf32>
    %swap3A_90 = arith.constant 0 : index
    %swap3A_91 = arith.constant 0 : index
    %swap3A_92 = vector.load %arg10[%swap3A_90, %swap3A_91] : memref<1024x128xf32, #tpu.memory_space<vmem>>, vector<1024x128xf32>
    tpu.vector_store %arg10[%swap3A_90, %swap3A_91], %max3A_89 {strides = array<i32>} : memref<1024x128xf32, #tpu.memory_space<vmem>>, vector<1024x128xf32>,
    %get3A_93 = arith.constant 0 : index
    %get3A_94 = arith.constant 0 : index
    %get3A_95 = vector.load %arg7[%get3A_93, %get3A_94] : memref<128x64xf32, #tpu.memory_space<vmem>>, vector<128x64xf32>
    %dot_general3A_96 = arith.constant dense<0.000000e+00> : vector<1024x64xf32>
    %dot_general3A_97 = tpu.matmul %max3A_89, %get3A_95, %dot_general3A_96 {dimension_numbers = #tpu.dot_dimension_numbers<[1], [0], [0], [1], [0, 0, 1, 1], [], []>, transpose_lhs_hint = false} : vector<1024x128xf32>, vector<128x64xf32>, vector<1024x64xf32> -> vector<1024x64xf32>
    %get3A_98 = arith.constant 0 : index
    %get3A_99 = arith.constant 0 : index
    %get3A_100 = vector.load %arg8[%get3A_98, %get3A_99] : memref<1x64xf32, #tpu.memory_space<vmem>>, vector<1x64xf32>
    %add3A_101 = vector.broadcast %get3A_100 : vector<1x64xf32> to vector<1024x64xf32>
    %add3A_102 = arith.addf %dot_general3A_97, %add3A_101 : vector<1024x64xf32>
    %swap3A_103 = arith.constant 0 : index
    %swap3A_104 = arith.constant 0 : index
    %swap3A_105 = vector.load %arg11[%swap3A_103, %swap3A_104] : memref<1024x128xf32, #tpu.memory_space<vmem>>, vector<1024x64xf32>
    tpu.vector_store %arg11[%swap3A_103, %swap3A_104], %add3A_102 {strides = array<i32>} : memref<1024x128xf32, #tpu.memory_space<vmem>>, vector<1024x64xf32>,
    %broadcast_in_dim3A_106 = arith.constant 0.000000e+00 : f32
    %broadcast_in_dim3A_107 = vector.broadcast %broadcast_in_dim3A_106 : f32 to vector<1024x64xf32>
    %swap3A_108 = arith.constant 0 : index
    %swap3A_109 = arith.constant 64 : index
    %swap3A_110 = vector.load %arg11[%swap3A_108, %swap3A_109] : memref<1024x128xf32, #tpu.memory_space<vmem>>, vector<1024x64xf32>
    tpu.vector_store %arg11[%swap3A_108, %swap3A_109], %broadcast_in_dim3A_107 {strides = array<i32>} : memref<1024x128xf32, #tpu.memory_space<vmem>>, vector<1024x64xf32>,
    %get3A_111 = arith.constant 0 : index
    %get3A_112 = arith.constant 0 : index
    %get3A_113 = vector.load %arg9[%get3A_111, %get3A_112] : memref<64x2xf32, #tpu.memory_space<vmem>>, vector<64x2xf32>
    %dot_general3A_114 = arith.constant dense<0.000000e+00> : vector<1024x2xf32>
    %dot_general3A_115 = tpu.matmul %add3A_102, %get3A_113, %dot_general3A_114 {dimension_numbers = #tpu.dot_dimension_numbers<[1], [0], [0], [1], [0, 0, 1, 1], [], []>, transpose_lhs_hint = false} : vector<1024x64xf32>, vector<64x2xf32>, vector<1024x2xf32> -> vector<1024x2xf32>
    %slice3A_116 = vector.extract_strided_slice %dot_general3A_115 {offsets = [0, 0], sizes = [1024, 1], strides = [1, 1]} : vector<1024x2xf32> to vector<1024x1xf32>
    %swap3A_117 = arith.constant 0 : index
    %swap3A_118 = arith.constant 0 : index
    %swap3A_119 = vector.load %arg12[%swap3A_117, %swap3A_118] : memref<1024x1xf32, #tpu.memory_space<vmem>>, vector<1024x1xf32>
    tpu.vector_store %arg12[%swap3A_117, %swap3A_118], %slice3A_116 {strides = array<i32>} : memref<1024x1xf32, #tpu.memory_space<vmem>>, vector<1024x1xf32>,
    %slice3A_120 = vector.extract_strided_slice %dot_general3A_115 {offsets = [0, 1], sizes = [1024, 1], strides = [1, 1]} : vector<1024x2xf32> to vector<1024x1xf32>
    %swap3A_121 = arith.constant 0 : index
    %swap3A_122 = arith.constant 0 : index
    %swap3A_123 = vector.load %arg13[%swap3A_121, %swap3A_122] : memref<1024x1xf32, #tpu.memory_space<vmem>>, vector<1024x1xf32>
    tpu.vector_store %arg13[%swap3A_121, %swap3A_122], %slice3A_120 {strides = array<i32>} : memref<1024x1xf32, #tpu.memory_space<vmem>>, vector<1024x1xf32>,
    return
  }
  func.func @transform_0(%arg0: i32) -> (i32, i32) {
    %c0_i32 = arith.constant 0 : i32
    %c0_i32_0 = arith.constant 0 : i32
    %c0_i32_1 = arith.constant 0 : i32
    return %c0_i32, %c0_i32_0 : i32, i32
  }
  func.func @transform_1(%arg0: i32) -> (i32, i32) {
    %c0_i32 = arith.constant 0 : i32
    %c0_i32_0 = arith.constant 0 : i32
    return %arg0, %c0_i32 : i32, i32
  }
  func.func @transform_2(%arg0: i32) -> (i32, i32) {
    %c0_i32 = arith.constant 0 : i32
    %c0_i32_0 = arith.constant 0 : i32
    return %arg0, %c0_i32 : i32, i32
  }
  func.func @transform_3(%arg0: i32) -> (i32, i32) {
    %c0_i32 = arith.constant 0 : i32
    %c0_i32_0 = arith.constant 0 : i32
    %c0_i32_1 = arith.constant 0 : i32
    return %c0_i32, %c0_i32_0 : i32, i32
  }
  func.func @transform_4(%arg0: i32) -> (i32, i32) {
    %c0_i32 = arith.constant 0 : i32
    %c0_i32_0 = arith.constant 0 : i32
    return %arg0, %c0_i32 : i32, i32
  }
  func.func @transform_5(%arg0: i32) -> (i32, i32) {
    %c0_i32 = arith.constant 0 : i32
    %c0_i32_0 = arith.constant 0 : i32
    return %c0_i32, %arg0 : i32, i32
  }
  func.func @transform_6(%arg0: i32) -> (i32, i32) {
    %c0_i32 = arith.constant 0 : i32
    %c0_i32_0 = arith.constant 0 : i32
    %c0_i32_1 = arith.constant 0 : i32
    return %c0_i32, %c0_i32_0 : i32, i32
  }
  func.func @transform_7(%arg0: i32) -> (i32, i32) {
    %c0_i32 = arith.constant 0 : i32
    %c0_i32_0 = arith.constant 0 : i32
    %c0_i32_1 = arith.constant 0 : i32
    return %c0_i32, %c0_i32_0 : i32, i32
  }
  func.func @transform_8(%arg0: i32) -> (i32, i32) {
    %c0_i32 = arith.constant 0 : i32
    %c0_i32_0 = arith.constant 0 : i32
    %c0_i32_1 = arith.constant 0 : i32
    return %c0_i32, %c0_i32_0 : i32, i32
  }
  func.func @transform_9(%arg0: i32) -> (i32, i32) {
    %c0_i32 = arith.constant 0 : i32
    %c0_i32_0 = arith.constant 0 : i32
    return %arg0, %c0_i32 : i32, i32
  }
  func.func @transform_10(%arg0: i32) -> (i32, i32) {
    %c0_i32 = arith.constant 0 : i32
    %c0_i32_0 = arith.constant 0 : i32
    return %arg0, %c0_i32 : i32, i32
  }
  func.func @transform_11(%arg0: i32) -> (i32, i32) {
    %c0_i32 = arith.constant 0 : i32
    %c0_i32_0 = arith.constant 0 : i32
    return %arg0, %c0_i32 : i32, i32
  }
  func.func @transform_12(%arg0: i32) -> (i32, i32) {
    %c0_i32 = arith.constant 0 : i32
    %c0_i32_0 = arith.constant 0 : i32
    return %arg0, %c0_i32 : i32, i32
  }
}

module attributes {stable_mosaic.version = 14 : i64} {
  func.func @_scan_body(%arg0: i32, %arg1: memref<1x1xf32, #tpu.memory_space<vmem>>, %arg2: memref<1000x1xf32, #tpu.memory_space<vmem>>, %arg3: memref<1000x128xf32, #tpu.memory_space<vmem>>, %arg4: memref<1000x1024xf32, #tpu.memory_space<vmem>>, %arg5: memref<1x2xf32, #tpu.memory_space<vmem>>, %arg6: memref<1x64xf32, #tpu.memory_space<vmem>>, %arg7: memref<1x64xf32, #tpu.memory_space<vmem>>) attributes {dimension_semantics = [#tpu.dimension_semantics<arbitrary>], iteration_bounds = array<i64: 10>, scalar_prefetch = 0 : i64, scratch_operands = 3 : i64, tpu.core_type = #tpu.core_type<tc>, window_params = [{pipeline_mode = #tpu.pipeline_mode<synchronous>, transform_indices = @transform_0, window_bounds = array<i64: 1, 1>}, {transform_indices = @transform_1, window_bounds = array<i64: 1000, 1>}, {transform_indices = @transform_2, window_bounds = array<i64: 1000, 128>}, {transform_indices = @transform_3, window_bounds = array<i64: 1000, 1024>}]} {
    %eq3A = arith.constant 0 : i32
    %eq3A_0 = arith.cmpi eq, %arg0, %eq3A : i32
    %convert_element_type3A = arith.extui %eq3A_0 : i1 to i32
    %cond3A = arith.constant 0 : i32
    %cond3A_1 = arith.cmpi ne, %convert_element_type3A, %cond3A : i32
    scf.if %cond3A_1 {
      %broadcast_in_dim3A_108 = arith.constant 0.000000e+00 : f32
      %broadcast_in_dim3A_109 = vector.broadcast %broadcast_in_dim3A_108 : f32 to vector<1x2xf32>
      %swap3A_110 = arith.constant 0 : index
      %swap3A_111 = arith.constant 0 : index
      %swap3A_112 = vector.load %arg5[%swap3A_110, %swap3A_111] : memref<1x2xf32, #tpu.memory_space<vmem>>, vector<1x2xf32>
      tpu.vector_store %arg5[%swap3A_110, %swap3A_111], %broadcast_in_dim3A_109 {strides = array<i32>} : memref<1x2xf32, #tpu.memory_space<vmem>>, vector<1x2xf32>,
      %broadcast_in_dim3A_113 = arith.constant 0.000000e+00 : f32
      %broadcast_in_dim3A_114 = vector.broadcast %broadcast_in_dim3A_113 : f32 to vector<1x64xf32>
      %swap3A_115 = arith.constant 0 : index
      %swap3A_116 = arith.constant 0 : index
      %swap3A_117 = vector.load %arg6[%swap3A_115, %swap3A_116] : memref<1x64xf32, #tpu.memory_space<vmem>>, vector<1x64xf32>
      tpu.vector_store %arg6[%swap3A_115, %swap3A_116], %broadcast_in_dim3A_114 {strides = array<i32>} : memref<1x64xf32, #tpu.memory_space<vmem>>, vector<1x64xf32>,
      %broadcast_in_dim3A_118 = arith.constant 0.000000e+00 : f32
      %broadcast_in_dim3A_119 = vector.broadcast %broadcast_in_dim3A_118 : f32 to vector<1x64xf32>
      %swap3A_120 = arith.constant 0 : index
      %swap3A_121 = arith.constant 0 : index
      %swap3A_122 = vector.load %arg7[%swap3A_120, %swap3A_121] : memref<1x64xf32, #tpu.memory_space<vmem>>, vector<1x64xf32>
      tpu.vector_store %arg7[%swap3A_120, %swap3A_121], %broadcast_in_dim3A_119 {strides = array<i32>} : memref<1x64xf32, #tpu.memory_space<vmem>>, vector<1x64xf32>,
    } else {
    }
    %get3A = arith.constant 0 : index
    %get3A_2 = arith.constant 0 : index
    %get3A_3 = vector.load %arg1[%get3A, %get3A_2] : memref<1x1xf32, #tpu.memory_space<vmem>>, vector<1x1xf32>
    %get3A_4 = vector.extract %get3A_3[0, 0] : f32 from vector<1x1xf32>
    %get3A_5 = arith.constant 0 : index
    %get3A_6 = arith.constant 0 : index
    %get3A_7 = vector.load %arg2[%get3A_5, %get3A_6] : memref<1000x1xf32, #tpu.memory_space<vmem>>, vector<1000x1xf32>
    %sub3A = vector.broadcast %get3A_4 : f32 to vector<1000x1xf32>
    %sub3A_8 = arith.subf %get3A_7, %sub3A : vector<1000x1xf32>
    %exp3A = math.exp %sub3A_8 : vector<1000x1xf32>
    %sub3A_9 = vector.broadcast %get3A_4 : f32 to vector<1000x1xf32>
    %sub3A_10 = arith.subf %get3A_7, %sub3A_9 : vector<1000x1xf32>
    %mul3A = arith.constant 2.000000e-01 : f32
    %mul3A_11 = vector.broadcast %mul3A : f32 to vector<1000x1xf32>
    %mul3A_12 = arith.mulf %mul3A_11, %sub3A_10 : vector<1000x1xf32>
    %exp3A_13 = math.exp %mul3A_12 : vector<1000x1xf32>
    %iota3A = tpu.iota {dimensions = array<i32: 0>} : vector<1000x1000xi32>
    %iota3A_14 = tpu.iota {dimensions = array<i32: 1>} : vector<1000x1000xi32>
    %le3A = arith.cmpi sle, %iota3A_14, %iota3A : vector<1000x1000xi32>
    %convert_element_type3A_15 = arith.extui %le3A : vector<1000x1000xi1> to vector<1000x1000xi32>
    %convert_element_type3A_16 = arith.sitofp %convert_element_type3A_15 : vector<1000x1000xi32> to vector<1000x1000xf32>
    %get3A_17 = arith.constant 0 : index
    %get3A_18 = arith.constant 0 : index
    %get3A_19 = vector.load %arg3[%get3A_17, %get3A_18] : memref<1000x128xf32, #tpu.memory_space<vmem>>, vector<1000x64xf32>
    %concatenate3A = tpu.concatenate %exp3A, %exp3A_13 in 1 : vector<1000x1xf32>, vector<1000x1xf32> -> vector<1000x2xf32>
    %dot_general3A = arith.constant dense<0.000000e+00> : vector<1000x2xf32>
    %dot_general3A_20 = tpu.matmul %convert_element_type3A_16, %concatenate3A, %dot_general3A {dimension_numbers = #tpu.dot_dimension_numbers<[1], [0], [0], [1], [0, 0, 1, 1], [], []>, transpose_lhs_hint = false} : vector<1000x1000xf32>, vector<1000x2xf32>, vector<1000x2xf32> -> vector<1000x2xf32>
    %get3A_21 = arith.constant 0 : index
    %get3A_22 = arith.constant 0 : index
    %get3A_23 = vector.load %arg5[%get3A_21, %get3A_22] : memref<1x2xf32, #tpu.memory_space<vmem>>, vector<1x2xf32>
    %add3A = vector.broadcast %get3A_23 : vector<1x2xf32> to vector<1000x2xf32>
    %add3A_24 = arith.addf %dot_general3A_20, %add3A : vector<1000x2xf32>
    %mul3A_25 = vector.broadcast %exp3A : vector<1000x1xf32> to vector<1000x64xf32>
    %mul3A_26 = arith.mulf %mul3A_25, %get3A_19 : vector<1000x64xf32>
    %dot_general3A_27 = arith.constant dense<0.000000e+00> : vector<1000x64xf32>
    %dot_general3A_28 = tpu.matmul %convert_element_type3A_16, %mul3A_26, %dot_general3A_27 {dimension_numbers = #tpu.dot_dimension_numbers<[1], [0], [0], [1], [0, 0, 1, 1], [], []>, transpose_lhs_hint = false} : vector<1000x1000xf32>, vector<1000x64xf32>, vector<1000x64xf32> -> vector<1000x64xf32>
    %get3A_29 = arith.constant 0 : index
    %get3A_30 = arith.constant 0 : index
    %get3A_31 = vector.load %arg6[%get3A_29, %get3A_30] : memref<1x64xf32, #tpu.memory_space<vmem>>, vector<1x64xf32>
    %add3A_32 = vector.broadcast %get3A_31 : vector<1x64xf32> to vector<1000x64xf32>
    %add3A_33 = arith.addf %dot_general3A_28, %add3A_32 : vector<1000x64xf32>
    %mul3A_34 = vector.broadcast %exp3A_13 : vector<1000x1xf32> to vector<1000x64xf32>
    %mul3A_35 = arith.mulf %mul3A_34, %get3A_19 : vector<1000x64xf32>
    %dot_general3A_36 = arith.constant dense<0.000000e+00> : vector<1000x64xf32>
    %dot_general3A_37 = tpu.matmul %convert_element_type3A_16, %mul3A_35, %dot_general3A_36 {dimension_numbers = #tpu.dot_dimension_numbers<[1], [0], [0], [1], [0, 0, 1, 1], [], []>, transpose_lhs_hint = false} : vector<1000x1000xf32>, vector<1000x64xf32>, vector<1000x64xf32> -> vector<1000x64xf32>
    %get3A_38 = arith.constant 0 : index
    %get3A_39 = arith.constant 0 : index
    %get3A_40 = vector.load %arg7[%get3A_38, %get3A_39] : memref<1x64xf32, #tpu.memory_space<vmem>>, vector<1x64xf32>
    %add3A_41 = vector.broadcast %get3A_40 : vector<1x64xf32> to vector<1000x64xf32>
    %add3A_42 = arith.addf %dot_general3A_37, %add3A_41 : vector<1000x64xf32>
    %swap3A = arith.constant 0 : index
    %swap3A_43 = arith.constant 0 : index
    %swap3A_44 = vector.load %arg4[%swap3A, %swap3A_43] : memref<1000x1024xf32, #tpu.memory_space<vmem>>, vector<1000x64xf32>
    tpu.vector_store %arg4[%swap3A, %swap3A_43], %add3A_33 {strides = array<i32>} : memref<1000x1024xf32, #tpu.memory_space<vmem>>, vector<1000x64xf32>,
    %swap3A_45 = arith.constant 0 : index
    %swap3A_46 = arith.constant 64 : index
    %swap3A_47 = vector.load %arg4[%swap3A_45, %swap3A_46] : memref<1000x1024xf32, #tpu.memory_space<vmem>>, vector<1000x64xf32>
    tpu.vector_store %arg4[%swap3A_45, %swap3A_46], %add3A_42 {strides = array<i32>} : memref<1000x1024xf32, #tpu.memory_space<vmem>>, vector<1000x64xf32>,
    %swap3A_48 = arith.constant 0 : index
    %swap3A_49 = arith.constant 128 : index
    %swap3A_50 = vector.load %arg4[%swap3A_48, %swap3A_49] : memref<1000x1024xf32, #tpu.memory_space<vmem>>, vector<1000x2xf32>
    tpu.vector_store %arg4[%swap3A_48, %swap3A_49], %add3A_24 {strides = array<i32>} : memref<1000x1024xf32, #tpu.memory_space<vmem>>, vector<1000x2xf32>,
    %broadcast_in_dim3A = arith.constant 0.000000e+00 : f32
    %broadcast_in_dim3A_51 = vector.broadcast %broadcast_in_dim3A : f32 to vector<1000x126xf32>
    %swap3A_52 = arith.constant 0 : index
    %swap3A_53 = arith.constant 130 : index
    %swap3A_54 = vector.load %arg4[%swap3A_52, %swap3A_53] : memref<1000x1024xf32, #tpu.memory_space<vmem>>, vector<1000x126xf32>
    tpu.vector_store %arg4[%swap3A_52, %swap3A_53], %broadcast_in_dim3A_51 {strides = array<i32>} : memref<1000x1024xf32, #tpu.memory_space<vmem>>, vector<1000x126xf32>,
    %swap3A_55 = arith.constant 0 : index
    %swap3A_56 = arith.constant 256 : index
    %swap3A_57 = vector.load %arg4[%swap3A_55, %swap3A_56] : memref<1000x1024xf32, #tpu.memory_space<vmem>>, vector<1000x64xf32>
    tpu.vector_store %arg4[%swap3A_55, %swap3A_56], %add3A_33 {strides = array<i32>} : memref<1000x1024xf32, #tpu.memory_space<vmem>>, vector<1000x64xf32>,
    %swap3A_58 = arith.constant 0 : index
    %swap3A_59 = arith.constant 320 : index
    %swap3A_60 = vector.load %arg4[%swap3A_58, %swap3A_59] : memref<1000x1024xf32, #tpu.memory_space<vmem>>, vector<1000x64xf32>
    tpu.vector_store %arg4[%swap3A_58, %swap3A_59], %add3A_42 {strides = array<i32>} : memref<1000x1024xf32, #tpu.memory_space<vmem>>, vector<1000x64xf32>,
    %swap3A_61 = arith.constant 0 : index
    %swap3A_62 = arith.constant 384 : index
    %swap3A_63 = vector.load %arg4[%swap3A_61, %swap3A_62] : memref<1000x1024xf32, #tpu.memory_space<vmem>>, vector<1000x2xf32>
    tpu.vector_store %arg4[%swap3A_61, %swap3A_62], %add3A_24 {strides = array<i32>} : memref<1000x1024xf32, #tpu.memory_space<vmem>>, vector<1000x2xf32>,
    %broadcast_in_dim3A_64 = arith.constant 0.000000e+00 : f32
    %broadcast_in_dim3A_65 = vector.broadcast %broadcast_in_dim3A_64 : f32 to vector<1000x126xf32>
    %swap3A_66 = arith.constant 0 : index
    %swap3A_67 = arith.constant 386 : index
    %swap3A_68 = vector.load %arg4[%swap3A_66, %swap3A_67] : memref<1000x1024xf32, #tpu.memory_space<vmem>>, vector<1000x126xf32>
    tpu.vector_store %arg4[%swap3A_66, %swap3A_67], %broadcast_in_dim3A_65 {strides = array<i32>} : memref<1000x1024xf32, #tpu.memory_space<vmem>>, vector<1000x126xf32>,
    %swap3A_69 = arith.constant 0 : index
    %swap3A_70 = arith.constant 512 : index
    %swap3A_71 = vector.load %arg4[%swap3A_69, %swap3A_70] : memref<1000x1024xf32, #tpu.memory_space<vmem>>, vector<1000x64xf32>
    tpu.vector_store %arg4[%swap3A_69, %swap3A_70], %add3A_33 {strides = array<i32>} : memref<1000x1024xf32, #tpu.memory_space<vmem>>, vector<1000x64xf32>,
    %swap3A_72 = arith.constant 0 : index
    %swap3A_73 = arith.constant 576 : index
    %swap3A_74 = vector.load %arg4[%swap3A_72, %swap3A_73] : memref<1000x1024xf32, #tpu.memory_space<vmem>>, vector<1000x64xf32>
    tpu.vector_store %arg4[%swap3A_72, %swap3A_73], %add3A_42 {strides = array<i32>} : memref<1000x1024xf32, #tpu.memory_space<vmem>>, vector<1000x64xf32>,
    %swap3A_75 = arith.constant 0 : index
    %swap3A_76 = arith.constant 640 : index
    %swap3A_77 = vector.load %arg4[%swap3A_75, %swap3A_76] : memref<1000x1024xf32, #tpu.memory_space<vmem>>, vector<1000x2xf32>
    tpu.vector_store %arg4[%swap3A_75, %swap3A_76], %add3A_24 {strides = array<i32>} : memref<1000x1024xf32, #tpu.memory_space<vmem>>, vector<1000x2xf32>,
    %broadcast_in_dim3A_78 = arith.constant 0.000000e+00 : f32
    %broadcast_in_dim3A_79 = vector.broadcast %broadcast_in_dim3A_78 : f32 to vector<1000x126xf32>
    %swap3A_80 = arith.constant 0 : index
    %swap3A_81 = arith.constant 642 : index
    %swap3A_82 = vector.load %arg4[%swap3A_80, %swap3A_81] : memref<1000x1024xf32, #tpu.memory_space<vmem>>, vector<1000x126xf32>
    tpu.vector_store %arg4[%swap3A_80, %swap3A_81], %broadcast_in_dim3A_79 {strides = array<i32>} : memref<1000x1024xf32, #tpu.memory_space<vmem>>, vector<1000x126xf32>,
    %swap3A_83 = arith.constant 0 : index
    %swap3A_84 = arith.constant 768 : index
    %swap3A_85 = vector.load %arg4[%swap3A_83, %swap3A_84] : memref<1000x1024xf32, #tpu.memory_space<vmem>>, vector<1000x64xf32>
    tpu.vector_store %arg4[%swap3A_83, %swap3A_84], %add3A_33 {strides = array<i32>} : memref<1000x1024xf32, #tpu.memory_space<vmem>>, vector<1000x64xf32>,
    %swap3A_86 = arith.constant 0 : index
    %swap3A_87 = arith.constant 832 : index
    %swap3A_88 = vector.load %arg4[%swap3A_86, %swap3A_87] : memref<1000x1024xf32, #tpu.memory_space<vmem>>, vector<1000x64xf32>
    tpu.vector_store %arg4[%swap3A_86, %swap3A_87], %add3A_42 {strides = array<i32>} : memref<1000x1024xf32, #tpu.memory_space<vmem>>, vector<1000x64xf32>,
    %swap3A_89 = arith.constant 0 : index
    %swap3A_90 = arith.constant 896 : index
    %swap3A_91 = vector.load %arg4[%swap3A_89, %swap3A_90] : memref<1000x1024xf32, #tpu.memory_space<vmem>>, vector<1000x2xf32>
    tpu.vector_store %arg4[%swap3A_89, %swap3A_90], %add3A_24 {strides = array<i32>} : memref<1000x1024xf32, #tpu.memory_space<vmem>>, vector<1000x2xf32>,
    %broadcast_in_dim3A_92 = arith.constant 0.000000e+00 : f32
    %broadcast_in_dim3A_93 = vector.broadcast %broadcast_in_dim3A_92 : f32 to vector<1000x126xf32>
    %swap3A_94 = arith.constant 0 : index
    %swap3A_95 = arith.constant 898 : index
    %swap3A_96 = vector.load %arg4[%swap3A_94, %swap3A_95] : memref<1000x1024xf32, #tpu.memory_space<vmem>>, vector<1000x126xf32>
    tpu.vector_store %arg4[%swap3A_94, %swap3A_95], %broadcast_in_dim3A_93 {strides = array<i32>} : memref<1000x1024xf32, #tpu.memory_space<vmem>>, vector<1000x126xf32>,
    %slice3A = vector.extract_strided_slice %add3A_24 {offsets = [999, 0], sizes = [1, 2], strides = [1, 1]} : vector<1000x2xf32> to vector<1x2xf32>
    %swap3A_97 = arith.constant 0 : index
    %swap3A_98 = arith.constant 0 : index
    %swap3A_99 = vector.load %arg5[%swap3A_97, %swap3A_98] : memref<1x2xf32, #tpu.memory_space<vmem>>, vector<1x2xf32>
    tpu.vector_store %arg5[%swap3A_97, %swap3A_98], %slice3A {strides = array<i32>} : memref<1x2xf32, #tpu.memory_space<vmem>>, vector<1x2xf32>,
    %slice3A_100 = vector.extract_strided_slice %add3A_33 {offsets = [999, 0], sizes = [1, 64], strides = [1, 1]} : vector<1000x64xf32> to vector<1x64xf32>
    %swap3A_101 = arith.constant 0 : index
    %swap3A_102 = arith.constant 0 : index
    %swap3A_103 = vector.load %arg6[%swap3A_101, %swap3A_102] : memref<1x64xf32, #tpu.memory_space<vmem>>, vector<1x64xf32>
    tpu.vector_store %arg6[%swap3A_101, %swap3A_102], %slice3A_100 {strides = array<i32>} : memref<1x64xf32, #tpu.memory_space<vmem>>, vector<1x64xf32>,
    %slice3A_104 = vector.extract_strided_slice %add3A_42 {offsets = [999, 0], sizes = [1, 64], strides = [1, 1]} : vector<1000x64xf32> to vector<1x64xf32>
    %swap3A_105 = arith.constant 0 : index
    %swap3A_106 = arith.constant 0 : index
    %swap3A_107 = vector.load %arg7[%swap3A_105, %swap3A_106] : memref<1x64xf32, #tpu.memory_space<vmem>>, vector<1x64xf32>
    tpu.vector_store %arg7[%swap3A_105, %swap3A_106], %slice3A_104 {strides = array<i32>} : memref<1x64xf32, #tpu.memory_space<vmem>>, vector<1x64xf32>,
    return
  }
  func.func @transform_0(%arg0: i32) -> (i32, i32) {
    %c0_i32 = arith.constant 0 : i32
    %c0_i32_0 = arith.constant 0 : i32
    %c0_i32_1 = arith.constant 0 : i32
    return %c0_i32, %c0_i32_0 : i32, i32
  }
  func.func @transform_1(%arg0: i32) -> (i32, i32) {
    %c0_i32 = arith.constant 0 : i32
    %c0_i32_0 = arith.constant 0 : i32
    return %arg0, %c0_i32 : i32, i32
  }
  func.func @transform_2(%arg0: i32) -> (i32, i32) {
    %c0_i32 = arith.constant 0 : i32
    %c0_i32_0 = arith.constant 0 : i32
    return %arg0, %c0_i32 : i32, i32
  }
  func.func @transform_3(%arg0: i32) -> (i32, i32) {
    %c0_i32 = arith.constant 0 : i32
    %c0_i32_0 = arith.constant 0 : i32
    return %arg0, %c0_i32 : i32, i32
  }
}

module attributes {stable_mosaic.version = 14 : i64} {
  func.func @body(%arg0: i32, %arg1: memref<1x1xf32, #tpu.memory_space<vmem>>, %arg2: memref<1024x1xf32, #tpu.memory_space<vmem>>, %arg3: memref<1024x1xi32, #tpu.memory_space<vmem>>, %arg4: memref<1x256xf32, #tpu.memory_space<vmem>>, %arg5: memref<1024x256xf32, #tpu.memory_space<vmem>>, %arg6: memref<1x1024xf32, #tpu.memory_space<vmem>>, %arg7: memref<64x32xf32, #tpu.memory_space<vmem>>, %arg8: memref<1x32xf32, #tpu.memory_space<vmem>>, %arg9: memref<32x2xf32, #tpu.memory_space<vmem>>, %arg10: memref<1024x128xf32, #tpu.memory_space<vmem>>, %arg11: memref<1024x1xf32, #tpu.memory_space<vmem>>, %arg12: memref<1024x1xf32, #tpu.memory_space<vmem>>, %arg13: memref<1x256xf32, #tpu.memory_space<vmem>>) attributes {dimension_semantics = [#tpu.dimension_semantics<arbitrary>], iteration_bounds = array<i64: 10>, scalar_prefetch = 0 : i64, scratch_operands = 1 : i64, tpu.core_type = #tpu.core_type<tc>, window_params = [{pipeline_mode = #tpu.pipeline_mode<synchronous>, transform_indices = @transform_0, window_bounds = array<i64: 1, 1>}, {transform_indices = @transform_1, window_bounds = array<i64: 1024, 1>}, {transform_indices = @transform_2, window_bounds = array<i64: 1024, 1>}, {pipeline_mode = #tpu.pipeline_mode<synchronous>, transform_indices = @transform_3, window_bounds = array<i64: 1, 256>}, {transform_indices = @transform_4, window_bounds = array<i64: 1024, 256>}, {transform_indices = @transform_5, window_bounds = array<i64: 1, 1024>}, {pipeline_mode = #tpu.pipeline_mode<synchronous>, transform_indices = @transform_6, window_bounds = array<i64: 64, 32>}, {pipeline_mode = #tpu.pipeline_mode<synchronous>, transform_indices = @transform_7, window_bounds = array<i64: 1, 32>}, {pipeline_mode = #tpu.pipeline_mode<synchronous>, transform_indices = @transform_8, window_bounds = array<i64: 32, 2>}, {transform_indices = @transform_9, window_bounds = array<i64: 1024, 128>}, {transform_indices = @transform_10, window_bounds = array<i64: 1024, 1>}, {transform_indices = @transform_11, window_bounds = array<i64: 1024, 1>}]} {
    %eq3A = arith.constant 0 : i32
    %eq3A_0 = arith.cmpi eq, %arg0, %eq3A : i32
    %convert_element_type3A = arith.extui %eq3A_0 : i1 to i32
    %cond3A = arith.constant 0 : i32
    %cond3A_1 = arith.cmpi ne, %convert_element_type3A, %cond3A : i32
    scf.if %cond3A_1 {
      %broadcast_in_dim3A_121 = arith.constant 0.000000e+00 : f32
      %broadcast_in_dim3A_122 = vector.broadcast %broadcast_in_dim3A_121 : f32 to vector<1x256xf32>
      %swap3A_123 = arith.constant 0 : index
      %swap3A_124 = arith.constant 0 : index
      %swap3A_125 = vector.load %arg13[%swap3A_123, %swap3A_124] : memref<1x256xf32, #tpu.memory_space<vmem>>, vector<1x256xf32>
      tpu.vector_store %arg13[%swap3A_123, %swap3A_124], %broadcast_in_dim3A_122 {strides = array<i32>} : memref<1x256xf32, #tpu.memory_space<vmem>>, vector<1x256xf32>,
    } else {
    }
    %get3A = arith.constant 0 : index
    %get3A_2 = arith.constant 0 : index
    %get3A_3 = vector.load %arg5[%get3A, %get3A_2] : memref<1024x256xf32, #tpu.memory_space<vmem>>, vector<1024x256xf32>
    %get3A_4 = arith.constant 0 : index
    %get3A_5 = arith.constant 0 : index
    %get3A_6 = vector.load %arg6[%get3A_4, %get3A_5] : memref<1x1024xf32, #tpu.memory_space<vmem>>, vector<1x1024xf32>
    %iota3A = tpu.iota {dimensions = array<i32: 0>} : vector<1024x1024xi32>
    %iota3A_7 = tpu.iota {dimensions = array<i32: 1>} : vector<1024x1024xi32>
    %le3A = arith.cmpi sle, %iota3A_7, %iota3A : vector<1024x1024xi32>
    %gt3A = arith.constant 5.000000e-01 : f32
    %gt3A_8 = vector.broadcast %gt3A : f32 to vector<1x1024xf32>
    %gt3A_9 = arith.cmpf ogt, %get3A_6, %gt3A_8 : vector<1x1024xf32>
    %and3A = vector.broadcast %gt3A_9 : vector<1x1024xi1> to vector<1024x1024xi1>
    %and3A_10 = arith.andi %le3A, %and3A : vector<1024x1024xi1>
    %jit3A = arith.constant -1 : i32
    %broadcast_in_dim3A = vector.broadcast %jit3A : i32 to vector<1024x1024xi32>
    %select_n3A = arith.select %and3A_10, %iota3A_7, %broadcast_in_dim3A : vector<1024x1024xi1>, vector<1024x1024xi32>
    %reduce_max3A = arith.constant dense<-2147483648> : vector<1024xi32>
    %reduce_max3A_11 = vector.multi_reduction <maxsi>, %select_n3A, %reduce_max3A [1] : vector<1024x1024xi32> to vector<1024xi32>
    %broadcast_in_dim3A_12 = vector.shape_cast %reduce_max3A_11 : vector<1024xi32> to vector<1024x1xi32>
    %eq3A_13 = vector.broadcast %broadcast_in_dim3A_12 : vector<1024x1xi32> to vector<1024x1024xi32>
    %eq3A_14 = arith.cmpi eq, %iota3A_7, %eq3A_13 : vector<1024x1024xi32>
    %convert_element_type3A_15 = arith.extui %eq3A_14 : vector<1024x1024xi1> to vector<1024x1024xi32>
    %convert_element_type3A_16 = arith.sitofp %convert_element_type3A_15 : vector<1024x1024xi32> to vector<1024x1024xf32>
    %dot_general3A = arith.constant dense<0.000000e+00> : vector<1024x256xf32>
    %dot_general3A_17 = tpu.matmul %convert_element_type3A_16, %get3A_3, %dot_general3A {dimension_numbers = #tpu.dot_dimension_numbers<[1], [0], [0], [1], [0, 0, 1, 1], [], []>, transpose_lhs_hint = false} : vector<1024x1024xf32>, vector<1024x256xf32>, vector<1024x256xf32> -> vector<1024x256xf32>
    %ge3A = arith.constant 0 : i32
    %ge3A_18 = vector.broadcast %ge3A : i32 to vector<1024x1xi32>
    %ge3A_19 = arith.cmpi sge, %broadcast_in_dim3A_12, %ge3A_18 : vector<1024x1xi32>
    %convert_element_type3A_20 = arith.extui %ge3A_19 : vector<1024x1xi1> to vector<1024x1xi32>
    %convert_element_type3A_21 = arith.sitofp %convert_element_type3A_20 : vector<1024x1xi32> to vector<1024x1xf32>
    %sub3A = arith.constant 1.000000e+00 : f32
    %sub3A_22 = vector.broadcast %sub3A : f32 to vector<1024x1xf32>
    %sub3A_23 = arith.subf %sub3A_22, %convert_element_type3A_21 : vector<1024x1xf32>
    %get3A_24 = arith.constant 0 : index
    %get3A_25 = arith.constant 0 : index
    %get3A_26 = vector.load %arg13[%get3A_24, %get3A_25] : memref<1x256xf32, #tpu.memory_space<vmem>>, vector<1x256xf32>
    %mul3A = vector.broadcast %sub3A_23 : vector<1024x1xf32> to vector<1024x256xf32>
    %mul3A_27 = vector.broadcast %get3A_26 : vector<1x256xf32> to vector<1024x256xf32>
    %mul3A_28 = arith.mulf %mul3A, %mul3A_27 : vector<1024x256xf32>
    %add3A = arith.addf %dot_general3A_17, %mul3A_28 : vector<1024x256xf32>
    %slice3A = vector.extract_strided_slice %add3A {offsets = [1023, 0], sizes = [1, 256], strides = [1, 1]} : vector<1024x256xf32> to vector<1x256xf32>
    %swap3A = arith.constant 0 : index
    %swap3A_29 = arith.constant 0 : index
    %swap3A_30 = vector.load %arg13[%swap3A, %swap3A_29] : memref<1x256xf32, #tpu.memory_space<vmem>>, vector<1x256xf32>
    tpu.vector_store %arg13[%swap3A, %swap3A_29], %slice3A {strides = array<i32>} : memref<1x256xf32, #tpu.memory_space<vmem>>, vector<1x256xf32>,
    %get3A_31 = arith.constant 0 : index
    %get3A_32 = arith.constant 0 : index
    %get3A_33 = vector.load %arg1[%get3A_31, %get3A_32] : memref<1x1xf32, #tpu.memory_space<vmem>>, vector<1x1xf32>
    %get3A_34 = vector.extract %get3A_33[0, 0] : f32 from vector<1x1xf32>
    %get3A_35 = arith.constant 0 : index
    %get3A_36 = arith.constant 0 : index
    %get3A_37 = vector.load %arg2[%get3A_35, %get3A_36] : memref<1024x1xf32, #tpu.memory_space<vmem>>, vector<1024x1xf32>
    %add3A_38 = vector.broadcast %get3A_34 : f32 to vector<1024x1xf32>
    %add3A_39 = arith.addf %get3A_37, %add3A_38 : vector<1024x1xf32>
    %mul3A_40 = arith.constant 8.000000e-01 : f32
    %mul3A_41 = vector.broadcast %mul3A_40 : f32 to vector<1024x1xf32>
    %mul3A_42 = arith.mulf %mul3A_41, %add3A_39 : vector<1024x1xf32>
    %max3A = arith.constant 0.000000e+00 : f32
    %max3A_43 = vector.broadcast %max3A : f32 to vector<1024x1xf32>
    %max3A_44 = arith.maximumf %mul3A_42, %max3A_43 : vector<1024x1xf32>
    %sub3A_45 = arith.subf %mul3A_42, %max3A_44 : vector<1024x1xf32>
    %exp3A = math.exp %sub3A_45 : vector<1024x1xf32>
    %neg3A = arith.constant 0.000000e+00 : f32
    %neg3A_46 = vector.broadcast %neg3A : f32 to vector<1024x1xf32>
    %neg3A_47 = arith.subf %neg3A_46, %max3A_44 : vector<1024x1xf32>
    %exp3A_48 = math.exp %neg3A_47 : vector<1024x1xf32>
    %get3A_49 = arith.constant 0 : index
    %get3A_50 = arith.constant 0 : index
    %get3A_51 = vector.load %arg3[%get3A_49, %get3A_50] : memref<1024x1xi32, #tpu.memory_space<vmem>>, vector<1024x1xi32>
    %gt3A_52 = arith.constant 0 : i32
    %gt3A_53 = vector.broadcast %gt3A_52 : i32 to vector<1024x1xi32>
    %gt3A_54 = arith.cmpi sgt, %get3A_51, %gt3A_53 : vector<1024x1xi32>
    %convert_element_type3A_55 = arith.extui %gt3A_54 : vector<1024x1xi1> to vector<1024x1xi32>
    %convert_element_type3A_56 = arith.sitofp %convert_element_type3A_55 : vector<1024x1xi32> to vector<1024x1xf32>
    %slice3A_57 = vector.extract_strided_slice %add3A {offsets = [0, 0], sizes = [1024, 64], strides = [1, 1]} : vector<1024x256xf32> to vector<1024x64xf32>
    %slice3A_58 = vector.extract_strided_slice %add3A {offsets = [0, 64], sizes = [1024, 64], strides = [1, 1]} : vector<1024x256xf32> to vector<1024x64xf32>
    %slice3A_59 = vector.extract_strided_slice %add3A {offsets = [0, 128], sizes = [1024, 1], strides = [1, 1]} : vector<1024x256xf32> to vector<1024x1xf32>
    %mul3A_60 = arith.mulf %slice3A_59, %convert_element_type3A_56 : vector<1024x1xf32>
    %slice3A_61 = vector.extract_strided_slice %add3A {offsets = [0, 129], sizes = [1024, 1], strides = [1, 1]} : vector<1024x256xf32> to vector<1024x1xf32>
    %mul3A_62 = arith.mulf %slice3A_61, %convert_element_type3A_56 : vector<1024x1xf32>
    %get3A_63 = arith.constant 0 : index
    %get3A_64 = arith.constant 0 : index
    %get3A_65 = vector.load %arg4[%get3A_63, %get3A_64] : memref<1x256xf32, #tpu.memory_space<vmem>>, vector<1x64xf32>
    %get3A_66 = arith.constant 0 : index
    %get3A_67 = arith.constant 128 : index
    %get3A_68 = vector.load %arg4[%get3A_66, %get3A_67] : memref<1x256xf32, #tpu.memory_space<vmem>>, vector<1x1xf32>
    %get3A_69 = vector.extract %get3A_68[0, 0] : f32 from vector<1x1xf32>
    %mul3A_70 = vector.broadcast %convert_element_type3A_56 : vector<1024x1xf32> to vector<1024x64xf32>
    %mul3A_71 = arith.mulf %slice3A_57, %mul3A_70 : vector<1024x64xf32>
    %sub3A_72 = vector.broadcast %get3A_65 : vector<1x64xf32> to vector<1024x64xf32>
    %sub3A_73 = arith.subf %sub3A_72, %mul3A_71 : vector<1024x64xf32>
    %mul3A_74 = vector.broadcast %exp3A : vector<1024x1xf32> to vector<1024x64xf32>
    %mul3A_75 = arith.mulf %mul3A_74, %sub3A_73 : vector<1024x64xf32>
    %mul3A_76 = vector.broadcast %convert_element_type3A_56 : vector<1024x1xf32> to vector<1024x64xf32>
    %mul3A_77 = arith.mulf %slice3A_58, %mul3A_76 : vector<1024x64xf32>
    %mul3A_78 = vector.broadcast %exp3A_48 : vector<1024x1xf32> to vector<1024x64xf32>
    %mul3A_79 = arith.mulf %mul3A_78, %mul3A_77 : vector<1024x64xf32>
    %add3A_80 = arith.addf %mul3A_75, %mul3A_79 : vector<1024x64xf32>
    %sub3A_81 = vector.broadcast %get3A_69 : f32 to vector<1024x1xf32>
    %sub3A_82 = arith.subf %sub3A_81, %mul3A_60 : vector<1024x1xf32>
    %mul3A_83 = arith.mulf %exp3A, %sub3A_82 : vector<1024x1xf32>
    %mul3A_84 = arith.mulf %exp3A_48, %mul3A_62 : vector<1024x1xf32>
    %add3A_85 = arith.addf %mul3A_83, %mul3A_84 : vector<1024x1xf32>
    %div3A = vector.broadcast %add3A_85 : vector<1024x1xf32> to vector<1024x64xf32>
    %div3A_86 = arith.divf %add3A_80, %div3A : vector<1024x64xf32>
    %max3A_87 = arith.constant 0.000000e+00 : f32
    %max3A_88 = vector.broadcast %max3A_87 : f32 to vector<1024x64xf32>
    %max3A_89 = arith.maximumf %div3A_86, %max3A_88 : vector<1024x64xf32>
    %get3A_90 = arith.constant 0 : index
    %get3A_91 = arith.constant 0 : index
    %get3A_92 = vector.load %arg7[%get3A_90, %get3A_91] : memref<64x32xf32, #tpu.memory_space<vmem>>, vector<64x32xf32>
    %dot_general3A_93 = arith.constant dense<0.000000e+00> : vector<1024x32xf32>
    %dot_general3A_94 = tpu.matmul %max3A_89, %get3A_92, %dot_general3A_93 {dimension_numbers = #tpu.dot_dimension_numbers<[1], [0], [0], [1], [0, 0, 1, 1], [], []>, transpose_lhs_hint = false} : vector<1024x64xf32>, vector<64x32xf32>, vector<1024x32xf32> -> vector<1024x32xf32>
    %get3A_95 = arith.constant 0 : index
    %get3A_96 = arith.constant 0 : index
    %get3A_97 = vector.load %arg8[%get3A_95, %get3A_96] : memref<1x32xf32, #tpu.memory_space<vmem>>, vector<1x32xf32>
    %add3A_98 = vector.broadcast %get3A_97 : vector<1x32xf32> to vector<1024x32xf32>
    %add3A_99 = arith.addf %dot_general3A_94, %add3A_98 : vector<1024x32xf32>
    %swap3A_100 = arith.constant 0 : index
    %swap3A_101 = arith.constant 0 : index
    %swap3A_102 = vector.load %arg10[%swap3A_100, %swap3A_101] : memref<1024x128xf32, #tpu.memory_space<vmem>>, vector<1024x32xf32>
    tpu.vector_store %arg10[%swap3A_100, %swap3A_101], %add3A_99 {strides = array<i32>} : memref<1024x128xf32, #tpu.memory_space<vmem>>, vector<1024x32xf32>,
    %broadcast_in_dim3A_103 = arith.constant 0.000000e+00 : f32
    %broadcast_in_dim3A_104 = vector.broadcast %broadcast_in_dim3A_103 : f32 to vector<1024x96xf32>
    %swap3A_105 = arith.constant 0 : index
    %swap3A_106 = arith.constant 32 : index
    %swap3A_107 = vector.load %arg10[%swap3A_105, %swap3A_106] : memref<1024x128xf32, #tpu.memory_space<vmem>>, vector<1024x96xf32>
    tpu.vector_store %arg10[%swap3A_105, %swap3A_106], %broadcast_in_dim3A_104 {strides = array<i32>} : memref<1024x128xf32, #tpu.memory_space<vmem>>, vector<1024x96xf32>,
    %get3A_108 = arith.constant 0 : index
    %get3A_109 = arith.constant 0 : index
    %get3A_110 = vector.load %arg9[%get3A_108, %get3A_109] : memref<32x2xf32, #tpu.memory_space<vmem>>, vector<32x2xf32>
    %dot_general3A_111 = arith.constant dense<0.000000e+00> : vector<1024x2xf32>
    %dot_general3A_112 = tpu.matmul %add3A_99, %get3A_110, %dot_general3A_111 {dimension_numbers = #tpu.dot_dimension_numbers<[1], [0], [0], [1], [0, 0, 1, 1], [], []>, transpose_lhs_hint = false} : vector<1024x32xf32>, vector<32x2xf32>, vector<1024x2xf32> -> vector<1024x2xf32>
    %slice3A_113 = vector.extract_strided_slice %dot_general3A_112 {offsets = [0, 0], sizes = [1024, 1], strides = [1, 1]} : vector<1024x2xf32> to vector<1024x1xf32>
    %swap3A_114 = arith.constant 0 : index
    %swap3A_115 = arith.constant 0 : index
    %swap3A_116 = vector.load %arg11[%swap3A_114, %swap3A_115] : memref<1024x1xf32, #tpu.memory_space<vmem>>, vector<1024x1xf32>
    tpu.vector_store %arg11[%swap3A_114, %swap3A_115], %slice3A_113 {strides = array<i32>} : memref<1024x1xf32, #tpu.memory_space<vmem>>, vector<1024x1xf32>,
    %slice3A_117 = vector.extract_strided_slice %dot_general3A_112 {offsets = [0, 1], sizes = [1024, 1], strides = [1, 1]} : vector<1024x2xf32> to vector<1024x1xf32>
    %swap3A_118 = arith.constant 0 : index
    %swap3A_119 = arith.constant 0 : index
    %swap3A_120 = vector.load %arg12[%swap3A_118, %swap3A_119] : memref<1024x1xf32, #tpu.memory_space<vmem>>, vector<1024x1xf32>
    tpu.vector_store %arg12[%swap3A_118, %swap3A_119], %slice3A_117 {strides = array<i32>} : memref<1024x1xf32, #tpu.memory_space<vmem>>, vector<1024x1xf32>,
    return
  }
  func.func @transform_0(%arg0: i32) -> (i32, i32) {
    %c0_i32 = arith.constant 0 : i32
    %c0_i32_0 = arith.constant 0 : i32
    %c0_i32_1 = arith.constant 0 : i32
    return %c0_i32, %c0_i32_0 : i32, i32
  }
  func.func @transform_1(%arg0: i32) -> (i32, i32) {
    %c0_i32 = arith.constant 0 : i32
    %c0_i32_0 = arith.constant 0 : i32
    return %arg0, %c0_i32 : i32, i32
  }
  func.func @transform_2(%arg0: i32) -> (i32, i32) {
    %c0_i32 = arith.constant 0 : i32
    %c0_i32_0 = arith.constant 0 : i32
    return %arg0, %c0_i32 : i32, i32
  }
  func.func @transform_3(%arg0: i32) -> (i32, i32) {
    %c0_i32 = arith.constant 0 : i32
    %c0_i32_0 = arith.constant 0 : i32
    %c0_i32_1 = arith.constant 0 : i32
    return %c0_i32, %c0_i32_0 : i32, i32
  }
  func.func @transform_4(%arg0: i32) -> (i32, i32) {
    %c0_i32 = arith.constant 0 : i32
    %c0_i32_0 = arith.constant 0 : i32
    return %arg0, %c0_i32 : i32, i32
  }
  func.func @transform_5(%arg0: i32) -> (i32, i32) {
    %c0_i32 = arith.constant 0 : i32
    %c0_i32_0 = arith.constant 0 : i32
    return %c0_i32, %arg0 : i32, i32
  }
  func.func @transform_6(%arg0: i32) -> (i32, i32) {
    %c0_i32 = arith.constant 0 : i32
    %c0_i32_0 = arith.constant 0 : i32
    %c0_i32_1 = arith.constant 0 : i32
    return %c0_i32, %c0_i32_0 : i32, i32
  }
  func.func @transform_7(%arg0: i32) -> (i32, i32) {
    %c0_i32 = arith.constant 0 : i32
    %c0_i32_0 = arith.constant 0 : i32
    %c0_i32_1 = arith.constant 0 : i32
    return %c0_i32, %c0_i32_0 : i32, i32
  }
  func.func @transform_8(%arg0: i32) -> (i32, i32) {
    %c0_i32 = arith.constant 0 : i32
    %c0_i32_0 = arith.constant 0 : i32
    %c0_i32_1 = arith.constant 0 : i32
    return %c0_i32, %c0_i32_0 : i32, i32
  }
  func.func @transform_9(%arg0: i32) -> (i32, i32) {
    %c0_i32 = arith.constant 0 : i32
    %c0_i32_0 = arith.constant 0 : i32
    return %arg0, %c0_i32 : i32, i32
  }
  func.func @transform_10(%arg0: i32) -> (i32, i32) {
    %c0_i32 = arith.constant 0 : i32
    %c0_i32_0 = arith.constant 0 : i32
    return %arg0, %c0_i32 : i32, i32
  }
  func.func @transform_11(%arg0: i32) -> (i32, i32) {
    %c0_i32 = arith.constant 0 : i32
    %c0_i32_0 = arith.constant 0 : i32
    return %arg0, %c0_i32 : i32, i32
  }
}

module attributes {stable_mosaic.version = 14 : i64} {
  func.func @_scan_body(%arg0: i32, %arg1: memref<1x1xf32, #tpu.memory_space<vmem>>, %arg2: memref<1000x1xf32, #tpu.memory_space<vmem>>, %arg3: memref<1000x128xf32, #tpu.memory_space<vmem>>, %arg4: memref<1000x128xf32, #tpu.memory_space<vmem>>, %arg5: memref<1x2xf32, #tpu.memory_space<vmem>>, %arg6: memref<1x32xf32, #tpu.memory_space<vmem>>, %arg7: memref<1x32xf32, #tpu.memory_space<vmem>>) attributes {dimension_semantics = [#tpu.dimension_semantics<arbitrary>], iteration_bounds = array<i64: 10>, scalar_prefetch = 0 : i64, scratch_operands = 3 : i64, tpu.core_type = #tpu.core_type<tc>, window_params = [{pipeline_mode = #tpu.pipeline_mode<synchronous>, transform_indices = @transform_0, window_bounds = array<i64: 1, 1>}, {transform_indices = @transform_1, window_bounds = array<i64: 1000, 1>}, {transform_indices = @transform_2, window_bounds = array<i64: 1000, 128>}, {transform_indices = @transform_3, window_bounds = array<i64: 1000, 128>}]} {
    %eq3A = arith.constant 0 : i32
    %eq3A_0 = arith.cmpi eq, %arg0, %eq3A : i32
    %convert_element_type3A = arith.extui %eq3A_0 : i1 to i32
    %cond3A = arith.constant 0 : i32
    %cond3A_1 = arith.cmpi ne, %convert_element_type3A, %cond3A : i32
    scf.if %cond3A_1 {
      %broadcast_in_dim3A_66 = arith.constant 0.000000e+00 : f32
      %broadcast_in_dim3A_67 = vector.broadcast %broadcast_in_dim3A_66 : f32 to vector<1x2xf32>
      %swap3A_68 = arith.constant 0 : index
      %swap3A_69 = arith.constant 0 : index
      %swap3A_70 = vector.load %arg5[%swap3A_68, %swap3A_69] : memref<1x2xf32, #tpu.memory_space<vmem>>, vector<1x2xf32>
      tpu.vector_store %arg5[%swap3A_68, %swap3A_69], %broadcast_in_dim3A_67 {strides = array<i32>} : memref<1x2xf32, #tpu.memory_space<vmem>>, vector<1x2xf32>,
      %broadcast_in_dim3A_71 = arith.constant 0.000000e+00 : f32
      %broadcast_in_dim3A_72 = vector.broadcast %broadcast_in_dim3A_71 : f32 to vector<1x32xf32>
      %swap3A_73 = arith.constant 0 : index
      %swap3A_74 = arith.constant 0 : index
      %swap3A_75 = vector.load %arg6[%swap3A_73, %swap3A_74] : memref<1x32xf32, #tpu.memory_space<vmem>>, vector<1x32xf32>
      tpu.vector_store %arg6[%swap3A_73, %swap3A_74], %broadcast_in_dim3A_72 {strides = array<i32>} : memref<1x32xf32, #tpu.memory_space<vmem>>, vector<1x32xf32>,
      %broadcast_in_dim3A_76 = arith.constant 0.000000e+00 : f32
      %broadcast_in_dim3A_77 = vector.broadcast %broadcast_in_dim3A_76 : f32 to vector<1x32xf32>
      %swap3A_78 = arith.constant 0 : index
      %swap3A_79 = arith.constant 0 : index
      %swap3A_80 = vector.load %arg7[%swap3A_78, %swap3A_79] : memref<1x32xf32, #tpu.memory_space<vmem>>, vector<1x32xf32>
      tpu.vector_store %arg7[%swap3A_78, %swap3A_79], %broadcast_in_dim3A_77 {strides = array<i32>} : memref<1x32xf32, #tpu.memory_space<vmem>>, vector<1x32xf32>,
    } else {
    }
    %get3A = arith.constant 0 : index
    %get3A_2 = arith.constant 0 : index
    %get3A_3 = vector.load %arg1[%get3A, %get3A_2] : memref<1x1xf32, #tpu.memory_space<vmem>>, vector<1x1xf32>
    %get3A_4 = vector.extract %get3A_3[0, 0] : f32 from vector<1x1xf32>
    %get3A_5 = arith.constant 0 : index
    %get3A_6 = arith.constant 0 : index
    %get3A_7 = vector.load %arg2[%get3A_5, %get3A_6] : memref<1000x1xf32, #tpu.memory_space<vmem>>, vector<1000x1xf32>
    %sub3A = vector.broadcast %get3A_4 : f32 to vector<1000x1xf32>
    %sub3A_8 = arith.subf %get3A_7, %sub3A : vector<1000x1xf32>
    %exp3A = math.exp %sub3A_8 : vector<1000x1xf32>
    %sub3A_9 = vector.broadcast %get3A_4 : f32 to vector<1000x1xf32>
    %sub3A_10 = arith.subf %get3A_7, %sub3A_9 : vector<1000x1xf32>
    %mul3A = arith.constant 2.000000e-01 : f32
    %mul3A_11 = vector.broadcast %mul3A : f32 to vector<1000x1xf32>
    %mul3A_12 = arith.mulf %mul3A_11, %sub3A_10 : vector<1000x1xf32>
    %exp3A_13 = math.exp %mul3A_12 : vector<1000x1xf32>
    %iota3A = tpu.iota {dimensions = array<i32: 0>} : vector<1000x1000xi32>
    %iota3A_14 = tpu.iota {dimensions = array<i32: 1>} : vector<1000x1000xi32>
    %le3A = arith.cmpi sle, %iota3A_14, %iota3A : vector<1000x1000xi32>
    %convert_element_type3A_15 = arith.extui %le3A : vector<1000x1000xi1> to vector<1000x1000xi32>
    %convert_element_type3A_16 = arith.sitofp %convert_element_type3A_15 : vector<1000x1000xi32> to vector<1000x1000xf32>
    %get3A_17 = arith.constant 0 : index
    %get3A_18 = arith.constant 0 : index
    %get3A_19 = vector.load %arg3[%get3A_17, %get3A_18] : memref<1000x128xf32, #tpu.memory_space<vmem>>, vector<1000x32xf32>
    %concatenate3A = tpu.concatenate %exp3A, %exp3A_13 in 1 : vector<1000x1xf32>, vector<1000x1xf32> -> vector<1000x2xf32>
    %dot_general3A = arith.constant dense<0.000000e+00> : vector<1000x2xf32>
    %dot_general3A_20 = tpu.matmul %convert_element_type3A_16, %concatenate3A, %dot_general3A {dimension_numbers = #tpu.dot_dimension_numbers<[1], [0], [0], [1], [0, 0, 1, 1], [], []>, transpose_lhs_hint = false} : vector<1000x1000xf32>, vector<1000x2xf32>, vector<1000x2xf32> -> vector<1000x2xf32>
    %get3A_21 = arith.constant 0 : index
    %get3A_22 = arith.constant 0 : index
    %get3A_23 = vector.load %arg5[%get3A_21, %get3A_22] : memref<1x2xf32, #tpu.memory_space<vmem>>, vector<1x2xf32>
    %add3A = vector.broadcast %get3A_23 : vector<1x2xf32> to vector<1000x2xf32>
    %add3A_24 = arith.addf %dot_general3A_20, %add3A : vector<1000x2xf32>
    %mul3A_25 = vector.broadcast %exp3A : vector<1000x1xf32> to vector<1000x32xf32>
    %mul3A_26 = arith.mulf %mul3A_25, %get3A_19 : vector<1000x32xf32>
    %dot_general3A_27 = arith.constant dense<0.000000e+00> : vector<1000x32xf32>
    %dot_general3A_28 = tpu.matmul %convert_element_type3A_16, %mul3A_26, %dot_general3A_27 {dimension_numbers = #tpu.dot_dimension_numbers<[1], [0], [0], [1], [0, 0, 1, 1], [], []>, transpose_lhs_hint = false} : vector<1000x1000xf32>, vector<1000x32xf32>, vector<1000x32xf32> -> vector<1000x32xf32>
    %get3A_29 = arith.constant 0 : index
    %get3A_30 = arith.constant 0 : index
    %get3A_31 = vector.load %arg6[%get3A_29, %get3A_30] : memref<1x32xf32, #tpu.memory_space<vmem>>, vector<1x32xf32>
    %add3A_32 = vector.broadcast %get3A_31 : vector<1x32xf32> to vector<1000x32xf32>
    %add3A_33 = arith.addf %dot_general3A_28, %add3A_32 : vector<1000x32xf32>
    %mul3A_34 = vector.broadcast %exp3A_13 : vector<1000x1xf32> to vector<1000x32xf32>
    %mul3A_35 = arith.mulf %mul3A_34, %get3A_19 : vector<1000x32xf32>
    %dot_general3A_36 = arith.constant dense<0.000000e+00> : vector<1000x32xf32>
    %dot_general3A_37 = tpu.matmul %convert_element_type3A_16, %mul3A_35, %dot_general3A_36 {dimension_numbers = #tpu.dot_dimension_numbers<[1], [0], [0], [1], [0, 0, 1, 1], [], []>, transpose_lhs_hint = false} : vector<1000x1000xf32>, vector<1000x32xf32>, vector<1000x32xf32> -> vector<1000x32xf32>
    %get3A_38 = arith.constant 0 : index
    %get3A_39 = arith.constant 0 : index
    %get3A_40 = vector.load %arg7[%get3A_38, %get3A_39] : memref<1x32xf32, #tpu.memory_space<vmem>>, vector<1x32xf32>
    %add3A_41 = vector.broadcast %get3A_40 : vector<1x32xf32> to vector<1000x32xf32>
    %add3A_42 = arith.addf %dot_general3A_37, %add3A_41 : vector<1000x32xf32>
    %swap3A = arith.constant 0 : index
    %swap3A_43 = arith.constant 0 : index
    %swap3A_44 = vector.load %arg4[%swap3A, %swap3A_43] : memref<1000x128xf32, #tpu.memory_space<vmem>>, vector<1000x32xf32>
    tpu.vector_store %arg4[%swap3A, %swap3A_43], %add3A_33 {strides = array<i32>} : memref<1000x128xf32, #tpu.memory_space<vmem>>, vector<1000x32xf32>,
    %swap3A_45 = arith.constant 0 : index
    %swap3A_46 = arith.constant 32 : index
    %swap3A_47 = vector.load %arg4[%swap3A_45, %swap3A_46] : memref<1000x128xf32, #tpu.memory_space<vmem>>, vector<1000x32xf32>
    tpu.vector_store %arg4[%swap3A_45, %swap3A_46], %add3A_42 {strides = array<i32>} : memref<1000x128xf32, #tpu.memory_space<vmem>>, vector<1000x32xf32>,
    %swap3A_48 = arith.constant 0 : index
    %swap3A_49 = arith.constant 64 : index
    %swap3A_50 = vector.load %arg4[%swap3A_48, %swap3A_49] : memref<1000x128xf32, #tpu.memory_space<vmem>>, vector<1000x2xf32>
    tpu.vector_store %arg4[%swap3A_48, %swap3A_49], %add3A_24 {strides = array<i32>} : memref<1000x128xf32, #tpu.memory_space<vmem>>, vector<1000x2xf32>,
    %broadcast_in_dim3A = arith.constant 0.000000e+00 : f32
    %broadcast_in_dim3A_51 = vector.broadcast %broadcast_in_dim3A : f32 to vector<1000x62xf32>
    %swap3A_52 = arith.constant 0 : index
    %swap3A_53 = arith.constant 66 : index
    %swap3A_54 = vector.load %arg4[%swap3A_52, %swap3A_53] : memref<1000x128xf32, #tpu.memory_space<vmem>>, vector<1000x62xf32>
    tpu.vector_store %arg4[%swap3A_52, %swap3A_53], %broadcast_in_dim3A_51 {strides = array<i32>} : memref<1000x128xf32, #tpu.memory_space<vmem>>, vector<1000x62xf32>,
    %slice3A = vector.extract_strided_slice %add3A_24 {offsets = [999, 0], sizes = [1, 2], strides = [1, 1]} : vector<1000x2xf32> to vector<1x2xf32>
    %swap3A_55 = arith.constant 0 : index
    %swap3A_56 = arith.constant 0 : index
    %swap3A_57 = vector.load %arg5[%swap3A_55, %swap3A_56] : memref<1x2xf32, #tpu.memory_space<vmem>>, vector<1x2xf32>
    tpu.vector_store %arg5[%swap3A_55, %swap3A_56], %slice3A {strides = array<i32>} : memref<1x2xf32, #tpu.memory_space<vmem>>, vector<1x2xf32>,
    %slice3A_58 = vector.extract_strided_slice %add3A_33 {offsets = [999, 0], sizes = [1, 32], strides = [1, 1]} : vector<1000x32xf32> to vector<1x32xf32>
    %swap3A_59 = arith.constant 0 : index
    %swap3A_60 = arith.constant 0 : index
    %swap3A_61 = vector.load %arg6[%swap3A_59, %swap3A_60] : memref<1x32xf32, #tpu.memory_space<vmem>>, vector<1x32xf32>
    tpu.vector_store %arg6[%swap3A_59, %swap3A_60], %slice3A_58 {strides = array<i32>} : memref<1x32xf32, #tpu.memory_space<vmem>>, vector<1x32xf32>,
    %slice3A_62 = vector.extract_strided_slice %add3A_42 {offsets = [999, 0], sizes = [1, 32], strides = [1, 1]} : vector<1000x32xf32> to vector<1x32xf32>
    %swap3A_63 = arith.constant 0 : index
    %swap3A_64 = arith.constant 0 : index
    %swap3A_65 = vector.load %arg7[%swap3A_63, %swap3A_64] : memref<1x32xf32, #tpu.memory_space<vmem>>, vector<1x32xf32>
    tpu.vector_store %arg7[%swap3A_63, %swap3A_64], %slice3A_62 {strides = array<i32>} : memref<1x32xf32, #tpu.memory_space<vmem>>, vector<1x32xf32>,
    return
  }
  func.func @transform_0(%arg0: i32) -> (i32, i32) {
    %c0_i32 = arith.constant 0 : i32
    %c0_i32_0 = arith.constant 0 : i32
    %c0_i32_1 = arith.constant 0 : i32
    return %c0_i32, %c0_i32_0 : i32, i32
  }
  func.func @transform_1(%arg0: i32) -> (i32, i32) {
    %c0_i32 = arith.constant 0 : i32
    %c0_i32_0 = arith.constant 0 : i32
    return %arg0, %c0_i32 : i32, i32
  }
  func.func @transform_2(%arg0: i32) -> (i32, i32) {
    %c0_i32 = arith.constant 0 : i32
    %c0_i32_0 = arith.constant 0 : i32
    return %arg0, %c0_i32 : i32, i32
  }
  func.func @transform_3(%arg0: i32) -> (i32, i32) {
    %c0_i32 = arith.constant 0 : i32
    %c0_i32_0 = arith.constant 0 : i32
    return %arg0, %c0_i32 : i32, i32
  }
}

module attributes {stable_mosaic.version = 14 : i64} {
  func.func @_combine_cls_body(%arg0: i32, %arg1: memref<1x1xf32, #tpu.memory_space<vmem>>, %arg2: memref<1024x1xf32, #tpu.memory_space<vmem>>, %arg3: memref<1024x1xi32, #tpu.memory_space<vmem>>, %arg4: memref<1x128xf32, #tpu.memory_space<vmem>>, %arg5: memref<1024x128xf32, #tpu.memory_space<vmem>>, %arg6: memref<1x1024xf32, #tpu.memory_space<vmem>>, %arg7: memref<32x1xf32, #tpu.memory_space<vmem>>, %arg8: memref<1x1xf32, #tpu.memory_space<vmem>>, %arg9: memref<1024x1xf32, #tpu.memory_space<vmem>>, %arg10: memref<1x128xf32, #tpu.memory_space<vmem>>) attributes {dimension_semantics = [#tpu.dimension_semantics<arbitrary>], iteration_bounds = array<i64: 10>, scalar_prefetch = 0 : i64, scratch_operands = 1 : i64, tpu.core_type = #tpu.core_type<tc>, window_params = [{pipeline_mode = #tpu.pipeline_mode<synchronous>, transform_indices = @transform_0, window_bounds = array<i64: 1, 1>}, {transform_indices = @transform_1, window_bounds = array<i64: 1024, 1>}, {transform_indices = @transform_2, window_bounds = array<i64: 1024, 1>}, {pipeline_mode = #tpu.pipeline_mode<synchronous>, transform_indices = @transform_3, window_bounds = array<i64: 1, 128>}, {transform_indices = @transform_4, window_bounds = array<i64: 1024, 128>}, {transform_indices = @transform_5, window_bounds = array<i64: 1, 1024>}, {pipeline_mode = #tpu.pipeline_mode<synchronous>, transform_indices = @transform_6, window_bounds = array<i64: 32, 1>}, {pipeline_mode = #tpu.pipeline_mode<synchronous>, transform_indices = @transform_7, window_bounds = array<i64: 1, 1>}, {transform_indices = @transform_8, window_bounds = array<i64: 1024, 1>}]} {
    %eq3A = arith.constant 0 : i32
    %eq3A_0 = arith.cmpi eq, %arg0, %eq3A : i32
    %convert_element_type3A = arith.extui %eq3A_0 : i1 to i32
    %cond3A = arith.constant 0 : i32
    %cond3A_1 = arith.cmpi ne, %convert_element_type3A, %cond3A : i32
    scf.if %cond3A_1 {
      %broadcast_in_dim3A_108 = arith.constant 0.000000e+00 : f32
      %broadcast_in_dim3A_109 = vector.broadcast %broadcast_in_dim3A_108 : f32 to vector<1x128xf32>
      %swap3A_110 = arith.constant 0 : index
      %swap3A_111 = arith.constant 0 : index
      %swap3A_112 = vector.load %arg10[%swap3A_110, %swap3A_111] : memref<1x128xf32, #tpu.memory_space<vmem>>, vector<1x128xf32>
      tpu.vector_store %arg10[%swap3A_110, %swap3A_111], %broadcast_in_dim3A_109 {strides = array<i32>} : memref<1x128xf32, #tpu.memory_space<vmem>>, vector<1x128xf32>,
    } else {
    }
    %get3A = arith.constant 0 : index
    %get3A_2 = arith.constant 0 : index
    %get3A_3 = vector.load %arg5[%get3A, %get3A_2] : memref<1024x128xf32, #tpu.memory_space<vmem>>, vector<1024x128xf32>
    %get3A_4 = arith.constant 0 : index
    %get3A_5 = arith.constant 0 : index
    %get3A_6 = vector.load %arg6[%get3A_4, %get3A_5] : memref<1x1024xf32, #tpu.memory_space<vmem>>, vector<1x1024xf32>
    %iota3A = tpu.iota {dimensions = array<i32: 0>} : vector<1024x1024xi32>
    %iota3A_7 = tpu.iota {dimensions = array<i32: 1>} : vector<1024x1024xi32>
    %le3A = arith.cmpi sle, %iota3A_7, %iota3A : vector<1024x1024xi32>
    %gt3A = arith.constant 5.000000e-01 : f32
    %gt3A_8 = vector.broadcast %gt3A : f32 to vector<1x1024xf32>
    %gt3A_9 = arith.cmpf ogt, %get3A_6, %gt3A_8 : vector<1x1024xf32>
    %and3A = vector.broadcast %gt3A_9 : vector<1x1024xi1> to vector<1024x1024xi1>
    %and3A_10 = arith.andi %le3A, %and3A : vector<1024x1024xi1>
    %jit3A = arith.constant -1 : i32
    %broadcast_in_dim3A = vector.broadcast %jit3A : i32 to vector<1024x1024xi32>
    %select_n3A = arith.select %and3A_10, %iota3A_7, %broadcast_in_dim3A : vector<1024x1024xi1>, vector<1024x1024xi32>
    %reduce_max3A = arith.constant dense<-2147483648> : vector<1024xi32>
    %reduce_max3A_11 = vector.multi_reduction <maxsi>, %select_n3A, %reduce_max3A [1] : vector<1024x1024xi32> to vector<1024xi32>
    %broadcast_in_dim3A_12 = vector.shape_cast %reduce_max3A_11 : vector<1024xi32> to vector<1024x1xi32>
    %eq3A_13 = vector.broadcast %broadcast_in_dim3A_12 : vector<1024x1xi32> to vector<1024x1024xi32>
    %eq3A_14 = arith.cmpi eq, %iota3A_7, %eq3A_13 : vector<1024x1024xi32>
    %convert_element_type3A_15 = arith.extui %eq3A_14 : vector<1024x1024xi1> to vector<1024x1024xi32>
    %convert_element_type3A_16 = arith.sitofp %convert_element_type3A_15 : vector<1024x1024xi32> to vector<1024x1024xf32>
    %dot_general3A = arith.constant dense<0.000000e+00> : vector<1024x128xf32>
    %dot_general3A_17 = tpu.matmul %convert_element_type3A_16, %get3A_3, %dot_general3A {dimension_numbers = #tpu.dot_dimension_numbers<[1], [0], [0], [1], [0, 0, 1, 1], [], []>, transpose_lhs_hint = false} : vector<1024x1024xf32>, vector<1024x128xf32>, vector<1024x128xf32> -> vector<1024x128xf32>
    %ge3A = arith.constant 0 : i32
    %ge3A_18 = vector.broadcast %ge3A : i32 to vector<1024x1xi32>
    %ge3A_19 = arith.cmpi sge, %broadcast_in_dim3A_12, %ge3A_18 : vector<1024x1xi32>
    %convert_element_type3A_20 = arith.extui %ge3A_19 : vector<1024x1xi1> to vector<1024x1xi32>
    %convert_element_type3A_21 = arith.sitofp %convert_element_type3A_20 : vector<1024x1xi32> to vector<1024x1xf32>
    %sub3A = arith.constant 1.000000e+00 : f32
    %sub3A_22 = vector.broadcast %sub3A : f32 to vector<1024x1xf32>
    %sub3A_23 = arith.subf %sub3A_22, %convert_element_type3A_21 : vector<1024x1xf32>
    %get3A_24 = arith.constant 0 : index
    %get3A_25 = arith.constant 0 : index
    %get3A_26 = vector.load %arg10[%get3A_24, %get3A_25] : memref<1x128xf32, #tpu.memory_space<vmem>>, vector<1x128xf32>
    %mul3A = vector.broadcast %sub3A_23 : vector<1024x1xf32> to vector<1024x128xf32>
    %mul3A_27 = vector.broadcast %get3A_26 : vector<1x128xf32> to vector<1024x128xf32>
    %mul3A_28 = arith.mulf %mul3A, %mul3A_27 : vector<1024x128xf32>
    %add3A = arith.addf %dot_general3A_17, %mul3A_28 : vector<1024x128xf32>
    %slice3A = vector.extract_strided_slice %add3A {offsets = [1023, 0], sizes = [1, 128], strides = [1, 1]} : vector<1024x128xf32> to vector<1x128xf32>
    %swap3A = arith.constant 0 : index
    %swap3A_29 = arith.constant 0 : index
    %swap3A_30 = vector.load %arg10[%swap3A, %swap3A_29] : memref<1x128xf32, #tpu.memory_space<vmem>>, vector<1x128xf32>
    tpu.vector_store %arg10[%swap3A, %swap3A_29], %slice3A {strides = array<i32>} : memref<1x128xf32, #tpu.memory_space<vmem>>, vector<1x128xf32>,
    %get3A_31 = arith.constant 0 : index
    %get3A_32 = arith.constant 0 : index
    %get3A_33 = vector.load %arg1[%get3A_31, %get3A_32] : memref<1x1xf32, #tpu.memory_space<vmem>>, vector<1x1xf32>
    %get3A_34 = vector.extract %get3A_33[0, 0] : f32 from vector<1x1xf32>
    %get3A_35 = arith.constant 0 : index
    %get3A_36 = arith.constant 0 : index
    %get3A_37 = vector.load %arg2[%get3A_35, %get3A_36] : memref<1024x1xf32, #tpu.memory_space<vmem>>, vector<1024x1xf32>
    %add3A_38 = vector.broadcast %get3A_34 : f32 to vector<1024x1xf32>
    %add3A_39 = arith.addf %get3A_37, %add3A_38 : vector<1024x1xf32>
    %mul3A_40 = arith.constant 8.000000e-01 : f32
    %mul3A_41 = vector.broadcast %mul3A_40 : f32 to vector<1024x1xf32>
    %mul3A_42 = arith.mulf %mul3A_41, %add3A_39 : vector<1024x1xf32>
    %max3A = arith.constant 0.000000e+00 : f32
    %max3A_43 = vector.broadcast %max3A : f32 to vector<1024x1xf32>
    %max3A_44 = arith.maximumf %mul3A_42, %max3A_43 : vector<1024x1xf32>
    %sub3A_45 = arith.subf %mul3A_42, %max3A_44 : vector<1024x1xf32>
    %exp3A = math.exp %sub3A_45 : vector<1024x1xf32>
    %neg3A = arith.constant 0.000000e+00 : f32
    %neg3A_46 = vector.broadcast %neg3A : f32 to vector<1024x1xf32>
    %neg3A_47 = arith.subf %neg3A_46, %max3A_44 : vector<1024x1xf32>
    %exp3A_48 = math.exp %neg3A_47 : vector<1024x1xf32>
    %get3A_49 = arith.constant 0 : index
    %get3A_50 = arith.constant 0 : index
    %get3A_51 = vector.load %arg3[%get3A_49, %get3A_50] : memref<1024x1xi32, #tpu.memory_space<vmem>>, vector<1024x1xi32>
    %gt3A_52 = arith.constant 0 : i32
    %gt3A_53 = vector.broadcast %gt3A_52 : i32 to vector<1024x1xi32>
    %gt3A_54 = arith.cmpi sgt, %get3A_51, %gt3A_53 : vector<1024x1xi32>
    %convert_element_type3A_55 = arith.extui %gt3A_54 : vector<1024x1xi1> to vector<1024x1xi32>
    %convert_element_type3A_56 = arith.sitofp %convert_element_type3A_55 : vector<1024x1xi32> to vector<1024x1xf32>
    %slice3A_57 = vector.extract_strided_slice %add3A {offsets = [0, 0], sizes = [1024, 32], strides = [1, 1]} : vector<1024x128xf32> to vector<1024x32xf32>
    %slice3A_58 = vector.extract_strided_slice %add3A {offsets = [0, 32], sizes = [1024, 32], strides = [1, 1]} : vector<1024x128xf32> to vector<1024x32xf32>
    %slice3A_59 = vector.extract_strided_slice %add3A {offsets = [0, 64], sizes = [1024, 1], strides = [1, 1]} : vector<1024x128xf32> to vector<1024x1xf32>
    %mul3A_60 = arith.mulf %slice3A_59, %convert_element_type3A_56 : vector<1024x1xf32>
    %slice3A_61 = vector.extract_strided_slice %add3A {offsets = [0, 65], sizes = [1024, 1], strides = [1, 1]} : vector<1024x128xf32> to vector<1024x1xf32>
    %mul3A_62 = arith.mulf %slice3A_61, %convert_element_type3A_56 : vector<1024x1xf32>
    %get3A_63 = arith.constant 0 : index
    %get3A_64 = arith.constant 0 : index
    %get3A_65 = vector.load %arg4[%get3A_63, %get3A_64] : memref<1x128xf32, #tpu.memory_space<vmem>>, vector<1x32xf32>
    %get3A_66 = arith.constant 0 : index
    %get3A_67 = arith.constant 64 : index
    %get3A_68 = vector.load %arg4[%get3A_66, %get3A_67] : memref<1x128xf32, #tpu.memory_space<vmem>>, vector<1x1xf32>
    %get3A_69 = vector.extract %get3A_68[0, 0] : f32 from vector<1x1xf32>
    %mul3A_70 = vector.broadcast %convert_element_type3A_56 : vector<1024x1xf32> to vector<1024x32xf32>
    %mul3A_71 = arith.mulf %slice3A_57, %mul3A_70 : vector<1024x32xf32>
    %sub3A_72 = vector.broadcast %get3A_65 : vector<1x32xf32> to vector<1024x32xf32>
    %sub3A_73 = arith.subf %sub3A_72, %mul3A_71 : vector<1024x32xf32>
    %mul3A_74 = vector.broadcast %exp3A : vector<1024x1xf32> to vector<1024x32xf32>
    %mul3A_75 = arith.mulf %mul3A_74, %sub3A_73 : vector<1024x32xf32>
    %mul3A_76 = vector.broadcast %convert_element_type3A_56 : vector<1024x1xf32> to vector<1024x32xf32>
    %mul3A_77 = arith.mulf %slice3A_58, %mul3A_76 : vector<1024x32xf32>
    %mul3A_78 = vector.broadcast %exp3A_48 : vector<1024x1xf32> to vector<1024x32xf32>
    %mul3A_79 = arith.mulf %mul3A_78, %mul3A_77 : vector<1024x32xf32>
    %add3A_80 = arith.addf %mul3A_75, %mul3A_79 : vector<1024x32xf32>
    %sub3A_81 = vector.broadcast %get3A_69 : f32 to vector<1024x1xf32>
    %sub3A_82 = arith.subf %sub3A_81, %mul3A_60 : vector<1024x1xf32>
    %mul3A_83 = arith.mulf %exp3A, %sub3A_82 : vector<1024x1xf32>
    %mul3A_84 = arith.mulf %exp3A_48, %mul3A_62 : vector<1024x1xf32>
    %add3A_85 = arith.addf %mul3A_83, %mul3A_84 : vector<1024x1xf32>
    %div3A = vector.broadcast %add3A_85 : vector<1024x1xf32> to vector<1024x32xf32>
    %div3A_86 = arith.divf %add3A_80, %div3A : vector<1024x32xf32>
    %max3A_87 = arith.constant 0.000000e+00 : f32
    %max3A_88 = vector.broadcast %max3A_87 : f32 to vector<1024x32xf32>
    %max3A_89 = arith.maximumf %div3A_86, %max3A_88 : vector<1024x32xf32>
    %get3A_90 = arith.constant 0 : index
    %get3A_91 = arith.constant 0 : index
    %get3A_92 = vector.load %arg7[%get3A_90, %get3A_91] : memref<32x1xf32, #tpu.memory_space<vmem>>, vector<32x1xf32>
    %dot_general3A_93 = arith.constant dense<0.000000e+00> : vector<1024x1xf32>
    %dot_general3A_94 = tpu.matmul %max3A_89, %get3A_92, %dot_general3A_93 {dimension_numbers = #tpu.dot_dimension_numbers<[1], [0], [0], [1], [0, 0, 1, 1], [], []>, transpose_lhs_hint = false} : vector<1024x32xf32>, vector<32x1xf32>, vector<1024x1xf32> -> vector<1024x1xf32>
    %get3A_95 = arith.constant 0 : index
    %get3A_96 = arith.constant 0 : index
    %get3A_97 = vector.load %arg8[%get3A_95, %get3A_96] : memref<1x1xf32, #tpu.memory_space<vmem>>, vector<1x1xf32>
    %add3A_98 = vector.broadcast %get3A_97 : vector<1x1xf32> to vector<1024x1xf32>
    %add3A_99 = arith.addf %dot_general3A_94, %add3A_98 : vector<1024x1xf32>
    %logistic3A = arith.negf %add3A_99 : vector<1024x1xf32>
    %logistic3A_100 = math.exp %logistic3A : vector<1024x1xf32>
    %logistic3A_101 = arith.constant 1.000000e+00 : f32
    %logistic3A_102 = vector.broadcast %logistic3A_101 : f32 to vector<1024x1xf32>
    %logistic3A_103 = arith.addf %logistic3A_102, %logistic3A_100 : vector<1024x1xf32>
    %logistic3A_104 = arith.divf %logistic3A_102, %logistic3A_103 : vector<1024x1xf32>
    %swap3A_105 = arith.constant 0 : index
    %swap3A_106 = arith.constant 0 : index
    %swap3A_107 = vector.load %arg9[%swap3A_105, %swap3A_106] : memref<1024x1xf32, #tpu.memory_space<vmem>>, vector<1024x1xf32>
    tpu.vector_store %arg9[%swap3A_105, %swap3A_106], %logistic3A_104 {strides = array<i32>} : memref<1024x1xf32, #tpu.memory_space<vmem>>, vector<1024x1xf32>,
    return
  }
  func.func @transform_0(%arg0: i32) -> (i32, i32) {
    %c0_i32 = arith.constant 0 : i32
    %c0_i32_0 = arith.constant 0 : i32
    %c0_i32_1 = arith.constant 0 : i32
    return %c0_i32, %c0_i32_0 : i32, i32
  }
  func.func @transform_1(%arg0: i32) -> (i32, i32) {
    %c0_i32 = arith.constant 0 : i32
    %c0_i32_0 = arith.constant 0 : i32
    return %arg0, %c0_i32 : i32, i32
  }
  func.func @transform_2(%arg0: i32) -> (i32, i32) {
    %c0_i32 = arith.constant 0 : i32
    %c0_i32_0 = arith.constant 0 : i32
    return %arg0, %c0_i32 : i32, i32
  }
  func.func @transform_3(%arg0: i32) -> (i32, i32) {
    %c0_i32 = arith.constant 0 : i32
    %c0_i32_0 = arith.constant 0 : i32
    %c0_i32_1 = arith.constant 0 : i32
    return %c0_i32, %c0_i32_0 : i32, i32
  }
  func.func @transform_4(%arg0: i32) -> (i32, i32) {
    %c0_i32 = arith.constant 0 : i32
    %c0_i32_0 = arith.constant 0 : i32
    return %arg0, %c0_i32 : i32, i32
  }
  func.func @transform_5(%arg0: i32) -> (i32, i32) {
    %c0_i32 = arith.constant 0 : i32
    %c0_i32_0 = arith.constant 0 : i32
    return %c0_i32, %arg0 : i32, i32
  }
  func.func @transform_6(%arg0: i32) -> (i32, i32) {
    %c0_i32 = arith.constant 0 : i32
    %c0_i32_0 = arith.constant 0 : i32
    %c0_i32_1 = arith.constant 0 : i32
    return %c0_i32, %c0_i32_0 : i32, i32
  }
  func.func @transform_7(%arg0: i32) -> (i32, i32) {
    %c0_i32 = arith.constant 0 : i32
    %c0_i32_0 = arith.constant 0 : i32
    %c0_i32_1 = arith.constant 0 : i32
    return %c0_i32, %c0_i32_0 : i32, i32
  }
  func.func @transform_8(%arg0: i32) -> (i32, i32) {
    %c0_i32 = arith.constant 0 : i32
    %c0_i32_0 = arith.constant 0 : i32
    return %arg0, %c0_i32 : i32, i32
  }
}

</mosaic_0001>

<sc_bundles>
// kernel: kernel.18.cloned.1.call-start
scs
__scs_entry_jumppad:
0x0: {  	(pc) =	sbr.rel $0x88, $3  }
0x1: {  	(tag) =	ssettag $0x0;
	lr =	simm.s32 $0x1  }
0x2: {  	[smem:$0x3F92] =	sst lr;
	_ =	strace $0xD0000000  }
0x3: {  	_ = 	snop  }
0x4: {  	_ = 	snop  }
0x5: {  	_ = 	snop  }
0x6: {  	_ = 	snop  }
0x7: {  	_ = 	snop  }
__scs_overlays_trampoline_lowered:
0x8: {  	[smem:$0x3FA1] =	sst s0  }
0x9: {  	[smem:$0x3FA2] =	sst s1  }
0xa: {  	[smem:$0x3FA3] =	sst s2  }
0xb: {  	[smem:$0x3FA4] =	sst s3  }
0xc: {  	[smem:$0x3FA5] =	sst s4  }
0xd: {  	[smem:$0x3FA6] =	sst s5  }
0xe: {  	[smem:$0x3FA7] =	sst s6  }
0xf: {  	[smem:$0x3FA8] =	sst s7  }
0x10: {  	[smem:$0x3FA9] =	sst s8  }
0x11: {  	[smem:$0x3FAA] =	sst s9;
	s0 =	simm.s32 @!p0 $0x0  }
0x12: {  	s1 =	sld [smem:$0x3F90];
	s0 =	simm.s32 @p0 $0x1  }
0x13: {  	[smem:$0x3FAB] =	sst s0;
	s0 =	simm.s32 @!p1 $0x0  }
0x14: {  	s2 =	sld [smem:$0x3F8F];
	s0 =	simm.s32 @p1 $0x1  }
0x15: {  	[smem:$0x3FAC] =	sst s0;
	s0 =	simm.s32 @!p2 $0x0  }
0x16: {  	s3 =	sld [smem:$0x3FDB];
	s0 =	simm.s32 @p2 $0x1  }
0x17: {  	s4 =	simm.s32 $0x1BF5;
	[smem:$0x3FAE] =	sst s0  }
0x18: {  	s0 =	sld [smem:$0x3F91];
	_ =	swait.ge [sflag:s4], $0x0  }
0x19: {  	s7 =	sld [smem:$0x3F92]  }
0x1a: {  	s8 =	sadd.s32 $0xFFFFE003, lr  }
0x1b: {  	s9 =	sadd.s32 $0xFFFFFEF7, lr;
	s5 =	simm.s32 $0xFFFFFFFF;
	p2 =	slt.u32 s8, $0xFFFFF086  }
0x1c: {  	p1 =	slt.u32 s9, $0xF7A;
	s5 =	simm.s32 @!p2 $0x0  }
0x1d: {  	s5 =	simm.s32 @p1 $0x1;
	p0 =	seq.s32 s7, s2  }
0x1e: {  	s7 =	smul.u32 @!p0 $0xF7A, s2;
	p2 =	seq.s32 @!p0 s5, $0x0  }
0x1f: {  	s9 =	smul.u32 $0xF7A, s1;
	s8 =	simm.s32 @!p0 $0x1BF5;
	p2 =	por !p2, p0  }
0x20: {  	[sflag:s8] =	ssyncset.s32 @!p0 $0xFFFFF086;
	s6 =	sadd.s32 @!p0 s3, s7;
	s7 =	simm.s32 @!p0 $0x108  }
0x21: {  	s3 =	sadd.s32 s3, s9;
	s6 =	sadd.s32 @!p0 $0x88, s6;
	s7 =	simm.s32 @p2 $0x1082  }
0x22: {  	[simem:s7], [sflag:s8] =	dma.local @!p0 [hbm:s6], $0xF7A  }
0x23: {  	s9 =	sor.u32 $0xD0000000, s2;
	s6 =	simm.s32 $0x108;
	_ =	swait.ge @!p0 [sflag:s8], $0x0  }
0x24: {  	s3 =	sadd.s32 $0x88, s3;
	s6 =	simm.s32 @!p1 $0x1082;
	[sflag:s4] =	ssyncset.s32 $0xFFFFF086  }
0x25: {  	[simem:s6], [sflag:s4] =	dma.local [hbm:s3], $0xF7A  }
0x26: {  	[smem:$0x3F92] =	sst s1;
	(tag) =	ssettag s2;
	_ =	strace s9  }
0x27: {  	s1 =	sld [smem:$0x3FA2]  }
0x28: {  	s2 =	sld [smem:$0x3FA3]  }
0x29: {  	s4 =	sld [smem:$0x3FA5]  }
0x2a: {  	p0 =	seq.s32 s5, $0x0;
	s5 =	sld [smem:$0x3FA6]  }
0x2b: {  	s6 =	sld [smem:$0x3FA7]  }
0x2c: {  	s7 =	sld [smem:$0x3FA8]  }
0x2d: {  	s3 =	simm.s32 $0x108;
	s8 =	sld [smem:$0x3FA9]  }
0x2e: {  	s3 =	simm.s32 @!p0 $0x1082;
	s9 =	sld [smem:$0x3FAA]  }
0x2f: {  	lr =	sadd.s32 s0, s3;
	s0 =	sld [smem:$0x3FA1]  }
0x30: {  	s3 =	sld [smem:$0x3FA4]  }
0x31: {  	[smem:$0x3FAD] =	sst s10  }
0x32: {  	s10 =	sld [smem:$0x3FAB];
	_ =	sdelay $0x3  }
0x33: {  	p0 =	seq.s32 s10, $0x1;
	s10 =	sld [smem:$0x3FAD];
	_ =	sdelay $0x3  }
0x34: {  	[smem:$0x3FAD] =	sst s10  }
0x35: {  	s10 =	sld [smem:$0x3FAC];
	_ =	sdelay $0x3  }
0x36: {  	p1 =	seq.s32 s10, $0x1;
	s10 =	sld [smem:$0x3FAD];
	_ =	sdelay $0x3  }
0x37: {  	[smem:$0x3FAD] =	sst s10  }
0x38: {  	s10 =	sld [smem:$0x3FAE]  }
0x39: {  	_ = 	snop;
	(pc) =	sbr.ind lr, $3  }
0x3a: {  	_ = 	snop  }
0x3b: {  	_ = 	snop  }
0x3c: {  	p2 =	seq.s32 s10, $0x1;
	s10 =	sld [smem:$0x3FAD]  }
0x3d: {  	_ =	shalt  }
0x3e: {  	_ =	shalt  }
0x3f: {  	_ =	shalt  }
0x40: {  	_ =	shalt  }
0x41: {  	_ =	shalt  }
0x42: {  	_ =	shalt  }
0x43: {  	_ =	shalt  }
0x44: {  	_ =	shalt  }
0x45: {  	_ =	shalt  }
0x46: {  	_ =	shalt  }
0x47: {  	_ =	shalt  }
0x48: {  	_ =	shalt  }
0x49: {  	_ =	shalt  }
0x4a: {  	_ =	shalt  }
0x4b: {  	_ =	shalt  }
0x4c: {  	_ =	shalt  }
0x4d: {  	_ =	shalt  }
0x4e: {  	_ =	shalt  }
0x4f: {  	_ =	shalt  }
0x50: {  	_ =	shalt  }
0x51: {  	_ =	shalt  }
0x52: {  	_ =	shalt  }
0x53: {  	_ =	shalt  }
0x54: {  	_ =	shalt  }
0x55: {  	_ =	shalt  }
0x56: {  	_ =	shalt  }
0x57: {  	_ =	shalt  }
0x58: {  	_ =	shalt  }
0x59: {  	_ =	shalt  }
0x5a: {  	_ =	shalt  }
0x5b: {  	_ =	shalt  }
0x5c: {  	_ =	shalt  }
0x5d: {  	_ =	shalt  }
0x5e: {  	_ =	shalt  }
0x5f: {  	_ =	shalt  }
0x60: {  	_ =	shalt  }
0x61: {  	_ =	shalt  }
0x62: {  	_ =	shalt  }
0x63: {  	_ =	shalt  }
0x64: {  	_ =	shalt  }
0x65: {  	_ =	shalt  }
0x66: {  	_ =	shalt  }
0x67: {  	_ =	shalt  }
0x68: {  	_ =	shalt  }
0x69: {  	_ =	shalt  }
0x6a: {  	_ =	shalt  }
0x6b: {  	_ =	shalt  }
0x6c: {  	_ =	shalt  }
0x6d: {  	_ =	shalt  }
0x6e: {  	_ =	shalt  }
0x6f: {  	_ =	shalt  }
0x70: {  	_ =	shalt  }
0x71: {  	_ =	shalt  }
0x72: {  	_ =	shalt  }
0x73: {  	_ =	shalt  }
0x74: {  	_ =	shalt  }
0x75: {  	_ =	shalt  }
0x76: {  	_ =	shalt  }
0x77: {  	_ =	shalt  }
0x78: {  	_ =	shalt  }
0x79: {  	_ =	shalt  }
0x7a: {  	_ =	shalt  }
0x7b: {  	_ =	shalt  }
0x7c: {  	_ =	shalt  }
0x7d: {  	_ =	shalt  }
0x7e: {  	_ =	shalt  }
0x7f: {  	_ =	shalt  }
0x80: {  	_ =	shalt  }
0x81: {  	_ =	shalt  }
0x82: {  	_ =	shalt  }
0x83: {  	_ =	shalt  }
0x84: {  	_ =	shalt  }
0x85: {  	_ =	shalt  }
0x86: {  	_ =	shalt  }
0x87: {  	_ =	shalt  }
.Lfunc_end0:
.L_simem_size_0:
called_computation_lowered:
.L_overlay_start_0:
0x88: {  	s2 =	sld [smem:$0x3FD9]  }
0x89: {  	s3 =	sld [smem:$0x3FFE];
	_ =	sdelay $0x1  }
0x8a: {  	s1 =	srdreg.scid  }
0x8b: {  	s0 =	sand.u32 $0x1, s1  }
0x8c: {  	s15 =	sshll.u32 s0, $0xA;
	s2 =	sadd.s32 s3, s2  }
0x8d: {  	s2 =	sadd.s32 s2, s15  }
0x8e: {  	[smem:$0x3FB9] =	sst s2  }
0x8f: {  	_ = 	snop  }
0x90: {  	s2 =	sld [smem:$0x3FD0];
	_ =	sdelay $0x2  }
0x91: {  	s16 =	simm.s32 $0xB;
	s4 =	simm.s32 $0x10  }
0x92: {  	[smem:s4], [sflag:s16] =	dma.local [hbm:s2], $0x1  }
0x93: {  	_ =	swait.eq [sflag:s16], $0x1  }
0x94: {  	[sflag:s16] =	ssyncset.done $0x0  }
0x95: {  	[sflag:s16] =	ssyncadd.s32 $0xFFFFFFFF  }
0x96: {  	s17 =	sld [smem:$0x11];
	(tm) =	ssettm $0x1  }
0x97: {  	s18 =	sld [smem:$0x3FFB];
	_ =	sdelay $0x3  }
0x98: {  	_ =	strace s18  }
0x99: {  	s2 =	sld [smem:$0x3FFC];
	_ =	sdelay $0x3  }
0x9a: {  	_ =	strace s2  }
0x9b: {  	s2 =	sld [smem:$0x3FFD];
	_ =	sdelay $0x3  }
0x9c: {  	_ =	strace s2  }
0x9d: {  	_ =	strace $0x8FFFFFFF  }
0x9e: {  	s19 =	sld [smem:$0x3FDB];
	_ =	sdelay $0x1  }
0x9f: {  	s20 =	simm.s32 $_scs_section_size  }
0xa0: {  	s5 =	simm.s32 $_size__tile_overlayer_lowered;
	s6 =	simm.s32 $_tile_overlayer_lowered  }
0xa1: {  	s7 =	simm.s32 $0x1BFF;
	s21 =	sshll.u32 s6, $0x1;
	s4 =	sadd.s32 s20, s19  }
0xa2: {  	s22 =	simm.s32 $0x0;
	s5 =	sshll.u32 s5, $0x1;
	s6 =	sadd.s32 s21, s4  }
0xa3: {  	[timem:s22], [sflag:s7] =	dma.local [hbm:s6], s5  }
0xa4: {  	_ =	swait.ge [sflag:s7], s5  }
0xa5: {  	s5 =	ssub.s32 $0x0, s5;
	[sflag:s7] =	ssyncset.done $0x0  }
0xa6: {  	[sflag:s7] =	ssyncadd.s32 s5;
	_ =	sdelay $0x1  }
0xa7: {  	s23 =	simm.s32 $0x1B8B  }
0xa8: {  	_ =	swait.ge [sflag:s23], $0x1  }
0xa9: {  	[sflag:s23] =	ssyncset.done $0x0  }
0xaa: {  	[sflag:s23] =	ssyncadd.s32 $0xFFFFFFFF  }
0xab: {  	s5 =	sld [smem:$0x0]  }
0xac: {  	s6 =	sand.u32 $0xFFFFFFFE, s1  }
0xad: {  	p0 =	sne.s32 s1, s6  }
0xae: {  	s6 =	sshll.u32 @p0 s6, $0xE  }
0xaf: {  	s6 =	sadd.s32 @p0 $0x11B8D, s6;
	s7 =	sshll.u32 @p0 s5, $0x11  }
0xb0: {  	s6 =	sor.u32 @p0 s7, s6  }
0xb1: {  	[sflag:s6] =	ssyncadd.remote.s32 @p0 $0x1;
	_ =	sdelay $0x1  }
0xb2: {  	s6 =	simm.s32 @p0 $0x1B8D  }
0xb3: {  	_ =	swait.eq @p0 [sflag:s6], $0x1  }
0xb4: {  	[sflag:s6] =	ssyncadd.s32 @p0 $0xFFFFFFFF  }
0xb5: {  	s7 =	sshll.u32 @!p0 s1, $0xE  }
0xb6: {  	s7 =	sor.u32 @!p0 $0x4000, s7;
	s6 =	simm.s32 @!p0 $0x1B8D  }
0xb7: {  	s5 =	sshll.u32 @!p0 s5, $0x11;
	s7 =	sadd.s32 @!p0 $0x11B8D, s7;
	_ =	swait.eq @!p0 [sflag:s6], $0x1  }
0xb8: {  	s5 =	sor.u32 @!p0 s5, s7;
	[sflag:s6] =	ssyncadd.s32 @!p0 $0xFFFFFFFF  }
0xb9: {  	s25 =	simm.s32 $0x1B8E;
	s24 =	sld [smem:$0x3FFE];
	[sflag:s5] =	ssyncadd.remote.s32 @!p0 $0x1  }
0xba: {  	s26 =	simm.s32 $execute0_lowered;
	[smem:$0x3FD2] =	sst s25  }
0xbb: {  	s6 =	sshll.u32 s26, $0x1;
	_ =	strace $0x80000049;
	[dreg:$0x1] =	wrdreg $0xFFFFFFFF  }
0xbc: {  	s28 =	simm.s32 $_size_execute0_lowered;
	s4 =	sadd.s32 s4, s6;
	[dreg:$0x0] =	wrdreg $0x0  }
0xbd: {  	s6 =	sshll.u32 s28, $0x1;
	[dreg:$0x2] =	wrdreg s4  }
0xbe: {  	[dreg:$0x3] =	wrdreg s6  }
0xbf: {  	[dreg:$0x4] =	wrdreg $0xC0  }
0xc0: {  	_ =	task [dreg:s22], $0x5FFFF  }
0xc1: {  	[dreg:$0x1] =	wrdreg $0xFFFFFFFF  }
0xc2: {  	[dreg:$0x0] =	wrdreg $0x60  }
0xc3: {  	[dreg:$0x2] =	wrdreg s17  }
0xc4: {  	[dreg:$0x3] =	wrdreg s24  }
0xc5: {  	[dreg:$0x4] =	wrdreg $0x9  }
0xc6: {  	_ =	task.clear_ibuf [dreg:s22], $0x5FFFF;
	_ =	strace $0x90000049  }
0xc7: {  	s29 =	simm.s32 $0x9;
	_ =	strace $0x8000004B  }
0xc8: {  	_ =	swait.ge [sflag:s29], $0x1  }
0xc9: {  	[sflag:s29] =	ssyncadd.s32 $0xFFFFFFFF  }
0xca: {  	_ =	strace $0x9000004B  }
0xcb: {  	_ =	sfence  }
0xcc: {  	s30 =	sld [smem:$0x0];
	_ =	sdelay $0x2  }
0xcd: {  	s31 =	sshll.u32 s1, $0xD;
	s1 =	sshrl.u32 s1, $0x2  }
0xce: {  	s4 =	sand.u32 $0x4000, s31;
	s1 =	sadd.s32 s1, s30  }
0xcf: {  	s0 =	sor.u32 s4, s0;
	s1 =	sshll.u32 s1, $0x11  }
0xd0: {  	s0 =	sor.u32 s1, s0  }
0xd1: {  	s0 =	sadd.s32 $0x8F2B, s0  }
0xd2: {  	[sflag:s0] =	ssyncadd.remote.s32 $0x1  }
0xd3: {  	_ =	sfence.sel $0xFFFF  }
0xd4: {  	[dreg:$0x0] =	wrdreg $0xFFFFFFFF;
	(pc) =	sbr.abs _section_cstart, $3  }
0xd5: {  	[dreg:$0x1] =	wrdreg $0xFFFFFFFF  }
0xd6: {  	_ =	task.clear_ibuf [dreg:s22], $0x2FFFF;
	_ =	strace $0x9FFFFFFF  }
0xd7: {  	(tm) =	ssettm $0x7FFFFFFF  }
tec
execute0_lowered:
.L_overlay_start_1:
0x0: {  	(tag) =	ssettag $0x1  }
0x1: {  	s1 =	srdreg.scid;
	s0 =	stileid.u32  }
0x2: {  	s14 =	sand.u32 $0x1, s1;
	s30 =	sshll.u32 s0, $0x1  }
0x3: {  	s2 =	rddreg [dreg:$0x0];
	s15 =	sor.u32 s14, s30  }
0x4: {  	s16 =	rddreg [dreg:$0x1];
	s4 =	smul.u32 $0x28, s15  }
0x5: {  	s3 =	simm.s32 $0x0;
	s1 =	rddreg [dreg:$0x2]  }
0x6: {  	[smem:$0x7FF] =	sst s3;
	s4 =	sadd.s32 s4, s16  }
0x7: {  	_ =	strace $0x8000004A;
	s5 =	sadd.s32 $0x2C00, s4;
	s4 =	simm.s32 $0x2  }
0x8: {  	[tilespmem:s3], [sflag:$0x2] =	stream.linear.gather [hbm4b:s5+s3], $0x140, $0x38;
	[tilespmem:$0xA180] =	vst v63  }
0x9: {  	_ =	swait.ge [sflag:s4], $0x140  }
0xa: {  	s6 =	simm.s32 $0x40;
	[sflag:s4] =	ssyncset.done $0x0  }
0xb: {  	s7 =	simm.s32 $0x180;
	s8 =	simm.s32 $0x1;
	[sflag:s4] =	ssyncadd.s32 $0xFFFFFEC0  }
0xc: {  	[tilespmem:s7], [sflag:$0x1] =	stream.indirect.gather [hbm4b:s2+s6], $0x80, s3, s6, $0xb8;
	[tilespmem:$0xA180] =	vst v63  }
0xd: {  	_ =	swait.ge [sflag:s8], $0x2000  }
0xe: {  	[sflag:s8] =	ssyncset.done $0x0  }
0xf: {  	s9 =	simm.s32 $0x2180;
	[sflag:s8] =	ssyncadd.s32 $0xFFFFE000  }
0x10: {  	[tilespmem:s9], [sflag:$0x1] =	stream.indirect.gather [hbm4b:s2+s6], $0x80, s6, s6, $0xb8;
	[tilespmem:$0xA180] =	vst v63  }
0x11: {  	_ =	swait.ge [sflag:s8], $0x2000  }
0x12: {  	[sflag:s8] =	ssyncset.done $0x0  }
0x13: {  	s10 =	simm.s32 $0x80;
	s11 =	simm.s32 $0x4180;
	[sflag:s8] =	ssyncadd.s32 $0xFFFFE000  }
0x14: {  	[tilespmem:s11], [sflag:$0x1] =	stream.indirect.gather [hbm4b:s2+s6], $0x80, s10, s6, $0xb8;
	[tilespmem:$0xA180] =	vst v63  }
0x15: {  	_ =	swait.ge [sflag:s8], $0x2000  }
0x16: {  	s12 =	simm.s32 $0xC0;
	s13 =	simm.s32 $0x6180;
	[sflag:s8] =	ssyncset.done $0x0  }
0x17: {  	s18 =	ssub.s32 $0x2, s14;
	s14 =	simm.s32 $0x100;
	[sflag:s8] =	ssyncadd.s32 $0xFFFFE000  }
0x18: {  	[tilespmem:s13], [sflag:$0x1] =	stream.indirect.gather [hbm4b:s2+s6], $0x80, s12, s6, $0xb8;
	[tilespmem:$0xA180] =	vst v63  }
0x19: {  	s17 =	smul.u32 $0x1400, s15;
	s19 =	sshrl.u32 s18, $0x1;
	_ =	swait.ge [sflag:s8], $0x2000  }
0x1a: {  	s15 =	simm.s32 $0x8180;
	s31 =	ssub.s32 s18, s19;
	[sflag:s8] =	ssyncset.done $0x0  }
0x1b: {  	s16 =	sadd.s32 s17, s16;
	s17 =	smax.u32 s31, $0x1;
	[sflag:s8] =	ssyncadd.s32 $0xFFFFE000  }
0x1c: {  	[tilespmem:s15], [sflag:$0x1] =	stream.indirect.gather [hbm4b:s2+s6], $0x80, s14, s6, $0xb8;
	[tilespmem:$0xA180] =	vst v63  }
0x1d: {  	p0 =	sne.s32 s17, $0x1;
	_ =	swait.ge [sflag:s8], $0x2000  }
.Ltmp0:
0x1e: {  	[sflag:s8] =	ssyncset.done $0x0;
	(pc) =	sbr.rel @!p0 .LBB2_2-.Ltmp0, $4  }
0x1f: {  	s16 =	sadd.s32 $0x3200, s16;
	[sflag:s8] =	ssyncadd.s32 $0xFFFFE000  }
0x20: {  	[hbm4b:s16+s3] =	stream.linear.scatter [tilespmem:s7], [sflag:$0x2], $0xA000, $0x38;
	[tilespmem:$0xA180] =	vst v63  }
0x21: {  	_ =	swait.ge [sflag:s4], $0xA000  }
0x22: {  	s17 =	sadd.s32 $0xFFFFFFFF, s17;
	[sflag:s4] =	ssyncset.done $0x0  }
.LBB2_1:
0x23: {  	p0 =	sne.s32 s17, $0x1;
	s17 =	sadd.s32 $0xFFFFFFFF, s17;
	[sflag:s4] =	ssyncadd.s32 $0xFFFF6000  }
0x24: {  	[tilespmem:s3], [sflag:$0x2] =	stream.linear.gather [hbm4b:s5+s3], $0x140, $0x38;
	[tilespmem:$0xA180] =	vst v63  }
0x25: {  	_ =	swait.ge [sflag:s4], $0x140  }
0x26: {  	[sflag:s4] =	ssyncset.done $0x0  }
0x27: {  	[sflag:s4] =	ssyncadd.s32 $0xFFFFFEC0  }
0x28: {  	[tilespmem:s7], [sflag:$0x1] =	stream.indirect.gather [hbm4b:s2+s6], $0x80, s3, s6, $0xb8;
	[tilespmem:$0xA180] =	vst v63  }
0x29: {  	_ =	swait.ge [sflag:s8], $0x2000  }
0x2a: {  	[sflag:s8] =	ssyncset.done $0x0  }
0x2b: {  	[sflag:s8] =	ssyncadd.s32 $0xFFFFE000  }
0x2c: {  	[tilespmem:s9], [sflag:$0x1] =	stream.indirect.gather [hbm4b:s2+s6], $0x80, s6, s6, $0xb8;
	[tilespmem:$0xA180] =	vst v63  }
0x2d: {  	_ =	swait.ge [sflag:s8], $0x2000  }
0x2e: {  	[sflag:s8] =	ssyncset.done $0x0  }
0x2f: {  	[sflag:s8] =	ssyncadd.s32 $0xFFFFE000  }
0x30: {  	[tilespmem:s11], [sflag:$0x1] =	stream.indirect.gather [hbm4b:s2+s6], $0x80, s10, s6, $0xb8;
	[tilespmem:$0xA180] =	vst v63  }
0x31: {  	_ =	swait.ge [sflag:s8], $0x2000  }
0x32: {  	[sflag:s8] =	ssyncset.done $0x0  }
0x33: {  	[sflag:s8] =	ssyncadd.s32 $0xFFFFE000  }
0x34: {  	[tilespmem:s13], [sflag:$0x1] =	stream.indirect.gather [hbm4b:s2+s6], $0x80, s12, s6, $0xb8;
	[tilespmem:$0xA180] =	vst v63  }
0x35: {  	_ =	swait.ge [sflag:s8], $0x2000  }
0x36: {  	[sflag:s8] =	ssyncset.done $0x0  }
0x37: {  	[sflag:s8] =	ssyncadd.s32 $0xFFFFE000  }
0x38: {  	[tilespmem:s15], [sflag:$0x1] =	stream.indirect.gather [hbm4b:s2+s6], $0x80, s14, s6, $0xb8;
	[tilespmem:$0xA180] =	vst v63  }
0x39: {  	_ =	swait.ge [sflag:s8], $0x2000  }
.Ltmp1:
0x3a: {  	[sflag:s8] =	ssyncset.done $0x0;
	(pc) =	sbr.rel @p0 .LBB2_1-.Ltmp1, $4  }
0x3b: {  	[sflag:s8] =	ssyncadd.s32 $0xFFFFE000  }
0x3c: {  	[hbm4b:s16+s3] =	stream.linear.scatter [tilespmem:s7], [sflag:$0x2], $0xA000, $0x38;
	[tilespmem:$0xA180] =	vst v63  }
0x3d: {  	_ =	swait.ge [sflag:s4], $0xA000  }
0x3e: {  	[sflag:s4] =	ssyncset.done $0x0  }
.LBB2_2:
0x3f: {  	[sflag:s4] =	ssyncadd.s32 $0xFFFF6000  }
0x40: {  	_ =	sfence.sel $0x180000  }
0x41: {  	[bflag:$0x0] =	sbarrier.arrive $0xFFFF  }
0x42: {  	p0 =	sne.s32 s0, $0x0;
	_ =	strace $0x9000004A  }
0x43: {  	s0 =	sadd.s32 @!p0 $0x100000, s1;
	[bflag:$0x2] =	sbarrier.arrive $0xFFFF  }
0x44: {  	[sflag:s0] =	ssyncadd.tile.s32 @!p0 $0x1;
	_ =	shalt  }
.Lfunc_end2:
_tile_overlayer_lowered:
.L_overlay_start_2:
0x45: {  	(tag) =	ssettag $0x2  }
0x46: {  	s0 =	rddreg [dreg:$0x0];
	s2 =	stileid.u32  }
0x47: {  	s1 =	rddreg [dreg:$0x1];
	p0 =	sne.s32 s2, $0x0  }
0x48: {  	s3 =	rddreg [dreg:$0x2];
	[bflag:$0x3] =	sbarrier.arrive $0xFFFF;
	s2 =	simm.s32 @!p0 $0x1C02  }
0x49: {  	[timem:s3], [sflag:s2] =	dma.local @!p0 [hbm:s0], s1  }
0x4a: {  	s0 =	simm.s32 @!p0 $0x2  }
0x4b: {  	_ =	swait.ge @!p0 [sflag:s0], s1  }
0x4c: {  	s1 =	ssub.s32 @!p0 $0x0, s1;
	[sflag:s0] =	ssyncset.done @!p0 $0x0  }
0x4d: {  	[sflag:s0] =	ssyncadd.s32 @!p0 s1  }
0x4e: {  	[bflag:$0x3] =	sbarrier.arrive $0xFFFF  }
0x4f: {  	_ =	shalt  }

// kernel: kernel.21.cloned.1.call-start
scs
__scs_entry_jumppad:
0x0: {  	(pc) =	sbr.rel $0x88, $3  }
0x1: {  	(tag) =	ssettag $0x0;
	lr =	simm.s32 $0x1  }
0x2: {  	[smem:$0x3F92] =	sst lr;
	_ =	strace $0xD0000000  }
0x3: {  	_ = 	snop  }
0x4: {  	_ = 	snop  }
0x5: {  	_ = 	snop  }
0x6: {  	_ = 	snop  }
0x7: {  	_ = 	snop  }
__scs_overlays_trampoline_lowered:
0x8: {  	[smem:$0x3FA1] =	sst s0  }
0x9: {  	[smem:$0x3FA2] =	sst s1  }
0xa: {  	[smem:$0x3FA3] =	sst s2  }
0xb: {  	[smem:$0x3FA4] =	sst s3  }
0xc: {  	[smem:$0x3FA5] =	sst s4  }
0xd: {  	[smem:$0x3FA6] =	sst s5  }
0xe: {  	[smem:$0x3FA7] =	sst s6  }
0xf: {  	[smem:$0x3FA8] =	sst s7  }
0x10: {  	[smem:$0x3FA9] =	sst s8  }
0x11: {  	[smem:$0x3FAA] =	sst s9;
	s0 =	simm.s32 @!p0 $0x0  }
0x12: {  	s1 =	sld [smem:$0x3F90];
	s0 =	simm.s32 @p0 $0x1  }
0x13: {  	[smem:$0x3FAB] =	sst s0;
	s0 =	simm.s32 @!p1 $0x0  }
0x14: {  	s2 =	sld [smem:$0x3F8F];
	s0 =	simm.s32 @p1 $0x1  }
0x15: {  	[smem:$0x3FAC] =	sst s0;
	s0 =	simm.s32 @!p2 $0x0  }
0x16: {  	s3 =	sld [smem:$0x3FDB];
	s0 =	simm.s32 @p2 $0x1  }
0x17: {  	s4 =	simm.s32 $0x1BF5;
	[smem:$0x3FAE] =	sst s0  }
0x18: {  	s0 =	sld [smem:$0x3F91];
	_ =	swait.ge [sflag:s4], $0x0  }
0x19: {  	s7 =	sld [smem:$0x3F92]  }
0x1a: {  	s8 =	sadd.s32 $0xFFFFE003, lr  }
0x1b: {  	s9 =	sadd.s32 $0xFFFFFEF7, lr;
	s5 =	simm.s32 $0xFFFFFFFF;
	p2 =	slt.u32 s8, $0xFFFFF086  }
0x1c: {  	p1 =	slt.u32 s9, $0xF7A;
	s5 =	simm.s32 @!p2 $0x0  }
0x1d: {  	s5 =	simm.s32 @p1 $0x1;
	p0 =	seq.s32 s7, s2  }
0x1e: {  	s7 =	smul.u32 @!p0 $0xF7A, s2;
	p2 =	seq.s32 @!p0 s5, $0x0  }
0x1f: {  	s9 =	smul.u32 $0xF7A, s1;
	s8 =	simm.s32 @!p0 $0x1BF5;
	p2 =	por !p2, p0  }
0x20: {  	[sflag:s8] =	ssyncset.s32 @!p0 $0xFFFFF086;
	s6 =	sadd.s32 @!p0 s3, s7;
	s7 =	simm.s32 @!p0 $0x108  }
0x21: {  	s3 =	sadd.s32 s3, s9;
	s6 =	sadd.s32 @!p0 $0x88, s6;
	s7 =	simm.s32 @p2 $0x1082  }
0x22: {  	[simem:s7], [sflag:s8] =	dma.local @!p0 [hbm:s6], $0xF7A  }
0x23: {  	s9 =	sor.u32 $0xD0000000, s2;
	s6 =	simm.s32 $0x108;
	_ =	swait.ge @!p0 [sflag:s8], $0x0  }
0x24: {  	s3 =	sadd.s32 $0x88, s3;
	s6 =	simm.s32 @!p1 $0x1082;
	[sflag:s4] =	ssyncset.s32 $0xFFFFF086  }
0x25: {  	[simem:s6], [sflag:s4] =	dma.local [hbm:s3], $0xF7A  }
0x26: {  	[smem:$0x3F92] =	sst s1;
	(tag) =	ssettag s2;
	_ =	strace s9  }
0x27: {  	s1 =	sld [smem:$0x3FA2]  }
0x28: {  	s2 =	sld [smem:$0x3FA3]  }
0x29: {  	s4 =	sld [smem:$0x3FA5]  }
0x2a: {  	p0 =	seq.s32 s5, $0x0;
	s5 =	sld [smem:$0x3FA6]  }
0x2b: {  	s6 =	sld [smem:$0x3FA7]  }
0x2c: {  	s7 =	sld [smem:$0x3FA8]  }
0x2d: {  	s3 =	simm.s32 $0x108;
	s8 =	sld [smem:$0x3FA9]  }
0x2e: {  	s3 =	simm.s32 @!p0 $0x1082;
	s9 =	sld [smem:$0x3FAA]  }
0x2f: {  	lr =	sadd.s32 s0, s3;
	s0 =	sld [smem:$0x3FA1]  }
0x30: {  	s3 =	sld [smem:$0x3FA4]  }
0x31: {  	[smem:$0x3FAD] =	sst s10  }
0x32: {  	s10 =	sld [smem:$0x3FAB];
	_ =	sdelay $0x3  }
0x33: {  	p0 =	seq.s32 s10, $0x1;
	s10 =	sld [smem:$0x3FAD];
	_ =	sdelay $0x3  }
0x34: {  	[smem:$0x3FAD] =	sst s10  }
0x35: {  	s10 =	sld [smem:$0x3FAC];
	_ =	sdelay $0x3  }
0x36: {  	p1 =	seq.s32 s10, $0x1;
	s10 =	sld [smem:$0x3FAD];
	_ =	sdelay $0x3  }
0x37: {  	[smem:$0x3FAD] =	sst s10  }
0x38: {  	s10 =	sld [smem:$0x3FAE]  }
0x39: {  	_ = 	snop;
	(pc) =	sbr.ind lr, $3  }
0x3a: {  	_ = 	snop  }
0x3b: {  	_ = 	snop  }
0x3c: {  	p2 =	seq.s32 s10, $0x1;
	s10 =	sld [smem:$0x3FAD]  }
0x3d: {  	_ =	shalt  }
0x3e: {  	_ =	shalt  }
0x3f: {  	_ =	shalt  }
0x40: {  	_ =	shalt  }
0x41: {  	_ =	shalt  }
0x42: {  	_ =	shalt  }
0x43: {  	_ =	shalt  }
0x44: {  	_ =	shalt  }
0x45: {  	_ =	shalt  }
0x46: {  	_ =	shalt  }
0x47: {  	_ =	shalt  }
0x48: {  	_ =	shalt  }
0x49: {  	_ =	shalt  }
0x4a: {  	_ =	shalt  }
0x4b: {  	_ =	shalt  }
0x4c: {  	_ =	shalt  }
0x4d: {  	_ =	shalt  }
0x4e: {  	_ =	shalt  }
0x4f: {  	_ =	shalt  }
0x50: {  	_ =	shalt  }
0x51: {  	_ =	shalt  }
0x52: {  	_ =	shalt  }
0x53: {  	_ =	shalt  }
0x54: {  	_ =	shalt  }
0x55: {  	_ =	shalt  }
0x56: {  	_ =	shalt  }
0x57: {  	_ =	shalt  }
0x58: {  	_ =	shalt  }
0x59: {  	_ =	shalt  }
0x5a: {  	_ =	shalt  }
0x5b: {  	_ =	shalt  }
0x5c: {  	_ =	shalt  }
0x5d: {  	_ =	shalt  }
0x5e: {  	_ =	shalt  }
0x5f: {  	_ =	shalt  }
0x60: {  	_ =	shalt  }
0x61: {  	_ =	shalt  }
0x62: {  	_ =	shalt  }
0x63: {  	_ =	shalt  }
0x64: {  	_ =	shalt  }
0x65: {  	_ =	shalt  }
0x66: {  	_ =	shalt  }
0x67: {  	_ =	shalt  }
0x68: {  	_ =	shalt  }
0x69: {  	_ =	shalt  }
0x6a: {  	_ =	shalt  }
0x6b: {  	_ =	shalt  }
0x6c: {  	_ =	shalt  }
0x6d: {  	_ =	shalt  }
0x6e: {  	_ =	shalt  }
0x6f: {  	_ =	shalt  }
0x70: {  	_ =	shalt  }
0x71: {  	_ =	shalt  }
0x72: {  	_ =	shalt  }
0x73: {  	_ =	shalt  }
0x74: {  	_ =	shalt  }
0x75: {  	_ =	shalt  }
0x76: {  	_ =	shalt  }
0x77: {  	_ =	shalt  }
0x78: {  	_ =	shalt  }
0x79: {  	_ =	shalt  }
0x7a: {  	_ =	shalt  }
0x7b: {  	_ =	shalt  }
0x7c: {  	_ =	shalt  }
0x7d: {  	_ =	shalt  }
0x7e: {  	_ =	shalt  }
0x7f: {  	_ =	shalt  }
0x80: {  	_ =	shalt  }
0x81: {  	_ =	shalt  }
0x82: {  	_ =	shalt  }
0x83: {  	_ =	shalt  }
0x84: {  	_ =	shalt  }
0x85: {  	_ =	shalt  }
0x86: {  	_ =	shalt  }
0x87: {  	_ =	shalt  }
.Lfunc_end0:
.L_simem_size_0:
called_computation.1_lowered:
.L_overlay_start_0:
0x88: {  	s2 =	sld [smem:$0x3FD9]  }
0x89: {  	s3 =	sld [smem:$0x3FFE];
	_ =	sdelay $0x1  }
0x8a: {  	s1 =	srdreg.scid  }
0x8b: {  	s0 =	sand.u32 $0x1, s1  }
0x8c: {  	s16 =	sshll.u32 s0, $0xA;
	s2 =	sadd.s32 s3, s2  }
0x8d: {  	s2 =	sadd.s32 s2, s16  }
0x8e: {  	[smem:$0x3FB9] =	sst s2  }
0x8f: {  	_ = 	snop  }
0x90: {  	(tm) =	ssettm $0x1  }
0x91: {  	s17 =	sld [smem:$0x3FFB];
	_ =	sdelay $0x3  }
0x92: {  	_ =	strace s17  }
0x93: {  	s2 =	sld [smem:$0x3FFC];
	_ =	sdelay $0x3  }
0x94: {  	_ =	strace s2  }
0x95: {  	s2 =	sld [smem:$0x3FFD];
	_ =	sdelay $0x3  }
0x96: {  	_ =	strace s2  }
0x97: {  	_ =	strace $0x8FFFFFFF  }
0x98: {  	s18 =	sld [smem:$0x3FDB];
	_ =	sdelay $0x1  }
0x99: {  	s19 =	simm.s32 $_scs_section_size  }
0x9a: {  	s4 =	simm.s32 $_size__tile_overlayer_lowered;
	s5 =	simm.s32 $_tile_overlayer_lowered  }
0x9b: {  	s22 =	simm.s32 $0x1BFF;
	s21 =	sshll.u32 s5, $0x1;
	s2 =	sadd.s32 s19, s18  }
0x9c: {  	s6 =	simm.s32 $0x0;
	s20 =	sshll.u32 s4, $0x1;
	s4 =	sadd.s32 s21, s2  }
0x9d: {  	[timem:s6], [sflag:s22] =	dma.local [hbm:s4], s20  }
0x9e: {  	_ =	swait.ge [sflag:s22], s20  }
0x9f: {  	s3 =	ssub.s32 $0x0, s20;
	[sflag:s22] =	ssyncset.done $0x0  }
0xa0: {  	[sflag:s22] =	ssyncadd.s32 s3;
	_ =	sdelay $0x1  }
0xa1: {  	s23 =	simm.s32 $0x1B8B  }
0xa2: {  	_ =	swait.ge [sflag:s23], $0x1  }
0xa3: {  	[sflag:s23] =	ssyncset.done $0x0  }
0xa4: {  	s25 =	simm.s32 $0x1B8E;
	s24 =	sld [smem:$0x3FFE];
	[sflag:s23] =	ssyncadd.s32 $0xFFFFFFFF  }
0xa5: {  	s26 =	simm.s32 $execute0_lowered;
	[smem:$0x3FD2] =	sst s25  }
0xa6: {  	s4 =	sshll.u32 s26, $0x1;
	_ =	strace $0x80000046;
	[dreg:$0x1] =	wrdreg $0xFFFFFFFF  }
0xa7: {  	s28 =	simm.s32 $_size_execute0_lowered;
	s2 =	sadd.s32 s2, s4;
	[dreg:$0x0] =	wrdreg $0x0  }
0xa8: {  	s4 =	sshll.u32 s28, $0x1;
	[dreg:$0x2] =	wrdreg s2  }
0xa9: {  	[dreg:$0x3] =	wrdreg s4  }
0xaa: {  	[dreg:$0x4] =	wrdreg $0xC0  }
0xab: {  	_ =	task [dreg:s6], $0x5FFFF  }
0xac: {  	[dreg:$0x1] =	wrdreg $0xFFFFFFFF  }
0xad: {  	[dreg:$0x0] =	wrdreg $0x60  }
0xae: {  	[dreg:$0x2] =	wrdreg s24  }
0xaf: {  	[dreg:$0x3] =	wrdreg $0xA  }
0xb0: {  	_ =	task.clear_ibuf [dreg:s6], $0x4FFFF;
	_ =	strace $0x90000046  }
0xb1: {  	s29 =	simm.s32 $0xA;
	_ =	strace $0x80000048  }
0xb2: {  	_ =	swait.ge [sflag:s29], $0x1  }
0xb3: {  	[sflag:s29] =	ssyncadd.s32 $0xFFFFFFFF  }
0xb4: {  	_ =	strace $0x90000048  }
0xb5: {  	_ =	sfence  }
0xb6: {  	s30 =	sld [smem:$0x0];
	_ =	sdelay $0x2  }
0xb7: {  	s31 =	sshll.u32 s1, $0xD;
	s1 =	sshrl.u32 s1, $0x2  }
0xb8: {  	s3 =	sand.u32 $0x4000, s31;
	s1 =	sadd.s32 s1, s30  }
0xb9: {  	s0 =	sor.u32 s3, s0;
	s1 =	sshll.u32 s1, $0x11  }
0xba: {  	s0 =	sor.u32 s1, s0  }
0xbb: {  	s0 =	sadd.s32 $0x8F2B, s0  }
0xbc: {  	[sflag:s0] =	ssyncadd.remote.s32 $0x1  }
0xbd: {  	_ =	sfence.sel $0xFFFF  }
0xbe: {  	[dreg:$0x0] =	wrdreg $0xFFFFFFFF;
	(pc) =	sbr.abs _section_cstart, $3  }
0xbf: {  	[dreg:$0x1] =	wrdreg $0xFFFFFFFF  }
0xc0: {  	_ =	task.clear_ibuf [dreg:s6], $0x2FFFF;
	_ =	strace $0x9FFFFFFF  }
0xc1: {  	(tm) =	ssettm $0x7FFFFFFF  }
tec
execute0_lowered:
.L_overlay_start_1:
0x0: {  	(tag) =	ssettag $0x1  }
0x1: {  	s1 =	srdreg.scid  }
0x2: {  	s0 =	stileid.u32;
	s4 =	rddreg [dreg:$0x0];
	s2 =	simm.s32 $0x0  }
0x3: {  	s9 =	simm.s32 $0x2800;
	s3 =	sand.u32 $0x1, s1;
	s5 =	sshll.u32 s0, $0x1  }
0x4: {  	s10 =	simm.s32 $0x2B00;
	s11 =	simm.s32 $0x2980;
	s5 =	sor.u32 s3, s5  }
0x5: {  	s1 =	rddreg [dreg:$0x1];
	s6 =	ssub.s32 $0x2, s3;
	s5 =	smul.u32 $0x28, s5  }
0x6: {  	s12 =	simm.s32 $0x0;
	[smem:$0x7FF] =	sst s2;
	s7 =	sshrl.u32 s6, $0x1  }
0x7: {  	_ =	strace $0x80000047;
	s7 =	ssub.s32 s6, s7;
	s8 =	sadd.s32 s5, s4  }
0x8: {  	s3 =	sadd.s32 $0x1400, s4;
	s7 =	smax.u32 s7, $0x1;
	s4 =	sadd.s32 $0x1A00, s8  }
0x9: {  	s5 =	sadd.s32 $0x2600, s8;
	s6 =	sadd.s32 $0x2000, s8;
	s8 =	simm.s32 $0x1  }
.LBB2_1:
0xa: {  	[tilespmem:s2], [sflag:$0x1] =	stream.linear.gather [hbm4b:s3+s2], $0x2800, $0x38;
	[tilespmem:$0x2C80] =	vst v63  }
0xb: {  	_ =	swait.ge [sflag:s8], $0x2800  }
0xc: {  	[sflag:s8] =	ssyncset.done $0x0  }
0xd: {  	[sflag:s8] =	ssyncadd.s32 $0xFFFFD800  }
0xe: {  	[tilespmem:s9], [sflag:$0x1] =	stream.linear.gather [hbm4b:s4+s2], $0x140, $0x38;
	[tilespmem:$0x2C80] =	vst v63  }
0xf: {  	_ =	swait.ge [sflag:s8], $0x140  }
0x10: {  	[sflag:s8] =	ssyncset.done $0x0  }
0x11: {  	s13 =	simm.s32 $0x0;
	[sflag:s8] =	ssyncadd.s32 $0xFFFFFEC0  }
.LBB2_2:
0x12: {  	s14 =	sshll.u32 s13, $0x4;
	v0 =	vimm.s32 $0x0;
	v2 =	vimm.s32 $0x2800  }
0x13: {  	s15 =	simm.s32 $0xD;
	v1 =	vld [tilespmem:s14+$0x2800];
	v3 =	vadd.s32 v0, v2  }
.LBB2_3:
0x14: {  	p0 =	sne.s32 s15, $0x1;
	v4 =	vshrl.u32 v3, $0x1F  }
0x15: {  	v3 =	vadd.s32 v4, v3  }
0x16: {  	v3 =	vshra.s32 v3, $0x1;
	_ =	sdelay $0x4  }
0x17: {  	v4 =	vld.idx.msk [tilespmem:v3+s2+$0x0], $0xffff;
	_ =	sdelay $0x3  }
.Ltmp0:
0x18: {  	(pc) =	sbr.rel @p0 .LBB2_3-.Ltmp0, $4  }
0x19: {  	_ = 	snop  }
0x1a: {  	vm0 =	vlt.f32 v4, v1;
	v4 =	vadd.s32 $0x1, v3  }
0x1b: {  	v0 =	vsel vm0, v4, v0;
	v2 =	vsel vm0, v2, v3  }
0x1c: {  	s15 =	sadd.s32 $0xFFFFFFFF, s15;
	v3 =	vadd.s32 v0, v2  }
0x1d: {  	v2 =	vshrl.u32 v3, $0x1F  }
0x1e: {  	v2 =	vadd.s32 v2, v3  }
0x1f: {  	v2 =	vshra.s32 v2, $0x1;
	_ =	sdelay $0x4  }
0x20: {  	v61 =	vld.idx.msk [tilespmem:v2+s2+$0x0], $0xffff;
	_ =	sdelay $0x3  }
0x21: {  	s13 =	sadd.s32 $0x1, s13  }
0x22: {  	p0 =	sne.s32 s13, $0x14;
	v62 =	vadd.s32 $0x1, v2;
	vm0 =	vlt.f32 v61, v1  }
.Ltmp1:
0x23: {  	v0 =	vsel vm0, v62, v0;
	(pc) =	sbr.rel @p0 .LBB2_2-.Ltmp1, $4  }
0x24: {  	vm0 =	vgt.s32 v0, $0x1  }
0x25: {  	v1 =	vnsel vm0, $0x1, v0  }
0x26: {  	[tilespmem:s14+$0x2B00] =	vst v0;
	v63 =	vadd.s32 $0xFFFFFFFF, v1  }
0x27: {  	[tilespmem:s14+$0x2980] =	vst v63  }
0x28: {  	[hbm4b:s5+s2] =	stream.linear.scatter [tilespmem:s10], [sflag:$0x1], $0x140, $0x38;
	[tilespmem:$0x2C80] =	vst v63  }
0x29: {  	s12 =	sadd.s32 $0x1, s12;
	_ =	swait.ge [sflag:s8], $0x140  }
0x2a: {  	p0 =	sne.s32 s12, s7;
	[sflag:s8] =	ssyncset.done $0x0  }
.Ltmp2:
0x2b: {  	[sflag:s8] =	ssyncadd.s32 $0xFFFFFEC0;
	(pc) =	sbr.rel @p0 .LBB2_1-.Ltmp2, $4  }
0x2c: {  	[hbm4b:s6+s2] =	stream.linear.scatter [tilespmem:s11], [sflag:$0x1], $0x140, $0x38;
	[tilespmem:$0x2C80] =	vst v63  }
0x2d: {  	_ =	swait.ge [sflag:s8], $0x140  }
0x2e: {  	[sflag:s8] =	ssyncset.done $0x0  }
0x2f: {  	[sflag:s8] =	ssyncadd.s32 $0xFFFFFEC0  }
0x30: {  	_ =	sfence.sel $0x180000  }
0x31: {  	[bflag:$0x0] =	sbarrier.arrive $0xFFFF  }
0x32: {  	p0 =	sne.s32 s0, $0x0;
	_ =	strace $0x90000047  }
0x33: {  	s0 =	sadd.s32 @!p0 $0x100000, s1;
	[bflag:$0x2] =	sbarrier.arrive $0xFFFF  }
0x34: {  	[sflag:s0] =	ssyncadd.tile.s32 @!p0 $0x1;
	_ =	shalt  }
.Lfunc_end2:
_tile_overlayer_lowered:
.L_overlay_start_2:
0x35: {  	(tag) =	ssettag $0x2  }
0x36: {  	s0 =	rddreg [dreg:$0x0];
	s2 =	stileid.u32  }
0x37: {  	s1 =	rddreg [dreg:$0x1];
	p0 =	sne.s32 s2, $0x0  }
0x38: {  	s3 =	rddreg [dreg:$0x2];
	[bflag:$0x3] =	sbarrier.arrive $0xFFFF;
	s2 =	simm.s32 @!p0 $0x1C01  }
0x39: {  	[timem:s3], [sflag:s2] =	dma.local @!p0 [hbm:s0], s1  }
0x3a: {  	s0 =	simm.s32 @!p0 $0x1  }
0x3b: {  	_ =	swait.ge @!p0 [sflag:s0], s1  }
0x3c: {  	s1 =	ssub.s32 @!p0 $0x0, s1;
	[sflag:s0] =	ssyncset.done @!p0 $0x0  }
0x3d: {  	[sflag:s0] =	ssyncadd.s32 @!p0 s1  }
0x3e: {  	[bflag:$0x3] =	sbarrier.arrive $0xFFFF  }
0x3f: {  	_ =	shalt  }

// kernel: kernel.24.cloned.1.call-start
scs
__scs_entry_jumppad:
0x0: {  	(pc) =	sbr.rel $0x88, $3  }
0x1: {  	(tag) =	ssettag $0x0;
	lr =	simm.s32 $0x1  }
0x2: {  	[smem:$0x3F92] =	sst lr;
	_ =	strace $0xD0000000  }
0x3: {  	_ = 	snop  }
0x4: {  	_ = 	snop  }
0x5: {  	_ = 	snop  }
0x6: {  	_ = 	snop  }
0x7: {  	_ = 	snop  }
__scs_overlays_trampoline_lowered:
0x8: {  	[smem:$0x3FA1] =	sst s0  }
0x9: {  	[smem:$0x3FA2] =	sst s1  }
0xa: {  	[smem:$0x3FA3] =	sst s2  }
0xb: {  	[smem:$0x3FA4] =	sst s3  }
0xc: {  	[smem:$0x3FA5] =	sst s4  }
0xd: {  	[smem:$0x3FA6] =	sst s5  }
0xe: {  	[smem:$0x3FA7] =	sst s6  }
0xf: {  	[smem:$0x3FA8] =	sst s7  }
0x10: {  	[smem:$0x3FA9] =	sst s8  }
0x11: {  	[smem:$0x3FAA] =	sst s9;
	s0 =	simm.s32 @!p0 $0x0  }
0x12: {  	s1 =	sld [smem:$0x3F90];
	s0 =	simm.s32 @p0 $0x1  }
0x13: {  	[smem:$0x3FAB] =	sst s0;
	s0 =	simm.s32 @!p1 $0x0  }
0x14: {  	s2 =	sld [smem:$0x3F8F];
	s0 =	simm.s32 @p1 $0x1  }
0x15: {  	[smem:$0x3FAC] =	sst s0;
	s0 =	simm.s32 @!p2 $0x0  }
0x16: {  	s3 =	sld [smem:$0x3FDB];
	s0 =	simm.s32 @p2 $0x1  }
0x17: {  	s4 =	simm.s32 $0x1BF5;
	[smem:$0x3FAE] =	sst s0  }
0x18: {  	s0 =	sld [smem:$0x3F91];
	_ =	swait.ge [sflag:s4], $0x0  }
0x19: {  	s7 =	sld [smem:$0x3F92]  }
0x1a: {  	s8 =	sadd.s32 $0xFFFFE003, lr  }
0x1b: {  	s9 =	sadd.s32 $0xFFFFFEF7, lr;
	s5 =	simm.s32 $0xFFFFFFFF;
	p2 =	slt.u32 s8, $0xFFFFF086  }
0x1c: {  	p1 =	slt.u32 s9, $0xF7A;
	s5 =	simm.s32 @!p2 $0x0  }
0x1d: {  	s5 =	simm.s32 @p1 $0x1;
	p0 =	seq.s32 s7, s2  }
0x1e: {  	s7 =	smul.u32 @!p0 $0xF7A, s2;
	p2 =	seq.s32 @!p0 s5, $0x0  }
0x1f: {  	s9 =	smul.u32 $0xF7A, s1;
	s8 =	simm.s32 @!p0 $0x1BF5;
	p2 =	por !p2, p0  }
0x20: {  	[sflag:s8] =	ssyncset.s32 @!p0 $0xFFFFF086;
	s6 =	sadd.s32 @!p0 s3, s7;
	s7 =	simm.s32 @!p0 $0x108  }
0x21: {  	s3 =	sadd.s32 s3, s9;
	s6 =	sadd.s32 @!p0 $0x88, s6;
	s7 =	simm.s32 @p2 $0x1082  }
0x22: {  	[simem:s7], [sflag:s8] =	dma.local @!p0 [hbm:s6], $0xF7A  }
0x23: {  	s9 =	sor.u32 $0xD0000000, s2;
	s6 =	simm.s32 $0x108;
	_ =	swait.ge @!p0 [sflag:s8], $0x0  }
0x24: {  	s3 =	sadd.s32 $0x88, s3;
	s6 =	simm.s32 @!p1 $0x1082;
	[sflag:s4] =	ssyncset.s32 $0xFFFFF086  }
0x25: {  	[simem:s6], [sflag:s4] =	dma.local [hbm:s3], $0xF7A  }
0x26: {  	[smem:$0x3F92] =	sst s1;
	(tag) =	ssettag s2;
	_ =	strace s9  }
0x27: {  	s1 =	sld [smem:$0x3FA2]  }
0x28: {  	s2 =	sld [smem:$0x3FA3]  }
0x29: {  	s4 =	sld [smem:$0x3FA5]  }
0x2a: {  	p0 =	seq.s32 s5, $0x0;
	s5 =	sld [smem:$0x3FA6]  }
0x2b: {  	s6 =	sld [smem:$0x3FA7]  }
0x2c: {  	s7 =	sld [smem:$0x3FA8]  }
0x2d: {  	s3 =	simm.s32 $0x108;
	s8 =	sld [smem:$0x3FA9]  }
0x2e: {  	s3 =	simm.s32 @!p0 $0x1082;
	s9 =	sld [smem:$0x3FAA]  }
0x2f: {  	lr =	sadd.s32 s0, s3;
	s0 =	sld [smem:$0x3FA1]  }
0x30: {  	s3 =	sld [smem:$0x3FA4]  }
0x31: {  	[smem:$0x3FAD] =	sst s10  }
0x32: {  	s10 =	sld [smem:$0x3FAB];
	_ =	sdelay $0x3  }
0x33: {  	p0 =	seq.s32 s10, $0x1;
	s10 =	sld [smem:$0x3FAD];
	_ =	sdelay $0x3  }
0x34: {  	[smem:$0x3FAD] =	sst s10  }
0x35: {  	s10 =	sld [smem:$0x3FAC];
	_ =	sdelay $0x3  }
0x36: {  	p1 =	seq.s32 s10, $0x1;
	s10 =	sld [smem:$0x3FAD];
	_ =	sdelay $0x3  }
0x37: {  	[smem:$0x3FAD] =	sst s10  }
0x38: {  	s10 =	sld [smem:$0x3FAE]  }
0x39: {  	_ = 	snop;
	(pc) =	sbr.ind lr, $3  }
0x3a: {  	_ = 	snop  }
0x3b: {  	_ = 	snop  }
0x3c: {  	p2 =	seq.s32 s10, $0x1;
	s10 =	sld [smem:$0x3FAD]  }
0x3d: {  	_ =	shalt  }
0x3e: {  	_ =	shalt  }
0x3f: {  	_ =	shalt  }
0x40: {  	_ =	shalt  }
0x41: {  	_ =	shalt  }
0x42: {  	_ =	shalt  }
0x43: {  	_ =	shalt  }
0x44: {  	_ =	shalt  }
0x45: {  	_ =	shalt  }
0x46: {  	_ =	shalt  }
0x47: {  	_ =	shalt  }
0x48: {  	_ =	shalt  }
0x49: {  	_ =	shalt  }
0x4a: {  	_ =	shalt  }
0x4b: {  	_ =	shalt  }
0x4c: {  	_ =	shalt  }
0x4d: {  	_ =	shalt  }
0x4e: {  	_ =	shalt  }
0x4f: {  	_ =	shalt  }
0x50: {  	_ =	shalt  }
0x51: {  	_ =	shalt  }
0x52: {  	_ =	shalt  }
0x53: {  	_ =	shalt  }
0x54: {  	_ =	shalt  }
0x55: {  	_ =	shalt  }
0x56: {  	_ =	shalt  }
0x57: {  	_ =	shalt  }
0x58: {  	_ =	shalt  }
0x59: {  	_ =	shalt  }
0x5a: {  	_ =	shalt  }
0x5b: {  	_ =	shalt  }
0x5c: {  	_ =	shalt  }
0x5d: {  	_ =	shalt  }
0x5e: {  	_ =	shalt  }
0x5f: {  	_ =	shalt  }
0x60: {  	_ =	shalt  }
0x61: {  	_ =	shalt  }
0x62: {  	_ =	shalt  }
0x63: {  	_ =	shalt  }
0x64: {  	_ =	shalt  }
0x65: {  	_ =	shalt  }
0x66: {  	_ =	shalt  }
0x67: {  	_ =	shalt  }
0x68: {  	_ =	shalt  }
0x69: {  	_ =	shalt  }
0x6a: {  	_ =	shalt  }
0x6b: {  	_ =	shalt  }
0x6c: {  	_ =	shalt  }
0x6d: {  	_ =	shalt  }
0x6e: {  	_ =	shalt  }
0x6f: {  	_ =	shalt  }
0x70: {  	_ =	shalt  }
0x71: {  	_ =	shalt  }
0x72: {  	_ =	shalt  }
0x73: {  	_ =	shalt  }
0x74: {  	_ =	shalt  }
0x75: {  	_ =	shalt  }
0x76: {  	_ =	shalt  }
0x77: {  	_ =	shalt  }
0x78: {  	_ =	shalt  }
0x79: {  	_ =	shalt  }
0x7a: {  	_ =	shalt  }
0x7b: {  	_ =	shalt  }
0x7c: {  	_ =	shalt  }
0x7d: {  	_ =	shalt  }
0x7e: {  	_ =	shalt  }
0x7f: {  	_ =	shalt  }
0x80: {  	_ =	shalt  }
0x81: {  	_ =	shalt  }
0x82: {  	_ =	shalt  }
0x83: {  	_ =	shalt  }
0x84: {  	_ =	shalt  }
0x85: {  	_ =	shalt  }
0x86: {  	_ =	shalt  }
0x87: {  	_ =	shalt  }
.Lfunc_end0:
.L_simem_size_0:
called_computation.2_lowered:
.L_overlay_start_0:
0x88: {  	s2 =	sld [smem:$0x3FD9]  }
0x89: {  	s3 =	sld [smem:$0x3FFE];
	_ =	sdelay $0x1  }
0x8a: {  	s1 =	srdreg.scid  }
0x8b: {  	s0 =	sand.u32 $0x1, s1  }
0x8c: {  	s16 =	sshll.u32 s0, $0xA;
	s2 =	sadd.s32 s3, s2  }
0x8d: {  	s2 =	sadd.s32 s2, s16  }
0x8e: {  	[smem:$0x3FB9] =	sst s2  }
0x8f: {  	_ = 	snop  }
0x90: {  	(tm) =	ssettm $0x1  }
0x91: {  	s17 =	sld [smem:$0x3FFB];
	_ =	sdelay $0x3  }
0x92: {  	_ =	strace s17  }
0x93: {  	s2 =	sld [smem:$0x3FFC];
	_ =	sdelay $0x3  }
0x94: {  	_ =	strace s2  }
0x95: {  	s2 =	sld [smem:$0x3FFD];
	_ =	sdelay $0x3  }
0x96: {  	_ =	strace s2  }
0x97: {  	_ =	strace $0x8FFFFFFF  }
0x98: {  	s18 =	sld [smem:$0x3FDB];
	_ =	sdelay $0x1  }
0x99: {  	s19 =	simm.s32 $_scs_section_size  }
0x9a: {  	s4 =	simm.s32 $_size__tile_overlayer_lowered;
	s5 =	simm.s32 $_tile_overlayer_lowered  }
0x9b: {  	s22 =	simm.s32 $0x1BFF;
	s21 =	sshll.u32 s5, $0x1;
	s2 =	sadd.s32 s19, s18  }
0x9c: {  	s6 =	simm.s32 $0x0;
	s20 =	sshll.u32 s4, $0x1;
	s4 =	sadd.s32 s21, s2  }
0x9d: {  	[timem:s6], [sflag:s22] =	dma.local [hbm:s4], s20  }
0x9e: {  	_ =	swait.ge [sflag:s22], s20  }
0x9f: {  	s3 =	ssub.s32 $0x0, s20;
	[sflag:s22] =	ssyncset.done $0x0  }
0xa0: {  	[sflag:s22] =	ssyncadd.s32 s3;
	_ =	sdelay $0x1  }
0xa1: {  	s23 =	simm.s32 $0x1B8B  }
0xa2: {  	_ =	swait.ge [sflag:s23], $0x1  }
0xa3: {  	[sflag:s23] =	ssyncset.done $0x0  }
0xa4: {  	s25 =	simm.s32 $0x1B8E;
	s24 =	sld [smem:$0x3FFE];
	[sflag:s23] =	ssyncadd.s32 $0xFFFFFFFF  }
0xa5: {  	s26 =	simm.s32 $execute0_lowered;
	[smem:$0x3FD2] =	sst s25  }
0xa6: {  	s4 =	sshll.u32 s26, $0x1;
	_ =	strace $0x8000004C;
	[dreg:$0x1] =	wrdreg $0xFFFFFFFF  }
0xa7: {  	s28 =	simm.s32 $_size_execute0_lowered;
	s2 =	sadd.s32 s2, s4;
	[dreg:$0x0] =	wrdreg $0x0  }
0xa8: {  	s4 =	sshll.u32 s28, $0x1;
	[dreg:$0x2] =	wrdreg s2  }
0xa9: {  	[dreg:$0x3] =	wrdreg s4  }
0xaa: {  	[dreg:$0x4] =	wrdreg $0xC0  }
0xab: {  	_ =	task [dreg:s6], $0x5FFFF  }
0xac: {  	[dreg:$0x1] =	wrdreg $0xFFFFFFFF  }
0xad: {  	[dreg:$0x0] =	wrdreg $0x60  }
0xae: {  	[dreg:$0x2] =	wrdreg s24  }
0xaf: {  	[dreg:$0x3] =	wrdreg $0x9  }
0xb0: {  	_ =	task.clear_ibuf [dreg:s6], $0x4FFFF;
	_ =	strace $0x9000004C  }
0xb1: {  	s29 =	simm.s32 $0x9;
	_ =	strace $0x8000004E  }
0xb2: {  	_ =	swait.ge [sflag:s29], $0x1  }
0xb3: {  	[sflag:s29] =	ssyncadd.s32 $0xFFFFFFFF  }
0xb4: {  	_ =	strace $0x9000004E  }
0xb5: {  	_ =	sfence  }
0xb6: {  	s30 =	sld [smem:$0x0];
	_ =	sdelay $0x2  }
0xb7: {  	s31 =	sshll.u32 s1, $0xD;
	s1 =	sshrl.u32 s1, $0x2  }
0xb8: {  	s3 =	sand.u32 $0x4000, s31;
	s1 =	sadd.s32 s1, s30  }
0xb9: {  	s0 =	sor.u32 s3, s0;
	s1 =	sshll.u32 s1, $0x11  }
0xba: {  	s0 =	sor.u32 s1, s0  }
0xbb: {  	s0 =	sadd.s32 $0x8F2B, s0  }
0xbc: {  	[sflag:s0] =	ssyncadd.remote.s32 $0x1  }
0xbd: {  	_ =	sfence.sel $0xFFFF  }
0xbe: {  	[dreg:$0x0] =	wrdreg $0xFFFFFFFF;
	(pc) =	sbr.abs _section_cstart, $3  }
0xbf: {  	[dreg:$0x1] =	wrdreg $0xFFFFFFFF  }
0xc0: {  	_ =	task.clear_ibuf [dreg:s6], $0x2FFFF;
	_ =	strace $0x9FFFFFFF  }
0xc1: {  	(tm) =	ssettm $0x7FFFFFFF  }
tec
execute0_lowered:
.L_overlay_start_1:
0x0: {  	(tag) =	ssettag $0x1  }
0x1: {  	s1 =	srdreg.scid  }
0x2: {  	s2 =	simm.s32 $0x0;
	s4 =	sand.u32 $0x1, s1;
	s1 =	rddreg [dreg:$0x0]  }
0x3: {  	s17 =	simm.s32 $0x980;
	[smem:$0x7FF] =	sst s2  }
0x4: {  	s18 =	simm.s32 $0xD80;
	_ =	strace $0x8000004D;
	[dreg:$0x4] =	wrdreg s17  }
0x5: {  	s19 =	simm.s32 $0x1580;
	[dreg:$0x5] =	wrdreg s18  }
0x6: {  	s20 =	simm.s32 $0x1980;
	[dreg:$0x6] =	wrdreg s19  }
0x7: {  	s21 =	simm.s32 $0x2180;
	[dreg:$0x7] =	wrdreg s20  }
0x8: {  	s22 =	simm.s32 $0x2580;
	[dreg:$0x8] =	wrdreg s21  }
0x9: {  	s23 =	simm.s32 $0x2D80;
	[dreg:$0x9] =	wrdreg s22  }
0xa: {  	s24 =	simm.s32 $0x3180;
	[dreg:$0xa] =	wrdreg s23  }
0xb: {  	s25 =	simm.s32 $0x3980;
	[dreg:$0xb] =	wrdreg s24  }
0xc: {  	s0 =	stileid.u32;
	s26 =	simm.s32 $0x3D80;
	[dreg:$0xc] =	wrdreg s25  }
0xd: {  	s16 =	sshll.u32 s0, $0x1;
	s0 =	simm.s32 $0x4580;
	[dreg:$0xd] =	wrdreg s26  }
0xe: {  	s6 =	simm.s32 $0x5180;
	[dreg:$0xe] =	wrdreg s0  }
0xf: {  	s7 =	simm.s32 $0x5580;
	[dreg:$0x10] =	wrdreg s6  }
0x10: {  	s8 =	simm.s32 $0x5D80;
	[dreg:$0x11] =	wrdreg s7  }
0x11: {  	s9 =	simm.s32 $0x6180;
	[dreg:$0x12] =	wrdreg s8  }
0x12: {  	s10 =	simm.s32 $0x6980;
	[dreg:$0x13] =	wrdreg s9  }
0x13: {  	s11 =	simm.s32 $0x6D80;
	[dreg:$0x14] =	wrdreg s10  }
0x14: {  	s12 =	simm.s32 $0x7580;
	[dreg:$0x15] =	wrdreg s11  }
0x15: {  	s13 =	simm.s32 $0x7980;
	[dreg:$0x16] =	wrdreg s12  }
0x16: {  	s14 =	simm.s32 $0x8180;
	[dreg:$0x17] =	wrdreg s13  }
0x17: {  	s15 =	simm.s32 $0x8580;
	[dreg:$0x18] =	wrdreg s14  }
0x18: {  	s3 =	sor.u32 s4, s16;
	[dreg:$0x19] =	wrdreg s15;
	s16 =	simm.s32 $0x8D80  }
0x19: {  	s17 =	simm.s32 $0x9180;
	[dreg:$0x1a] =	wrdreg s16  }
0x1a: {  	s18 =	simm.s32 $0x9980;
	[dreg:$0x1b] =	wrdreg s17  }
0x1b: {  	s19 =	simm.s32 $0x9D80;
	[dreg:$0x1c] =	wrdreg s18  }
0x1c: {  	s20 =	simm.s32 $0xA580;
	[dreg:$0x1d] =	wrdreg s19  }
0x1d: {  	s21 =	simm.s32 $0xA980;
	[dreg:$0x1e] =	wrdreg s20  }
0x1e: {  	s22 =	simm.s32 $0xB180;
	[dreg:$0x1f] =	wrdreg s21  }
0x1f: {  	s23 =	simm.s32 $0xB580;
	[smem:$0x7E2] =	sst s22  }
0x20: {  	s24 =	simm.s32 $0xBD80;
	[smem:$0x7E3] =	sst s23  }
0x21: {  	s25 =	simm.s32 $0xC180;
	[smem:$0x7E4] =	sst s24  }
0x22: {  	s26 =	simm.s32 $0xC980;
	[smem:$0x7E5] =	sst s25  }
0x23: {  	s0 =	simm.s32 $0xCD80;
	[smem:$0x7E6] =	sst s26  }
0x24: {  	s6 =	simm.s32 $0xD980;
	[smem:$0x7E7] =	sst s0  }
0x25: {  	s7 =	simm.s32 $0xE180;
	[smem:$0x7E9] =	sst s6  }
0x26: {  	s8 =	simm.s32 $0xE580;
	[smem:$0x7EA] =	sst s7  }
0x27: {  	s9 =	simm.s32 $0xED80;
	[smem:$0x7EB] =	sst s8  }
0x28: {  	s28 =	simm.s32 $0x1C580;
	s10 =	simm.s32 $0xF180;
	[smem:$0x7EC] =	sst s9  }
0x29: {  	s29 =	simm.s32 $0x1C980;
	s11 =	simm.s32 $0xF980;
	[smem:$0x7ED] =	sst s10  }
0x2a: {  	s30 =	simm.s32 $0x1D180;
	s12 =	simm.s32 $0xFD80;
	[smem:$0x7EE] =	sst s11  }
0x2b: {  	s31 =	simm.s32 $0x1D580;
	s13 =	simm.s32 $0x10580;
	[smem:$0x7EF] =	sst s12  }
0x2c: {  	s14 =	simm.s32 $0x10980;
	s15 =	simm.s32 $0x11180;
	[smem:$0x7F0] =	sst s13  }
0x2d: {  	s4 =	ssub.s32 $0x2, s4;
	s5 =	smul.u32 $0x28, s3;
	[smem:$0x7F1] =	sst s14  }
0x2e: {  	s3 =	smul.u32 $0x3C00, s3;
	[smem:$0x7F2] =	sst s15;
	s16 =	simm.s32 $0x11580  }
0x2f: {  	s17 =	simm.s32 $0x11D80;
	s18 =	simm.s32 $0x12180;
	[smem:$0x7F3] =	sst s16  }
0x30: {  	s19 =	simm.s32 $0x12980;
	s6 =	sshrl.u32 s4, $0x1;
	[smem:$0x7F4] =	sst s17  }
0x31: {  	s20 =	simm.s32 $0x12D80;
	s21 =	simm.s32 $0x13580;
	[smem:$0x7F5] =	sst s18  }
0x32: {  	s22 =	simm.s32 $0x13980;
	s23 =	simm.s32 $0x14180;
	[smem:$0x7F6] =	sst s19  }
0x33: {  	s24 =	simm.s32 $0x14580;
	s7 =	simm.s32 $0x180;
	[smem:$0x7F7] =	sst s20  }
0x34: {  	s25 =	simm.s32 $0x14D80;
	s8 =	simm.s32 $0x1;
	[smem:$0x7F8] =	sst s21  }
0x35: {  	s26 =	simm.s32 $0x15180;
	s10 =	simm.s32 $0x15D80;
	[smem:$0x7F9] =	sst s22  }
0x36: {  	s11 =	simm.s32 $0x16580;
	s12 =	simm.s32 $0x16980;
	[smem:$0x7FA] =	sst s23  }
0x37: {  	s13 =	simm.s32 $0x17180;
	s14 =	simm.s32 $0x17580;
	[smem:$0x7FB] =	sst s24  }
0x38: {  	s15 =	simm.s32 $0x17D80;
	s6 =	ssub.s32 s4, s6;
	[smem:$0x7FC] =	sst s25  }
0x39: {  	s4 =	sadd.s32 $0x2D00, s1;
	[smem:$0x7FD] =	sst s26;
	s16 =	simm.s32 $0x18180  }
0x3a: {  	s17 =	simm.s32 $0x18980;
	s18 =	simm.s32 $0x18D80;
	s19 =	simm.s32 $0x19580  }
0x3b: {  	s20 =	simm.s32 $0x19980;
	s21 =	simm.s32 $0x1A180;
	s22 =	simm.s32 $0x1A580  }
0x3c: {  	s23 =	simm.s32 $0x1AD80;
	s24 =	simm.s32 $0x1B180;
	s5 =	sadd.s32 s5, s1  }
0x3d: {  	s25 =	simm.s32 $0x1B980;
	s3 =	sadd.s32 s3, s1;
	s5 =	sadd.s32 $0x1400, s5  }
0x3e: {  	s26 =	simm.s32 $0x1BD80;
	s3 =	sadd.s32 $0x78000, s3;
	[dreg:$0x2] =	wrdreg s5  }
0x3f: {  	v2 =	vlaneseq.u32;
	[dreg:$0x3] =	wrdreg s3;
	s5 =	simm.s32 $0x4980;
	s3 =	sadd.s32 $0x2C00, s1  }
0x40: {  	vm0 =	vmmov $0xffff;
	vm1 =	vmmov $0xff;
	v1 =	vshrl.u32 v2, $0x3;
	s1 =	simm.s32 $0x1DD80;
	[dreg:$0xf] =	wrdreg s5;
	s5 =	simm.s32 $0xD580  }
0x41: {  	v0 =	vand.u32 $0x7, v2;
	v2 =	vor.u32 $0x8, v2;
	v1 =	vmul.u32 $0x8, v1;
	[smem:$0x7E8] =	sst s5;
	s5 =	smax.u32 s6, $0x1;
	s6 =	simm.s32 $0x2  }
.LBB2_1:
0x42: {  	s0 =	rddreg [dreg:$0x2]  }
0x43: {  	[tilespmem:s2], [sflag:$0x2] =	stream.linear.gather [hbm4b:s0+s2], $0x140, $0x38;
	[tilespmem:$0x1E180] =	vst v63  }
0x44: {  	_ =	swait.ge [sflag:s6], $0x140  }
0x45: {  	[sflag:s6] =	ssyncset.done $0x0  }
0x46: {  	[sflag:s6] =	ssyncadd.s32 $0xFFFFFEC0  }
0x47: {  	v3 =	vld [tilespmem:$0x0];
	_ =	sdelay $0x4  }
0x48: {  	v4 =	vshrl.u32 v3, $0x3  }
0x49: {  	v4 =	vmul.u32 $0x18, v4  }
0x4a: {  	v3 =	vand.u32 $0x7, v3  }
0x4b: {  	v3 =	vor.u32 v3, v4  }
0x4c: {  	v4 =	vperm.xlane v3, v0;
	_ =	sdelay $0x1  }
0x4d: {  	v4 =	vadd.s32 v1, v4;
	_ =	sdelay $0x1  }
0x4e: {  	v3 =	vperm.xlane v3, v2;
	_ =	sdelay $0x1  }
0x4f: {  	v3 =	vadd.s32 v1, v3  }
0x50: {  	[tilespmem:s7], [sflag:$0x1] =	stream.indirect_vreg.gather [hbm4b:s3+s2], $0x80, v4, vm0, $0xb8;
	[tilespmem:$0x1E180] =	vst v63  }
0x51: {  	s0 =	rddreg [dreg:$0x4]  }
0x52: {  	[tilespmem:s0], [sflag:$0x1] =	stream.indirect_vreg.gather [hbm4b:s4+s2], $0x80, v4, vm1, $0xb8;
	[tilespmem:$0x1E180] =	vst v63  }
0x53: {  	s9 =	rddreg [dreg:$0x5]  }
0x54: {  	[tilespmem:s9], [sflag:$0x1] =	stream.indirect_vreg.gather [hbm4b:s3+s2], $0x80, v3, vm0, $0xb8;
	[tilespmem:$0x1E180] =	vst v63  }
0x55: {  	s0 =	rddreg [dreg:$0x6]  }
0x56: {  	[tilespmem:s0], [sflag:$0x1] =	stream.indirect_vreg.gather [hbm4b:s4+s2], $0x80, v3, vm1, $0xb8;
	[tilespmem:$0x1E180] =	vst v63  }
0x57: {  	v3 =	vld [tilespmem:$0x10];
	_ =	sdelay $0x4  }
0x58: {  	v45 =	vshrl.u32 v3, $0x3  }
0x59: {  	v4 =	vmul.u32 $0x18, v45  }
0x5a: {  	v3 =	vand.u32 $0x7, v3  }
0x5b: {  	v3 =	vor.u32 v3, v4  }
0x5c: {  	v4 =	vperm.xlane v3, v0;
	_ =	sdelay $0x1  }
0x5d: {  	v4 =	vadd.s32 v1, v4;
	_ =	sdelay $0x1  }
0x5e: {  	v3 =	vperm.xlane v3, v2;
	_ =	sdelay $0x1  }
0x5f: {  	s0 =	rddreg [dreg:$0x7];
	v3 =	vadd.s32 v1, v3  }
0x60: {  	[tilespmem:s0], [sflag:$0x1] =	stream.indirect_vreg.gather [hbm4b:s3+s2], $0x80, v4, vm0, $0xb8;
	[tilespmem:$0x1E180] =	vst v63  }
0x61: {  	s9 =	rddreg [dreg:$0x8]  }
0x62: {  	[tilespmem:s9], [sflag:$0x1] =	stream.indirect_vreg.gather [hbm4b:s4+s2], $0x80, v4, vm1, $0xb8;
	[tilespmem:$0x1E180] =	vst v63  }
0x63: {  	s0 =	rddreg [dreg:$0x9]  }
0x64: {  	[tilespmem:s0], [sflag:$0x1] =	stream.indirect_vreg.gather [hbm4b:s3+s2], $0x80, v3, vm0, $0xb8;
	[tilespmem:$0x1E180] =	vst v63  }
0x65: {  	s9 =	rddreg [dreg:$0xa]  }
0x66: {  	[tilespmem:s9], [sflag:$0x1] =	stream.indirect_vreg.gather [hbm4b:s4+s2], $0x80, v3, vm1, $0xb8;
	[tilespmem:$0x1E180] =	vst v63  }
0x67: {  	v3 =	vld [tilespmem:$0x20];
	_ =	sdelay $0x4  }
0x68: {  	v46 =	vshrl.u32 v3, $0x3  }
0x69: {  	v4 =	vmul.u32 $0x18, v46  }
0x6a: {  	v3 =	vand.u32 $0x7, v3  }
0x6b: {  	v3 =	vor.u32 v3, v4  }
0x6c: {  	v4 =	vperm.xlane v3, v0;
	_ =	sdelay $0x1  }
0x6d: {  	v4 =	vadd.s32 v1, v4;
	_ =	sdelay $0x1  }
0x6e: {  	v3 =	vperm.xlane v3, v2;
	_ =	sdelay $0x1  }
0x6f: {  	s0 =	rddreg [dreg:$0xb];
	v3 =	vadd.s32 v1, v3  }
0x70: {  	[tilespmem:s0], [sflag:$0x1] =	stream.indirect_vreg.gather [hbm4b:s3+s2], $0x80, v4, vm0, $0xb8;
	[tilespmem:$0x1E180] =	vst v63  }
0x71: {  	s9 =	rddreg [dreg:$0xc]  }
0x72: {  	[tilespmem:s9], [sflag:$0x1] =	stream.indirect_vreg.gather [hbm4b:s4+s2], $0x80, v4, vm1, $0xb8;
	[tilespmem:$0x1E180] =	vst v63  }
0x73: {  	s0 =	rddreg [dreg:$0xd]  }
0x74: {  	[tilespmem:s0], [sflag:$0x1] =	stream.indirect_vreg.gather [hbm4b:s3+s2], $0x80, v3, vm0, $0xb8;
	[tilespmem:$0x1E180] =	vst v63  }
0x75: {  	s9 =	rddreg [dreg:$0xe]  }
0x76: {  	[tilespmem:s9], [sflag:$0x1] =	stream.indirect_vreg.gather [hbm4b:s4+s2], $0x80, v3, vm1, $0xb8;
	[tilespmem:$0x1E180] =	vst v63  }
0x77: {  	v3 =	vld [tilespmem:$0x30];
	_ =	sdelay $0x4  }
0x78: {  	v47 =	vshrl.u32 v3, $0x3  }
0x79: {  	v4 =	vmul.u32 $0x18, v47  }
0x7a: {  	v3 =	vand.u32 $0x7, v3  }
0x7b: {  	v3 =	vor.u32 v3, v4  }
0x7c: {  	v4 =	vperm.xlane v3, v0;
	_ =	sdelay $0x1  }
0x7d: {  	v4 =	vadd.s32 v1, v4;
	_ =	sdelay $0x1  }
0x7e: {  	v3 =	vperm.xlane v3, v2;
	_ =	sdelay $0x1  }
0x7f: {  	s0 =	rddreg [dreg:$0xf];
	v3 =	vadd.s32 v1, v3  }
0x80: {  	[tilespmem:s0], [sflag:$0x1] =	stream.indirect_vreg.gather [hbm4b:s3+s2], $0x80, v4, vm0, $0xb8;
	[tilespmem:$0x1E180] =	vst v63  }
0x81: {  	s9 =	rddreg [dreg:$0x10]  }
0x82: {  	[tilespmem:s9], [sflag:$0x1] =	stream.indirect_vreg.gather [hbm4b:s4+s2], $0x80, v4, vm1, $0xb8;
	[tilespmem:$0x1E180] =	vst v63  }
0x83: {  	s0 =	rddreg [dreg:$0x11]  }
0x84: {  	[tilespmem:s0], [sflag:$0x1] =	stream.indirect_vreg.gather [hbm4b:s3+s2], $0x80, v3, vm0, $0xb8;
	[tilespmem:$0x1E180] =	vst v63  }
0x85: {  	s9 =	rddreg [dreg:$0x12]  }
0x86: {  	[tilespmem:s9], [sflag:$0x1] =	stream.indirect_vreg.gather [hbm4b:s4+s2], $0x80, v3, vm1, $0xb8;
	[tilespmem:$0x1E180] =	vst v63  }
0x87: {  	_ =	swait.ge [sflag:s8], $0x6000  }
0x88: {  	[sflag:s8] =	ssyncset.done $0x0  }
0x89: {  	[sflag:s8] =	ssyncadd.s32 $0xFFFFA000  }
0x8a: {  	v3 =	vld [tilespmem:$0x40];
	_ =	sdelay $0x4  }
0x8b: {  	v48 =	vshrl.u32 v3, $0x3  }
0x8c: {  	v4 =	vmul.u32 $0x18, v48  }
0x8d: {  	v3 =	vand.u32 $0x7, v3  }
0x8e: {  	v3 =	vor.u32 v3, v4  }
0x8f: {  	v4 =	vperm.xlane v3, v0;
	_ =	sdelay $0x1  }
0x90: {  	v4 =	vadd.s32 v1, v4;
	_ =	sdelay $0x1  }
0x91: {  	v3 =	vperm.xlane v3, v2;
	_ =	sdelay $0x1  }
0x92: {  	s0 =	rddreg [dreg:$0x13];
	v3 =	vadd.s32 v1, v3  }
0x93: {  	[tilespmem:s0], [sflag:$0x1] =	stream.indirect_vreg.gather [hbm4b:s3+s2], $0x80, v4, vm0, $0xb8;
	[tilespmem:$0x1E180] =	vst v63  }
0x94: {  	s9 =	rddreg [dreg:$0x14]  }
0x95: {  	[tilespmem:s9], [sflag:$0x1] =	stream.indirect_vreg.gather [hbm4b:s4+s2], $0x80, v4, vm1, $0xb8;
	[tilespmem:$0x1E180] =	vst v63  }
0x96: {  	s0 =	rddreg [dreg:$0x15]  }
0x97: {  	[tilespmem:s0], [sflag:$0x1] =	stream.indirect_vreg.gather [hbm4b:s3+s2], $0x80, v3, vm0, $0xb8;
	[tilespmem:$0x1E180] =	vst v63  }
0x98: {  	s9 =	rddreg [dreg:$0x16]  }
0x99: {  	[tilespmem:s9], [sflag:$0x1] =	stream.indirect_vreg.gather [hbm4b:s4+s2], $0x80, v3, vm1, $0xb8;
	[tilespmem:$0x1E180] =	vst v63  }
0x9a: {  	v3 =	vld [tilespmem:$0x50];
	_ =	sdelay $0x4  }
0x9b: {  	v49 =	vshrl.u32 v3, $0x3  }
0x9c: {  	v4 =	vmul.u32 $0x18, v49  }
0x9d: {  	v3 =	vand.u32 $0x7, v3  }
0x9e: {  	v3 =	vor.u32 v3, v4  }
0x9f: {  	v4 =	vperm.xlane v3, v0;
	_ =	sdelay $0x1  }
0xa0: {  	v4 =	vadd.s32 v1, v4;
	_ =	sdelay $0x1  }
0xa1: {  	v3 =	vperm.xlane v3, v2;
	_ =	sdelay $0x1  }
0xa2: {  	s0 =	rddreg [dreg:$0x17];
	v3 =	vadd.s32 v1, v3  }
0xa3: {  	[tilespmem:s0], [sflag:$0x1] =	stream.indirect_vreg.gather [hbm4b:s3+s2], $0x80, v4, vm0, $0xb8;
	[tilespmem:$0x1E180] =	vst v63  }
0xa4: {  	s9 =	rddreg [dreg:$0x18]  }
0xa5: {  	[tilespmem:s9], [sflag:$0x1] =	stream.indirect_vreg.gather [hbm4b:s4+s2], $0x80, v4, vm1, $0xb8;
	[tilespmem:$0x1E180] =	vst v63  }
0xa6: {  	s0 =	rddreg [dreg:$0x19]  }
0xa7: {  	[tilespmem:s0], [sflag:$0x1] =	stream.indirect_vreg.gather [hbm4b:s3+s2], $0x80, v3, vm0, $0xb8;
	[tilespmem:$0x1E180] =	vst v63  }
0xa8: {  	s9 =	rddreg [dreg:$0x1a]  }
0xa9: {  	[tilespmem:s9], [sflag:$0x1] =	stream.indirect_vreg.gather [hbm4b:s4+s2], $0x80, v3, vm1, $0xb8;
	[tilespmem:$0x1E180] =	vst v63  }
0xaa: {  	v3 =	vld [tilespmem:$0x60];
	_ =	sdelay $0x4  }
0xab: {  	v50 =	vshrl.u32 v3, $0x3  }
0xac: {  	v4 =	vmul.u32 $0x18, v50  }
0xad: {  	v3 =	vand.u32 $0x7, v3  }
0xae: {  	v3 =	vor.u32 v3, v4  }
0xaf: {  	v4 =	vperm.xlane v3, v0;
	_ =	sdelay $0x1  }
0xb0: {  	v4 =	vadd.s32 v1, v4;
	_ =	sdelay $0x1  }
0xb1: {  	v3 =	vperm.xlane v3, v2;
	_ =	sdelay $0x1  }
0xb2: {  	s0 =	rddreg [dreg:$0x1b];
	v3 =	vadd.s32 v1, v3  }
0xb3: {  	[tilespmem:s0], [sflag:$0x1] =	stream.indirect_vreg.gather [hbm4b:s3+s2], $0x80, v4, vm0, $0xb8;
	[tilespmem:$0x1E180] =	vst v63  }
0xb4: {  	s9 =	rddreg [dreg:$0x1c]  }
0xb5: {  	[tilespmem:s9], [sflag:$0x1] =	stream.indirect_vreg.gather [hbm4b:s4+s2], $0x80, v4, vm1, $0xb8;
	[tilespmem:$0x1E180] =	vst v63  }
0xb6: {  	s0 =	rddreg [dreg:$0x1d]  }
0xb7: {  	[tilespmem:s0], [sflag:$0x1] =	stream.indirect_vreg.gather [hbm4b:s3+s2], $0x80, v3, vm0, $0xb8;
	[tilespmem:$0x1E180] =	vst v63  }
0xb8: {  	s9 =	rddreg [dreg:$0x1e]  }
0xb9: {  	[tilespmem:s9], [sflag:$0x1] =	stream.indirect_vreg.gather [hbm4b:s4+s2], $0x80, v3, vm1, $0xb8;
	[tilespmem:$0x1E180] =	vst v63  }
0xba: {  	v3 =	vld [tilespmem:$0x70];
	_ =	sdelay $0x4  }
0xbb: {  	v51 =	vshrl.u32 v3, $0x3  }
0xbc: {  	v4 =	vmul.u32 $0x18, v51  }
0xbd: {  	v3 =	vand.u32 $0x7, v3  }
0xbe: {  	v3 =	vor.u32 v3, v4  }
0xbf: {  	v4 =	vperm.xlane v3, v0;
	_ =	sdelay $0x1  }
0xc0: {  	v4 =	vadd.s32 v1, v4;
	_ =	sdelay $0x1  }
0xc1: {  	v3 =	vperm.xlane v3, v2  }
0xc2: {  	s0 =	rddreg [dreg:$0x1f]  }
0xc3: {  	s9 =	sld [smem:$0x7E2];
	v3 =	vadd.s32 v1, v3  }
0xc4: {  	[tilespmem:s0], [sflag:$0x1] =	stream.indirect_vreg.gather [hbm4b:s3+s2], $0x80, v4, vm0, $0xb8;
	[tilespmem:$0x1E180] =	vst v63  }
0xc5: {  	s0 =	sld [smem:$0x7E3]  }
0xc6: {  	[tilespmem:s9], [sflag:$0x1] =	stream.indirect_vreg.gather [hbm4b:s4+s2], $0x80, v4, vm1, $0xb8;
	[tilespmem:$0x1E180] =	vst v63  }
0xc7: {  	s9 =	sld [smem:$0x7E4]  }
0xc8: {  	[tilespmem:s0], [sflag:$0x1] =	stream.indirect_vreg.gather [hbm4b:s3+s2], $0x80, v3, vm0, $0xb8;
	[tilespmem:$0x1E180] =	vst v63  }
0xc9: {  	_ = 	snop  }
0xca: {  	[tilespmem:s9], [sflag:$0x1] =	stream.indirect_vreg.gather [hbm4b:s4+s2], $0x80, v3, vm1, $0xb8;
	[tilespmem:$0x1E180] =	vst v63  }
0xcb: {  	_ =	swait.ge [sflag:s8], $0x6000  }
0xcc: {  	[sflag:s8] =	ssyncset.done $0x0  }
0xcd: {  	[sflag:s8] =	ssyncadd.s32 $0xFFFFA000  }
0xce: {  	v3 =	vld [tilespmem:$0x80];
	_ =	sdelay $0x4  }
0xcf: {  	v52 =	vshrl.u32 v3, $0x3  }
0xd0: {  	v4 =	vmul.u32 $0x18, v52  }
0xd1: {  	v3 =	vand.u32 $0x7, v3  }
0xd2: {  	v3 =	vor.u32 v3, v4  }
0xd3: {  	v4 =	vperm.xlane v3, v0;
	_ =	sdelay $0x1  }
0xd4: {  	v4 =	vadd.s32 v1, v4;
	_ =	sdelay $0x1  }
0xd5: {  	s0 =	sld [smem:$0x7E5];
	v3 =	vperm.xlane v3, v2;
	_ =	sdelay $0x1  }
0xd6: {  	s9 =	sld [smem:$0x7E6];
	v3 =	vadd.s32 v1, v3  }
0xd7: {  	[tilespmem:s0], [sflag:$0x1] =	stream.indirect_vreg.gather [hbm4b:s3+s2], $0x80, v4, vm0, $0xb8;
	[tilespmem:$0x1E180] =	vst v63  }
0xd8: {  	s0 =	sld [smem:$0x7E7]  }
0xd9: {  	[tilespmem:s9], [sflag:$0x1] =	stream.indirect_vreg.gather [hbm4b:s4+s2], $0x80, v4, vm1, $0xb8;
	[tilespmem:$0x1E180] =	vst v63  }
0xda: {  	s9 =	sld [smem:$0x7E8]  }
0xdb: {  	[tilespmem:s0], [sflag:$0x1] =	stream.indirect_vreg.gather [hbm4b:s3+s2], $0x80, v3, vm0, $0xb8;
	[tilespmem:$0x1E180] =	vst v63  }
0xdc: {  	_ = 	snop  }
0xdd: {  	[tilespmem:s9], [sflag:$0x1] =	stream.indirect_vreg.gather [hbm4b:s4+s2], $0x80, v3, vm1, $0xb8;
	[tilespmem:$0x1E180] =	vst v63  }
0xde: {  	v3 =	vld [tilespmem:$0x90];
	_ =	sdelay $0x4  }
0xdf: {  	v53 =	vshrl.u32 v3, $0x3  }
0xe0: {  	v4 =	vmul.u32 $0x18, v53  }
0xe1: {  	v3 =	vand.u32 $0x7, v3  }
0xe2: {  	v3 =	vor.u32 v3, v4  }
0xe3: {  	v4 =	vperm.xlane v3, v0;
	_ =	sdelay $0x1  }
0xe4: {  	v4 =	vadd.s32 v1, v4;
	_ =	sdelay $0x1  }
0xe5: {  	s0 =	sld [smem:$0x7E9];
	v3 =	vperm.xlane v3, v2;
	_ =	sdelay $0x1  }
0xe6: {  	s9 =	sld [smem:$0x7EA];
	v3 =	vadd.s32 v1, v3  }
0xe7: {  	[tilespmem:s0], [sflag:$0x1] =	stream.indirect_vreg.gather [hbm4b:s3+s2], $0x80, v4, vm0, $0xb8;
	[tilespmem:$0x1E180] =	vst v63  }
0xe8: {  	s0 =	sld [smem:$0x7EB]  }
0xe9: {  	[tilespmem:s9], [sflag:$0x1] =	stream.indirect_vreg.gather [hbm4b:s4+s2], $0x80, v4, vm1, $0xb8;
	[tilespmem:$0x1E180] =	vst v63  }
0xea: {  	s9 =	sld [smem:$0x7EC]  }
0xeb: {  	[tilespmem:s0], [sflag:$0x1] =	stream.indirect_vreg.gather [hbm4b:s3+s2], $0x80, v3, vm0, $0xb8;
	[tilespmem:$0x1E180] =	vst v63  }
0xec: {  	_ = 	snop  }
0xed: {  	[tilespmem:s9], [sflag:$0x1] =	stream.indirect_vreg.gather [hbm4b:s4+s2], $0x80, v3, vm1, $0xb8;
	[tilespmem:$0x1E180] =	vst v63  }
0xee: {  	v3 =	vld [tilespmem:$0xA0];
	_ =	sdelay $0x4  }
0xef: {  	v54 =	vshrl.u32 v3, $0x3  }
0xf0: {  	v4 =	vmul.u32 $0x18, v54  }
0xf1: {  	v3 =	vand.u32 $0x7, v3  }
0xf2: {  	v3 =	vor.u32 v3, v4  }
0xf3: {  	v4 =	vperm.xlane v3, v0;
	_ =	sdelay $0x1  }
0xf4: {  	v4 =	vadd.s32 v1, v4;
	_ =	sdelay $0x1  }
0xf5: {  	s0 =	sld [smem:$0x7ED];
	v3 =	vperm.xlane v3, v2;
	_ =	sdelay $0x1  }
0xf6: {  	s9 =	sld [smem:$0x7EE];
	v3 =	vadd.s32 v1, v3  }
0xf7: {  	[tilespmem:s0], [sflag:$0x1] =	stream.indirect_vreg.gather [hbm4b:s3+s2], $0x80, v4, vm0, $0xb8;
	[tilespmem:$0x1E180] =	vst v63  }
0xf8: {  	s0 =	sld [smem:$0x7EF]  }
0xf9: {  	[tilespmem:s9], [sflag:$0x1] =	stream.indirect_vreg.gather [hbm4b:s4+s2], $0x80, v4, vm1, $0xb8;
	[tilespmem:$0x1E180] =	vst v63  }
0xfa: {  	s9 =	sld [smem:$0x7F0]  }
0xfb: {  	[tilespmem:s0], [sflag:$0x1] =	stream.indirect_vreg.gather [hbm4b:s3+s2], $0x80, v3, vm0, $0xb8;
	[tilespmem:$0x1E180] =	vst v63  }
0xfc: {  	_ = 	snop  }
0xfd: {  	[tilespmem:s9], [sflag:$0x1] =	stream.indirect_vreg.gather [hbm4b:s4+s2], $0x80, v3, vm1, $0xb8;
	[tilespmem:$0x1E180] =	vst v63  }
0xfe: {  	v3 =	vld [tilespmem:$0xB0];
	_ =	sdelay $0x4  }
0xff: {  	v55 =	vshrl.u32 v3, $0x3  }
0x100: {  	v4 =	vmul.u32 $0x18, v55  }
0x101: {  	v3 =	vand.u32 $0x7, v3  }
0x102: {  	v3 =	vor.u32 v3, v4  }
0x103: {  	v4 =	vperm.xlane v3, v0;
	_ =	sdelay $0x1  }
0x104: {  	v4 =	vadd.s32 v1, v4;
	_ =	sdelay $0x1  }
0x105: {  	s0 =	sld [smem:$0x7F1];
	v3 =	vperm.xlane v3, v2;
	_ =	sdelay $0x1  }
0x106: {  	s9 =	sld [smem:$0x7F2];
	v3 =	vadd.s32 v1, v3  }
0x107: {  	[tilespmem:s0], [sflag:$0x1] =	stream.indirect_vreg.gather [hbm4b:s3+s2], $0x80, v4, vm0, $0xb8;
	[tilespmem:$0x1E180] =	vst v63  }
0x108: {  	s0 =	sld [smem:$0x7F3]  }
0x109: {  	[tilespmem:s9], [sflag:$0x1] =	stream.indirect_vreg.gather [hbm4b:s4+s2], $0x80, v4, vm1, $0xb8;
	[tilespmem:$0x1E180] =	vst v63  }
0x10a: {  	s9 =	sld [smem:$0x7F4]  }
0x10b: {  	[tilespmem:s0], [sflag:$0x1] =	stream.indirect_vreg.gather [hbm4b:s3+s2], $0x80, v3, vm0, $0xb8;
	[tilespmem:$0x1E180] =	vst v63  }
0x10c: {  	_ = 	snop  }
0x10d: {  	[tilespmem:s9], [sflag:$0x1] =	stream.indirect_vreg.gather [hbm4b:s4+s2], $0x80, v3, vm1, $0xb8;
	[tilespmem:$0x1E180] =	vst v63  }
0x10e: {  	_ =	swait.ge [sflag:s8], $0x6000  }
0x10f: {  	[sflag:s8] =	ssyncset.done $0x0  }
0x110: {  	[sflag:s8] =	ssyncadd.s32 $0xFFFFA000  }
0x111: {  	v3 =	vld [tilespmem:$0xC0];
	_ =	sdelay $0x4  }
0x112: {  	v56 =	vshrl.u32 v3, $0x3  }
0x113: {  	v4 =	vmul.u32 $0x18, v56  }
0x114: {  	v3 =	vand.u32 $0x7, v3  }
0x115: {  	v3 =	vor.u32 v3, v4  }
0x116: {  	v4 =	vperm.xlane v3, v0;
	_ =	sdelay $0x1  }
0x117: {  	v4 =	vadd.s32 v1, v4;
	_ =	sdelay $0x1  }
0x118: {  	s0 =	sld [smem:$0x7F5];
	v3 =	vperm.xlane v3, v2;
	_ =	sdelay $0x1  }
0x119: {  	s9 =	sld [smem:$0x7F6];
	v3 =	vadd.s32 v1, v3  }
0x11a: {  	[tilespmem:s0], [sflag:$0x1] =	stream.indirect_vreg.gather [hbm4b:s3+s2], $0x80, v4, vm0, $0xb8;
	[tilespmem:$0x1E180] =	vst v63  }
0x11b: {  	s0 =	sld [smem:$0x7F7]  }
0x11c: {  	[tilespmem:s9], [sflag:$0x1] =	stream.indirect_vreg.gather [hbm4b:s4+s2], $0x80, v4, vm1, $0xb8;
	[tilespmem:$0x1E180] =	vst v63  }
0x11d: {  	s9 =	sld [smem:$0x7F8]  }
0x11e: {  	[tilespmem:s0], [sflag:$0x1] =	stream.indirect_vreg.gather [hbm4b:s3+s2], $0x80, v3, vm0, $0xb8;
	[tilespmem:$0x1E180] =	vst v63  }
0x11f: {  	_ = 	snop  }
0x120: {  	[tilespmem:s9], [sflag:$0x1] =	stream.indirect_vreg.gather [hbm4b:s4+s2], $0x80, v3, vm1, $0xb8;
	[tilespmem:$0x1E180] =	vst v63  }
0x121: {  	v3 =	vld [tilespmem:$0xD0];
	_ =	sdelay $0x4  }
0x122: {  	v57 =	vshrl.u32 v3, $0x3  }
0x123: {  	v4 =	vmul.u32 $0x18, v57  }
0x124: {  	v3 =	vand.u32 $0x7, v3  }
0x125: {  	v3 =	vor.u32 v3, v4  }
0x126: {  	v4 =	vperm.xlane v3, v0;
	_ =	sdelay $0x1  }
0x127: {  	v4 =	vadd.s32 v1, v4;
	_ =	sdelay $0x1  }
0x128: {  	s0 =	sld [smem:$0x7F9];
	v3 =	vperm.xlane v3, v2;
	_ =	sdelay $0x1  }
0x129: {  	s9 =	sld [smem:$0x7FA];
	v3 =	vadd.s32 v1, v3  }
0x12a: {  	[tilespmem:s0], [sflag:$0x1] =	stream.indirect_vreg.gather [hbm4b:s3+s2], $0x80, v4, vm0, $0xb8;
	[tilespmem:$0x1E180] =	vst v63  }
0x12b: {  	s0 =	sld [smem:$0x7FB]  }
0x12c: {  	[tilespmem:s9], [sflag:$0x1] =	stream.indirect_vreg.gather [hbm4b:s4+s2], $0x80, v4, vm1, $0xb8;
	[tilespmem:$0x1E180] =	vst v63  }
0x12d: {  	s9 =	sld [smem:$0x7FC]  }
0x12e: {  	[tilespmem:s0], [sflag:$0x1] =	stream.indirect_vreg.gather [hbm4b:s3+s2], $0x80, v3, vm0, $0xb8;
	[tilespmem:$0x1E180] =	vst v63  }
0x12f: {  	_ = 	snop  }
0x130: {  	[tilespmem:s9], [sflag:$0x1] =	stream.indirect_vreg.gather [hbm4b:s4+s2], $0x80, v3, vm1, $0xb8;
	[tilespmem:$0x1E180] =	vst v63  }
0x131: {  	v3 =	vld [tilespmem:$0xE0];
	_ =	sdelay $0x4  }
0x132: {  	v58 =	vshrl.u32 v3, $0x3  }
0x133: {  	v4 =	vmul.u32 $0x18, v58  }
0x134: {  	v3 =	vand.u32 $0x7, v3  }
0x135: {  	v3 =	vor.u32 v3, v4  }
0x136: {  	v4 =	vperm.xlane v3, v0;
	_ =	sdelay $0x1  }
0x137: {  	v4 =	vadd.s32 v1, v4;
	_ =	sdelay $0x1  }
0x138: {  	s9 =	sld [smem:$0x7FD];
	v3 =	vperm.xlane v3, v2;
	_ =	sdelay $0x1  }
0x139: {  	v3 =	vadd.s32 v1, v3  }
0x13a: {  	[tilespmem:s9], [sflag:$0x1] =	stream.indirect_vreg.gather [hbm4b:s3+s2], $0x80, v4, vm0, $0xb8;
	[tilespmem:$0x1E180] =	vst v63  }
0x13b: {  	s9 =	simm.s32 $0x15980  }
0x13c: {  	[tilespmem:s9], [sflag:$0x1] =	stream.indirect_vreg.gather [hbm4b:s4+s2], $0x80, v4, vm1, $0xb8;
	[tilespmem:$0x1E180] =	vst v63  }
0x13d: {  	_ = 	snop  }
0x13e: {  	[tilespmem:s10], [sflag:$0x1] =	stream.indirect_vreg.gather [hbm4b:s3+s2], $0x80, v3, vm0, $0xb8;
	[tilespmem:$0x1E180] =	vst v63  }
0x13f: {  	_ = 	snop  }
0x140: {  	[tilespmem:s11], [sflag:$0x1] =	stream.indirect_vreg.gather [hbm4b:s4+s2], $0x80, v3, vm1, $0xb8;
	[tilespmem:$0x1E180] =	vst v63  }
0x141: {  	v3 =	vld [tilespmem:$0xF0];
	_ =	sdelay $0x4  }
0x142: {  	v59 =	vshrl.u32 v3, $0x3  }
0x143: {  	v4 =	vmul.u32 $0x18, v59  }
0x144: {  	v3 =	vand.u32 $0x7, v3  }
0x145: {  	v3 =	vor.u32 v3, v4  }
0x146: {  	v4 =	vperm.xlane v3, v0;
	_ =	sdelay $0x1  }
0x147: {  	v4 =	vadd.s32 v1, v4;
	_ =	sdelay $0x1  }
0x148: {  	v3 =	vperm.xlane v3, v2;
	_ =	sdelay $0x1  }
0x149: {  	v3 =	vadd.s32 v1, v3  }
0x14a: {  	[tilespmem:s12], [sflag:$0x1] =	stream.indirect_vreg.gather [hbm4b:s3+s2], $0x80, v4, vm0, $0xb8;
	[tilespmem:$0x1E180] =	vst v63  }
0x14b: {  	_ = 	snop  }
0x14c: {  	[tilespmem:s13], [sflag:$0x1] =	stream.indirect_vreg.gather [hbm4b:s4+s2], $0x80, v4, vm1, $0xb8;
	[tilespmem:$0x1E180] =	vst v63  }
0x14d: {  	_ = 	snop  }
0x14e: {  	[tilespmem:s14], [sflag:$0x1] =	stream.indirect_vreg.gather [hbm4b:s3+s2], $0x80, v3, vm0, $0xb8;
	[tilespmem:$0x1E180] =	vst v63  }
0x14f: {  	_ = 	snop  }
0x150: {  	[tilespmem:s15], [sflag:$0x1] =	stream.indirect_vreg.gather [hbm4b:s4+s2], $0x80, v3, vm1, $0xb8;
	[tilespmem:$0x1E180] =	vst v63  }
0x151: {  	_ =	swait.ge [sflag:s8], $0x6000  }
0x152: {  	[sflag:s8] =	ssyncset.done $0x0  }
0x153: {  	[sflag:s8] =	ssyncadd.s32 $0xFFFFA000  }
0x154: {  	v3 =	vld [tilespmem:$0x100];
	_ =	sdelay $0x4  }
0x155: {  	v60 =	vshrl.u32 v3, $0x3  }
0x156: {  	v4 =	vmul.u32 $0x18, v60  }
0x157: {  	v3 =	vand.u32 $0x7, v3  }
0x158: {  	v3 =	vor.u32 v3, v4  }
0x159: {  	v4 =	vperm.xlane v3, v0;
	_ =	sdelay $0x1  }
0x15a: {  	v4 =	vadd.s32 v1, v4;
	_ =	sdelay $0x1  }
0x15b: {  	v3 =	vperm.xlane v3, v2;
	_ =	sdelay $0x1  }
0x15c: {  	v3 =	vadd.s32 v1, v3  }
0x15d: {  	[tilespmem:s16], [sflag:$0x1] =	stream.indirect_vreg.gather [hbm4b:s3+s2], $0x80, v4, vm0, $0xb8;
	[tilespmem:$0x1E180] =	vst v63  }
0x15e: {  	_ = 	snop  }
0x15f: {  	[tilespmem:s17], [sflag:$0x1] =	stream.indirect_vreg.gather [hbm4b:s4+s2], $0x80, v4, vm1, $0xb8;
	[tilespmem:$0x1E180] =	vst v63  }
0x160: {  	_ = 	snop  }
0x161: {  	[tilespmem:s18], [sflag:$0x1] =	stream.indirect_vreg.gather [hbm4b:s3+s2], $0x80, v3, vm0, $0xb8;
	[tilespmem:$0x1E180] =	vst v63  }
0x162: {  	_ = 	snop  }
0x163: {  	[tilespmem:s19], [sflag:$0x1] =	stream.indirect_vreg.gather [hbm4b:s4+s2], $0x80, v3, vm1, $0xb8;
	[tilespmem:$0x1E180] =	vst v63  }
0x164: {  	v3 =	vld [tilespmem:$0x110];
	_ =	sdelay $0x4  }
0x165: {  	v61 =	vshrl.u32 v3, $0x3  }
0x166: {  	v4 =	vmul.u32 $0x18, v61  }
0x167: {  	v3 =	vand.u32 $0x7, v3  }
0x168: {  	v3 =	vor.u32 v3, v4  }
0x169: {  	v4 =	vperm.xlane v3, v0;
	_ =	sdelay $0x1  }
0x16a: {  	v4 =	vadd.s32 v1, v4;
	_ =	sdelay $0x1  }
0x16b: {  	v3 =	vperm.xlane v3, v2;
	_ =	sdelay $0x1  }
0x16c: {  	v3 =	vadd.s32 v1, v3  }
0x16d: {  	[tilespmem:s20], [sflag:$0x1] =	stream.indirect_vreg.gather [hbm4b:s3+s2], $0x80, v4, vm0, $0xb8;
	[tilespmem:$0x1E180] =	vst v63  }
0x16e: {  	_ = 	snop  }
0x16f: {  	[tilespmem:s21], [sflag:$0x1] =	stream.indirect_vreg.gather [hbm4b:s4+s2], $0x80, v4, vm1, $0xb8;
	[tilespmem:$0x1E180] =	vst v63  }
0x170: {  	_ = 	snop  }
0x171: {  	[tilespmem:s22], [sflag:$0x1] =	stream.indirect_vreg.gather [hbm4b:s3+s2], $0x80, v3, vm0, $0xb8;
	[tilespmem:$0x1E180] =	vst v63  }
0x172: {  	_ = 	snop  }
0x173: {  	[tilespmem:s23], [sflag:$0x1] =	stream.indirect_vreg.gather [hbm4b:s4+s2], $0x80, v3, vm1, $0xb8;
	[tilespmem:$0x1E180] =	vst v63  }
0x174: {  	v3 =	vld [tilespmem:$0x120];
	_ =	sdelay $0x4  }
0x175: {  	v62 =	vshrl.u32 v3, $0x3  }
0x176: {  	v4 =	vmul.u32 $0x18, v62  }
0x177: {  	v3 =	vand.u32 $0x7, v3  }
0x178: {  	v3 =	vor.u32 v3, v4  }
0x179: {  	v4 =	vperm.xlane v3, v0;
	_ =	sdelay $0x1  }
0x17a: {  	v4 =	vadd.s32 v1, v4;
	_ =	sdelay $0x1  }
0x17b: {  	v3 =	vperm.xlane v3, v2;
	_ =	sdelay $0x1  }
0x17c: {  	v3 =	vadd.s32 v1, v3  }
0x17d: {  	[tilespmem:s24], [sflag:$0x1] =	stream.indirect_vreg.gather [hbm4b:s3+s2], $0x80, v4, vm0, $0xb8;
	[tilespmem:$0x1E180] =	vst v63  }
0x17e: {  	_ = 	snop  }
0x17f: {  	[tilespmem:s25], [sflag:$0x1] =	stream.indirect_vreg.gather [hbm4b:s4+s2], $0x80, v4, vm1, $0xb8;
	[tilespmem:$0x1E180] =	vst v63  }
0x180: {  	_ = 	snop  }
0x181: {  	[tilespmem:s26], [sflag:$0x1] =	stream.indirect_vreg.gather [hbm4b:s3+s2], $0x80, v3, vm0, $0xb8;
	[tilespmem:$0x1E180] =	vst v63  }
0x182: {  	_ = 	snop  }
0x183: {  	[tilespmem:s28], [sflag:$0x1] =	stream.indirect_vreg.gather [hbm4b:s4+s2], $0x80, v3, vm1, $0xb8;
	[tilespmem:$0x1E180] =	vst v63  }
0x184: {  	v3 =	vld [tilespmem:$0x130];
	_ =	sdelay $0x4  }
0x185: {  	v63 =	vshrl.u32 v3, $0x3  }
0x186: {  	v4 =	vmul.u32 $0x18, v63  }
0x187: {  	v3 =	vand.u32 $0x7, v3  }
0x188: {  	v3 =	vor.u32 v3, v4  }
0x189: {  	v4 =	vperm.xlane v3, v0;
	_ =	sdelay $0x1  }
0x18a: {  	v4 =	vadd.s32 v1, v4;
	_ =	sdelay $0x1  }
0x18b: {  	v3 =	vperm.xlane v3, v2;
	_ =	sdelay $0x1  }
0x18c: {  	v3 =	vadd.s32 v1, v3  }
0x18d: {  	[tilespmem:s29], [sflag:$0x1] =	stream.indirect_vreg.gather [hbm4b:s3+s2], $0x80, v4, vm0, $0xb8;
	[tilespmem:$0x1E180] =	vst v63  }
0x18e: {  	_ = 	snop  }
0x18f: {  	[tilespmem:s30], [sflag:$0x1] =	stream.indirect_vreg.gather [hbm4b:s4+s2], $0x80, v4, vm1, $0xb8;
	[tilespmem:$0x1E180] =	vst v63  }
0x190: {  	_ = 	snop  }
0x191: {  	[tilespmem:s31], [sflag:$0x1] =	stream.indirect_vreg.gather [hbm4b:s3+s2], $0x80, v3, vm0, $0xb8;
	[tilespmem:$0x1E180] =	vst v63  }
0x192: {  	_ = 	snop  }
0x193: {  	[tilespmem:s1], [sflag:$0x1] =	stream.indirect_vreg.gather [hbm4b:s4+s2], $0x80, v3, vm1, $0xb8;
	[tilespmem:$0x1E180] =	vst v63  }
0x194: {  	_ =	swait.ge [sflag:s8], $0x6000  }
0x195: {  	p0 =	sne.s32 s5, $0x1;
	[sflag:s8] =	ssyncset.done $0x0  }
.Ltmp0:
0x196: {  	s9 =	rddreg [dreg:$0x3];
	[sflag:s8] =	ssyncadd.s32 $0xFFFFA000;
	(pc) =	sbr.rel @p0 .LBB2_1-.Ltmp0, $4  }
0x197: {  	[hbm4b:s9+s2] =	stream.linear.scatter [tilespmem:s7], [sflag:$0x2], $0x1E000, $0x38;
	[tilespmem:$0x1E180] =	vst v63  }
0x198: {  	_ =	swait.ge [sflag:s6], $0x1E000  }
0x199: {  	[sflag:s6] =	ssyncset.done $0x0  }
0x19a: {  	s5 =	sadd.s32 $0xFFFFFFFF, s5;
	[sflag:s6] =	ssyncadd.s32 $0xFFFE2000  }
0x19b: {  	_ =	sfence.sel $0x180000  }
0x19c: {  	[bflag:$0x0] =	sbarrier.arrive $0xFFFF  }
0x19d: {  	_ =	strace $0x9000004D  }
0x19e: {  	s0 =	stileid.u32;
	[bflag:$0x2] =	sbarrier.arrive $0xFFFF  }
0x19f: {  	p0 =	sne.s32 s0, $0x0;
	s0 =	rddreg [dreg:$0x1]  }
0x1a0: {  	s0 =	sadd.s32 @!p0 $0x100000, s0  }
0x1a1: {  	[sflag:s0] =	ssyncadd.tile.s32 @!p0 $0x1;
	_ =	shalt  }
.Lfunc_end2:
_tile_overlayer_lowered:
.L_overlay_start_2:
0x1a2: {  	(tag) =	ssettag $0x2  }
0x1a3: {  	s0 =	rddreg [dreg:$0x0];
	s2 =	stileid.u32  }
0x1a4: {  	s1 =	rddreg [dreg:$0x1];
	p0 =	sne.s32 s2, $0x0  }
0x1a5: {  	s3 =	rddreg [dreg:$0x2];
	[bflag:$0x3] =	sbarrier.arrive $0xFFFF;
	s2 =	simm.s32 @!p0 $0x1C02  }
0x1a6: {  	[timem:s3], [sflag:s2] =	dma.local @!p0 [hbm:s0], s1  }
0x1a7: {  	s0 =	simm.s32 @!p0 $0x2  }
0x1a8: {  	_ =	swait.ge @!p0 [sflag:s0], s1  }
0x1a9: {  	s1 =	ssub.s32 @!p0 $0x0, s1;
	[sflag:s0] =	ssyncset.done @!p0 $0x0  }
0x1aa: {  	[sflag:s0] =	ssyncadd.s32 @!p0 s1  }
0x1ab: {  	[bflag:$0x3] =	sbarrier.arrive $0xFFFF  }
0x1ac: {  	_ =	shalt  }

// kernel: kernel.27.cloned.1.call-start
scs
__scs_entry_jumppad:
0x0: {  	(pc) =	sbr.rel $0x88, $3  }
0x1: {  	(tag) =	ssettag $0x0;
	lr =	simm.s32 $0x1  }
0x2: {  	[smem:$0x3F92] =	sst lr;
	_ =	strace $0xD0000000  }
0x3: {  	_ = 	snop  }
0x4: {  	_ = 	snop  }
0x5: {  	_ = 	snop  }
0x6: {  	_ = 	snop  }
0x7: {  	_ = 	snop  }
__scs_overlays_trampoline_lowered:
0x8: {  	[smem:$0x3FA1] =	sst s0  }
0x9: {  	[smem:$0x3FA2] =	sst s1  }
0xa: {  	[smem:$0x3FA3] =	sst s2  }
0xb: {  	[smem:$0x3FA4] =	sst s3  }
0xc: {  	[smem:$0x3FA5] =	sst s4  }
0xd: {  	[smem:$0x3FA6] =	sst s5  }
0xe: {  	[smem:$0x3FA7] =	sst s6  }
0xf: {  	[smem:$0x3FA8] =	sst s7  }
0x10: {  	[smem:$0x3FA9] =	sst s8  }
0x11: {  	[smem:$0x3FAA] =	sst s9;
	s0 =	simm.s32 @!p0 $0x0  }
0x12: {  	s1 =	sld [smem:$0x3F90];
	s0 =	simm.s32 @p0 $0x1  }
0x13: {  	[smem:$0x3FAB] =	sst s0;
	s0 =	simm.s32 @!p1 $0x0  }
0x14: {  	s2 =	sld [smem:$0x3F8F];
	s0 =	simm.s32 @p1 $0x1  }
0x15: {  	[smem:$0x3FAC] =	sst s0;
	s0 =	simm.s32 @!p2 $0x0  }
0x16: {  	s3 =	sld [smem:$0x3FDB];
	s0 =	simm.s32 @p2 $0x1  }
0x17: {  	s4 =	simm.s32 $0x1BF5;
	[smem:$0x3FAE] =	sst s0  }
0x18: {  	s0 =	sld [smem:$0x3F91];
	_ =	swait.ge [sflag:s4], $0x0  }
0x19: {  	s7 =	sld [smem:$0x3F92]  }
0x1a: {  	s8 =	sadd.s32 $0xFFFFE003, lr  }
0x1b: {  	s9 =	sadd.s32 $0xFFFFFEF7, lr;
	s5 =	simm.s32 $0xFFFFFFFF;
	p2 =	slt.u32 s8, $0xFFFFF086  }
0x1c: {  	p1 =	slt.u32 s9, $0xF7A;
	s5 =	simm.s32 @!p2 $0x0  }
0x1d: {  	s5 =	simm.s32 @p1 $0x1;
	p0 =	seq.s32 s7, s2  }
0x1e: {  	s7 =	smul.u32 @!p0 $0xF7A, s2;
	p2 =	seq.s32 @!p0 s5, $0x0  }
0x1f: {  	s9 =	smul.u32 $0xF7A, s1;
	s8 =	simm.s32 @!p0 $0x1BF5;
	p2 =	por !p2, p0  }
0x20: {  	[sflag:s8] =	ssyncset.s32 @!p0 $0xFFFFF086;
	s6 =	sadd.s32 @!p0 s3, s7;
	s7 =	simm.s32 @!p0 $0x108  }
0x21: {  	s3 =	sadd.s32 s3, s9;
	s6 =	sadd.s32 @!p0 $0x88, s6;
	s7 =	simm.s32 @p2 $0x1082  }
0x22: {  	[simem:s7], [sflag:s8] =	dma.local @!p0 [hbm:s6], $0xF7A  }
0x23: {  	s9 =	sor.u32 $0xD0000000, s2;
	s6 =	simm.s32 $0x108;
	_ =	swait.ge @!p0 [sflag:s8], $0x0  }
0x24: {  	s3 =	sadd.s32 $0x88, s3;
	s6 =	simm.s32 @!p1 $0x1082;
	[sflag:s4] =	ssyncset.s32 $0xFFFFF086  }
0x25: {  	[simem:s6], [sflag:s4] =	dma.local [hbm:s3], $0xF7A  }
0x26: {  	[smem:$0x3F92] =	sst s1;
	(tag) =	ssettag s2;
	_ =	strace s9  }
0x27: {  	s1 =	sld [smem:$0x3FA2]  }
0x28: {  	s2 =	sld [smem:$0x3FA3]  }
0x29: {  	s4 =	sld [smem:$0x3FA5]  }
0x2a: {  	p0 =	seq.s32 s5, $0x0;
	s5 =	sld [smem:$0x3FA6]  }
0x2b: {  	s6 =	sld [smem:$0x3FA7]  }
0x2c: {  	s7 =	sld [smem:$0x3FA8]  }
0x2d: {  	s3 =	simm.s32 $0x108;
	s8 =	sld [smem:$0x3FA9]  }
0x2e: {  	s3 =	simm.s32 @!p0 $0x1082;
	s9 =	sld [smem:$0x3FAA]  }
0x2f: {  	lr =	sadd.s32 s0, s3;
	s0 =	sld [smem:$0x3FA1]  }
0x30: {  	s3 =	sld [smem:$0x3FA4]  }
0x31: {  	[smem:$0x3FAD] =	sst s10  }
0x32: {  	s10 =	sld [smem:$0x3FAB];
	_ =	sdelay $0x3  }
0x33: {  	p0 =	seq.s32 s10, $0x1;
	s10 =	sld [smem:$0x3FAD];
	_ =	sdelay $0x3  }
0x34: {  	[smem:$0x3FAD] =	sst s10  }
0x35: {  	s10 =	sld [smem:$0x3FAC];
	_ =	sdelay $0x3  }
0x36: {  	p1 =	seq.s32 s10, $0x1;
	s10 =	sld [smem:$0x3FAD];
	_ =	sdelay $0x3  }
0x37: {  	[smem:$0x3FAD] =	sst s10  }
0x38: {  	s10 =	sld [smem:$0x3FAE]  }
0x39: {  	_ = 	snop;
	(pc) =	sbr.ind lr, $3  }
0x3a: {  	_ = 	snop  }
0x3b: {  	_ = 	snop  }
0x3c: {  	p2 =	seq.s32 s10, $0x1;
	s10 =	sld [smem:$0x3FAD]  }
0x3d: {  	_ =	shalt  }
0x3e: {  	_ =	shalt  }
0x3f: {  	_ =	shalt  }
0x40: {  	_ =	shalt  }
0x41: {  	_ =	shalt  }
0x42: {  	_ =	shalt  }
0x43: {  	_ =	shalt  }
0x44: {  	_ =	shalt  }
0x45: {  	_ =	shalt  }
0x46: {  	_ =	shalt  }
0x47: {  	_ =	shalt  }
0x48: {  	_ =	shalt  }
0x49: {  	_ =	shalt  }
0x4a: {  	_ =	shalt  }
0x4b: {  	_ =	shalt  }
0x4c: {  	_ =	shalt  }
0x4d: {  	_ =	shalt  }
0x4e: {  	_ =	shalt  }
0x4f: {  	_ =	shalt  }
0x50: {  	_ =	shalt  }
0x51: {  	_ =	shalt  }
0x52: {  	_ =	shalt  }
0x53: {  	_ =	shalt  }
0x54: {  	_ =	shalt  }
0x55: {  	_ =	shalt  }
0x56: {  	_ =	shalt  }
0x57: {  	_ =	shalt  }
0x58: {  	_ =	shalt  }
0x59: {  	_ =	shalt  }
0x5a: {  	_ =	shalt  }
0x5b: {  	_ =	shalt  }
0x5c: {  	_ =	shalt  }
0x5d: {  	_ =	shalt  }
0x5e: {  	_ =	shalt  }
0x5f: {  	_ =	shalt  }
0x60: {  	_ =	shalt  }
0x61: {  	_ =	shalt  }
0x62: {  	_ =	shalt  }
0x63: {  	_ =	shalt  }
0x64: {  	_ =	shalt  }
0x65: {  	_ =	shalt  }
0x66: {  	_ =	shalt  }
0x67: {  	_ =	shalt  }
0x68: {  	_ =	shalt  }
0x69: {  	_ =	shalt  }
0x6a: {  	_ =	shalt  }
0x6b: {  	_ =	shalt  }
0x6c: {  	_ =	shalt  }
0x6d: {  	_ =	shalt  }
0x6e: {  	_ =	shalt  }
0x6f: {  	_ =	shalt  }
0x70: {  	_ =	shalt  }
0x71: {  	_ =	shalt  }
0x72: {  	_ =	shalt  }
0x73: {  	_ =	shalt  }
0x74: {  	_ =	shalt  }
0x75: {  	_ =	shalt  }
0x76: {  	_ =	shalt  }
0x77: {  	_ =	shalt  }
0x78: {  	_ =	shalt  }
0x79: {  	_ =	shalt  }
0x7a: {  	_ =	shalt  }
0x7b: {  	_ =	shalt  }
0x7c: {  	_ =	shalt  }
0x7d: {  	_ =	shalt  }
0x7e: {  	_ =	shalt  }
0x7f: {  	_ =	shalt  }
0x80: {  	_ =	shalt  }
0x81: {  	_ =	shalt  }
0x82: {  	_ =	shalt  }
0x83: {  	_ =	shalt  }
0x84: {  	_ =	shalt  }
0x85: {  	_ =	shalt  }
0x86: {  	_ =	shalt  }
0x87: {  	_ =	shalt  }
.Lfunc_end0:
.L_simem_size_0:
called_computation.3_lowered:
.L_overlay_start_0:
0x88: {  	s2 =	sld [smem:$0x3FD9]  }
0x89: {  	s3 =	sld [smem:$0x3FFE];
	_ =	sdelay $0x1  }
0x8a: {  	s1 =	srdreg.scid  }
0x8b: {  	s0 =	sand.u32 $0x1, s1  }
0x8c: {  	s16 =	sshll.u32 s0, $0xA;
	s2 =	sadd.s32 s3, s2  }
0x8d: {  	s2 =	sadd.s32 s2, s16  }
0x8e: {  	[smem:$0x3FB9] =	sst s2  }
0x8f: {  	_ = 	snop  }
0x90: {  	(tm) =	ssettm $0x1  }
0x91: {  	s17 =	sld [smem:$0x3FFB];
	_ =	sdelay $0x3  }
0x92: {  	_ =	strace s17  }
0x93: {  	s2 =	sld [smem:$0x3FFC];
	_ =	sdelay $0x3  }
0x94: {  	_ =	strace s2  }
0x95: {  	s2 =	sld [smem:$0x3FFD];
	_ =	sdelay $0x3  }
0x96: {  	_ =	strace s2  }
0x97: {  	_ =	strace $0x8FFFFFFF  }
0x98: {  	s18 =	sld [smem:$0x3FDB];
	_ =	sdelay $0x1  }
0x99: {  	s19 =	simm.s32 $_scs_section_size  }
0x9a: {  	s4 =	simm.s32 $_size__tile_overlayer_lowered;
	s5 =	simm.s32 $_tile_overlayer_lowered  }
0x9b: {  	s22 =	simm.s32 $0x1BFF;
	s21 =	sshll.u32 s5, $0x1;
	s2 =	sadd.s32 s19, s18  }
0x9c: {  	s6 =	simm.s32 $0x0;
	s20 =	sshll.u32 s4, $0x1;
	s4 =	sadd.s32 s21, s2  }
0x9d: {  	[timem:s6], [sflag:s22] =	dma.local [hbm:s4], s20  }
0x9e: {  	_ =	swait.ge [sflag:s22], s20  }
0x9f: {  	s3 =	ssub.s32 $0x0, s20;
	[sflag:s22] =	ssyncset.done $0x0  }
0xa0: {  	[sflag:s22] =	ssyncadd.s32 s3;
	_ =	sdelay $0x1  }
0xa1: {  	s23 =	simm.s32 $0x1B8B  }
0xa2: {  	_ =	swait.ge [sflag:s23], $0x1  }
0xa3: {  	[sflag:s23] =	ssyncset.done $0x0  }
0xa4: {  	s25 =	simm.s32 $0x1B8E;
	s24 =	sld [smem:$0x3FFE];
	[sflag:s23] =	ssyncadd.s32 $0xFFFFFFFF  }
0xa5: {  	s26 =	simm.s32 $execute0_lowered;
	[smem:$0x3FD2] =	sst s25  }
0xa6: {  	s4 =	sshll.u32 s26, $0x1;
	_ =	strace $0x8000004F;
	[dreg:$0x1] =	wrdreg $0xFFFFFFFF  }
0xa7: {  	s28 =	simm.s32 $_size_execute0_lowered;
	s2 =	sadd.s32 s2, s4;
	[dreg:$0x0] =	wrdreg $0x0  }
0xa8: {  	s4 =	sshll.u32 s28, $0x1;
	[dreg:$0x2] =	wrdreg s2  }
0xa9: {  	[dreg:$0x3] =	wrdreg s4  }
0xaa: {  	[dreg:$0x4] =	wrdreg $0xC0  }
0xab: {  	_ =	task [dreg:s6], $0x5FFFF  }
0xac: {  	[dreg:$0x1] =	wrdreg $0xFFFFFFFF  }
0xad: {  	[dreg:$0x0] =	wrdreg $0x60  }
0xae: {  	[dreg:$0x2] =	wrdreg s24  }
0xaf: {  	[dreg:$0x3] =	wrdreg $0x9  }
0xb0: {  	_ =	task.clear_ibuf [dreg:s6], $0x4FFFF;
	_ =	strace $0x9000004F  }
0xb1: {  	s29 =	simm.s32 $0x9;
	_ =	strace $0x80000051  }
0xb2: {  	_ =	swait.ge [sflag:s29], $0x1  }
0xb3: {  	[sflag:s29] =	ssyncadd.s32 $0xFFFFFFFF  }
0xb4: {  	_ =	strace $0x90000051  }
0xb5: {  	_ =	sfence  }
0xb6: {  	s30 =	sld [smem:$0x0];
	_ =	sdelay $0x2  }
0xb7: {  	s31 =	sshll.u32 s1, $0xD;
	s1 =	sshrl.u32 s1, $0x2  }
0xb8: {  	s3 =	sand.u32 $0x4000, s31;
	s1 =	sadd.s32 s1, s30  }
0xb9: {  	s0 =	sor.u32 s3, s0;
	s1 =	sshll.u32 s1, $0x11  }
0xba: {  	s0 =	sor.u32 s1, s0  }
0xbb: {  	s0 =	sadd.s32 $0x8F2B, s0  }
0xbc: {  	[sflag:s0] =	ssyncadd.remote.s32 $0x1  }
0xbd: {  	_ =	sfence.sel $0xFFFF  }
0xbe: {  	[dreg:$0x0] =	wrdreg $0xFFFFFFFF;
	(pc) =	sbr.abs _section_cstart, $3  }
0xbf: {  	[dreg:$0x1] =	wrdreg $0xFFFFFFFF  }
0xc0: {  	_ =	task.clear_ibuf [dreg:s6], $0x2FFFF;
	_ =	strace $0x9FFFFFFF  }
0xc1: {  	(tm) =	ssettm $0x7FFFFFFF  }
tec
execute0_lowered:
.L_overlay_start_1:
0x0: {  	(tag) =	ssettag $0x1  }
0x1: {  	s1 =	srdreg.scid;
	s0 =	stileid.u32  }
0x2: {  	s14 =	sand.u32 $0x1, s1;
	s30 =	sshll.u32 s0, $0x1  }
0x3: {  	s15 =	sor.u32 s14, s30  }
0x4: {  	s16 =	rddreg [dreg:$0x0];
	s3 =	smul.u32 $0x28, s15  }
0x5: {  	s2 =	simm.s32 $0x0;
	s1 =	rddreg [dreg:$0x1]  }
0x6: {  	[smem:$0x7FF] =	sst s2;
	s3 =	sadd.s32 s3, s16  }
0x7: {  	_ =	strace $0x80000050;
	s4 =	sadd.s32 $0x28600, s3;
	s3 =	simm.s32 $0x2  }
0x8: {  	[tilespmem:s2], [sflag:$0x2] =	stream.linear.gather [hbm4b:s4+s2], $0x140, $0x38;
	[tilespmem:$0xA180] =	vst v63  }
0x9: {  	_ =	swait.ge [sflag:s3], $0x140  }
0xa: {  	s6 =	simm.s32 $0x40;
	s7 =	simm.s32 $0x180;
	[sflag:s3] =	ssyncset.done $0x0  }
0xb: {  	s8 =	simm.s32 $0x1;
	s5 =	sadd.s32 $0x1400, s16;
	[sflag:s3] =	ssyncadd.s32 $0xFFFFFEC0  }
0xc: {  	[tilespmem:s7], [sflag:$0x1] =	stream.indirect.gather [hbm4b:s5+s6], $0x80, s2, s6, $0xb8;
	[tilespmem:$0xA180] =	vst v63  }
0xd: {  	_ =	swait.ge [sflag:s8], $0x2000  }
0xe: {  	[sflag:s8] =	ssyncset.done $0x0  }
0xf: {  	s9 =	simm.s32 $0x2180;
	[sflag:s8] =	ssyncadd.s32 $0xFFFFE000  }
0x10: {  	[tilespmem:s9], [sflag:$0x1] =	stream.indirect.gather [hbm4b:s5+s6], $0x80, s6, s6, $0xb8;
	[tilespmem:$0xA180] =	vst v63  }
0x11: {  	_ =	swait.ge [sflag:s8], $0x2000  }
0x12: {  	[sflag:s8] =	ssyncset.done $0x0  }
0x13: {  	s10 =	simm.s32 $0x80;
	s11 =	simm.s32 $0x4180;
	[sflag:s8] =	ssyncadd.s32 $0xFFFFE000  }
0x14: {  	[tilespmem:s11], [sflag:$0x1] =	stream.indirect.gather [hbm4b:s5+s6], $0x80, s10, s6, $0xb8;
	[tilespmem:$0xA180] =	vst v63  }
0x15: {  	_ =	swait.ge [sflag:s8], $0x2000  }
0x16: {  	s12 =	simm.s32 $0xC0;
	s13 =	simm.s32 $0x6180;
	[sflag:s8] =	ssyncset.done $0x0  }
0x17: {  	s18 =	ssub.s32 $0x2, s14;
	s14 =	simm.s32 $0x100;
	[sflag:s8] =	ssyncadd.s32 $0xFFFFE000  }
0x18: {  	[tilespmem:s13], [sflag:$0x1] =	stream.indirect.gather [hbm4b:s5+s6], $0x80, s12, s6, $0xb8;
	[tilespmem:$0xA180] =	vst v63  }
0x19: {  	s17 =	smul.u32 $0x1400, s15;
	s19 =	sshrl.u32 s18, $0x1;
	_ =	swait.ge [sflag:s8], $0x2000  }
0x1a: {  	s15 =	simm.s32 $0x8180;
	s31 =	ssub.s32 s18, s19;
	[sflag:s8] =	ssyncset.done $0x0  }
0x1b: {  	s16 =	sadd.s32 s17, s16;
	s17 =	smax.u32 s31, $0x1;
	[sflag:s8] =	ssyncadd.s32 $0xFFFFE000  }
0x1c: {  	[tilespmem:s15], [sflag:$0x1] =	stream.indirect.gather [hbm4b:s5+s6], $0x80, s14, s6, $0xb8;
	[tilespmem:$0xA180] =	vst v63  }
0x1d: {  	p0 =	sne.s32 s17, $0x1;
	_ =	swait.ge [sflag:s8], $0x2000  }
.Ltmp0:
0x1e: {  	[sflag:s8] =	ssyncset.done $0x0;
	(pc) =	sbr.rel @!p0 .LBB2_2-.Ltmp0, $4  }
0x1f: {  	s16 =	sadd.s32 $0x28C00, s16;
	[sflag:s8] =	ssyncadd.s32 $0xFFFFE000  }
0x20: {  	[hbm4b:s16+s2] =	stream.linear.scatter [tilespmem:s7], [sflag:$0x2], $0xA000, $0x38;
	[tilespmem:$0xA180] =	vst v63  }
0x21: {  	_ =	swait.ge [sflag:s3], $0xA000  }
0x22: {  	s17 =	sadd.s32 $0xFFFFFFFF, s17;
	[sflag:s3] =	ssyncset.done $0x0  }
.LBB2_1:
0x23: {  	p0 =	sne.s32 s17, $0x1;
	s17 =	sadd.s32 $0xFFFFFFFF, s17;
	[sflag:s3] =	ssyncadd.s32 $0xFFFF6000  }
0x24: {  	[tilespmem:s2], [sflag:$0x2] =	stream.linear.gather [hbm4b:s4+s2], $0x140, $0x38;
	[tilespmem:$0xA180] =	vst v63  }
0x25: {  	_ =	swait.ge [sflag:s3], $0x140  }
0x26: {  	[sflag:s3] =	ssyncset.done $0x0  }
0x27: {  	[sflag:s3] =	ssyncadd.s32 $0xFFFFFEC0  }
0x28: {  	[tilespmem:s7], [sflag:$0x1] =	stream.indirect.gather [hbm4b:s5+s6], $0x80, s2, s6, $0xb8;
	[tilespmem:$0xA180] =	vst v63  }
0x29: {  	_ =	swait.ge [sflag:s8], $0x2000  }
0x2a: {  	[sflag:s8] =	ssyncset.done $0x0  }
0x2b: {  	[sflag:s8] =	ssyncadd.s32 $0xFFFFE000  }
0x2c: {  	[tilespmem:s9], [sflag:$0x1] =	stream.indirect.gather [hbm4b:s5+s6], $0x80, s6, s6, $0xb8;
	[tilespmem:$0xA180] =	vst v63  }
0x2d: {  	_ =	swait.ge [sflag:s8], $0x2000  }
0x2e: {  	[sflag:s8] =	ssyncset.done $0x0  }
0x2f: {  	[sflag:s8] =	ssyncadd.s32 $0xFFFFE000  }
0x30: {  	[tilespmem:s11], [sflag:$0x1] =	stream.indirect.gather [hbm4b:s5+s6], $0x80, s10, s6, $0xb8;
	[tilespmem:$0xA180] =	vst v63  }
0x31: {  	_ =	swait.ge [sflag:s8], $0x2000  }
0x32: {  	[sflag:s8] =	ssyncset.done $0x0  }
0x33: {  	[sflag:s8] =	ssyncadd.s32 $0xFFFFE000  }
0x34: {  	[tilespmem:s13], [sflag:$0x1] =	stream.indirect.gather [hbm4b:s5+s6], $0x80, s12, s6, $0xb8;
	[tilespmem:$0xA180] =	vst v63  }
0x35: {  	_ =	swait.ge [sflag:s8], $0x2000  }
0x36: {  	[sflag:s8] =	ssyncset.done $0x0  }
0x37: {  	[sflag:s8] =	ssyncadd.s32 $0xFFFFE000  }
0x38: {  	[tilespmem:s15], [sflag:$0x1] =	stream.indirect.gather [hbm4b:s5+s6], $0x80, s14, s6, $0xb8;
	[tilespmem:$0xA180] =	vst v63  }
0x39: {  	_ =	swait.ge [sflag:s8], $0x2000  }
.Ltmp1:
0x3a: {  	[sflag:s8] =	ssyncset.done $0x0;
	(pc) =	sbr.rel @p0 .LBB2_1-.Ltmp1, $4  }
0x3b: {  	[sflag:s8] =	ssyncadd.s32 $0xFFFFE000  }
0x3c: {  	[hbm4b:s16+s2] =	stream.linear.scatter [tilespmem:s7], [sflag:$0x2], $0xA000, $0x38;
	[tilespmem:$0xA180] =	vst v63  }
0x3d: {  	_ =	swait.ge [sflag:s3], $0xA000  }
0x3e: {  	[sflag:s3] =	ssyncset.done $0x0  }
.LBB2_2:
0x3f: {  	[sflag:s3] =	ssyncadd.s32 $0xFFFF6000  }
0x40: {  	_ =	sfence.sel $0x180000  }
0x41: {  	[bflag:$0x0] =	sbarrier.arrive $0xFFFF  }
0x42: {  	p0 =	sne.s32 s0, $0x0;
	_ =	strace $0x90000050  }
0x43: {  	s0 =	sadd.s32 @!p0 $0x100000, s1;
	[bflag:$0x2] =	sbarrier.arrive $0xFFFF  }
0x44: {  	[sflag:s0] =	ssyncadd.tile.s32 @!p0 $0x1;
	_ =	shalt  }
.Lfunc_end2:
_tile_overlayer_lowered:
.L_overlay_start_2:
0x45: {  	(tag) =	ssettag $0x2  }
0x46: {  	s0 =	rddreg [dreg:$0x0];
	s2 =	stileid.u32  }
0x47: {  	s1 =	rddreg [dreg:$0x1];
	p0 =	sne.s32 s2, $0x0  }
0x48: {  	s3 =	rddreg [dreg:$0x2];
	[bflag:$0x3] =	sbarrier.arrive $0xFFFF;
	s2 =	simm.s32 @!p0 $0x1C02  }
0x49: {  	[timem:s3], [sflag:s2] =	dma.local @!p0 [hbm:s0], s1  }
0x4a: {  	s0 =	simm.s32 @!p0 $0x2  }
0x4b: {  	_ =	swait.ge @!p0 [sflag:s0], s1  }
0x4c: {  	s1 =	ssub.s32 @!p0 $0x0, s1;
	[sflag:s0] =	ssyncset.done @!p0 $0x0  }
0x4d: {  	[sflag:s0] =	ssyncadd.s32 @!p0 s1  }
0x4e: {  	[bflag:$0x3] =	sbarrier.arrive $0xFFFF  }
0x4f: {  	_ =	shalt  }

// kernel: kernel.30.cloned.1.call-start
scs
__scs_entry_jumppad:
0x0: {  	(pc) =	sbr.rel $0x88, $3  }
0x1: {  	(tag) =	ssettag $0x0;
	lr =	simm.s32 $0x1  }
0x2: {  	[smem:$0x3F92] =	sst lr;
	_ =	strace $0xD0000000  }
0x3: {  	_ = 	snop  }
0x4: {  	_ = 	snop  }
0x5: {  	_ = 	snop  }
0x6: {  	_ = 	snop  }
0x7: {  	_ = 	snop  }
__scs_overlays_trampoline_lowered:
0x8: {  	[smem:$0x3FA1] =	sst s0  }
0x9: {  	[smem:$0x3FA2] =	sst s1  }
0xa: {  	[smem:$0x3FA3] =	sst s2  }
0xb: {  	[smem:$0x3FA4] =	sst s3  }
0xc: {  	[smem:$0x3FA5] =	sst s4  }
0xd: {  	[smem:$0x3FA6] =	sst s5  }
0xe: {  	[smem:$0x3FA7] =	sst s6  }
0xf: {  	[smem:$0x3FA8] =	sst s7  }
0x10: {  	[smem:$0x3FA9] =	sst s8  }
0x11: {  	[smem:$0x3FAA] =	sst s9;
	s0 =	simm.s32 @!p0 $0x0  }
0x12: {  	s1 =	sld [smem:$0x3F90];
	s0 =	simm.s32 @p0 $0x1  }
0x13: {  	[smem:$0x3FAB] =	sst s0;
	s0 =	simm.s32 @!p1 $0x0  }
0x14: {  	s2 =	sld [smem:$0x3F8F];
	s0 =	simm.s32 @p1 $0x1  }
0x15: {  	[smem:$0x3FAC] =	sst s0;
	s0 =	simm.s32 @!p2 $0x0  }
0x16: {  	s3 =	sld [smem:$0x3FDB];
	s0 =	simm.s32 @p2 $0x1  }
0x17: {  	s4 =	simm.s32 $0x1BF5;
	[smem:$0x3FAE] =	sst s0  }
0x18: {  	s0 =	sld [smem:$0x3F91];
	_ =	swait.ge [sflag:s4], $0x0  }
0x19: {  	s7 =	sld [smem:$0x3F92]  }
0x1a: {  	s8 =	sadd.s32 $0xFFFFE003, lr  }
0x1b: {  	s9 =	sadd.s32 $0xFFFFFEF7, lr;
	s5 =	simm.s32 $0xFFFFFFFF;
	p2 =	slt.u32 s8, $0xFFFFF086  }
0x1c: {  	p1 =	slt.u32 s9, $0xF7A;
	s5 =	simm.s32 @!p2 $0x0  }
0x1d: {  	s5 =	simm.s32 @p1 $0x1;
	p0 =	seq.s32 s7, s2  }
0x1e: {  	s7 =	smul.u32 @!p0 $0xF7A, s2;
	p2 =	seq.s32 @!p0 s5, $0x0  }
0x1f: {  	s9 =	smul.u32 $0xF7A, s1;
	s8 =	simm.s32 @!p0 $0x1BF5;
	p2 =	por !p2, p0  }
0x20: {  	[sflag:s8] =	ssyncset.s32 @!p0 $0xFFFFF086;
	s6 =	sadd.s32 @!p0 s3, s7;
	s7 =	simm.s32 @!p0 $0x108  }
0x21: {  	s3 =	sadd.s32 s3, s9;
	s6 =	sadd.s32 @!p0 $0x88, s6;
	s7 =	simm.s32 @p2 $0x1082  }
0x22: {  	[simem:s7], [sflag:s8] =	dma.local @!p0 [hbm:s6], $0xF7A  }
0x23: {  	s9 =	sor.u32 $0xD0000000, s2;
	s6 =	simm.s32 $0x108;
	_ =	swait.ge @!p0 [sflag:s8], $0x0  }
0x24: {  	s3 =	sadd.s32 $0x88, s3;
	s6 =	simm.s32 @!p1 $0x1082;
	[sflag:s4] =	ssyncset.s32 $0xFFFFF086  }
0x25: {  	[simem:s6], [sflag:s4] =	dma.local [hbm:s3], $0xF7A  }
0x26: {  	[smem:$0x3F92] =	sst s1;
	(tag) =	ssettag s2;
	_ =	strace s9  }
0x27: {  	s1 =	sld [smem:$0x3FA2]  }
0x28: {  	s2 =	sld [smem:$0x3FA3]  }
0x29: {  	s4 =	sld [smem:$0x3FA5]  }
0x2a: {  	p0 =	seq.s32 s5, $0x0;
	s5 =	sld [smem:$0x3FA6]  }
0x2b: {  	s6 =	sld [smem:$0x3FA7]  }
0x2c: {  	s7 =	sld [smem:$0x3FA8]  }
0x2d: {  	s3 =	simm.s32 $0x108;
	s8 =	sld [smem:$0x3FA9]  }
0x2e: {  	s3 =	simm.s32 @!p0 $0x1082;
	s9 =	sld [smem:$0x3FAA]  }
0x2f: {  	lr =	sadd.s32 s0, s3;
	s0 =	sld [smem:$0x3FA1]  }
0x30: {  	s3 =	sld [smem:$0x3FA4]  }
0x31: {  	[smem:$0x3FAD] =	sst s10  }
0x32: {  	s10 =	sld [smem:$0x3FAB];
	_ =	sdelay $0x3  }
0x33: {  	p0 =	seq.s32 s10, $0x1;
	s10 =	sld [smem:$0x3FAD];
	_ =	sdelay $0x3  }
0x34: {  	[smem:$0x3FAD] =	sst s10  }
0x35: {  	s10 =	sld [smem:$0x3FAC];
	_ =	sdelay $0x3  }
0x36: {  	p1 =	seq.s32 s10, $0x1;
	s10 =	sld [smem:$0x3FAD];
	_ =	sdelay $0x3  }
0x37: {  	[smem:$0x3FAD] =	sst s10  }
0x38: {  	s10 =	sld [smem:$0x3FAE]  }
0x39: {  	_ = 	snop;
	(pc) =	sbr.ind lr, $3  }
0x3a: {  	_ = 	snop  }
0x3b: {  	_ = 	snop  }
0x3c: {  	p2 =	seq.s32 s10, $0x1;
	s10 =	sld [smem:$0x3FAD]  }
0x3d: {  	_ =	shalt  }
0x3e: {  	_ =	shalt  }
0x3f: {  	_ =	shalt  }
0x40: {  	_ =	shalt  }
0x41: {  	_ =	shalt  }
0x42: {  	_ =	shalt  }
0x43: {  	_ =	shalt  }
0x44: {  	_ =	shalt  }
0x45: {  	_ =	shalt  }
0x46: {  	_ =	shalt  }
0x47: {  	_ =	shalt  }
0x48: {  	_ =	shalt  }
0x49: {  	_ =	shalt  }
0x4a: {  	_ =	shalt  }
0x4b: {  	_ =	shalt  }
0x4c: {  	_ =	shalt  }
0x4d: {  	_ =	shalt  }
0x4e: {  	_ =	shalt  }
0x4f: {  	_ =	shalt  }
0x50: {  	_ =	shalt  }
0x51: {  	_ =	shalt  }
0x52: {  	_ =	shalt  }
0x53: {  	_ =	shalt  }
0x54: {  	_ =	shalt  }
0x55: {  	_ =	shalt  }
0x56: {  	_ =	shalt  }
0x57: {  	_ =	shalt  }
0x58: {  	_ =	shalt  }
0x59: {  	_ =	shalt  }
0x5a: {  	_ =	shalt  }
0x5b: {  	_ =	shalt  }
0x5c: {  	_ =	shalt  }
0x5d: {  	_ =	shalt  }
0x5e: {  	_ =	shalt  }
0x5f: {  	_ =	shalt  }
0x60: {  	_ =	shalt  }
0x61: {  	_ =	shalt  }
0x62: {  	_ =	shalt  }
0x63: {  	_ =	shalt  }
0x64: {  	_ =	shalt  }
0x65: {  	_ =	shalt  }
0x66: {  	_ =	shalt  }
0x67: {  	_ =	shalt  }
0x68: {  	_ =	shalt  }
0x69: {  	_ =	shalt  }
0x6a: {  	_ =	shalt  }
0x6b: {  	_ =	shalt  }
0x6c: {  	_ =	shalt  }
0x6d: {  	_ =	shalt  }
0x6e: {  	_ =	shalt  }
0x6f: {  	_ =	shalt  }
0x70: {  	_ =	shalt  }
0x71: {  	_ =	shalt  }
0x72: {  	_ =	shalt  }
0x73: {  	_ =	shalt  }
0x74: {  	_ =	shalt  }
0x75: {  	_ =	shalt  }
0x76: {  	_ =	shalt  }
0x77: {  	_ =	shalt  }
0x78: {  	_ =	shalt  }
0x79: {  	_ =	shalt  }
0x7a: {  	_ =	shalt  }
0x7b: {  	_ =	shalt  }
0x7c: {  	_ =	shalt  }
0x7d: {  	_ =	shalt  }
0x7e: {  	_ =	shalt  }
0x7f: {  	_ =	shalt  }
0x80: {  	_ =	shalt  }
0x81: {  	_ =	shalt  }
0x82: {  	_ =	shalt  }
0x83: {  	_ =	shalt  }
0x84: {  	_ =	shalt  }
0x85: {  	_ =	shalt  }
0x86: {  	_ =	shalt  }
0x87: {  	_ =	shalt  }
.Lfunc_end0:
.L_simem_size_0:
called_computation.4_lowered:
.L_overlay_start_0:
0x88: {  	s2 =	sld [smem:$0x3FD9]  }
0x89: {  	s3 =	sld [smem:$0x3FFE];
	_ =	sdelay $0x1  }
0x8a: {  	s1 =	srdreg.scid  }
0x8b: {  	s0 =	sand.u32 $0x1, s1  }
0x8c: {  	s17 =	sshll.u32 s0, $0xA;
	s2 =	sadd.s32 s3, s2  }
0x8d: {  	s2 =	sadd.s32 s2, s17  }
0x8e: {  	[smem:$0x3FB9] =	sst s2  }
0x8f: {  	_ = 	snop  }
0x90: {  	(tm) =	ssettm $0x1  }
0x91: {  	s18 =	sld [smem:$0x3FFB];
	_ =	sdelay $0x3  }
0x92: {  	_ =	strace s18  }
0x93: {  	s2 =	sld [smem:$0x3FFC];
	_ =	sdelay $0x3  }
0x94: {  	_ =	strace s2  }
0x95: {  	s2 =	sld [smem:$0x3FFD];
	_ =	sdelay $0x3  }
0x96: {  	_ =	strace s2  }
0x97: {  	_ =	strace $0x8FFFFFFF  }
0x98: {  	s19 =	sld [smem:$0x3FDB];
	_ =	sdelay $0x1  }
0x99: {  	s20 =	simm.s32 $_scs_section_size  }
0x9a: {  	s4 =	simm.s32 $_size__tile_overlayer_lowered;
	s5 =	simm.s32 $_tile_overlayer_lowered  }
0x9b: {  	s6 =	simm.s32 $0x1BFF;
	s21 =	sshll.u32 s5, $0x1;
	s3 =	sadd.s32 s20, s19  }
0x9c: {  	s22 =	simm.s32 $0x0;
	s4 =	sshll.u32 s4, $0x1;
	s5 =	sadd.s32 s21, s3  }
0x9d: {  	[timem:s22], [sflag:s6] =	dma.local [hbm:s5], s4  }
0x9e: {  	_ =	swait.ge [sflag:s6], s4  }
0x9f: {  	s4 =	ssub.s32 $0x0, s4;
	[sflag:s6] =	ssyncset.done $0x0  }
0xa0: {  	[sflag:s6] =	ssyncadd.s32 s4;
	_ =	sdelay $0x1  }
0xa1: {  	s23 =	simm.s32 $0x1B8B  }
0xa2: {  	_ =	swait.ge [sflag:s23], $0x1  }
0xa3: {  	[sflag:s23] =	ssyncset.done $0x0  }
0xa4: {  	[sflag:s23] =	ssyncadd.s32 $0xFFFFFFFF  }
0xa5: {  	s4 =	sld [smem:$0x0]  }
0xa6: {  	s5 =	sand.u32 $0xFFFFFFFE, s1  }
0xa7: {  	p0 =	sne.s32 s1, s5  }
0xa8: {  	s5 =	sshll.u32 @p0 s5, $0xE  }
0xa9: {  	s5 =	sadd.s32 @p0 $0x11B8D, s5;
	s6 =	sshll.u32 @p0 s4, $0x11  }
0xaa: {  	s5 =	sor.u32 @p0 s6, s5  }
0xab: {  	[sflag:s5] =	ssyncadd.remote.s32 @p0 $0x1;
	_ =	sdelay $0x1  }
0xac: {  	s5 =	simm.s32 @p0 $0x1B8D  }
0xad: {  	_ =	swait.eq @p0 [sflag:s5], $0x1  }
0xae: {  	[sflag:s5] =	ssyncadd.s32 @p0 $0xFFFFFFFF  }
0xaf: {  	s6 =	sshll.u32 @!p0 s1, $0xE  }
0xb0: {  	s6 =	sor.u32 @!p0 $0x4000, s6;
	s5 =	simm.s32 @!p0 $0x1B8D  }
0xb1: {  	s4 =	sshll.u32 @!p0 s4, $0x11;
	s6 =	sadd.s32 @!p0 $0x11B8D, s6;
	_ =	swait.eq @!p0 [sflag:s5], $0x1  }
0xb2: {  	s4 =	sor.u32 @!p0 s4, s6;
	[sflag:s5] =	ssyncadd.s32 @!p0 $0xFFFFFFFF  }
0xb3: {  	s25 =	simm.s32 $0x1B8E;
	s24 =	sld [smem:$0x3FFE];
	[sflag:s4] =	ssyncadd.remote.s32 @!p0 $0x1  }
0xb4: {  	s26 =	simm.s32 $execute0_lowered;
	[smem:$0x3FD2] =	sst s25  }
0xb5: {  	s5 =	sshll.u32 s26, $0x1;
	_ =	strace $0x80000052;
	[dreg:$0x1] =	wrdreg $0xFFFFFFFF  }
0xb6: {  	s28 =	simm.s32 $_size_execute0_lowered;
	s3 =	sadd.s32 s3, s5;
	[dreg:$0x0] =	wrdreg $0x0  }
0xb7: {  	s5 =	sshll.u32 s28, $0x1;
	[dreg:$0x2] =	wrdreg s3  }
0xb8: {  	[dreg:$0x3] =	wrdreg s5  }
0xb9: {  	[dreg:$0x4] =	wrdreg $0xC0  }
0xba: {  	_ =	task [dreg:s22], $0x5FFFF  }
0xbb: {  	[dreg:$0x1] =	wrdreg $0xFFFFFFFF  }
0xbc: {  	[dreg:$0x0] =	wrdreg $0x60  }
0xbd: {  	[dreg:$0x2] =	wrdreg s24  }
0xbe: {  	[dreg:$0x3] =	wrdreg $0xA  }
0xbf: {  	_ =	task.clear_ibuf [dreg:s22], $0x4FFFF;
	_ =	strace $0x90000052  }
0xc0: {  	s29 =	simm.s32 $0xA;
	_ =	strace $0x80000054  }
0xc1: {  	_ =	swait.ge [sflag:s29], $0x1  }
0xc2: {  	[sflag:s29] =	ssyncadd.s32 $0xFFFFFFFF  }
0xc3: {  	_ =	strace $0x90000054  }
0xc4: {  	_ =	sfence  }
0xc5: {  	s30 =	sld [smem:$0x0];
	_ =	sdelay $0x2  }
0xc6: {  	s31 =	sshll.u32 s1, $0xD;
	s1 =	sshrl.u32 s1, $0x2  }
0xc7: {  	s4 =	sand.u32 $0x4000, s31;
	s1 =	sadd.s32 s1, s30  }
0xc8: {  	s0 =	sor.u32 s4, s0;
	s1 =	sshll.u32 s1, $0x11  }
0xc9: {  	s0 =	sor.u32 s1, s0  }
0xca: {  	s0 =	sadd.s32 $0x8F2B, s0  }
0xcb: {  	[sflag:s0] =	ssyncadd.remote.s32 $0x1  }
0xcc: {  	_ =	sfence.sel $0xFFFF  }
0xcd: {  	[dreg:$0x0] =	wrdreg $0xFFFFFFFF;
	(pc) =	sbr.abs _section_cstart, $3  }
0xce: {  	[dreg:$0x1] =	wrdreg $0xFFFFFFFF  }
0xcf: {  	_ =	task.clear_ibuf [dreg:s22], $0x2FFFF;
	_ =	strace $0x9FFFFFFF  }
0xd0: {  	(tm) =	ssettm $0x7FFFFFFF  }
0xd1: {  	_ =	shalt  }
tec
execute0_lowered:
.L_overlay_start_1:
0x0: {  	(tag) =	ssettag $0x1  }
0x1: {  	s1 =	srdreg.scid  }
0x2: {  	s0 =	stileid.u32;
	s4 =	rddreg [dreg:$0x0];
	s2 =	simm.s32 $0x0  }
0x3: {  	s9 =	simm.s32 $0x2800;
	s3 =	sand.u32 $0x1, s1;
	s5 =	sshll.u32 s0, $0x1  }
0x4: {  	s10 =	simm.s32 $0x2B00;
	s11 =	simm.s32 $0x2980;
	s5 =	sor.u32 s3, s5  }
0x5: {  	s1 =	rddreg [dreg:$0x1];
	s6 =	ssub.s32 $0x2, s3;
	s5 =	smul.u32 $0x28, s5  }
0x6: {  	s12 =	simm.s32 $0x0;
	[smem:$0x7FF] =	sst s2;
	s7 =	sshrl.u32 s6, $0x1  }
0x7: {  	_ =	strace $0x80000053;
	s7 =	ssub.s32 s6, s7;
	s8 =	sadd.s32 s5, s4  }
0x8: {  	s3 =	sadd.s32 $0x50C00, s4;
	s7 =	smax.u32 s7, $0x1;
	s4 =	sadd.s32 $0x51200, s8  }
0x9: {  	s5 =	sadd.s32 $0x51E00, s8;
	s6 =	sadd.s32 $0x51800, s8;
	s8 =	simm.s32 $0x1  }
.LBB2_1:
0xa: {  	[tilespmem:s2], [sflag:$0x1] =	stream.linear.gather [hbm4b:s3+s2], $0x2800, $0x38;
	[tilespmem:$0x2C80] =	vst v63  }
0xb: {  	_ =	swait.ge [sflag:s8], $0x2800  }
0xc: {  	[sflag:s8] =	ssyncset.done $0x0  }
0xd: {  	[sflag:s8] =	ssyncadd.s32 $0xFFFFD800  }
0xe: {  	[tilespmem:s9], [sflag:$0x1] =	stream.linear.gather [hbm4b:s4+s2], $0x140, $0x38;
	[tilespmem:$0x2C80] =	vst v63  }
0xf: {  	_ =	swait.ge [sflag:s8], $0x140  }
0x10: {  	[sflag:s8] =	ssyncset.done $0x0  }
0x11: {  	s13 =	simm.s32 $0x0;
	[sflag:s8] =	ssyncadd.s32 $0xFFFFFEC0  }
.LBB2_2:
0x12: {  	s14 =	sshll.u32 s13, $0x4;
	v0 =	vimm.s32 $0x0;
	v2 =	vimm.s32 $0x2800  }
0x13: {  	s15 =	simm.s32 $0xD;
	v1 =	vld [tilespmem:s14+$0x2800];
	v3 =	vadd.s32 v0, v2  }
.LBB2_3:
0x14: {  	p0 =	sne.s32 s15, $0x1;
	v4 =	vshrl.u32 v3, $0x1F  }
0x15: {  	v3 =	vadd.s32 v4, v3  }
0x16: {  	v3 =	vshra.s32 v3, $0x1;
	_ =	sdelay $0x4  }
0x17: {  	v4 =	vld.idx.msk [tilespmem:v3+s2+$0x0], $0xffff;
	_ =	sdelay $0x3  }
.Ltmp0:
0x18: {  	(pc) =	sbr.rel @p0 .LBB2_3-.Ltmp0, $4  }
0x19: {  	_ = 	snop  }
0x1a: {  	vm0 =	vlt.f32 v4, v1;
	v4 =	vadd.s32 $0x1, v3  }
0x1b: {  	v0 =	vsel vm0, v4, v0;
	v2 =	vsel vm0, v2, v3  }
0x1c: {  	s15 =	sadd.s32 $0xFFFFFFFF, s15;
	v3 =	vadd.s32 v0, v2  }
0x1d: {  	v2 =	vshrl.u32 v3, $0x1F  }
0x1e: {  	v2 =	vadd.s32 v2, v3  }
0x1f: {  	v2 =	vshra.s32 v2, $0x1;
	_ =	sdelay $0x4  }
0x20: {  	v61 =	vld.idx.msk [tilespmem:v2+s2+$0x0], $0xffff;
	_ =	sdelay $0x3  }
0x21: {  	s13 =	sadd.s32 $0x1, s13  }
0x22: {  	p0 =	sne.s32 s13, $0x14;
	v62 =	vadd.s32 $0x1, v2;
	vm0 =	vlt.f32 v61, v1  }
.Ltmp1:
0x23: {  	v0 =	vsel vm0, v62, v0;
	(pc) =	sbr.rel @p0 .LBB2_2-.Ltmp1, $4  }
0x24: {  	vm0 =	vgt.s32 v0, $0x1  }
0x25: {  	v1 =	vnsel vm0, $0x1, v0  }
0x26: {  	[tilespmem:s14+$0x2B00] =	vst v0;
	v63 =	vadd.s32 $0xFFFFFFFF, v1  }
0x27: {  	[tilespmem:s14+$0x2980] =	vst v63  }
0x28: {  	[hbm4b:s5+s2] =	stream.linear.scatter [tilespmem:s10], [sflag:$0x1], $0x140, $0x38;
	[tilespmem:$0x2C80] =	vst v63  }
0x29: {  	s12 =	sadd.s32 $0x1, s12;
	_ =	swait.ge [sflag:s8], $0x140  }
0x2a: {  	p0 =	sne.s32 s12, s7;
	[sflag:s8] =	ssyncset.done $0x0  }
.Ltmp2:
0x2b: {  	[sflag:s8] =	ssyncadd.s32 $0xFFFFFEC0;
	(pc) =	sbr.rel @p0 .LBB2_1-.Ltmp2, $4  }
0x2c: {  	[hbm4b:s6+s2] =	stream.linear.scatter [tilespmem:s11], [sflag:$0x1], $0x140, $0x38;
	[tilespmem:$0x2C80] =	vst v63  }
0x2d: {  	_ =	swait.ge [sflag:s8], $0x140  }
0x2e: {  	[sflag:s8] =	ssyncset.done $0x0  }
0x2f: {  	[sflag:s8] =	ssyncadd.s32 $0xFFFFFEC0  }
0x30: {  	_ =	sfence.sel $0x180000  }
0x31: {  	[bflag:$0x0] =	sbarrier.arrive $0xFFFF  }
0x32: {  	p0 =	sne.s32 s0, $0x0;
	_ =	strace $0x90000053  }
0x33: {  	s0 =	sadd.s32 @!p0 $0x100000, s1;
	[bflag:$0x2] =	sbarrier.arrive $0xFFFF  }
0x34: {  	[sflag:s0] =	ssyncadd.tile.s32 @!p0 $0x1;
	_ =	shalt  }
.Lfunc_end2:
_tile_overlayer_lowered:
.L_overlay_start_2:
0x35: {  	(tag) =	ssettag $0x2  }
0x36: {  	s0 =	rddreg [dreg:$0x0];
	s2 =	stileid.u32  }
0x37: {  	s1 =	rddreg [dreg:$0x1];
	p0 =	sne.s32 s2, $0x0  }
0x38: {  	s3 =	rddreg [dreg:$0x2];
	[bflag:$0x3] =	sbarrier.arrive $0xFFFF;
	s2 =	simm.s32 @!p0 $0x1C01  }
0x39: {  	[timem:s3], [sflag:s2] =	dma.local @!p0 [hbm:s0], s1  }
0x3a: {  	s0 =	simm.s32 @!p0 $0x1  }
0x3b: {  	_ =	swait.ge @!p0 [sflag:s0], s1  }
0x3c: {  	s1 =	ssub.s32 @!p0 $0x0, s1;
	[sflag:s0] =	ssyncset.done @!p0 $0x0  }
0x3d: {  	[sflag:s0] =	ssyncadd.s32 @!p0 s1  }
0x3e: {  	[bflag:$0x3] =	sbarrier.arrive $0xFFFF  }
0x3f: {  	_ =	shalt  }

// kernel: kernel.33.cloned.1.call-start
scs
__scs_entry_jumppad:
0x0: {  	(pc) =	sbr.rel $0x88, $3  }
0x1: {  	(tag) =	ssettag $0x0;
	lr =	simm.s32 $0x1  }
0x2: {  	[smem:$0x3F92] =	sst lr;
	_ =	strace $0xD0000000  }
0x3: {  	_ = 	snop  }
0x4: {  	_ = 	snop  }
0x5: {  	_ = 	snop  }
0x6: {  	_ = 	snop  }
0x7: {  	_ = 	snop  }
__scs_overlays_trampoline_lowered:
0x8: {  	[smem:$0x3FA1] =	sst s0  }
0x9: {  	[smem:$0x3FA2] =	sst s1  }
0xa: {  	[smem:$0x3FA3] =	sst s2  }
0xb: {  	[smem:$0x3FA4] =	sst s3  }
0xc: {  	[smem:$0x3FA5] =	sst s4  }
0xd: {  	[smem:$0x3FA6] =	sst s5  }
0xe: {  	[smem:$0x3FA7] =	sst s6  }
0xf: {  	[smem:$0x3FA8] =	sst s7  }
0x10: {  	[smem:$0x3FA9] =	sst s8  }
0x11: {  	[smem:$0x3FAA] =	sst s9;
	s0 =	simm.s32 @!p0 $0x0  }
0x12: {  	s1 =	sld [smem:$0x3F90];
	s0 =	simm.s32 @p0 $0x1  }
0x13: {  	[smem:$0x3FAB] =	sst s0;
	s0 =	simm.s32 @!p1 $0x0  }
0x14: {  	s2 =	sld [smem:$0x3F8F];
	s0 =	simm.s32 @p1 $0x1  }
0x15: {  	[smem:$0x3FAC] =	sst s0;
	s0 =	simm.s32 @!p2 $0x0  }
0x16: {  	s3 =	sld [smem:$0x3FDB];
	s0 =	simm.s32 @p2 $0x1  }
0x17: {  	s4 =	simm.s32 $0x1BF5;
	[smem:$0x3FAE] =	sst s0  }
0x18: {  	s0 =	sld [smem:$0x3F91];
	_ =	swait.ge [sflag:s4], $0x0  }
0x19: {  	s7 =	sld [smem:$0x3F92]  }
0x1a: {  	s8 =	sadd.s32 $0xFFFFE003, lr  }
0x1b: {  	s9 =	sadd.s32 $0xFFFFFEF7, lr;
	s5 =	simm.s32 $0xFFFFFFFF;
	p2 =	slt.u32 s8, $0xFFFFF086  }
0x1c: {  	p1 =	slt.u32 s9, $0xF7A;
	s5 =	simm.s32 @!p2 $0x0  }
0x1d: {  	s5 =	simm.s32 @p1 $0x1;
	p0 =	seq.s32 s7, s2  }
0x1e: {  	s7 =	smul.u32 @!p0 $0xF7A, s2;
	p2 =	seq.s32 @!p0 s5, $0x0  }
0x1f: {  	s9 =	smul.u32 $0xF7A, s1;
	s8 =	simm.s32 @!p0 $0x1BF5;
	p2 =	por !p2, p0  }
0x20: {  	[sflag:s8] =	ssyncset.s32 @!p0 $0xFFFFF086;
	s6 =	sadd.s32 @!p0 s3, s7;
	s7 =	simm.s32 @!p0 $0x108  }
0x21: {  	s3 =	sadd.s32 s3, s9;
	s6 =	sadd.s32 @!p0 $0x88, s6;
	s7 =	simm.s32 @p2 $0x1082  }
0x22: {  	[simem:s7], [sflag:s8] =	dma.local @!p0 [hbm:s6], $0xF7A  }
0x23: {  	s9 =	sor.u32 $0xD0000000, s2;
	s6 =	simm.s32 $0x108;
	_ =	swait.ge @!p0 [sflag:s8], $0x0  }
0x24: {  	s3 =	sadd.s32 $0x88, s3;
	s6 =	simm.s32 @!p1 $0x1082;
	[sflag:s4] =	ssyncset.s32 $0xFFFFF086  }
0x25: {  	[simem:s6], [sflag:s4] =	dma.local [hbm:s3], $0xF7A  }
0x26: {  	[smem:$0x3F92] =	sst s1;
	(tag) =	ssettag s2;
	_ =	strace s9  }
0x27: {  	s1 =	sld [smem:$0x3FA2]  }
0x28: {  	s2 =	sld [smem:$0x3FA3]  }
0x29: {  	s4 =	sld [smem:$0x3FA5]  }
0x2a: {  	p0 =	seq.s32 s5, $0x0;
	s5 =	sld [smem:$0x3FA6]  }
0x2b: {  	s6 =	sld [smem:$0x3FA7]  }
0x2c: {  	s7 =	sld [smem:$0x3FA8]  }
0x2d: {  	s3 =	simm.s32 $0x108;
	s8 =	sld [smem:$0x3FA9]  }
0x2e: {  	s3 =	simm.s32 @!p0 $0x1082;
	s9 =	sld [smem:$0x3FAA]  }
0x2f: {  	lr =	sadd.s32 s0, s3;
	s0 =	sld [smem:$0x3FA1]  }
0x30: {  	s3 =	sld [smem:$0x3FA4]  }
0x31: {  	[smem:$0x3FAD] =	sst s10  }
0x32: {  	s10 =	sld [smem:$0x3FAB];
	_ =	sdelay $0x3  }
0x33: {  	p0 =	seq.s32 s10, $0x1;
	s10 =	sld [smem:$0x3FAD];
	_ =	sdelay $0x3  }
0x34: {  	[smem:$0x3FAD] =	sst s10  }
0x35: {  	s10 =	sld [smem:$0x3FAC];
	_ =	sdelay $0x3  }
0x36: {  	p1 =	seq.s32 s10, $0x1;
	s10 =	sld [smem:$0x3FAD];
	_ =	sdelay $0x3  }
0x37: {  	[smem:$0x3FAD] =	sst s10  }
0x38: {  	s10 =	sld [smem:$0x3FAE]  }
0x39: {  	_ = 	snop;
	(pc) =	sbr.ind lr, $3  }
0x3a: {  	_ = 	snop  }
0x3b: {  	_ = 	snop  }
0x3c: {  	p2 =	seq.s32 s10, $0x1;
	s10 =	sld [smem:$0x3FAD]  }
0x3d: {  	_ =	shalt  }
0x3e: {  	_ =	shalt  }
0x3f: {  	_ =	shalt  }
0x40: {  	_ =	shalt  }
0x41: {  	_ =	shalt  }
0x42: {  	_ =	shalt  }
0x43: {  	_ =	shalt  }
0x44: {  	_ =	shalt  }
0x45: {  	_ =	shalt  }
0x46: {  	_ =	shalt  }
0x47: {  	_ =	shalt  }
0x48: {  	_ =	shalt  }
0x49: {  	_ =	shalt  }
0x4a: {  	_ =	shalt  }
0x4b: {  	_ =	shalt  }
0x4c: {  	_ =	shalt  }
0x4d: {  	_ =	shalt  }
0x4e: {  	_ =	shalt  }
0x4f: {  	_ =	shalt  }
0x50: {  	_ =	shalt  }
0x51: {  	_ =	shalt  }
0x52: {  	_ =	shalt  }
0x53: {  	_ =	shalt  }
0x54: {  	_ =	shalt  }
0x55: {  	_ =	shalt  }
0x56: {  	_ =	shalt  }
0x57: {  	_ =	shalt  }
0x58: {  	_ =	shalt  }
0x59: {  	_ =	shalt  }
0x5a: {  	_ =	shalt  }
0x5b: {  	_ =	shalt  }
0x5c: {  	_ =	shalt  }
0x5d: {  	_ =	shalt  }
0x5e: {  	_ =	shalt  }
0x5f: {  	_ =	shalt  }
0x60: {  	_ =	shalt  }
0x61: {  	_ =	shalt  }
0x62: {  	_ =	shalt  }
0x63: {  	_ =	shalt  }
0x64: {  	_ =	shalt  }
0x65: {  	_ =	shalt  }
0x66: {  	_ =	shalt  }
0x67: {  	_ =	shalt  }
0x68: {  	_ =	shalt  }
0x69: {  	_ =	shalt  }
0x6a: {  	_ =	shalt  }
0x6b: {  	_ =	shalt  }
0x6c: {  	_ =	shalt  }
0x6d: {  	_ =	shalt  }
0x6e: {  	_ =	shalt  }
0x6f: {  	_ =	shalt  }
0x70: {  	_ =	shalt  }
0x71: {  	_ =	shalt  }
0x72: {  	_ =	shalt  }
0x73: {  	_ =	shalt  }
0x74: {  	_ =	shalt  }
0x75: {  	_ =	shalt  }
0x76: {  	_ =	shalt  }
0x77: {  	_ =	shalt  }
0x78: {  	_ =	shalt  }
0x79: {  	_ =	shalt  }
0x7a: {  	_ =	shalt  }
0x7b: {  	_ =	shalt  }
0x7c: {  	_ =	shalt  }
0x7d: {  	_ =	shalt  }
0x7e: {  	_ =	shalt  }
0x7f: {  	_ =	shalt  }
0x80: {  	_ =	shalt  }
0x81: {  	_ =	shalt  }
0x82: {  	_ =	shalt  }
0x83: {  	_ =	shalt  }
0x84: {  	_ =	shalt  }
0x85: {  	_ =	shalt  }
0x86: {  	_ =	shalt  }
0x87: {  	_ =	shalt  }
.Lfunc_end0:
.L_simem_size_0:
called_computation.5_lowered:
.L_overlay_start_0:
0x88: {  	s2 =	sld [smem:$0x3FD9]  }
0x89: {  	s3 =	sld [smem:$0x3FFE];
	_ =	sdelay $0x1  }
0x8a: {  	s1 =	srdreg.scid  }
0x8b: {  	s0 =	sand.u32 $0x1, s1  }
0x8c: {  	s16 =	sshll.u32 s0, $0xA;
	s2 =	sadd.s32 s3, s2  }
0x8d: {  	s2 =	sadd.s32 s2, s16  }
0x8e: {  	[smem:$0x3FB9] =	sst s2  }
0x8f: {  	_ = 	snop  }
0x90: {  	(tm) =	ssettm $0x1  }
0x91: {  	s17 =	sld [smem:$0x3FFB];
	_ =	sdelay $0x3  }
0x92: {  	_ =	strace s17  }
0x93: {  	s2 =	sld [smem:$0x3FFC];
	_ =	sdelay $0x3  }
0x94: {  	_ =	strace s2  }
0x95: {  	s2 =	sld [smem:$0x3FFD];
	_ =	sdelay $0x3  }
0x96: {  	_ =	strace s2  }
0x97: {  	_ =	strace $0x8FFFFFFF  }
0x98: {  	s18 =	sld [smem:$0x3FDB];
	_ =	sdelay $0x1  }
0x99: {  	s19 =	simm.s32 $_scs_section_size  }
0x9a: {  	s4 =	simm.s32 $_size__tile_overlayer_lowered;
	s5 =	simm.s32 $_tile_overlayer_lowered  }
0x9b: {  	s22 =	simm.s32 $0x1BFF;
	s21 =	sshll.u32 s5, $0x1;
	s2 =	sadd.s32 s19, s18  }
0x9c: {  	s6 =	simm.s32 $0x0;
	s20 =	sshll.u32 s4, $0x1;
	s4 =	sadd.s32 s21, s2  }
0x9d: {  	[timem:s6], [sflag:s22] =	dma.local [hbm:s4], s20  }
0x9e: {  	_ =	swait.ge [sflag:s22], s20  }
0x9f: {  	s3 =	ssub.s32 $0x0, s20;
	[sflag:s22] =	ssyncset.done $0x0  }
0xa0: {  	[sflag:s22] =	ssyncadd.s32 s3;
	_ =	sdelay $0x1  }
0xa1: {  	s23 =	simm.s32 $0x1B8B  }
0xa2: {  	_ =	swait.ge [sflag:s23], $0x1  }
0xa3: {  	[sflag:s23] =	ssyncset.done $0x0  }
0xa4: {  	s25 =	simm.s32 $0x1B8E;
	s24 =	sld [smem:$0x3FFE];
	[sflag:s23] =	ssyncadd.s32 $0xFFFFFFFF  }
0xa5: {  	s26 =	simm.s32 $execute0_lowered;
	[smem:$0x3FD2] =	sst s25  }
0xa6: {  	s4 =	sshll.u32 s26, $0x1;
	_ =	strace $0x80000055;
	[dreg:$0x1] =	wrdreg $0xFFFFFFFF  }
0xa7: {  	s28 =	simm.s32 $_size_execute0_lowered;
	s2 =	sadd.s32 s2, s4;
	[dreg:$0x0] =	wrdreg $0x0  }
0xa8: {  	s4 =	sshll.u32 s28, $0x1;
	[dreg:$0x2] =	wrdreg s2  }
0xa9: {  	[dreg:$0x3] =	wrdreg s4  }
0xaa: {  	[dreg:$0x4] =	wrdreg $0xC0  }
0xab: {  	_ =	task [dreg:s6], $0x5FFFF  }
0xac: {  	[dreg:$0x1] =	wrdreg $0xFFFFFFFF  }
0xad: {  	[dreg:$0x0] =	wrdreg $0x60  }
0xae: {  	[dreg:$0x2] =	wrdreg s24  }
0xaf: {  	[dreg:$0x3] =	wrdreg $0x9  }
0xb0: {  	_ =	task.clear_ibuf [dreg:s6], $0x4FFFF;
	_ =	strace $0x90000055  }
0xb1: {  	s29 =	simm.s32 $0x9;
	_ =	strace $0x80000057  }
0xb2: {  	_ =	swait.ge [sflag:s29], $0x1  }
0xb3: {  	[sflag:s29] =	ssyncadd.s32 $0xFFFFFFFF  }
0xb4: {  	_ =	strace $0x90000057  }
0xb5: {  	_ =	sfence  }
0xb6: {  	s30 =	sld [smem:$0x0];
	_ =	sdelay $0x2  }
0xb7: {  	s31 =	sshll.u32 s1, $0xD;
	s1 =	sshrl.u32 s1, $0x2  }
0xb8: {  	s3 =	sand.u32 $0x4000, s31;
	s1 =	sadd.s32 s1, s30  }
0xb9: {  	s0 =	sor.u32 s3, s0;
	s1 =	sshll.u32 s1, $0x11  }
0xba: {  	s0 =	sor.u32 s1, s0  }
0xbb: {  	s0 =	sadd.s32 $0x8F2B, s0  }
0xbc: {  	[sflag:s0] =	ssyncadd.remote.s32 $0x1  }
0xbd: {  	_ =	sfence.sel $0xFFFF  }
0xbe: {  	[dreg:$0x0] =	wrdreg $0xFFFFFFFF;
	(pc) =	sbr.abs _section_cstart, $3  }
0xbf: {  	[dreg:$0x1] =	wrdreg $0xFFFFFFFF  }
0xc0: {  	_ =	task.clear_ibuf [dreg:s6], $0x2FFFF;
	_ =	strace $0x9FFFFFFF  }
0xc1: {  	(tm) =	ssettm $0x7FFFFFFF  }
tec
execute0_lowered:
.L_overlay_start_1:
0x0: {  	(tag) =	ssettag $0x1  }
0x1: {  	s1 =	srdreg.scid;
	s0 =	stileid.u32  }
0x2: {  	s1 =	sand.u32 $0x1, s1;
	s2 =	sshll.u32 s0, $0x1  }
0x3: {  	s4 =	rddreg [dreg:$0x0];
	s3 =	sor.u32 s1, s2;
	s2 =	simm.s32 $0x0  }
0x4: {  	s11 =	simm.s32 $0x980;
	[smem:$0x7FF] =	sst s2  }
0x5: {  	s12 =	simm.s32 $0x1180;
	_ =	strace $0x80000056;
	[dreg:$0x4] =	wrdreg s11  }
0x6: {  	s13 =	simm.s32 $0x1980;
	s14 =	simm.s32 $0x2180;
	[dreg:$0x5] =	wrdreg s12  }
0x7: {  	s15 =	simm.s32 $0x2980;
	s16 =	simm.s32 $0x3180;
	[dreg:$0x6] =	wrdreg s13  }
0x8: {  	s17 =	simm.s32 $0x3980;
	s18 =	simm.s32 $0x4180;
	[dreg:$0x7] =	wrdreg s14  }
0x9: {  	s19 =	simm.s32 $0x4980;
	s20 =	simm.s32 $0x5180;
	[dreg:$0x8] =	wrdreg s15  }
0xa: {  	s21 =	simm.s32 $0x5980;
	s23 =	simm.s32 $0x6180;
	[dreg:$0x9] =	wrdreg s16  }
0xb: {  	s24 =	simm.s32 $0x6980;
	s25 =	simm.s32 $0x7180;
	[dreg:$0xa] =	wrdreg s17  }
0xc: {  	s26 =	simm.s32 $0x7980;
	s6 =	simm.s32 $0x180;
	[dreg:$0xb] =	wrdreg s18  }
0xd: {  	s7 =	simm.s32 $0x1;
	s9 =	simm.s32 $0x8980;
	[dreg:$0xc] =	wrdreg s19  }
0xe: {  	s10 =	simm.s32 $0x9180;
	s28 =	simm.s32 $0x11980;
	[dreg:$0xd] =	wrdreg s20  }
0xf: {  	s29 =	simm.s32 $0x12180;
	s30 =	simm.s32 $0x12980;
	[dreg:$0xe] =	wrdreg s21  }
0x10: {  	s31 =	simm.s32 $0x13180;
	s1 =	ssub.s32 $0x2, s1;
	[dreg:$0xf] =	wrdreg s23  }
0x11: {  	s5 =	smul.u32 $0x28, s3;
	s22 =	sshrl.u32 s1, $0x1;
	[dreg:$0x10] =	wrdreg s24  }
0x12: {  	s3 =	smul.u32 $0x2800, s3;
	s1 =	ssub.s32 s1, s22;
	[dreg:$0x11] =	wrdreg s25  }
0x13: {  	[dreg:$0x12] =	wrdreg s26;
	s11 =	simm.s32 $0x9980;
	s12 =	simm.s32 $0xA180  }
0x14: {  	s13 =	simm.s32 $0xA980;
	s14 =	simm.s32 $0xB180;
	s15 =	simm.s32 $0xB980  }
0x15: {  	s16 =	simm.s32 $0xC180;
	s17 =	simm.s32 $0xC980;
	s18 =	simm.s32 $0xD180  }
0x16: {  	s19 =	simm.s32 $0xD980;
	s20 =	simm.s32 $0xE180;
	s21 =	simm.s32 $0xE980  }
0x17: {  	s22 =	simm.s32 $0xF180;
	s23 =	simm.s32 $0xF980;
	s5 =	sadd.s32 s5, s4  }
0x18: {  	s24 =	simm.s32 $0x10180;
	s3 =	sadd.s32 s3, s4;
	s5 =	sadd.s32 $0x1400, s5  }
0x19: {  	v2 =	vlaneseq.u32;
	s25 =	simm.s32 $0x10980;
	s3 =	sadd.s32 $0x1A00, s3;
	[dreg:$0x2] =	wrdreg s5  }
0x1a: {  	vm0 =	vmmov $0xffff;
	v1 =	vshrl.u32 v2, $0x3;
	s26 =	simm.s32 $0x11180;
	[dreg:$0x3] =	wrdreg s3;
	s3 =	sadd.s32 $0x18AC00, s4  }
0x1b: {  	v0 =	vand.u32 $0x7, v2;
	v2 =	vor.u32 $0x8, v2;
	v1 =	vmul.u32 $0x8, v1;
	s4 =	smax.u32 s1, $0x1;
	s5 =	simm.s32 $0x2;
	s1 =	simm.s32 $0x13980  }
.LBB2_1:
0x1c: {  	s0 =	rddreg [dreg:$0x2]  }
0x1d: {  	[tilespmem:s2], [sflag:$0x2] =	stream.linear.gather [hbm4b:s0+s2], $0x140, $0x38;
	[tilespmem:$0x14180] =	vst v63  }
0x1e: {  	_ =	swait.ge [sflag:s5], $0x140  }
0x1f: {  	[sflag:s5] =	ssyncset.done $0x0  }
0x20: {  	[sflag:s5] =	ssyncadd.s32 $0xFFFFFEC0  }
0x21: {  	v3 =	vld [tilespmem:$0x0];
	_ =	sdelay $0x4  }
0x22: {  	v4 =	vshll.u32 v3, $0x1  }
0x23: {  	v3 =	vand.u32 $0x7, v3;
	v4 =	vand.u32 $0xFFFFFFF0, v4  }
0x24: {  	v3 =	vor.u32 v3, v4  }
0x25: {  	v4 =	vperm.xlane v3, v0;
	_ =	sdelay $0x1  }
0x26: {  	v3 =	vperm.xlane v3, v2;
	v4 =	vadd.s32 v1, v4;
	_ =	sdelay $0x1  }
0x27: {  	v3 =	vadd.s32 v1, v3;
	_ =	sdelay $0x2  }
0x28: {  	[tilespmem:s6], [sflag:$0x1] =	stream.indirect_vreg.gather [hbm4b:s3+s2], $0x80, v4, vm0, $0xb8;
	[tilespmem:$0x14180] =	vst v63  }
0x29: {  	s8 =	rddreg [dreg:$0x4]  }
0x2a: {  	[tilespmem:s8], [sflag:$0x1] =	stream.indirect_vreg.gather [hbm4b:s3+s2], $0x80, v3, vm0, $0xb8;
	[tilespmem:$0x14180] =	vst v63  }
0x2b: {  	v3 =	vld [tilespmem:$0x10];
	_ =	sdelay $0x4  }
0x2c: {  	v45 =	vshll.u32 v3, $0x1  }
0x2d: {  	v3 =	vand.u32 $0x7, v3;
	v4 =	vand.u32 $0xFFFFFFF0, v45  }
0x2e: {  	v3 =	vor.u32 v3, v4  }
0x2f: {  	v4 =	vperm.xlane v3, v0;
	_ =	sdelay $0x1  }
0x30: {  	v3 =	vperm.xlane v3, v2;
	v4 =	vadd.s32 v1, v4;
	_ =	sdelay $0x1  }
0x31: {  	v3 =	vadd.s32 v1, v3;
	_ =	sdelay $0x1  }
0x32: {  	s0 =	rddreg [dreg:$0x5]  }
0x33: {  	[tilespmem:s0], [sflag:$0x1] =	stream.indirect_vreg.gather [hbm4b:s3+s2], $0x80, v4, vm0, $0xb8;
	[tilespmem:$0x14180] =	vst v63  }
0x34: {  	s8 =	rddreg [dreg:$0x6]  }
0x35: {  	[tilespmem:s8], [sflag:$0x1] =	stream.indirect_vreg.gather [hbm4b:s3+s2], $0x80, v3, vm0, $0xb8;
	[tilespmem:$0x14180] =	vst v63  }
0x36: {  	v3 =	vld [tilespmem:$0x20];
	_ =	sdelay $0x4  }
0x37: {  	v46 =	vshll.u32 v3, $0x1  }
0x38: {  	v3 =	vand.u32 $0x7, v3;
	v4 =	vand.u32 $0xFFFFFFF0, v46  }
0x39: {  	v3 =	vor.u32 v3, v4  }
0x3a: {  	v4 =	vperm.xlane v3, v0;
	_ =	sdelay $0x1  }
0x3b: {  	v3 =	vperm.xlane v3, v2;
	v4 =	vadd.s32 v1, v4;
	_ =	sdelay $0x1  }
0x3c: {  	v3 =	vadd.s32 v1, v3;
	_ =	sdelay $0x1  }
0x3d: {  	s0 =	rddreg [dreg:$0x7]  }
0x3e: {  	[tilespmem:s0], [sflag:$0x1] =	stream.indirect_vreg.gather [hbm4b:s3+s2], $0x80, v4, vm0, $0xb8;
	[tilespmem:$0x14180] =	vst v63  }
0x3f: {  	s8 =	rddreg [dreg:$0x8]  }
0x40: {  	[tilespmem:s8], [sflag:$0x1] =	stream.indirect_vreg.gather [hbm4b:s3+s2], $0x80, v3, vm0, $0xb8;
	[tilespmem:$0x14180] =	vst v63  }
0x41: {  	v3 =	vld [tilespmem:$0x30];
	_ =	sdelay $0x4  }
0x42: {  	v47 =	vshll.u32 v3, $0x1  }
0x43: {  	v3 =	vand.u32 $0x7, v3;
	v4 =	vand.u32 $0xFFFFFFF0, v47  }
0x44: {  	v3 =	vor.u32 v3, v4  }
0x45: {  	v4 =	vperm.xlane v3, v0;
	_ =	sdelay $0x1  }
0x46: {  	v3 =	vperm.xlane v3, v2;
	v4 =	vadd.s32 v1, v4;
	_ =	sdelay $0x1  }
0x47: {  	v3 =	vadd.s32 v1, v3;
	_ =	sdelay $0x1  }
0x48: {  	s0 =	rddreg [dreg:$0x9]  }
0x49: {  	[tilespmem:s0], [sflag:$0x1] =	stream.indirect_vreg.gather [hbm4b:s3+s2], $0x80, v4, vm0, $0xb8;
	[tilespmem:$0x14180] =	vst v63  }
0x4a: {  	s8 =	rddreg [dreg:$0xa]  }
0x4b: {  	[tilespmem:s8], [sflag:$0x1] =	stream.indirect_vreg.gather [hbm4b:s3+s2], $0x80, v3, vm0, $0xb8;
	[tilespmem:$0x14180] =	vst v63  }
0x4c: {  	_ =	swait.ge [sflag:s7], $0x4000  }
0x4d: {  	[sflag:s7] =	ssyncset.done $0x0  }
0x4e: {  	[sflag:s7] =	ssyncadd.s32 $0xFFFFC000  }
0x4f: {  	v3 =	vld [tilespmem:$0x40];
	_ =	sdelay $0x4  }
0x50: {  	v48 =	vshll.u32 v3, $0x1  }
0x51: {  	v3 =	vand.u32 $0x7, v3;
	v4 =	vand.u32 $0xFFFFFFF0, v48  }
0x52: {  	v3 =	vor.u32 v3, v4  }
0x53: {  	v4 =	vperm.xlane v3, v0;
	_ =	sdelay $0x1  }
0x54: {  	v3 =	vperm.xlane v3, v2;
	v4 =	vadd.s32 v1, v4;
	_ =	sdelay $0x1  }
0x55: {  	v3 =	vadd.s32 v1, v3;
	_ =	sdelay $0x1  }
0x56: {  	s0 =	rddreg [dreg:$0xb]  }
0x57: {  	[tilespmem:s0], [sflag:$0x1] =	stream.indirect_vreg.gather [hbm4b:s3+s2], $0x80, v4, vm0, $0xb8;
	[tilespmem:$0x14180] =	vst v63  }
0x58: {  	s8 =	rddreg [dreg:$0xc]  }
0x59: {  	[tilespmem:s8], [sflag:$0x1] =	stream.indirect_vreg.gather [hbm4b:s3+s2], $0x80, v3, vm0, $0xb8;
	[tilespmem:$0x14180] =	vst v63  }
0x5a: {  	v3 =	vld [tilespmem:$0x50];
	_ =	sdelay $0x4  }
0x5b: {  	v49 =	vshll.u32 v3, $0x1  }
0x5c: {  	v3 =	vand.u32 $0x7, v3;
	v4 =	vand.u32 $0xFFFFFFF0, v49  }
0x5d: {  	v3 =	vor.u32 v3, v4  }
0x5e: {  	v4 =	vperm.xlane v3, v0;
	_ =	sdelay $0x1  }
0x5f: {  	v3 =	vperm.xlane v3, v2;
	v4 =	vadd.s32 v1, v4;
	_ =	sdelay $0x1  }
0x60: {  	v3 =	vadd.s32 v1, v3;
	_ =	sdelay $0x1  }
0x61: {  	s0 =	rddreg [dreg:$0xd]  }
0x62: {  	[tilespmem:s0], [sflag:$0x1] =	stream.indirect_vreg.gather [hbm4b:s3+s2], $0x80, v4, vm0, $0xb8;
	[tilespmem:$0x14180] =	vst v63  }
0x63: {  	s8 =	rddreg [dreg:$0xe]  }
0x64: {  	[tilespmem:s8], [sflag:$0x1] =	stream.indirect_vreg.gather [hbm4b:s3+s2], $0x80, v3, vm0, $0xb8;
	[tilespmem:$0x14180] =	vst v63  }
0x65: {  	v3 =	vld [tilespmem:$0x60];
	_ =	sdelay $0x4  }
0x66: {  	v50 =	vshll.u32 v3, $0x1  }
0x67: {  	v3 =	vand.u32 $0x7, v3;
	v4 =	vand.u32 $0xFFFFFFF0, v50  }
0x68: {  	v3 =	vor.u32 v3, v4  }
0x69: {  	v4 =	vperm.xlane v3, v0;
	_ =	sdelay $0x1  }
0x6a: {  	v3 =	vperm.xlane v3, v2;
	v4 =	vadd.s32 v1, v4;
	_ =	sdelay $0x1  }
0x6b: {  	v3 =	vadd.s32 v1, v3;
	_ =	sdelay $0x1  }
0x6c: {  	s0 =	rddreg [dreg:$0xf]  }
0x6d: {  	[tilespmem:s0], [sflag:$0x1] =	stream.indirect_vreg.gather [hbm4b:s3+s2], $0x80, v4, vm0, $0xb8;
	[tilespmem:$0x14180] =	vst v63  }
0x6e: {  	s8 =	rddreg [dreg:$0x10]  }
0x6f: {  	[tilespmem:s8], [sflag:$0x1] =	stream.indirect_vreg.gather [hbm4b:s3+s2], $0x80, v3, vm0, $0xb8;
	[tilespmem:$0x14180] =	vst v63  }
0x70: {  	v3 =	vld [tilespmem:$0x70];
	_ =	sdelay $0x4  }
0x71: {  	v51 =	vshll.u32 v3, $0x1  }
0x72: {  	v3 =	vand.u32 $0x7, v3;
	v4 =	vand.u32 $0xFFFFFFF0, v51  }
0x73: {  	v3 =	vor.u32 v3, v4  }
0x74: {  	v4 =	vperm.xlane v3, v0;
	_ =	sdelay $0x1  }
0x75: {  	v3 =	vperm.xlane v3, v2;
	v4 =	vadd.s32 v1, v4;
	_ =	sdelay $0x1  }
0x76: {  	v3 =	vadd.s32 v1, v3;
	_ =	sdelay $0x1  }
0x77: {  	s0 =	rddreg [dreg:$0x11]  }
0x78: {  	[tilespmem:s0], [sflag:$0x1] =	stream.indirect_vreg.gather [hbm4b:s3+s2], $0x80, v4, vm0, $0xb8;
	[tilespmem:$0x14180] =	vst v63  }
0x79: {  	s8 =	rddreg [dreg:$0x12]  }
0x7a: {  	[tilespmem:s8], [sflag:$0x1] =	stream.indirect_vreg.gather [hbm4b:s3+s2], $0x80, v3, vm0, $0xb8;
	[tilespmem:$0x14180] =	vst v63  }
0x7b: {  	_ =	swait.ge [sflag:s7], $0x4000  }
0x7c: {  	[sflag:s7] =	ssyncset.done $0x0  }
0x7d: {  	[sflag:s7] =	ssyncadd.s32 $0xFFFFC000  }
0x7e: {  	v3 =	vld [tilespmem:$0x80];
	_ =	sdelay $0x4  }
0x7f: {  	v52 =	vshll.u32 v3, $0x1  }
0x80: {  	v3 =	vand.u32 $0x7, v3;
	v4 =	vand.u32 $0xFFFFFFF0, v52  }
0x81: {  	v3 =	vor.u32 v3, v4  }
0x82: {  	v4 =	vperm.xlane v3, v0;
	_ =	sdelay $0x1  }
0x83: {  	v3 =	vperm.xlane v3, v2;
	v4 =	vadd.s32 v1, v4;
	_ =	sdelay $0x1  }
0x84: {  	v3 =	vadd.s32 v1, v3;
	_ =	sdelay $0x1  }
0x85: {  	s8 =	simm.s32 $0x8180  }
0x86: {  	[tilespmem:s8], [sflag:$0x1] =	stream.indirect_vreg.gather [hbm4b:s3+s2], $0x80, v4, vm0, $0xb8;
	[tilespmem:$0x14180] =	vst v63  }
0x87: {  	_ = 	snop  }
0x88: {  	[tilespmem:s9], [sflag:$0x1] =	stream.indirect_vreg.gather [hbm4b:s3+s2], $0x80, v3, vm0, $0xb8;
	[tilespmem:$0x14180] =	vst v63  }
0x89: {  	v3 =	vld [tilespmem:$0x90];
	_ =	sdelay $0x4  }
0x8a: {  	v53 =	vshll.u32 v3, $0x1  }
0x8b: {  	v3 =	vand.u32 $0x7, v3;
	v4 =	vand.u32 $0xFFFFFFF0, v53  }
0x8c: {  	v3 =	vor.u32 v3, v4  }
0x8d: {  	v4 =	vperm.xlane v3, v0;
	_ =	sdelay $0x1  }
0x8e: {  	v3 =	vperm.xlane v3, v2;
	v4 =	vadd.s32 v1, v4;
	_ =	sdelay $0x1  }
0x8f: {  	v3 =	vadd.s32 v1, v3;
	_ =	sdelay $0x2  }
0x90: {  	[tilespmem:s10], [sflag:$0x1] =	stream.indirect_vreg.gather [hbm4b:s3+s2], $0x80, v4, vm0, $0xb8;
	[tilespmem:$0x14180] =	vst v63  }
0x91: {  	_ = 	snop  }
0x92: {  	[tilespmem:s11], [sflag:$0x1] =	stream.indirect_vreg.gather [hbm4b:s3+s2], $0x80, v3, vm0, $0xb8;
	[tilespmem:$0x14180] =	vst v63  }
0x93: {  	v3 =	vld [tilespmem:$0xA0];
	_ =	sdelay $0x4  }
0x94: {  	v54 =	vshll.u32 v3, $0x1  }
0x95: {  	v3 =	vand.u32 $0x7, v3;
	v4 =	vand.u32 $0xFFFFFFF0, v54  }
0x96: {  	v3 =	vor.u32 v3, v4  }
0x97: {  	v4 =	vperm.xlane v3, v0;
	_ =	sdelay $0x1  }
0x98: {  	v3 =	vperm.xlane v3, v2;
	v4 =	vadd.s32 v1, v4;
	_ =	sdelay $0x1  }
0x99: {  	v3 =	vadd.s32 v1, v3;
	_ =	sdelay $0x2  }
0x9a: {  	[tilespmem:s12], [sflag:$0x1] =	stream.indirect_vreg.gather [hbm4b:s3+s2], $0x80, v4, vm0, $0xb8;
	[tilespmem:$0x14180] =	vst v63  }
0x9b: {  	_ = 	snop  }
0x9c: {  	[tilespmem:s13], [sflag:$0x1] =	stream.indirect_vreg.gather [hbm4b:s3+s2], $0x80, v3, vm0, $0xb8;
	[tilespmem:$0x14180] =	vst v63  }
0x9d: {  	v3 =	vld [tilespmem:$0xB0];
	_ =	sdelay $0x4  }
0x9e: {  	v55 =	vshll.u32 v3, $0x1  }
0x9f: {  	v3 =	vand.u32 $0x7, v3;
	v4 =	vand.u32 $0xFFFFFFF0, v55  }
0xa0: {  	v3 =	vor.u32 v3, v4  }
0xa1: {  	v4 =	vperm.xlane v3, v0;
	_ =	sdelay $0x1  }
0xa2: {  	v3 =	vperm.xlane v3, v2;
	v4 =	vadd.s32 v1, v4;
	_ =	sdelay $0x1  }
0xa3: {  	v3 =	vadd.s32 v1, v3;
	_ =	sdelay $0x2  }
0xa4: {  	[tilespmem:s14], [sflag:$0x1] =	stream.indirect_vreg.gather [hbm4b:s3+s2], $0x80, v4, vm0, $0xb8;
	[tilespmem:$0x14180] =	vst v63  }
0xa5: {  	_ = 	snop  }
0xa6: {  	[tilespmem:s15], [sflag:$0x1] =	stream.indirect_vreg.gather [hbm4b:s3+s2], $0x80, v3, vm0, $0xb8;
	[tilespmem:$0x14180] =	vst v63  }
0xa7: {  	_ =	swait.ge [sflag:s7], $0x4000  }
0xa8: {  	[sflag:s7] =	ssyncset.done $0x0  }
0xa9: {  	[sflag:s7] =	ssyncadd.s32 $0xFFFFC000  }
0xaa: {  	v3 =	vld [tilespmem:$0xC0];
	_ =	sdelay $0x4  }
0xab: {  	v56 =	vshll.u32 v3, $0x1  }
0xac: {  	v3 =	vand.u32 $0x7, v3;
	v4 =	vand.u32 $0xFFFFFFF0, v56  }
0xad: {  	v3 =	vor.u32 v3, v4  }
0xae: {  	v4 =	vperm.xlane v3, v0;
	_ =	sdelay $0x1  }
0xaf: {  	v3 =	vperm.xlane v3, v2;
	v4 =	vadd.s32 v1, v4;
	_ =	sdelay $0x1  }
0xb0: {  	v3 =	vadd.s32 v1, v3;
	_ =	sdelay $0x2  }
0xb1: {  	[tilespmem:s16], [sflag:$0x1] =	stream.indirect_vreg.gather [hbm4b:s3+s2], $0x80, v4, vm0, $0xb8;
	[tilespmem:$0x14180] =	vst v63  }
0xb2: {  	_ = 	snop  }
0xb3: {  	[tilespmem:s17], [sflag:$0x1] =	stream.indirect_vreg.gather [hbm4b:s3+s2], $0x80, v3, vm0, $0xb8;
	[tilespmem:$0x14180] =	vst v63  }
0xb4: {  	v3 =	vld [tilespmem:$0xD0];
	_ =	sdelay $0x4  }
0xb5: {  	v57 =	vshll.u32 v3, $0x1  }
0xb6: {  	v3 =	vand.u32 $0x7, v3;
	v4 =	vand.u32 $0xFFFFFFF0, v57  }
0xb7: {  	v3 =	vor.u32 v3, v4  }
0xb8: {  	v4 =	vperm.xlane v3, v0;
	_ =	sdelay $0x1  }
0xb9: {  	v3 =	vperm.xlane v3, v2;
	v4 =	vadd.s32 v1, v4;
	_ =	sdelay $0x1  }
0xba: {  	v3 =	vadd.s32 v1, v3;
	_ =	sdelay $0x2  }
0xbb: {  	[tilespmem:s18], [sflag:$0x1] =	stream.indirect_vreg.gather [hbm4b:s3+s2], $0x80, v4, vm0, $0xb8;
	[tilespmem:$0x14180] =	vst v63  }
0xbc: {  	_ = 	snop  }
0xbd: {  	[tilespmem:s19], [sflag:$0x1] =	stream.indirect_vreg.gather [hbm4b:s3+s2], $0x80, v3, vm0, $0xb8;
	[tilespmem:$0x14180] =	vst v63  }
0xbe: {  	v3 =	vld [tilespmem:$0xE0];
	_ =	sdelay $0x4  }
0xbf: {  	v58 =	vshll.u32 v3, $0x1  }
0xc0: {  	v3 =	vand.u32 $0x7, v3;
	v4 =	vand.u32 $0xFFFFFFF0, v58  }
0xc1: {  	v3 =	vor.u32 v3, v4  }
0xc2: {  	v4 =	vperm.xlane v3, v0;
	_ =	sdelay $0x1  }
0xc3: {  	v3 =	vperm.xlane v3, v2;
	v4 =	vadd.s32 v1, v4;
	_ =	sdelay $0x1  }
0xc4: {  	v3 =	vadd.s32 v1, v3;
	_ =	sdelay $0x2  }
0xc5: {  	[tilespmem:s20], [sflag:$0x1] =	stream.indirect_vreg.gather [hbm4b:s3+s2], $0x80, v4, vm0, $0xb8;
	[tilespmem:$0x14180] =	vst v63  }
0xc6: {  	_ = 	snop  }
0xc7: {  	[tilespmem:s21], [sflag:$0x1] =	stream.indirect_vreg.gather [hbm4b:s3+s2], $0x80, v3, vm0, $0xb8;
	[tilespmem:$0x14180] =	vst v63  }
0xc8: {  	v3 =	vld [tilespmem:$0xF0];
	_ =	sdelay $0x4  }
0xc9: {  	v59 =	vshll.u32 v3, $0x1  }
0xca: {  	v3 =	vand.u32 $0x7, v3;
	v4 =	vand.u32 $0xFFFFFFF0, v59  }
0xcb: {  	v3 =	vor.u32 v3, v4  }
0xcc: {  	v4 =	vperm.xlane v3, v0;
	_ =	sdelay $0x1  }
0xcd: {  	v3 =	vperm.xlane v3, v2;
	v4 =	vadd.s32 v1, v4;
	_ =	sdelay $0x1  }
0xce: {  	v3 =	vadd.s32 v1, v3;
	_ =	sdelay $0x2  }
0xcf: {  	[tilespmem:s22], [sflag:$0x1] =	stream.indirect_vreg.gather [hbm4b:s3+s2], $0x80, v4, vm0, $0xb8;
	[tilespmem:$0x14180] =	vst v63  }
0xd0: {  	_ = 	snop  }
0xd1: {  	[tilespmem:s23], [sflag:$0x1] =	stream.indirect_vreg.gather [hbm4b:s3+s2], $0x80, v3, vm0, $0xb8;
	[tilespmem:$0x14180] =	vst v63  }
0xd2: {  	_ =	swait.ge [sflag:s7], $0x4000  }
0xd3: {  	[sflag:s7] =	ssyncset.done $0x0  }
0xd4: {  	[sflag:s7] =	ssyncadd.s32 $0xFFFFC000  }
0xd5: {  	v3 =	vld [tilespmem:$0x100];
	_ =	sdelay $0x4  }
0xd6: {  	v60 =	vshll.u32 v3, $0x1  }
0xd7: {  	v3 =	vand.u32 $0x7, v3;
	v4 =	vand.u32 $0xFFFFFFF0, v60  }
0xd8: {  	v3 =	vor.u32 v3, v4  }
0xd9: {  	v4 =	vperm.xlane v3, v0;
	_ =	sdelay $0x1  }
0xda: {  	v3 =	vperm.xlane v3, v2;
	v4 =	vadd.s32 v1, v4;
	_ =	sdelay $0x1  }
0xdb: {  	v3 =	vadd.s32 v1, v3;
	_ =	sdelay $0x2  }
0xdc: {  	[tilespmem:s24], [sflag:$0x1] =	stream.indirect_vreg.gather [hbm4b:s3+s2], $0x80, v4, vm0, $0xb8;
	[tilespmem:$0x14180] =	vst v63  }
0xdd: {  	_ = 	snop  }
0xde: {  	[tilespmem:s25], [sflag:$0x1] =	stream.indirect_vreg.gather [hbm4b:s3+s2], $0x80, v3, vm0, $0xb8;
	[tilespmem:$0x14180] =	vst v63  }
0xdf: {  	v3 =	vld [tilespmem:$0x110];
	_ =	sdelay $0x4  }
0xe0: {  	v61 =	vshll.u32 v3, $0x1  }
0xe1: {  	v3 =	vand.u32 $0x7, v3;
	v4 =	vand.u32 $0xFFFFFFF0, v61  }
0xe2: {  	v3 =	vor.u32 v3, v4  }
0xe3: {  	v4 =	vperm.xlane v3, v0;
	_ =	sdelay $0x1  }
0xe4: {  	v3 =	vperm.xlane v3, v2;
	v4 =	vadd.s32 v1, v4;
	_ =	sdelay $0x1  }
0xe5: {  	v3 =	vadd.s32 v1, v3;
	_ =	sdelay $0x2  }
0xe6: {  	[tilespmem:s26], [sflag:$0x1] =	stream.indirect_vreg.gather [hbm4b:s3+s2], $0x80, v4, vm0, $0xb8;
	[tilespmem:$0x14180] =	vst v63  }
0xe7: {  	_ = 	snop  }
0xe8: {  	[tilespmem:s28], [sflag:$0x1] =	stream.indirect_vreg.gather [hbm4b:s3+s2], $0x80, v3, vm0, $0xb8;
	[tilespmem:$0x14180] =	vst v63  }
0xe9: {  	v3 =	vld [tilespmem:$0x120];
	_ =	sdelay $0x4  }
0xea: {  	v62 =	vshll.u32 v3, $0x1  }
0xeb: {  	v3 =	vand.u32 $0x7, v3;
	v4 =	vand.u32 $0xFFFFFFF0, v62  }
0xec: {  	v3 =	vor.u32 v3, v4  }
0xed: {  	v4 =	vperm.xlane v3, v0;
	_ =	sdelay $0x1  }
0xee: {  	v3 =	vperm.xlane v3, v2;
	v4 =	vadd.s32 v1, v4;
	_ =	sdelay $0x1  }
0xef: {  	v3 =	vadd.s32 v1, v3;
	_ =	sdelay $0x2  }
0xf0: {  	[tilespmem:s29], [sflag:$0x1] =	stream.indirect_vreg.gather [hbm4b:s3+s2], $0x80, v4, vm0, $0xb8;
	[tilespmem:$0x14180] =	vst v63  }
0xf1: {  	_ = 	snop  }
0xf2: {  	[tilespmem:s30], [sflag:$0x1] =	stream.indirect_vreg.gather [hbm4b:s3+s2], $0x80, v3, vm0, $0xb8;
	[tilespmem:$0x14180] =	vst v63  }
0xf3: {  	v3 =	vld [tilespmem:$0x130];
	_ =	sdelay $0x4  }
0xf4: {  	v63 =	vshll.u32 v3, $0x1  }
0xf5: {  	v3 =	vand.u32 $0x7, v3;
	v4 =	vand.u32 $0xFFFFFFF0, v63  }
0xf6: {  	v3 =	vor.u32 v3, v4  }
0xf7: {  	v4 =	vperm.xlane v3, v0;
	_ =	sdelay $0x1  }
0xf8: {  	v3 =	vperm.xlane v3, v2;
	v4 =	vadd.s32 v1, v4;
	_ =	sdelay $0x1  }
0xf9: {  	v3 =	vadd.s32 v1, v3;
	_ =	sdelay $0x2  }
0xfa: {  	[tilespmem:s31], [sflag:$0x1] =	stream.indirect_vreg.gather [hbm4b:s3+s2], $0x80, v4, vm0, $0xb8;
	[tilespmem:$0x14180] =	vst v63  }
0xfb: {  	_ = 	snop  }
0xfc: {  	[tilespmem:s1], [sflag:$0x1] =	stream.indirect_vreg.gather [hbm4b:s3+s2], $0x80, v3, vm0, $0xb8;
	[tilespmem:$0x14180] =	vst v63  }
0xfd: {  	_ =	swait.ge [sflag:s7], $0x4000  }
0xfe: {  	p0 =	sne.s32 s4, $0x1;
	[sflag:s7] =	ssyncset.done $0x0  }
.Ltmp0:
0xff: {  	s8 =	rddreg [dreg:$0x3];
	[sflag:s7] =	ssyncadd.s32 $0xFFFFC000;
	(pc) =	sbr.rel @p0 .LBB2_1-.Ltmp0, $4  }
0x100: {  	[hbm4b:s8+s2] =	stream.linear.scatter [tilespmem:s6], [sflag:$0x2], $0x14000, $0x38;
	[tilespmem:$0x14180] =	vst v63  }
0x101: {  	_ =	swait.ge [sflag:s5], $0x14000  }
0x102: {  	[sflag:s5] =	ssyncset.done $0x0  }
0x103: {  	s4 =	sadd.s32 $0xFFFFFFFF, s4;
	[sflag:s5] =	ssyncadd.s32 $0xFFFEC000  }
0x104: {  	_ =	sfence.sel $0x180000  }
0x105: {  	[bflag:$0x0] =	sbarrier.arrive $0xFFFF  }
0x106: {  	_ =	strace $0x90000056  }
0x107: {  	s0 =	stileid.u32;
	[bflag:$0x2] =	sbarrier.arrive $0xFFFF  }
0x108: {  	p0 =	sne.s32 s0, $0x0;
	s0 =	rddreg [dreg:$0x1]  }
0x109: {  	s0 =	sadd.s32 @!p0 $0x100000, s0  }
0x10a: {  	[sflag:s0] =	ssyncadd.tile.s32 @!p0 $0x1;
	_ =	shalt  }
.Lfunc_end2:
_tile_overlayer_lowered:
.L_overlay_start_2:
0x10b: {  	(tag) =	ssettag $0x2  }
0x10c: {  	s0 =	rddreg [dreg:$0x0];
	s2 =	stileid.u32  }
0x10d: {  	s1 =	rddreg [dreg:$0x1];
	p0 =	sne.s32 s2, $0x0  }
0x10e: {  	s3 =	rddreg [dreg:$0x2];
	[bflag:$0x3] =	sbarrier.arrive $0xFFFF;
	s2 =	simm.s32 @!p0 $0x1C02  }
0x10f: {  	[timem:s3], [sflag:s2] =	dma.local @!p0 [hbm:s0], s1  }
0x110: {  	s0 =	simm.s32 @!p0 $0x2  }
0x111: {  	_ =	swait.ge @!p0 [sflag:s0], s1  }
0x112: {  	s1 =	ssub.s32 @!p0 $0x0, s1;
	[sflag:s0] =	ssyncset.done @!p0 $0x0  }
0x113: {  	[sflag:s0] =	ssyncadd.s32 @!p0 s1  }
0x114: {  	[bflag:$0x3] =	sbarrier.arrive $0xFFFF  }
0x115: {  	_ =	shalt  }

// kernel: kernel.36.cloned.1.call-start
scs
__scs_entry_jumppad:
0x0: {  	(pc) =	sbr.rel $0x88, $3  }
0x1: {  	(tag) =	ssettag $0x0;
	lr =	simm.s32 $0x1  }
0x2: {  	[smem:$0x3F92] =	sst lr;
	_ =	strace $0xD0000000  }
0x3: {  	_ = 	snop  }
0x4: {  	_ = 	snop  }
0x5: {  	_ = 	snop  }
0x6: {  	_ = 	snop  }
0x7: {  	_ = 	snop  }
__scs_overlays_trampoline_lowered:
0x8: {  	[smem:$0x3FA1] =	sst s0  }
0x9: {  	[smem:$0x3FA2] =	sst s1  }
0xa: {  	[smem:$0x3FA3] =	sst s2  }
0xb: {  	[smem:$0x3FA4] =	sst s3  }
0xc: {  	[smem:$0x3FA5] =	sst s4  }
0xd: {  	[smem:$0x3FA6] =	sst s5  }
0xe: {  	[smem:$0x3FA7] =	sst s6  }
0xf: {  	[smem:$0x3FA8] =	sst s7  }
0x10: {  	[smem:$0x3FA9] =	sst s8  }
0x11: {  	[smem:$0x3FAA] =	sst s9;
	s0 =	simm.s32 @!p0 $0x0  }
0x12: {  	s1 =	sld [smem:$0x3F90];
	s0 =	simm.s32 @p0 $0x1  }
0x13: {  	[smem:$0x3FAB] =	sst s0;
	s0 =	simm.s32 @!p1 $0x0  }
0x14: {  	s2 =	sld [smem:$0x3F8F];
	s0 =	simm.s32 @p1 $0x1  }
0x15: {  	[smem:$0x3FAC] =	sst s0;
	s0 =	simm.s32 @!p2 $0x0  }
0x16: {  	s3 =	sld [smem:$0x3FDB];
	s0 =	simm.s32 @p2 $0x1  }
0x17: {  	s4 =	simm.s32 $0x1BF5;
	[smem:$0x3FAE] =	sst s0  }
0x18: {  	s0 =	sld [smem:$0x3F91];
	_ =	swait.ge [sflag:s4], $0x0  }
0x19: {  	s7 =	sld [smem:$0x3F92]  }
0x1a: {  	s8 =	sadd.s32 $0xFFFFE003, lr  }
0x1b: {  	s9 =	sadd.s32 $0xFFFFFEF7, lr;
	s5 =	simm.s32 $0xFFFFFFFF;
	p2 =	slt.u32 s8, $0xFFFFF086  }
0x1c: {  	p1 =	slt.u32 s9, $0xF7A;
	s5 =	simm.s32 @!p2 $0x0  }
0x1d: {  	s5 =	simm.s32 @p1 $0x1;
	p0 =	seq.s32 s7, s2  }
0x1e: {  	s7 =	smul.u32 @!p0 $0xF7A, s2;
	p2 =	seq.s32 @!p0 s5, $0x0  }
0x1f: {  	s9 =	smul.u32 $0xF7A, s1;
	s8 =	simm.s32 @!p0 $0x1BF5;
	p2 =	por !p2, p0  }
0x20: {  	[sflag:s8] =	ssyncset.s32 @!p0 $0xFFFFF086;
	s6 =	sadd.s32 @!p0 s3, s7;
	s7 =	simm.s32 @!p0 $0x108  }
0x21: {  	s3 =	sadd.s32 s3, s9;
	s6 =	sadd.s32 @!p0 $0x88, s6;
	s7 =	simm.s32 @p2 $0x1082  }
0x22: {  	[simem:s7], [sflag:s8] =	dma.local @!p0 [hbm:s6], $0xF7A  }
0x23: {  	s9 =	sor.u32 $0xD0000000, s2;
	s6 =	simm.s32 $0x108;
	_ =	swait.ge @!p0 [sflag:s8], $0x0  }
0x24: {  	s3 =	sadd.s32 $0x88, s3;
	s6 =	simm.s32 @!p1 $0x1082;
	[sflag:s4] =	ssyncset.s32 $0xFFFFF086  }
0x25: {  	[simem:s6], [sflag:s4] =	dma.local [hbm:s3], $0xF7A  }
0x26: {  	[smem:$0x3F92] =	sst s1;
	(tag) =	ssettag s2;
	_ =	strace s9  }
0x27: {  	s1 =	sld [smem:$0x3FA2]  }
0x28: {  	s2 =	sld [smem:$0x3FA3]  }
0x29: {  	s4 =	sld [smem:$0x3FA5]  }
0x2a: {  	p0 =	seq.s32 s5, $0x0;
	s5 =	sld [smem:$0x3FA6]  }
0x2b: {  	s6 =	sld [smem:$0x3FA7]  }
0x2c: {  	s7 =	sld [smem:$0x3FA8]  }
0x2d: {  	s3 =	simm.s32 $0x108;
	s8 =	sld [smem:$0x3FA9]  }
0x2e: {  	s3 =	simm.s32 @!p0 $0x1082;
	s9 =	sld [smem:$0x3FAA]  }
0x2f: {  	lr =	sadd.s32 s0, s3;
	s0 =	sld [smem:$0x3FA1]  }
0x30: {  	s3 =	sld [smem:$0x3FA4]  }
0x31: {  	[smem:$0x3FAD] =	sst s10  }
0x32: {  	s10 =	sld [smem:$0x3FAB];
	_ =	sdelay $0x3  }
0x33: {  	p0 =	seq.s32 s10, $0x1;
	s10 =	sld [smem:$0x3FAD];
	_ =	sdelay $0x3  }
0x34: {  	[smem:$0x3FAD] =	sst s10  }
0x35: {  	s10 =	sld [smem:$0x3FAC];
	_ =	sdelay $0x3  }
0x36: {  	p1 =	seq.s32 s10, $0x1;
	s10 =	sld [smem:$0x3FAD];
	_ =	sdelay $0x3  }
0x37: {  	[smem:$0x3FAD] =	sst s10  }
0x38: {  	s10 =	sld [smem:$0x3FAE]  }
0x39: {  	_ = 	snop;
	(pc) =	sbr.ind lr, $3  }
0x3a: {  	_ = 	snop  }
0x3b: {  	_ = 	snop  }
0x3c: {  	p2 =	seq.s32 s10, $0x1;
	s10 =	sld [smem:$0x3FAD]  }
0x3d: {  	_ =	shalt  }
0x3e: {  	_ =	shalt  }
0x3f: {  	_ =	shalt  }
0x40: {  	_ =	shalt  }
0x41: {  	_ =	shalt  }
0x42: {  	_ =	shalt  }
0x43: {  	_ =	shalt  }
0x44: {  	_ =	shalt  }
0x45: {  	_ =	shalt  }
0x46: {  	_ =	shalt  }
0x47: {  	_ =	shalt  }
0x48: {  	_ =	shalt  }
0x49: {  	_ =	shalt  }
0x4a: {  	_ =	shalt  }
0x4b: {  	_ =	shalt  }
0x4c: {  	_ =	shalt  }
0x4d: {  	_ =	shalt  }
0x4e: {  	_ =	shalt  }
0x4f: {  	_ =	shalt  }
0x50: {  	_ =	shalt  }
0x51: {  	_ =	shalt  }
0x52: {  	_ =	shalt  }
0x53: {  	_ =	shalt  }
0x54: {  	_ =	shalt  }
0x55: {  	_ =	shalt  }
0x56: {  	_ =	shalt  }
0x57: {  	_ =	shalt  }
0x58: {  	_ =	shalt  }
0x59: {  	_ =	shalt  }
0x5a: {  	_ =	shalt  }
0x5b: {  	_ =	shalt  }
0x5c: {  	_ =	shalt  }
0x5d: {  	_ =	shalt  }
0x5e: {  	_ =	shalt  }
0x5f: {  	_ =	shalt  }
0x60: {  	_ =	shalt  }
0x61: {  	_ =	shalt  }
0x62: {  	_ =	shalt  }
0x63: {  	_ =	shalt  }
0x64: {  	_ =	shalt  }
0x65: {  	_ =	shalt  }
0x66: {  	_ =	shalt  }
0x67: {  	_ =	shalt  }
0x68: {  	_ =	shalt  }
0x69: {  	_ =	shalt  }
0x6a: {  	_ =	shalt  }
0x6b: {  	_ =	shalt  }
0x6c: {  	_ =	shalt  }
0x6d: {  	_ =	shalt  }
0x6e: {  	_ =	shalt  }
0x6f: {  	_ =	shalt  }
0x70: {  	_ =	shalt  }
0x71: {  	_ =	shalt  }
0x72: {  	_ =	shalt  }
0x73: {  	_ =	shalt  }
0x74: {  	_ =	shalt  }
0x75: {  	_ =	shalt  }
0x76: {  	_ =	shalt  }
0x77: {  	_ =	shalt  }
0x78: {  	_ =	shalt  }
0x79: {  	_ =	shalt  }
0x7a: {  	_ =	shalt  }
0x7b: {  	_ =	shalt  }
0x7c: {  	_ =	shalt  }
0x7d: {  	_ =	shalt  }
0x7e: {  	_ =	shalt  }
0x7f: {  	_ =	shalt  }
0x80: {  	_ =	shalt  }
0x81: {  	_ =	shalt  }
0x82: {  	_ =	shalt  }
0x83: {  	_ =	shalt  }
0x84: {  	_ =	shalt  }
0x85: {  	_ =	shalt  }
0x86: {  	_ =	shalt  }
0x87: {  	_ =	shalt  }
.Lfunc_end0:
.L_simem_size_0:
called_computation.6_lowered:
.L_overlay_start_0:
0x88: {  	s2 =	sld [smem:$0x3FD9]  }
0x89: {  	s3 =	sld [smem:$0x3FFE];
	_ =	sdelay $0x1  }
0x8a: {  	s1 =	srdreg.scid  }
0x8b: {  	s0 =	sand.u32 $0x1, s1  }
0x8c: {  	s17 =	sshll.u32 s0, $0xA;
	s2 =	sadd.s32 s3, s2  }
0x8d: {  	s2 =	sadd.s32 s2, s17  }
0x8e: {  	[smem:$0x3FB9] =	sst s2  }
0x8f: {  	_ = 	snop  }
0x90: {  	(tm) =	ssettm $0x1  }
0x91: {  	s18 =	sld [smem:$0x3FFB];
	_ =	sdelay $0x3  }
0x92: {  	_ =	strace s18  }
0x93: {  	s2 =	sld [smem:$0x3FFC];
	_ =	sdelay $0x3  }
0x94: {  	_ =	strace s2  }
0x95: {  	s2 =	sld [smem:$0x3FFD];
	_ =	sdelay $0x3  }
0x96: {  	_ =	strace s2  }
0x97: {  	_ =	strace $0x8FFFFFFF  }
0x98: {  	s19 =	sld [smem:$0x3FDB];
	_ =	sdelay $0x1  }
0x99: {  	s20 =	simm.s32 $_scs_section_size  }
0x9a: {  	s4 =	simm.s32 $_size__tile_overlayer_lowered;
	s5 =	simm.s32 $_tile_overlayer_lowered  }
0x9b: {  	s6 =	simm.s32 $0x1BFF;
	s21 =	sshll.u32 s5, $0x1;
	s3 =	sadd.s32 s20, s19  }
0x9c: {  	s22 =	simm.s32 $0x0;
	s4 =	sshll.u32 s4, $0x1;
	s5 =	sadd.s32 s21, s3  }
0x9d: {  	[timem:s22], [sflag:s6] =	dma.local [hbm:s5], s4  }
0x9e: {  	_ =	swait.ge [sflag:s6], s4  }
0x9f: {  	s4 =	ssub.s32 $0x0, s4;
	[sflag:s6] =	ssyncset.done $0x0  }
0xa0: {  	[sflag:s6] =	ssyncadd.s32 s4;
	_ =	sdelay $0x1  }
0xa1: {  	s23 =	simm.s32 $0x1B8B  }
0xa2: {  	_ =	swait.ge [sflag:s23], $0x1  }
0xa3: {  	[sflag:s23] =	ssyncset.done $0x0  }
0xa4: {  	[sflag:s23] =	ssyncadd.s32 $0xFFFFFFFF  }
0xa5: {  	s4 =	sld [smem:$0x0]  }
0xa6: {  	s5 =	sand.u32 $0xFFFFFFFE, s1  }
0xa7: {  	p0 =	sne.s32 s1, s5  }
0xa8: {  	s5 =	sshll.u32 @p0 s5, $0xE  }
0xa9: {  	s5 =	sadd.s32 @p0 $0x11B8D, s5;
	s6 =	sshll.u32 @p0 s4, $0x11  }
0xaa: {  	s5 =	sor.u32 @p0 s6, s5  }
0xab: {  	[sflag:s5] =	ssyncadd.remote.s32 @p0 $0x1;
	_ =	sdelay $0x1  }
0xac: {  	s5 =	simm.s32 @p0 $0x1B8D  }
0xad: {  	_ =	swait.eq @p0 [sflag:s5], $0x1  }
0xae: {  	[sflag:s5] =	ssyncadd.s32 @p0 $0xFFFFFFFF  }
0xaf: {  	s6 =	sshll.u32 @!p0 s1, $0xE  }
0xb0: {  	s6 =	sor.u32 @!p0 $0x4000, s6;
	s5 =	simm.s32 @!p0 $0x1B8D  }
0xb1: {  	s4 =	sshll.u32 @!p0 s4, $0x11;
	s6 =	sadd.s32 @!p0 $0x11B8D, s6;
	_ =	swait.eq @!p0 [sflag:s5], $0x1  }
0xb2: {  	s4 =	sor.u32 @!p0 s4, s6;
	[sflag:s5] =	ssyncadd.s32 @!p0 $0xFFFFFFFF  }
0xb3: {  	s25 =	simm.s32 $0x1B8E;
	s24 =	sld [smem:$0x3FFE];
	[sflag:s4] =	ssyncadd.remote.s32 @!p0 $0x1  }
0xb4: {  	s26 =	simm.s32 $execute0_lowered;
	[smem:$0x3FD2] =	sst s25  }
0xb5: {  	s5 =	sshll.u32 s26, $0x1;
	_ =	strace $0x8000005B;
	[dreg:$0x1] =	wrdreg $0xFFFFFFFF  }
0xb6: {  	s28 =	simm.s32 $_size_execute0_lowered;
	s3 =	sadd.s32 s3, s5;
	[dreg:$0x0] =	wrdreg $0x0  }
0xb7: {  	s5 =	sshll.u32 s28, $0x1;
	[dreg:$0x2] =	wrdreg s3  }
0xb8: {  	[dreg:$0x3] =	wrdreg s5  }
0xb9: {  	[dreg:$0x4] =	wrdreg $0xC0  }
0xba: {  	_ =	task [dreg:s22], $0x5FFFF  }
0xbb: {  	[dreg:$0x1] =	wrdreg $0xFFFFFFFF  }
0xbc: {  	[dreg:$0x0] =	wrdreg $0x60  }
0xbd: {  	[dreg:$0x2] =	wrdreg s24  }
0xbe: {  	[dreg:$0x3] =	wrdreg $0x9  }
0xbf: {  	_ =	task.clear_ibuf [dreg:s22], $0x4FFFF;
	_ =	strace $0x9000005B  }
0xc0: {  	s29 =	simm.s32 $0x9;
	_ =	strace $0x8000005D  }
0xc1: {  	_ =	swait.ge [sflag:s29], $0x1  }
0xc2: {  	[sflag:s29] =	ssyncadd.s32 $0xFFFFFFFF  }
0xc3: {  	_ =	strace $0x9000005D  }
0xc4: {  	_ =	sfence  }
0xc5: {  	s30 =	sld [smem:$0x0];
	_ =	sdelay $0x2  }
0xc6: {  	s31 =	sshll.u32 s1, $0xD;
	s1 =	sshrl.u32 s1, $0x2  }
0xc7: {  	s4 =	sand.u32 $0x4000, s31;
	s1 =	sadd.s32 s1, s30  }
0xc8: {  	s0 =	sor.u32 s4, s0;
	s1 =	sshll.u32 s1, $0x11  }
0xc9: {  	s0 =	sor.u32 s1, s0  }
0xca: {  	s0 =	sadd.s32 $0x8F2B, s0  }
0xcb: {  	[sflag:s0] =	ssyncadd.remote.s32 $0x1  }
0xcc: {  	_ =	sfence.sel $0xFFFF  }
0xcd: {  	[dreg:$0x0] =	wrdreg $0xFFFFFFFF;
	(pc) =	sbr.abs _section_cstart, $3  }
0xce: {  	[dreg:$0x1] =	wrdreg $0xFFFFFFFF  }
0xcf: {  	_ =	task.clear_ibuf [dreg:s22], $0x2FFFF;
	_ =	strace $0x9FFFFFFF  }
0xd0: {  	(tm) =	ssettm $0x7FFFFFFF  }
0xd1: {  	_ =	shalt  }
tec
execute0_lowered:
.L_overlay_start_1:
0x0: {  	(tag) =	ssettag $0x1  }
0x1: {  	s1 =	srdreg.scid;
	s0 =	stileid.u32  }
0x2: {  	s14 =	sand.u32 $0x1, s1;
	s30 =	sshll.u32 s0, $0x1  }
0x3: {  	s15 =	sor.u32 s14, s30  }
0x4: {  	s16 =	rddreg [dreg:$0x0];
	s3 =	smul.u32 $0x28, s15  }
0x5: {  	s2 =	simm.s32 $0x0;
	s1 =	rddreg [dreg:$0x1]  }
0x6: {  	[smem:$0x7FF] =	sst s2;
	s3 =	sadd.s32 s3, s16  }
0x7: {  	_ =	strace $0x8000005C;
	s4 =	sadd.s32 $0x29E00, s3;
	s3 =	simm.s32 $0x2  }
0x8: {  	[tilespmem:s2], [sflag:$0x2] =	stream.linear.gather [hbm4b:s4+s2], $0x140, $0x38;
	[tilespmem:$0xA180] =	vst v63  }
0x9: {  	_ =	swait.ge [sflag:s3], $0x140  }
0xa: {  	s6 =	simm.s32 $0x40;
	s7 =	simm.s32 $0x180;
	[sflag:s3] =	ssyncset.done $0x0  }
0xb: {  	s8 =	simm.s32 $0x1;
	s5 =	sadd.s32 $0x1400, s16;
	[sflag:s3] =	ssyncadd.s32 $0xFFFFFEC0  }
0xc: {  	[tilespmem:s7], [sflag:$0x1] =	stream.indirect.gather [hbm4b:s5+s6], $0x80, s2, s6, $0xb8;
	[tilespmem:$0xA180] =	vst v63  }
0xd: {  	_ =	swait.ge [sflag:s8], $0x2000  }
0xe: {  	[sflag:s8] =	ssyncset.done $0x0  }
0xf: {  	s9 =	simm.s32 $0x2180;
	[sflag:s8] =	ssyncadd.s32 $0xFFFFE000  }
0x10: {  	[tilespmem:s9], [sflag:$0x1] =	stream.indirect.gather [hbm4b:s5+s6], $0x80, s6, s6, $0xb8;
	[tilespmem:$0xA180] =	vst v63  }
0x11: {  	_ =	swait.ge [sflag:s8], $0x2000  }
0x12: {  	[sflag:s8] =	ssyncset.done $0x0  }
0x13: {  	s10 =	simm.s32 $0x80;
	s11 =	simm.s32 $0x4180;
	[sflag:s8] =	ssyncadd.s32 $0xFFFFE000  }
0x14: {  	[tilespmem:s11], [sflag:$0x1] =	stream.indirect.gather [hbm4b:s5+s6], $0x80, s10, s6, $0xb8;
	[tilespmem:$0xA180] =	vst v63  }
0x15: {  	_ =	swait.ge [sflag:s8], $0x2000  }
0x16: {  	s12 =	simm.s32 $0xC0;
	s13 =	simm.s32 $0x6180;
	[sflag:s8] =	ssyncset.done $0x0  }
0x17: {  	s18 =	ssub.s32 $0x2, s14;
	s14 =	simm.s32 $0x100;
	[sflag:s8] =	ssyncadd.s32 $0xFFFFE000  }
0x18: {  	[tilespmem:s13], [sflag:$0x1] =	stream.indirect.gather [hbm4b:s5+s6], $0x80, s12, s6, $0xb8;
	[tilespmem:$0xA180] =	vst v63  }
0x19: {  	s17 =	smul.u32 $0x1400, s15;
	s19 =	sshrl.u32 s18, $0x1;
	_ =	swait.ge [sflag:s8], $0x2000  }
0x1a: {  	s15 =	simm.s32 $0x8180;
	s31 =	ssub.s32 s18, s19;
	[sflag:s8] =	ssyncset.done $0x0  }
0x1b: {  	s16 =	sadd.s32 s17, s16;
	s17 =	smax.u32 s31, $0x1;
	[sflag:s8] =	ssyncadd.s32 $0xFFFFE000  }
0x1c: {  	[tilespmem:s15], [sflag:$0x1] =	stream.indirect.gather [hbm4b:s5+s6], $0x80, s14, s6, $0xb8;
	[tilespmem:$0xA180] =	vst v63  }
0x1d: {  	p0 =	sne.s32 s17, $0x1;
	_ =	swait.ge [sflag:s8], $0x2000  }
.Ltmp0:
0x1e: {  	[sflag:s8] =	ssyncset.done $0x0;
	(pc) =	sbr.rel @!p0 .LBB2_2-.Ltmp0, $4  }
0x1f: {  	s16 =	sadd.s32 $0x2A400, s16;
	[sflag:s8] =	ssyncadd.s32 $0xFFFFE000  }
0x20: {  	[hbm4b:s16+s2] =	stream.linear.scatter [tilespmem:s7], [sflag:$0x2], $0xA000, $0x38;
	[tilespmem:$0xA180] =	vst v63  }
0x21: {  	_ =	swait.ge [sflag:s3], $0xA000  }
0x22: {  	s17 =	sadd.s32 $0xFFFFFFFF, s17;
	[sflag:s3] =	ssyncset.done $0x0  }
.LBB2_1:
0x23: {  	p0 =	sne.s32 s17, $0x1;
	s17 =	sadd.s32 $0xFFFFFFFF, s17;
	[sflag:s3] =	ssyncadd.s32 $0xFFFF6000  }
0x24: {  	[tilespmem:s2], [sflag:$0x2] =	stream.linear.gather [hbm4b:s4+s2], $0x140, $0x38;
	[tilespmem:$0xA180] =	vst v63  }
0x25: {  	_ =	swait.ge [sflag:s3], $0x140  }
0x26: {  	[sflag:s3] =	ssyncset.done $0x0  }
0x27: {  	[sflag:s3] =	ssyncadd.s32 $0xFFFFFEC0  }
0x28: {  	[tilespmem:s7], [sflag:$0x1] =	stream.indirect.gather [hbm4b:s5+s6], $0x80, s2, s6, $0xb8;
	[tilespmem:$0xA180] =	vst v63  }
0x29: {  	_ =	swait.ge [sflag:s8], $0x2000  }
0x2a: {  	[sflag:s8] =	ssyncset.done $0x0  }
0x2b: {  	[sflag:s8] =	ssyncadd.s32 $0xFFFFE000  }
0x2c: {  	[tilespmem:s9], [sflag:$0x1] =	stream.indirect.gather [hbm4b:s5+s6], $0x80, s6, s6, $0xb8;
	[tilespmem:$0xA180] =	vst v63  }
0x2d: {  	_ =	swait.ge [sflag:s8], $0x2000  }
0x2e: {  	[sflag:s8] =	ssyncset.done $0x0  }
0x2f: {  	[sflag:s8] =	ssyncadd.s32 $0xFFFFE000  }
0x30: {  	[tilespmem:s11], [sflag:$0x1] =	stream.indirect.gather [hbm4b:s5+s6], $0x80, s10, s6, $0xb8;
	[tilespmem:$0xA180] =	vst v63  }
0x31: {  	_ =	swait.ge [sflag:s8], $0x2000  }
0x32: {  	[sflag:s8] =	ssyncset.done $0x0  }
0x33: {  	[sflag:s8] =	ssyncadd.s32 $0xFFFFE000  }
0x34: {  	[tilespmem:s13], [sflag:$0x1] =	stream.indirect.gather [hbm4b:s5+s6], $0x80, s12, s6, $0xb8;
	[tilespmem:$0xA180] =	vst v63  }
0x35: {  	_ =	swait.ge [sflag:s8], $0x2000  }
0x36: {  	[sflag:s8] =	ssyncset.done $0x0  }
0x37: {  	[sflag:s8] =	ssyncadd.s32 $0xFFFFE000  }
0x38: {  	[tilespmem:s15], [sflag:$0x1] =	stream.indirect.gather [hbm4b:s5+s6], $0x80, s14, s6, $0xb8;
	[tilespmem:$0xA180] =	vst v63  }
0x39: {  	_ =	swait.ge [sflag:s8], $0x2000  }
.Ltmp1:
0x3a: {  	[sflag:s8] =	ssyncset.done $0x0;
	(pc) =	sbr.rel @p0 .LBB2_1-.Ltmp1, $4  }
0x3b: {  	[sflag:s8] =	ssyncadd.s32 $0xFFFFE000  }
0x3c: {  	[hbm4b:s16+s2] =	stream.linear.scatter [tilespmem:s7], [sflag:$0x2], $0xA000, $0x38;
	[tilespmem:$0xA180] =	vst v63  }
0x3d: {  	_ =	swait.ge [sflag:s3], $0xA000  }
0x3e: {  	[sflag:s3] =	ssyncset.done $0x0  }
.LBB2_2:
0x3f: {  	[sflag:s3] =	ssyncadd.s32 $0xFFFF6000  }
0x40: {  	_ =	sfence.sel $0x180000  }
0x41: {  	[bflag:$0x0] =	sbarrier.arrive $0xFFFF  }
0x42: {  	p0 =	sne.s32 s0, $0x0;
	_ =	strace $0x9000005C  }
0x43: {  	s0 =	sadd.s32 @!p0 $0x100000, s1;
	[bflag:$0x2] =	sbarrier.arrive $0xFFFF  }
0x44: {  	[sflag:s0] =	ssyncadd.tile.s32 @!p0 $0x1;
	_ =	shalt  }
.Lfunc_end2:
_tile_overlayer_lowered:
.L_overlay_start_2:
0x45: {  	(tag) =	ssettag $0x2  }
0x46: {  	s0 =	rddreg [dreg:$0x0];
	s2 =	stileid.u32  }
0x47: {  	s1 =	rddreg [dreg:$0x1];
	p0 =	sne.s32 s2, $0x0  }
0x48: {  	s3 =	rddreg [dreg:$0x2];
	[bflag:$0x3] =	sbarrier.arrive $0xFFFF;
	s2 =	simm.s32 @!p0 $0x1C02  }
0x49: {  	[timem:s3], [sflag:s2] =	dma.local @!p0 [hbm:s0], s1  }
0x4a: {  	s0 =	simm.s32 @!p0 $0x2  }
0x4b: {  	_ =	swait.ge @!p0 [sflag:s0], s1  }
0x4c: {  	s1 =	ssub.s32 @!p0 $0x0, s1;
	[sflag:s0] =	ssyncset.done @!p0 $0x0  }
0x4d: {  	[sflag:s0] =	ssyncadd.s32 @!p0 s1  }
0x4e: {  	[bflag:$0x3] =	sbarrier.arrive $0xFFFF  }
0x4f: {  	_ =	shalt  }

// kernel: kernel.39.cloned.1.call-start
scs
__scs_entry_jumppad:
0x0: {  	(pc) =	sbr.rel $0x88, $3  }
0x1: {  	(tag) =	ssettag $0x0;
	lr =	simm.s32 $0x1  }
0x2: {  	[smem:$0x3F92] =	sst lr;
	_ =	strace $0xD0000000  }
0x3: {  	_ = 	snop  }
0x4: {  	_ = 	snop  }
0x5: {  	_ = 	snop  }
0x6: {  	_ = 	snop  }
0x7: {  	_ = 	snop  }
__scs_overlays_trampoline_lowered:
0x8: {  	[smem:$0x3FA1] =	sst s0  }
0x9: {  	[smem:$0x3FA2] =	sst s1  }
0xa: {  	[smem:$0x3FA3] =	sst s2  }
0xb: {  	[smem:$0x3FA4] =	sst s3  }
0xc: {  	[smem:$0x3FA5] =	sst s4  }
0xd: {  	[smem:$0x3FA6] =	sst s5  }
0xe: {  	[smem:$0x3FA7] =	sst s6  }
0xf: {  	[smem:$0x3FA8] =	sst s7  }
0x10: {  	[smem:$0x3FA9] =	sst s8  }
0x11: {  	[smem:$0x3FAA] =	sst s9;
	s0 =	simm.s32 @!p0 $0x0  }
0x12: {  	s1 =	sld [smem:$0x3F90];
	s0 =	simm.s32 @p0 $0x1  }
0x13: {  	[smem:$0x3FAB] =	sst s0;
	s0 =	simm.s32 @!p1 $0x0  }
0x14: {  	s2 =	sld [smem:$0x3F8F];
	s0 =	simm.s32 @p1 $0x1  }
0x15: {  	[smem:$0x3FAC] =	sst s0;
	s0 =	simm.s32 @!p2 $0x0  }
0x16: {  	s3 =	sld [smem:$0x3FDB];
	s0 =	simm.s32 @p2 $0x1  }
0x17: {  	s4 =	simm.s32 $0x1BF5;
	[smem:$0x3FAE] =	sst s0  }
0x18: {  	s0 =	sld [smem:$0x3F91];
	_ =	swait.ge [sflag:s4], $0x0  }
0x19: {  	s7 =	sld [smem:$0x3F92]  }
0x1a: {  	s8 =	sadd.s32 $0xFFFFE003, lr  }
0x1b: {  	s9 =	sadd.s32 $0xFFFFFEF7, lr;
	s5 =	simm.s32 $0xFFFFFFFF;
	p2 =	slt.u32 s8, $0xFFFFF086  }
0x1c: {  	p1 =	slt.u32 s9, $0xF7A;
	s5 =	simm.s32 @!p2 $0x0  }
0x1d: {  	s5 =	simm.s32 @p1 $0x1;
	p0 =	seq.s32 s7, s2  }
0x1e: {  	s7 =	smul.u32 @!p0 $0xF7A, s2;
	p2 =	seq.s32 @!p0 s5, $0x0  }
0x1f: {  	s9 =	smul.u32 $0xF7A, s1;
	s8 =	simm.s32 @!p0 $0x1BF5;
	p2 =	por !p2, p0  }
0x20: {  	[sflag:s8] =	ssyncset.s32 @!p0 $0xFFFFF086;
	s6 =	sadd.s32 @!p0 s3, s7;
	s7 =	simm.s32 @!p0 $0x108  }
0x21: {  	s3 =	sadd.s32 s3, s9;
	s6 =	sadd.s32 @!p0 $0x88, s6;
	s7 =	simm.s32 @p2 $0x1082  }
0x22: {  	[simem:s7], [sflag:s8] =	dma.local @!p0 [hbm:s6], $0xF7A  }
0x23: {  	s9 =	sor.u32 $0xD0000000, s2;
	s6 =	simm.s32 $0x108;
	_ =	swait.ge @!p0 [sflag:s8], $0x0  }
0x24: {  	s3 =	sadd.s32 $0x88, s3;
	s6 =	simm.s32 @!p1 $0x1082;
	[sflag:s4] =	ssyncset.s32 $0xFFFFF086  }
0x25: {  	[simem:s6], [sflag:s4] =	dma.local [hbm:s3], $0xF7A  }
0x26: {  	[smem:$0x3F92] =	sst s1;
	(tag) =	ssettag s2;
	_ =	strace s9  }
0x27: {  	s1 =	sld [smem:$0x3FA2]  }
0x28: {  	s2 =	sld [smem:$0x3FA3]  }
0x29: {  	s4 =	sld [smem:$0x3FA5]  }
0x2a: {  	p0 =	seq.s32 s5, $0x0;
	s5 =	sld [smem:$0x3FA6]  }
0x2b: {  	s6 =	sld [smem:$0x3FA7]  }
0x2c: {  	s7 =	sld [smem:$0x3FA8]  }
0x2d: {  	s3 =	simm.s32 $0x108;
	s8 =	sld [smem:$0x3FA9]  }
0x2e: {  	s3 =	simm.s32 @!p0 $0x1082;
	s9 =	sld [smem:$0x3FAA]  }
0x2f: {  	lr =	sadd.s32 s0, s3;
	s0 =	sld [smem:$0x3FA1]  }
0x30: {  	s3 =	sld [smem:$0x3FA4]  }
0x31: {  	[smem:$0x3FAD] =	sst s10  }
0x32: {  	s10 =	sld [smem:$0x3FAB];
	_ =	sdelay $0x3  }
0x33: {  	p0 =	seq.s32 s10, $0x1;
	s10 =	sld [smem:$0x3FAD];
	_ =	sdelay $0x3  }
0x34: {  	[smem:$0x3FAD] =	sst s10  }
0x35: {  	s10 =	sld [smem:$0x3FAC];
	_ =	sdelay $0x3  }
0x36: {  	p1 =	seq.s32 s10, $0x1;
	s10 =	sld [smem:$0x3FAD];
	_ =	sdelay $0x3  }
0x37: {  	[smem:$0x3FAD] =	sst s10  }
0x38: {  	s10 =	sld [smem:$0x3FAE]  }
0x39: {  	_ = 	snop;
	(pc) =	sbr.ind lr, $3  }
0x3a: {  	_ = 	snop  }
0x3b: {  	_ = 	snop  }
0x3c: {  	p2 =	seq.s32 s10, $0x1;
	s10 =	sld [smem:$0x3FAD]  }
0x3d: {  	_ =	shalt  }
0x3e: {  	_ =	shalt  }
0x3f: {  	_ =	shalt  }
0x40: {  	_ =	shalt  }
0x41: {  	_ =	shalt  }
0x42: {  	_ =	shalt  }
0x43: {  	_ =	shalt  }
0x44: {  	_ =	shalt  }
0x45: {  	_ =	shalt  }
0x46: {  	_ =	shalt  }
0x47: {  	_ =	shalt  }
0x48: {  	_ =	shalt  }
0x49: {  	_ =	shalt  }
0x4a: {  	_ =	shalt  }
0x4b: {  	_ =	shalt  }
0x4c: {  	_ =	shalt  }
0x4d: {  	_ =	shalt  }
0x4e: {  	_ =	shalt  }
0x4f: {  	_ =	shalt  }
0x50: {  	_ =	shalt  }
0x51: {  	_ =	shalt  }
0x52: {  	_ =	shalt  }
0x53: {  	_ =	shalt  }
0x54: {  	_ =	shalt  }
0x55: {  	_ =	shalt  }
0x56: {  	_ =	shalt  }
0x57: {  	_ =	shalt  }
0x58: {  	_ =	shalt  }
0x59: {  	_ =	shalt  }
0x5a: {  	_ =	shalt  }
0x5b: {  	_ =	shalt  }
0x5c: {  	_ =	shalt  }
0x5d: {  	_ =	shalt  }
0x5e: {  	_ =	shalt  }
0x5f: {  	_ =	shalt  }
0x60: {  	_ =	shalt  }
0x61: {  	_ =	shalt  }
0x62: {  	_ =	shalt  }
0x63: {  	_ =	shalt  }
0x64: {  	_ =	shalt  }
0x65: {  	_ =	shalt  }
0x66: {  	_ =	shalt  }
0x67: {  	_ =	shalt  }
0x68: {  	_ =	shalt  }
0x69: {  	_ =	shalt  }
0x6a: {  	_ =	shalt  }
0x6b: {  	_ =	shalt  }
0x6c: {  	_ =	shalt  }
0x6d: {  	_ =	shalt  }
0x6e: {  	_ =	shalt  }
0x6f: {  	_ =	shalt  }
0x70: {  	_ =	shalt  }
0x71: {  	_ =	shalt  }
0x72: {  	_ =	shalt  }
0x73: {  	_ =	shalt  }
0x74: {  	_ =	shalt  }
0x75: {  	_ =	shalt  }
0x76: {  	_ =	shalt  }
0x77: {  	_ =	shalt  }
0x78: {  	_ =	shalt  }
0x79: {  	_ =	shalt  }
0x7a: {  	_ =	shalt  }
0x7b: {  	_ =	shalt  }
0x7c: {  	_ =	shalt  }
0x7d: {  	_ =	shalt  }
0x7e: {  	_ =	shalt  }
0x7f: {  	_ =	shalt  }
0x80: {  	_ =	shalt  }
0x81: {  	_ =	shalt  }
0x82: {  	_ =	shalt  }
0x83: {  	_ =	shalt  }
0x84: {  	_ =	shalt  }
0x85: {  	_ =	shalt  }
0x86: {  	_ =	shalt  }
0x87: {  	_ =	shalt  }
.Lfunc_end0:
.L_simem_size_0:
called_computation.7_lowered:
.L_overlay_start_0:
0x88: {  	s2 =	sld [smem:$0x3FD9]  }
0x89: {  	s3 =	sld [smem:$0x3FFE];
	_ =	sdelay $0x1  }
0x8a: {  	s1 =	srdreg.scid  }
0x8b: {  	s0 =	sand.u32 $0x1, s1  }
0x8c: {  	s16 =	sshll.u32 s0, $0xA;
	s2 =	sadd.s32 s3, s2  }
0x8d: {  	s2 =	sadd.s32 s2, s16  }
0x8e: {  	[smem:$0x3FB9] =	sst s2  }
0x8f: {  	_ = 	snop  }
0x90: {  	(tm) =	ssettm $0x1  }
0x91: {  	s17 =	sld [smem:$0x3FFB];
	_ =	sdelay $0x3  }
0x92: {  	_ =	strace s17  }
0x93: {  	s2 =	sld [smem:$0x3FFC];
	_ =	sdelay $0x3  }
0x94: {  	_ =	strace s2  }
0x95: {  	s2 =	sld [smem:$0x3FFD];
	_ =	sdelay $0x3  }
0x96: {  	_ =	strace s2  }
0x97: {  	_ =	strace $0x8FFFFFFF  }
0x98: {  	s18 =	sld [smem:$0x3FDB];
	_ =	sdelay $0x1  }
0x99: {  	s19 =	simm.s32 $_scs_section_size  }
0x9a: {  	s4 =	simm.s32 $_size__tile_overlayer_lowered;
	s5 =	simm.s32 $_tile_overlayer_lowered  }
0x9b: {  	s22 =	simm.s32 $0x1BFF;
	s21 =	sshll.u32 s5, $0x1;
	s2 =	sadd.s32 s19, s18  }
0x9c: {  	s6 =	simm.s32 $0x0;
	s20 =	sshll.u32 s4, $0x1;
	s4 =	sadd.s32 s21, s2  }
0x9d: {  	[timem:s6], [sflag:s22] =	dma.local [hbm:s4], s20  }
0x9e: {  	_ =	swait.ge [sflag:s22], s20  }
0x9f: {  	s3 =	ssub.s32 $0x0, s20;
	[sflag:s22] =	ssyncset.done $0x0  }
0xa0: {  	[sflag:s22] =	ssyncadd.s32 s3;
	_ =	sdelay $0x1  }
0xa1: {  	s23 =	simm.s32 $0x1B8B  }
0xa2: {  	_ =	swait.ge [sflag:s23], $0x1  }
0xa3: {  	[sflag:s23] =	ssyncset.done $0x0  }
0xa4: {  	s25 =	simm.s32 $0x1B8E;
	s24 =	sld [smem:$0x3FFE];
	[sflag:s23] =	ssyncadd.s32 $0xFFFFFFFF  }
0xa5: {  	s26 =	simm.s32 $execute0_lowered;
	[smem:$0x3FD2] =	sst s25  }
0xa6: {  	s4 =	sshll.u32 s26, $0x1;
	_ =	strace $0x80000058;
	[dreg:$0x1] =	wrdreg $0xFFFFFFFF  }
0xa7: {  	s28 =	simm.s32 $_size_execute0_lowered;
	s2 =	sadd.s32 s2, s4;
	[dreg:$0x0] =	wrdreg $0x0  }
0xa8: {  	s4 =	sshll.u32 s28, $0x1;
	[dreg:$0x2] =	wrdreg s2  }
0xa9: {  	[dreg:$0x3] =	wrdreg s4  }
0xaa: {  	[dreg:$0x4] =	wrdreg $0xC0  }
0xab: {  	_ =	task [dreg:s6], $0x5FFFF  }
0xac: {  	[dreg:$0x1] =	wrdreg $0xFFFFFFFF  }
0xad: {  	[dreg:$0x0] =	wrdreg $0x60  }
0xae: {  	[dreg:$0x2] =	wrdreg s24  }
0xaf: {  	[dreg:$0x3] =	wrdreg $0xA  }
0xb0: {  	_ =	task.clear_ibuf [dreg:s6], $0x4FFFF;
	_ =	strace $0x90000058  }
0xb1: {  	s29 =	simm.s32 $0xA;
	_ =	strace $0x8000005A  }
0xb2: {  	_ =	swait.ge [sflag:s29], $0x1  }
0xb3: {  	[sflag:s29] =	ssyncadd.s32 $0xFFFFFFFF  }
0xb4: {  	_ =	strace $0x9000005A  }
0xb5: {  	_ =	sfence  }
0xb6: {  	s30 =	sld [smem:$0x0];
	_ =	sdelay $0x2  }
0xb7: {  	s31 =	sshll.u32 s1, $0xD;
	s1 =	sshrl.u32 s1, $0x2  }
0xb8: {  	s3 =	sand.u32 $0x4000, s31;
	s1 =	sadd.s32 s1, s30  }
0xb9: {  	s0 =	sor.u32 s3, s0;
	s1 =	sshll.u32 s1, $0x11  }
0xba: {  	s0 =	sor.u32 s1, s0  }
0xbb: {  	s0 =	sadd.s32 $0x8F2B, s0  }
0xbc: {  	[sflag:s0] =	ssyncadd.remote.s32 $0x1  }
0xbd: {  	_ =	sfence.sel $0xFFFF  }
0xbe: {  	[dreg:$0x0] =	wrdreg $0xFFFFFFFF;
	(pc) =	sbr.abs _section_cstart, $3  }
0xbf: {  	[dreg:$0x1] =	wrdreg $0xFFFFFFFF  }
0xc0: {  	_ =	task.clear_ibuf [dreg:s6], $0x2FFFF;
	_ =	strace $0x9FFFFFFF  }
0xc1: {  	(tm) =	ssettm $0x7FFFFFFF  }
tec
execute0_lowered:
.L_overlay_start_1:
0x0: {  	(tag) =	ssettag $0x1  }
0x1: {  	s1 =	srdreg.scid  }
0x2: {  	s0 =	stileid.u32;
	s4 =	rddreg [dreg:$0x0];
	s2 =	simm.s32 $0x0  }
0x3: {  	s9 =	simm.s32 $0x2800;
	s3 =	sand.u32 $0x1, s1;
	s5 =	sshll.u32 s0, $0x1  }
0x4: {  	s10 =	simm.s32 $0x2B00;
	s11 =	simm.s32 $0x2980;
	s5 =	sor.u32 s3, s5  }
0x5: {  	s1 =	rddreg [dreg:$0x1];
	s6 =	ssub.s32 $0x2, s3;
	s5 =	smul.u32 $0x28, s5  }
0x6: {  	s12 =	simm.s32 $0x0;
	[smem:$0x7FF] =	sst s2;
	s7 =	sshrl.u32 s6, $0x1  }
0x7: {  	_ =	strace $0x80000059;
	s7 =	ssub.s32 s6, s7;
	s8 =	sadd.s32 s5, s4  }
0x8: {  	s3 =	sadd.s32 $0x28600, s4;
	s7 =	smax.u32 s7, $0x1;
	s4 =	sadd.s32 $0x28C00, s8  }
0x9: {  	s5 =	sadd.s32 $0x29800, s8;
	s6 =	sadd.s32 $0x29200, s8;
	s8 =	simm.s32 $0x1  }
.LBB2_1:
0xa: {  	[tilespmem:s2], [sflag:$0x1] =	stream.linear.gather [hbm4b:s3+s2], $0x2800, $0x38;
	[tilespmem:$0x2C80] =	vst v63  }
0xb: {  	_ =	swait.ge [sflag:s8], $0x2800  }
0xc: {  	[sflag:s8] =	ssyncset.done $0x0  }
0xd: {  	[sflag:s8] =	ssyncadd.s32 $0xFFFFD800  }
0xe: {  	[tilespmem:s9], [sflag:$0x1] =	stream.linear.gather [hbm4b:s4+s2], $0x140, $0x38;
	[tilespmem:$0x2C80] =	vst v63  }
0xf: {  	_ =	swait.ge [sflag:s8], $0x140  }
0x10: {  	[sflag:s8] =	ssyncset.done $0x0  }
0x11: {  	s13 =	simm.s32 $0x0;
	[sflag:s8] =	ssyncadd.s32 $0xFFFFFEC0  }
.LBB2_2:
0x12: {  	s14 =	sshll.u32 s13, $0x4;
	v0 =	vimm.s32 $0x0;
	v2 =	vimm.s32 $0x2800  }
0x13: {  	s15 =	simm.s32 $0xD;
	v1 =	vld [tilespmem:s14+$0x2800];
	v3 =	vadd.s32 v0, v2  }
.LBB2_3:
0x14: {  	p0 =	sne.s32 s15, $0x1;
	v4 =	vshrl.u32 v3, $0x1F  }
0x15: {  	v3 =	vadd.s32 v4, v3  }
0x16: {  	v3 =	vshra.s32 v3, $0x1;
	_ =	sdelay $0x4  }
0x17: {  	v4 =	vld.idx.msk [tilespmem:v3+s2+$0x0], $0xffff;
	_ =	sdelay $0x3  }
.Ltmp0:
0x18: {  	(pc) =	sbr.rel @p0 .LBB2_3-.Ltmp0, $4  }
0x19: {  	_ = 	snop  }
0x1a: {  	vm0 =	vlt.f32 v4, v1;
	v4 =	vadd.s32 $0x1, v3  }
0x1b: {  	v0 =	vsel vm0, v4, v0;
	v2 =	vsel vm0, v2, v3  }
0x1c: {  	s15 =	sadd.s32 $0xFFFFFFFF, s15;
	v3 =	vadd.s32 v0, v2  }
0x1d: {  	v2 =	vshrl.u32 v3, $0x1F  }
0x1e: {  	v2 =	vadd.s32 v2, v3  }
0x1f: {  	v2 =	vshra.s32 v2, $0x1;
	_ =	sdelay $0x4  }
0x20: {  	v61 =	vld.idx.msk [tilespmem:v2+s2+$0x0], $0xffff;
	_ =	sdelay $0x3  }
0x21: {  	s13 =	sadd.s32 $0x1, s13  }
0x22: {  	p0 =	sne.s32 s13, $0x14;
	v62 =	vadd.s32 $0x1, v2;
	vm0 =	vlt.f32 v61, v1  }
.Ltmp1:
0x23: {  	v0 =	vsel vm0, v62, v0;
	(pc) =	sbr.rel @p0 .LBB2_2-.Ltmp1, $4  }
0x24: {  	vm0 =	vgt.s32 v0, $0x1  }
0x25: {  	v1 =	vnsel vm0, $0x1, v0  }
0x26: {  	[tilespmem:s14+$0x2B00] =	vst v0;
	v63 =	vadd.s32 $0xFFFFFFFF, v1  }
0x27: {  	[tilespmem:s14+$0x2980] =	vst v63  }
0x28: {  	[hbm4b:s5+s2] =	stream.linear.scatter [tilespmem:s10], [sflag:$0x1], $0x140, $0x38;
	[tilespmem:$0x2C80] =	vst v63  }
0x29: {  	s12 =	sadd.s32 $0x1, s12;
	_ =	swait.ge [sflag:s8], $0x140  }
0x2a: {  	p0 =	sne.s32 s12, s7;
	[sflag:s8] =	ssyncset.done $0x0  }
.Ltmp2:
0x2b: {  	[sflag:s8] =	ssyncadd.s32 $0xFFFFFEC0;
	(pc) =	sbr.rel @p0 .LBB2_1-.Ltmp2, $4  }
0x2c: {  	[hbm4b:s6+s2] =	stream.linear.scatter [tilespmem:s11], [sflag:$0x1], $0x140, $0x38;
	[tilespmem:$0x2C80] =	vst v63  }
0x2d: {  	_ =	swait.ge [sflag:s8], $0x140  }
0x2e: {  	[sflag:s8] =	ssyncset.done $0x0  }
0x2f: {  	[sflag:s8] =	ssyncadd.s32 $0xFFFFFEC0  }
0x30: {  	_ =	sfence.sel $0x180000  }
0x31: {  	[bflag:$0x0] =	sbarrier.arrive $0xFFFF  }
0x32: {  	p0 =	sne.s32 s0, $0x0;
	_ =	strace $0x90000059  }
0x33: {  	s0 =	sadd.s32 @!p0 $0x100000, s1;
	[bflag:$0x2] =	sbarrier.arrive $0xFFFF  }
0x34: {  	[sflag:s0] =	ssyncadd.tile.s32 @!p0 $0x1;
	_ =	shalt  }
.Lfunc_end2:
_tile_overlayer_lowered:
.L_overlay_start_2:
0x35: {  	(tag) =	ssettag $0x2  }
0x36: {  	s0 =	rddreg [dreg:$0x0];
	s2 =	stileid.u32  }
0x37: {  	s1 =	rddreg [dreg:$0x1];
	p0 =	sne.s32 s2, $0x0  }
0x38: {  	s3 =	rddreg [dreg:$0x2];
	[bflag:$0x3] =	sbarrier.arrive $0xFFFF;
	s2 =	simm.s32 @!p0 $0x1C01  }
0x39: {  	[timem:s3], [sflag:s2] =	dma.local @!p0 [hbm:s0], s1  }
0x3a: {  	s0 =	simm.s32 @!p0 $0x1  }
0x3b: {  	_ =	swait.ge @!p0 [sflag:s0], s1  }
0x3c: {  	s1 =	ssub.s32 @!p0 $0x0, s1;
	[sflag:s0] =	ssyncset.done @!p0 $0x0  }
0x3d: {  	[sflag:s0] =	ssyncadd.s32 @!p0 s1  }
0x3e: {  	[bflag:$0x3] =	sbarrier.arrive $0xFFFF  }
0x3f: {  	_ =	shalt  }

// kernel: kernel.42.cloned.1.call-start
scs
__scs_entry_jumppad:
0x0: {  	(pc) =	sbr.rel $0x88, $3  }
0x1: {  	(tag) =	ssettag $0x0;
	lr =	simm.s32 $0x1  }
0x2: {  	[smem:$0x3F92] =	sst lr;
	_ =	strace $0xD0000000  }
0x3: {  	_ = 	snop  }
0x4: {  	_ = 	snop  }
0x5: {  	_ = 	snop  }
0x6: {  	_ = 	snop  }
0x7: {  	_ = 	snop  }
__scs_overlays_trampoline_lowered:
0x8: {  	[smem:$0x3FA1] =	sst s0  }
0x9: {  	[smem:$0x3FA2] =	sst s1  }
0xa: {  	[smem:$0x3FA3] =	sst s2  }
0xb: {  	[smem:$0x3FA4] =	sst s3  }
0xc: {  	[smem:$0x3FA5] =	sst s4  }
0xd: {  	[smem:$0x3FA6] =	sst s5  }
0xe: {  	[smem:$0x3FA7] =	sst s6  }
0xf: {  	[smem:$0x3FA8] =	sst s7  }
0x10: {  	[smem:$0x3FA9] =	sst s8  }
0x11: {  	[smem:$0x3FAA] =	sst s9;
	s0 =	simm.s32 @!p0 $0x0  }
0x12: {  	s1 =	sld [smem:$0x3F90];
	s0 =	simm.s32 @p0 $0x1  }
0x13: {  	[smem:$0x3FAB] =	sst s0;
	s0 =	simm.s32 @!p1 $0x0  }
0x14: {  	s2 =	sld [smem:$0x3F8F];
	s0 =	simm.s32 @p1 $0x1  }
0x15: {  	[smem:$0x3FAC] =	sst s0;
	s0 =	simm.s32 @!p2 $0x0  }
0x16: {  	s3 =	sld [smem:$0x3FDB];
	s0 =	simm.s32 @p2 $0x1  }
0x17: {  	s4 =	simm.s32 $0x1BF5;
	[smem:$0x3FAE] =	sst s0  }
0x18: {  	s0 =	sld [smem:$0x3F91];
	_ =	swait.ge [sflag:s4], $0x0  }
0x19: {  	s7 =	sld [smem:$0x3F92]  }
0x1a: {  	s8 =	sadd.s32 $0xFFFFE003, lr  }
0x1b: {  	s9 =	sadd.s32 $0xFFFFFEF7, lr;
	s5 =	simm.s32 $0xFFFFFFFF;
	p2 =	slt.u32 s8, $0xFFFFF086  }
0x1c: {  	p1 =	slt.u32 s9, $0xF7A;
	s5 =	simm.s32 @!p2 $0x0  }
0x1d: {  	s5 =	simm.s32 @p1 $0x1;
	p0 =	seq.s32 s7, s2  }
0x1e: {  	s7 =	smul.u32 @!p0 $0xF7A, s2;
	p2 =	seq.s32 @!p0 s5, $0x0  }
0x1f: {  	s9 =	smul.u32 $0xF7A, s1;
	s8 =	simm.s32 @!p0 $0x1BF5;
	p2 =	por !p2, p0  }
0x20: {  	[sflag:s8] =	ssyncset.s32 @!p0 $0xFFFFF086;
	s6 =	sadd.s32 @!p0 s3, s7;
	s7 =	simm.s32 @!p0 $0x108  }
0x21: {  	s3 =	sadd.s32 s3, s9;
	s6 =	sadd.s32 @!p0 $0x88, s6;
	s7 =	simm.s32 @p2 $0x1082  }
0x22: {  	[simem:s7], [sflag:s8] =	dma.local @!p0 [hbm:s6], $0xF7A  }
0x23: {  	s9 =	sor.u32 $0xD0000000, s2;
	s6 =	simm.s32 $0x108;
	_ =	swait.ge @!p0 [sflag:s8], $0x0  }
0x24: {  	s3 =	sadd.s32 $0x88, s3;
	s6 =	simm.s32 @!p1 $0x1082;
	[sflag:s4] =	ssyncset.s32 $0xFFFFF086  }
0x25: {  	[simem:s6], [sflag:s4] =	dma.local [hbm:s3], $0xF7A  }
0x26: {  	[smem:$0x3F92] =	sst s1;
	(tag) =	ssettag s2;
	_ =	strace s9  }
0x27: {  	s1 =	sld [smem:$0x3FA2]  }
0x28: {  	s2 =	sld [smem:$0x3FA3]  }
0x29: {  	s4 =	sld [smem:$0x3FA5]  }
0x2a: {  	p0 =	seq.s32 s5, $0x0;
	s5 =	sld [smem:$0x3FA6]  }
0x2b: {  	s6 =	sld [smem:$0x3FA7]  }
0x2c: {  	s7 =	sld [smem:$0x3FA8]  }
0x2d: {  	s3 =	simm.s32 $0x108;
	s8 =	sld [smem:$0x3FA9]  }
0x2e: {  	s3 =	simm.s32 @!p0 $0x1082;
	s9 =	sld [smem:$0x3FAA]  }
0x2f: {  	lr =	sadd.s32 s0, s3;
	s0 =	sld [smem:$0x3FA1]  }
0x30: {  	s3 =	sld [smem:$0x3FA4]  }
0x31: {  	[smem:$0x3FAD] =	sst s10  }
0x32: {  	s10 =	sld [smem:$0x3FAB];
	_ =	sdelay $0x3  }
0x33: {  	p0 =	seq.s32 s10, $0x1;
	s10 =	sld [smem:$0x3FAD];
	_ =	sdelay $0x3  }
0x34: {  	[smem:$0x3FAD] =	sst s10  }
0x35: {  	s10 =	sld [smem:$0x3FAC];
	_ =	sdelay $0x3  }
0x36: {  	p1 =	seq.s32 s10, $0x1;
	s10 =	sld [smem:$0x3FAD];
	_ =	sdelay $0x3  }
0x37: {  	[smem:$0x3FAD] =	sst s10  }
0x38: {  	s10 =	sld [smem:$0x3FAE]  }
0x39: {  	_ = 	snop;
	(pc) =	sbr.ind lr, $3  }
0x3a: {  	_ = 	snop  }
0x3b: {  	_ = 	snop  }
0x3c: {  	p2 =	seq.s32 s10, $0x1;
	s10 =	sld [smem:$0x3FAD]  }
0x3d: {  	_ =	shalt  }
0x3e: {  	_ =	shalt  }
0x3f: {  	_ =	shalt  }
0x40: {  	_ =	shalt  }
0x41: {  	_ =	shalt  }
0x42: {  	_ =	shalt  }
0x43: {  	_ =	shalt  }
0x44: {  	_ =	shalt  }
0x45: {  	_ =	shalt  }
0x46: {  	_ =	shalt  }
0x47: {  	_ =	shalt  }
0x48: {  	_ =	shalt  }
0x49: {  	_ =	shalt  }
0x4a: {  	_ =	shalt  }
0x4b: {  	_ =	shalt  }
0x4c: {  	_ =	shalt  }
0x4d: {  	_ =	shalt  }
0x4e: {  	_ =	shalt  }
0x4f: {  	_ =	shalt  }
0x50: {  	_ =	shalt  }
0x51: {  	_ =	shalt  }
0x52: {  	_ =	shalt  }
0x53: {  	_ =	shalt  }
0x54: {  	_ =	shalt  }
0x55: {  	_ =	shalt  }
0x56: {  	_ =	shalt  }
0x57: {  	_ =	shalt  }
0x58: {  	_ =	shalt  }
0x59: {  	_ =	shalt  }
0x5a: {  	_ =	shalt  }
0x5b: {  	_ =	shalt  }
0x5c: {  	_ =	shalt  }
0x5d: {  	_ =	shalt  }
0x5e: {  	_ =	shalt  }
0x5f: {  	_ =	shalt  }
0x60: {  	_ =	shalt  }
0x61: {  	_ =	shalt  }
0x62: {  	_ =	shalt  }
0x63: {  	_ =	shalt  }
0x64: {  	_ =	shalt  }
0x65: {  	_ =	shalt  }
0x66: {  	_ =	shalt  }
0x67: {  	_ =	shalt  }
0x68: {  	_ =	shalt  }
0x69: {  	_ =	shalt  }
0x6a: {  	_ =	shalt  }
0x6b: {  	_ =	shalt  }
0x6c: {  	_ =	shalt  }
0x6d: {  	_ =	shalt  }
0x6e: {  	_ =	shalt  }
0x6f: {  	_ =	shalt  }
0x70: {  	_ =	shalt  }
0x71: {  	_ =	shalt  }
0x72: {  	_ =	shalt  }
0x73: {  	_ =	shalt  }
0x74: {  	_ =	shalt  }
0x75: {  	_ =	shalt  }
0x76: {  	_ =	shalt  }
0x77: {  	_ =	shalt  }
0x78: {  	_ =	shalt  }
0x79: {  	_ =	shalt  }
0x7a: {  	_ =	shalt  }
0x7b: {  	_ =	shalt  }
0x7c: {  	_ =	shalt  }
0x7d: {  	_ =	shalt  }
0x7e: {  	_ =	shalt  }
0x7f: {  	_ =	shalt  }
0x80: {  	_ =	shalt  }
0x81: {  	_ =	shalt  }
0x82: {  	_ =	shalt  }
0x83: {  	_ =	shalt  }
0x84: {  	_ =	shalt  }
0x85: {  	_ =	shalt  }
0x86: {  	_ =	shalt  }
0x87: {  	_ =	shalt  }
.Lfunc_end0:
.L_simem_size_0:
called_computation.8_lowered:
.L_overlay_start_0:
0x88: {  	s2 =	sld [smem:$0x3FD9]  }
0x89: {  	s3 =	sld [smem:$0x3FFE];
	_ =	sdelay $0x1  }
0x8a: {  	s1 =	srdreg.scid  }
0x8b: {  	s0 =	sand.u32 $0x1, s1  }
0x8c: {  	s16 =	sshll.u32 s0, $0xA;
	s2 =	sadd.s32 s3, s2  }
0x8d: {  	s2 =	sadd.s32 s2, s16  }
0x8e: {  	[smem:$0x3FB9] =	sst s2  }
0x8f: {  	_ = 	snop  }
0x90: {  	(tm) =	ssettm $0x1  }
0x91: {  	s17 =	sld [smem:$0x3FFB];
	_ =	sdelay $0x3  }
0x92: {  	_ =	strace s17  }
0x93: {  	s2 =	sld [smem:$0x3FFC];
	_ =	sdelay $0x3  }
0x94: {  	_ =	strace s2  }
0x95: {  	s2 =	sld [smem:$0x3FFD];
	_ =	sdelay $0x3  }
0x96: {  	_ =	strace s2  }
0x97: {  	_ =	strace $0x8FFFFFFF  }
0x98: {  	s18 =	sld [smem:$0x3FDB];
	_ =	sdelay $0x1  }
0x99: {  	s19 =	simm.s32 $_scs_section_size  }
0x9a: {  	s4 =	simm.s32 $_size__tile_overlayer_lowered;
	s5 =	simm.s32 $_tile_overlayer_lowered  }
0x9b: {  	s22 =	simm.s32 $0x1BFF;
	s21 =	sshll.u32 s5, $0x1;
	s2 =	sadd.s32 s19, s18  }
0x9c: {  	s6 =	simm.s32 $0x0;
	s20 =	sshll.u32 s4, $0x1;
	s4 =	sadd.s32 s21, s2  }
0x9d: {  	[timem:s6], [sflag:s22] =	dma.local [hbm:s4], s20  }
0x9e: {  	_ =	swait.ge [sflag:s22], s20  }
0x9f: {  	s3 =	ssub.s32 $0x0, s20;
	[sflag:s22] =	ssyncset.done $0x0  }
0xa0: {  	[sflag:s22] =	ssyncadd.s32 s3;
	_ =	sdelay $0x1  }
0xa1: {  	s23 =	simm.s32 $0x1B8B  }
0xa2: {  	_ =	swait.ge [sflag:s23], $0x1  }
0xa3: {  	[sflag:s23] =	ssyncset.done $0x0  }
0xa4: {  	s25 =	simm.s32 $0x1B8E;
	s24 =	sld [smem:$0x3FFE];
	[sflag:s23] =	ssyncadd.s32 $0xFFFFFFFF  }
0xa5: {  	s26 =	simm.s32 $execute0_lowered;
	[smem:$0x3FD2] =	sst s25  }
0xa6: {  	s4 =	sshll.u32 s26, $0x1;
	_ =	strace $0x8000005E;
	[dreg:$0x1] =	wrdreg $0xFFFFFFFF  }
0xa7: {  	s28 =	simm.s32 $_size_execute0_lowered;
	s2 =	sadd.s32 s2, s4;
	[dreg:$0x0] =	wrdreg $0x0  }
0xa8: {  	s4 =	sshll.u32 s28, $0x1;
	[dreg:$0x2] =	wrdreg s2  }
0xa9: {  	[dreg:$0x3] =	wrdreg s4  }
0xaa: {  	[dreg:$0x4] =	wrdreg $0xC0  }
0xab: {  	_ =	task [dreg:s6], $0x5FFFF  }
0xac: {  	[dreg:$0x1] =	wrdreg $0xFFFFFFFF  }
0xad: {  	[dreg:$0x0] =	wrdreg $0x60  }
0xae: {  	[dreg:$0x2] =	wrdreg s24  }
0xaf: {  	[dreg:$0x3] =	wrdreg $0x9  }
0xb0: {  	_ =	task.clear_ibuf [dreg:s6], $0x4FFFF;
	_ =	strace $0x9000005E  }
0xb1: {  	s29 =	simm.s32 $0x9;
	_ =	strace $0x80000060  }
0xb2: {  	_ =	swait.ge [sflag:s29], $0x1  }
0xb3: {  	[sflag:s29] =	ssyncadd.s32 $0xFFFFFFFF  }
0xb4: {  	_ =	strace $0x90000060  }
0xb5: {  	_ =	sfence  }
0xb6: {  	s30 =	sld [smem:$0x0];
	_ =	sdelay $0x2  }
0xb7: {  	s31 =	sshll.u32 s1, $0xD;
	s1 =	sshrl.u32 s1, $0x2  }
0xb8: {  	s3 =	sand.u32 $0x4000, s31;
	s1 =	sadd.s32 s1, s30  }
0xb9: {  	s0 =	sor.u32 s3, s0;
	s1 =	sshll.u32 s1, $0x11  }
0xba: {  	s0 =	sor.u32 s1, s0  }
0xbb: {  	s0 =	sadd.s32 $0x8F2B, s0  }
0xbc: {  	[sflag:s0] =	ssyncadd.remote.s32 $0x1  }
0xbd: {  	_ =	sfence.sel $0xFFFF  }
0xbe: {  	[dreg:$0x0] =	wrdreg $0xFFFFFFFF;
	(pc) =	sbr.abs _section_cstart, $3  }
0xbf: {  	[dreg:$0x1] =	wrdreg $0xFFFFFFFF  }
0xc0: {  	_ =	task.clear_ibuf [dreg:s6], $0x2FFFF;
	_ =	strace $0x9FFFFFFF  }
0xc1: {  	(tm) =	ssettm $0x7FFFFFFF  }
tec
execute0_lowered:
.L_overlay_start_1:
0x0: {  	(tag) =	ssettag $0x1  }
0x1: {  	s1 =	srdreg.scid;
	s0 =	stileid.u32  }
0x2: {  	s14 =	sand.u32 $0x1, s1;
	s30 =	sshll.u32 s0, $0x1  }
0x3: {  	s15 =	sor.u32 s14, s30  }
0x4: {  	s16 =	rddreg [dreg:$0x0];
	s3 =	smul.u32 $0x28, s15  }
0x5: {  	s2 =	simm.s32 $0x0;
	s1 =	rddreg [dreg:$0x1]  }
0x6: {  	[smem:$0x7FF] =	sst s2;
	s3 =	sadd.s32 s3, s16  }
0x7: {  	_ =	strace $0x8000005F;
	s4 =	sadd.s32 $0x28600, s3;
	s3 =	simm.s32 $0x2  }
0x8: {  	[tilespmem:s2], [sflag:$0x2] =	stream.linear.gather [hbm4b:s4+s2], $0x140, $0x38;
	[tilespmem:$0xA180] =	vst v63  }
0x9: {  	_ =	swait.ge [sflag:s3], $0x140  }
0xa: {  	s6 =	simm.s32 $0x40;
	s7 =	simm.s32 $0x180;
	[sflag:s3] =	ssyncset.done $0x0  }
0xb: {  	s8 =	simm.s32 $0x1;
	s5 =	sadd.s32 $0x1400, s16;
	[sflag:s3] =	ssyncadd.s32 $0xFFFFFEC0  }
0xc: {  	[tilespmem:s7], [sflag:$0x1] =	stream.indirect.gather [hbm4b:s5+s6], $0x80, s2, s6, $0xb8;
	[tilespmem:$0xA180] =	vst v63  }
0xd: {  	_ =	swait.ge [sflag:s8], $0x2000  }
0xe: {  	[sflag:s8] =	ssyncset.done $0x0  }
0xf: {  	s9 =	simm.s32 $0x2180;
	[sflag:s8] =	ssyncadd.s32 $0xFFFFE000  }
0x10: {  	[tilespmem:s9], [sflag:$0x1] =	stream.indirect.gather [hbm4b:s5+s6], $0x80, s6, s6, $0xb8;
	[tilespmem:$0xA180] =	vst v63  }
0x11: {  	_ =	swait.ge [sflag:s8], $0x2000  }
0x12: {  	[sflag:s8] =	ssyncset.done $0x0  }
0x13: {  	s10 =	simm.s32 $0x80;
	s11 =	simm.s32 $0x4180;
	[sflag:s8] =	ssyncadd.s32 $0xFFFFE000  }
0x14: {  	[tilespmem:s11], [sflag:$0x1] =	stream.indirect.gather [hbm4b:s5+s6], $0x80, s10, s6, $0xb8;
	[tilespmem:$0xA180] =	vst v63  }
0x15: {  	_ =	swait.ge [sflag:s8], $0x2000  }
0x16: {  	s12 =	simm.s32 $0xC0;
	s13 =	simm.s32 $0x6180;
	[sflag:s8] =	ssyncset.done $0x0  }
0x17: {  	s18 =	ssub.s32 $0x2, s14;
	s14 =	simm.s32 $0x100;
	[sflag:s8] =	ssyncadd.s32 $0xFFFFE000  }
0x18: {  	[tilespmem:s13], [sflag:$0x1] =	stream.indirect.gather [hbm4b:s5+s6], $0x80, s12, s6, $0xb8;
	[tilespmem:$0xA180] =	vst v63  }
0x19: {  	s17 =	smul.u32 $0x1400, s15;
	s19 =	sshrl.u32 s18, $0x1;
	_ =	swait.ge [sflag:s8], $0x2000  }
0x1a: {  	s15 =	simm.s32 $0x8180;
	s31 =	ssub.s32 s18, s19;
	[sflag:s8] =	ssyncset.done $0x0  }
0x1b: {  	s16 =	sadd.s32 s17, s16;
	s17 =	smax.u32 s31, $0x1;
	[sflag:s8] =	ssyncadd.s32 $0xFFFFE000  }
0x1c: {  	[tilespmem:s15], [sflag:$0x1] =	stream.indirect.gather [hbm4b:s5+s6], $0x80, s14, s6, $0xb8;
	[tilespmem:$0xA180] =	vst v63  }
0x1d: {  	p0 =	sne.s32 s17, $0x1;
	_ =	swait.ge [sflag:s8], $0x2000  }
.Ltmp0:
0x1e: {  	[sflag:s8] =	ssyncset.done $0x0;
	(pc) =	sbr.rel @!p0 .LBB2_2-.Ltmp0, $4  }
0x1f: {  	s16 =	sadd.s32 $0x29E00, s16;
	[sflag:s8] =	ssyncadd.s32 $0xFFFFE000  }
0x20: {  	[hbm4b:s16+s2] =	stream.linear.scatter [tilespmem:s7], [sflag:$0x2], $0xA000, $0x38;
	[tilespmem:$0xA180] =	vst v63  }
0x21: {  	_ =	swait.ge [sflag:s3], $0xA000  }
0x22: {  	s17 =	sadd.s32 $0xFFFFFFFF, s17;
	[sflag:s3] =	ssyncset.done $0x0  }
.LBB2_1:
0x23: {  	p0 =	sne.s32 s17, $0x1;
	s17 =	sadd.s32 $0xFFFFFFFF, s17;
	[sflag:s3] =	ssyncadd.s32 $0xFFFF6000  }
0x24: {  	[tilespmem:s2], [sflag:$0x2] =	stream.linear.gather [hbm4b:s4+s2], $0x140, $0x38;
	[tilespmem:$0xA180] =	vst v63  }
0x25: {  	_ =	swait.ge [sflag:s3], $0x140  }
0x26: {  	[sflag:s3] =	ssyncset.done $0x0  }
0x27: {  	[sflag:s3] =	ssyncadd.s32 $0xFFFFFEC0  }
0x28: {  	[tilespmem:s7], [sflag:$0x1] =	stream.indirect.gather [hbm4b:s5+s6], $0x80, s2, s6, $0xb8;
	[tilespmem:$0xA180] =	vst v63  }
0x29: {  	_ =	swait.ge [sflag:s8], $0x2000  }
0x2a: {  	[sflag:s8] =	ssyncset.done $0x0  }
0x2b: {  	[sflag:s8] =	ssyncadd.s32 $0xFFFFE000  }
0x2c: {  	[tilespmem:s9], [sflag:$0x1] =	stream.indirect.gather [hbm4b:s5+s6], $0x80, s6, s6, $0xb8;
	[tilespmem:$0xA180] =	vst v63  }
0x2d: {  	_ =	swait.ge [sflag:s8], $0x2000  }
0x2e: {  	[sflag:s8] =	ssyncset.done $0x0  }
0x2f: {  	[sflag:s8] =	ssyncadd.s32 $0xFFFFE000  }
0x30: {  	[tilespmem:s11], [sflag:$0x1] =	stream.indirect.gather [hbm4b:s5+s6], $0x80, s10, s6, $0xb8;
	[tilespmem:$0xA180] =	vst v63  }
0x31: {  	_ =	swait.ge [sflag:s8], $0x2000  }
0x32: {  	[sflag:s8] =	ssyncset.done $0x0  }
0x33: {  	[sflag:s8] =	ssyncadd.s32 $0xFFFFE000  }
0x34: {  	[tilespmem:s13], [sflag:$0x1] =	stream.indirect.gather [hbm4b:s5+s6], $0x80, s12, s6, $0xb8;
	[tilespmem:$0xA180] =	vst v63  }
0x35: {  	_ =	swait.ge [sflag:s8], $0x2000  }
0x36: {  	[sflag:s8] =	ssyncset.done $0x0  }
0x37: {  	[sflag:s8] =	ssyncadd.s32 $0xFFFFE000  }
0x38: {  	[tilespmem:s15], [sflag:$0x1] =	stream.indirect.gather [hbm4b:s5+s6], $0x80, s14, s6, $0xb8;
	[tilespmem:$0xA180] =	vst v63  }
0x39: {  	_ =	swait.ge [sflag:s8], $0x2000  }
.Ltmp1:
0x3a: {  	[sflag:s8] =	ssyncset.done $0x0;
	(pc) =	sbr.rel @p0 .LBB2_1-.Ltmp1, $4  }
0x3b: {  	[sflag:s8] =	ssyncadd.s32 $0xFFFFE000  }
0x3c: {  	[hbm4b:s16+s2] =	stream.linear.scatter [tilespmem:s7], [sflag:$0x2], $0xA000, $0x38;
	[tilespmem:$0xA180] =	vst v63  }
0x3d: {  	_ =	swait.ge [sflag:s3], $0xA000  }
0x3e: {  	[sflag:s3] =	ssyncset.done $0x0  }
.LBB2_2:
0x3f: {  	[sflag:s3] =	ssyncadd.s32 $0xFFFF6000  }
0x40: {  	_ =	sfence.sel $0x180000  }
0x41: {  	[bflag:$0x0] =	sbarrier.arrive $0xFFFF  }
0x42: {  	p0 =	sne.s32 s0, $0x0;
	_ =	strace $0x9000005F  }
0x43: {  	s0 =	sadd.s32 @!p0 $0x100000, s1;
	[bflag:$0x2] =	sbarrier.arrive $0xFFFF  }
0x44: {  	[sflag:s0] =	ssyncadd.tile.s32 @!p0 $0x1;
	_ =	shalt  }
.Lfunc_end2:
_tile_overlayer_lowered:
.L_overlay_start_2:
0x45: {  	(tag) =	ssettag $0x2  }
0x46: {  	s0 =	rddreg [dreg:$0x0];
	s2 =	stileid.u32  }
0x47: {  	s1 =	rddreg [dreg:$0x1];
	p0 =	sne.s32 s2, $0x0  }
0x48: {  	s3 =	rddreg [dreg:$0x2];
	[bflag:$0x3] =	sbarrier.arrive $0xFFFF;
	s2 =	simm.s32 @!p0 $0x1C02  }
0x49: {  	[timem:s3], [sflag:s2] =	dma.local @!p0 [hbm:s0], s1  }
0x4a: {  	s0 =	simm.s32 @!p0 $0x2  }
0x4b: {  	_ =	swait.ge @!p0 [sflag:s0], s1  }
0x4c: {  	s1 =	ssub.s32 @!p0 $0x0, s1;
	[sflag:s0] =	ssyncset.done @!p0 $0x0  }
0x4d: {  	[sflag:s0] =	ssyncadd.s32 @!p0 s1  }
0x4e: {  	[bflag:$0x3] =	sbarrier.arrive $0xFFFF  }
0x4f: {  	_ =	shalt  }

</sc_bundles>
